<compile_context>
chip_gen: v7x
topology: tpu7x:2x2x1
jax: 0.10.2.dev20260603
libtpu: 0.0.44.dev20260713+nightly
codegen_flags: <defaults>
</compile_context>

<pallas_src>
import functools

import jax
import jax.numpy as jnp
from jax import lax
from jax.experimental import pallas as pl
from jax.experimental.pallas import tpu as pltpu
from jax.experimental.pallas import tpu_sc as plsc

_VOCAB = 100000
_EMB = 10
_C = 9
_B = 4096
_L = 200

_EP = 16
_CP = 16
_NP = 5
_VPAD = 100352
_LP = 204
_LANES = 16
_WPP = 6
_ROWS = 34
_NSUB = 16


def _pt_body(w_ref, embT_ref, b_ref, out_ref):
    acc = lax.dot_general(
        w_ref[...], embT_ref[...], (((1,), (0,)), ((), ())),
        preferred_element_type=jnp.float32)
    acc = acc + b_ref[...]
    u = lax.bitcast_convert_type(
        acc.astype(jnp.bfloat16), jnp.uint16).astype(jnp.int32)
    out_ref[...] = lax.shift_left(u[8:16, :], 16) | u[0:8, :]


def _project_table(embT, Wp, bp):
    return pl.pallas_call(
        _pt_body,
        out_shape=jax.ShapeDtypeStruct((_CP // 2, _VPAD), jnp.int32),
    )(Wp, embT, bp)


def _sc_gather(pt1, tid1, bsize):
    info = plsc.get_sparse_core_info()
    nc = info.num_cores

    mesh = plsc.VectorSubcoreMesh(core_axis_name="c", subcore_axis_name="s")

    @functools.partial(
        pl.kernel,
        out_type=jax.ShapeDtypeStruct((_NP * _LP * bsize,), jnp.int32),
        mesh=mesh,
        scratch_types=[
            pltpu.VMEM((_VPAD,), jnp.int32),
            pltpu.VMEM((2, bsize), jnp.int32),
            pltpu.VMEM((2, bsize), jnp.int32),
            pltpu.SemaphoreType.DMA,
            pltpu.SemaphoreType.DMA,
            pltpu.SemaphoreType.DMA,
            pltpu.SemaphoreType.DMA,
        ],
        compiler_params=pltpu.CompilerParams(needs_layout_passes=False),
    )
    def k(pt_hbm, tid_hbm, em_hbm, row_v, idx_v, out_v,
          isem0, isem1, osem0, osem1):
        wid = lax.axis_index("s") * nc + lax.axis_index("c")

        @pl.when(wid < _NP * _WPP)
        def _():
            p = wid // _WPP
            j = wid % _WPP
            lbase = j * _ROWS
            obase = p * _LP + lbase

            def start_idx(l, buf, sem):
                pltpu.async_copy(
                    tid_hbm.at[pl.ds((lbase + l) * bsize, bsize)],
                    idx_v.at[buf], sem)

            def wait_idx(buf, sem):
                pltpu.make_async_copy(
                    tid_hbm.at[pl.ds(lbase * bsize, bsize)],
                    idx_v.at[buf], sem).wait()

            def start_out(l, buf, sem):
                pltpu.async_copy(
                    out_v.at[buf],
                    em_hbm.at[pl.ds((obase + l) * bsize, bsize)], sem)

            def wait_out(buf, sem):
                pltpu.make_async_copy(
                    out_v.at[buf],
                    em_hbm.at[pl.ds(obase * bsize, bsize)], sem).wait()

            def gather(buf):
                @plsc.parallel_loop(0, bsize, step=_LANES, unroll=8)
                def _gat(off):
                    idx16 = idx_v[buf, pl.ds(off, _LANES)]
                    out_v[buf, pl.ds(off, _LANES)] = plsc.load_gather(
                        row_v, [idx16])

            start_idx(0, 0, isem0)
            start_idx(1, 1, isem1)
            pltpu.sync_copy(pt_hbm.at[pl.ds(p * _VPAD, _VPAD)], row_v)

            def pair(g, carry):
                l0 = 2 * g
                wait_idx(0, isem0)
                pl.when(g > 0)(lambda: wait_out(0, osem0))
                gather(0)
                start_out(l0, 0, osem0)
                pl.when(g < _ROWS // 2 - 1)(
                    lambda: start_idx(l0 + 2, 0, isem0))
                wait_idx(1, isem1)
                pl.when(g > 0)(lambda: wait_out(1, osem1))
                gather(1)
                start_out(l0 + 1, 1, osem1)
                pl.when(g < _ROWS // 2 - 1)(
                    lambda: start_idx(l0 + 3, 1, isem1))
                return carry

            lax.fori_loop(0, _ROWS // 2, pair, 0)
            wait_out(0, osem0)
            wait_out(1, osem1)

    return k(pt1, tid1)


def _vit_body(trans_ref, start_ref, end_ref, em_ref, out_ref, hist_ref, *,
              nsub):
    zeros_i = jnp.zeros((nsub, 128), jnp.int32)
    himask = jnp.int32(-65536)

    def emis(l):
        ems = []
        for p in range(_NP):
            x = em_ref[p, l]
            ems.append(lax.bitcast_convert_type(
                lax.shift_left(x, 16), jnp.float32))
            if 2 * p + 1 < _C:
                ems.append(lax.bitcast_convert_type(x & himask, jnp.float32))
        return ems

    em0 = emis(0)
    scores0 = tuple(start_ref[c] + em0[c] for c in range(_C))

    def fstep(l, scores):
        em_l = emis(l)
        new = []
        for cp in range(_C):
            vs = [scores[c] + trans_ref[c, cp] for c in range(_C)]
            def merge(a, b):
                va, ia = a
                vb, ib = b
                m = vb > va
                return (jnp.where(m, vb, va),
                        jnp.where(m, ib, ia))
            nodes = [(vs[c], c) for c in range(_C)]
            while len(nodes) > 1:
                nxt = []
                for i2 in range(0, len(nodes) - 1, 2):
                    nxt.append(merge(nodes[i2], nodes[i2 + 1]))
                if len(nodes) % 2:
                    nxt.append(nodes[-1])
                nodes = nxt
            best, bidx = nodes[0]
            if not hasattr(bidx, "shape"):
                bidx = zeros_i + bidx
            hist_ref[cp, l] = bidx
            new.append(best + em_l[cp])
        return tuple(new)

    scores = lax.fori_loop(1, _L, fstep, scores0, unroll=2)

    best = scores[0] + end_ref[0]
    tag = zeros_i
    for c in range(1, _C):
        v = scores[c] + end_ref[c]
        m = v > best
        best = jnp.where(m, v, best)
        tag = jnp.where(m, c, tag)
    out_ref[_L - 1] = tag

    def bstep(i, tg):
        l = _L - 1 - i
        prev = zeros_i
        for c in range(_C):
            prev = jnp.where(tg == c, hist_ref[c, l], prev)
        out_ref[l - 1] = prev
        return prev

    lax.fori_loop(0, _L - 1, bstep, tag)


def _viterbi(em4, trans, start, end, nsub):
    body = functools.partial(_vit_body, nsub=nsub)
    return pl.pallas_call(
        body,
        in_specs=[
            pl.BlockSpec(memory_space=pltpu.SMEM),
            pl.BlockSpec(memory_space=pltpu.SMEM),
            pl.BlockSpec(memory_space=pltpu.SMEM),
            pl.BlockSpec((_NP, _LP, nsub, 128), lambda: (0, 0, 0, 0)),
        ],
        out_specs=pl.BlockSpec((_L, nsub, 128), lambda: (0, 0, 0)),
        out_shape=jax.ShapeDtypeStruct((_L, nsub, 128), jnp.int32),
        scratch_shapes=[pltpu.VMEM((_C, _L, nsub, 128), jnp.int32)],
    )(trans, start, end, em4)


def kernel(token_ids, emb_table, W, b, transitions, start_transitions,
           end_transitions):
    embT = jnp.zeros((_EP, _VPAD), jnp.float32)
    embT = embT.at[:_EMB, :_VOCAB].set(emb_table.T)
    Wp = jnp.zeros((_CP, _EP), jnp.float32)
    Wp = Wp.at[0:5, :_EMB].set(W[0::2])
    Wp = Wp.at[8:12, :_EMB].set(W[1::2])
    bp = jnp.zeros((_CP, 1), jnp.float32)
    bp = bp.at[0:5, 0].set(b[0::2])
    bp = bp.at[8:12, 0].set(b[1::2])
    pt = _project_table(embT, Wp, bp)

    bh = _B // 2
    pt1 = pt.reshape(-1)
    ems = []
    for h in range(2):
        tidT = jnp.zeros((_LP, bh), jnp.int32).at[:_L].set(
            token_ids[h * bh:(h + 1) * bh].T.astype(jnp.int32))
        em = _sc_gather(pt1, tidT.reshape(-1), bh)
        ems.append(em.reshape(_NP, _LP, bh // 128, 128))
    halves = []
    for em4 in ems:
        tags_t = _viterbi(em4, transitions, start_transitions,
                          end_transitions, bh // 128)
        halves.append(tags_t.reshape(_L, bh).T)
    return jnp.concatenate(halves, axis=0).astype(jnp.int32)

# --- scband reference (transcript-rebuilt; emitter-appended) ---
"""Pipeline reference for scband-linear-layer-crf-15040975470683 (READ-ONLY COPY).

The authoritative reference and input builder live on the scoring server;
editing this copy changes nothing except your own understanding.
"""

import jax, jax.numpy as jnp
import numpy as np

VOCAB = 100000
EMB = 10
C = 9
B = 4096
L = 200

def setup_inputs(seed: int = 0) -> dict:
    key = jax.random.key(seed)
    ks = jax.random.split(key, 7)
    token_ids = jax.random.randint(ks[0], (B, L), 0, VOCAB)
    emb_table = jax.random.normal(ks[1], (VOCAB, EMB), dtype=jnp.float32)
    bound = 1.0 / np.sqrt(EMB)
    W = jax.random.uniform(ks[2], (C, EMB), minval=-bound, maxval=bound, dtype=jnp.float32)
    b = jax.random.uniform(ks[3], (C,), minval=-bound, maxval=bound, dtype=jnp.float32)
    b = b.at[0].set(50.0)  # out_w2id['O'] = 0 bias init per SimpleLinear
    transitions = jax.random.uniform(ks[4], (C, C), minval=-0.1, maxval=0.1, dtype=jnp.float32)
    start_transitions = jax.random.uniform(ks[5], (C,), minval=-0.1, maxval=0.1, dtype=jnp.float32)
    end_transitions = jax.random.uniform(ks[6], (C,), minval=-0.1, maxval=0.1, dtype=jnp.float32)
    return {"token_ids": token_ids, "emb_table": emb_table, "W": W, "b": b,
            "transitions": transitions, "start_transitions": start_transitions,
            "end_transitions": end_transitions}

def reference(token_ids, emb_table, W, b, transitions, start_transitions, end_transitions):
    # SimpleLinear: embedding lookup + linear -> emissions [B, L, C]
    x = jnp.take(emb_table, token_ids, axis=0)            # [B, L, EMB]
    emissions = jnp.einsum('bld,cd->blc', x, W) + b       # [B, L, C]
    # torchcrf CRF.decode (batch_first=True, full mask): Viterbi
    em_t = jnp.transpose(emissions, (1, 0, 2))            # [L, B, C]
    score0 = start_transitions[None, :] + em_t[0]         # [B, C]

    def vit_step(score, emis):
        nxt = score[:, :, None] + transitions[None, :, :] + emis[:, None, :]  # [B, C, C]
        idx = jnp.argmax(nxt, axis=1)                    # [B, C] best prev tag
        return jnp.max(nxt, axis=1), idx

    score_f, history = jax.lax.scan(vit_step, score0, em_t[1:])  # history: [L-1, B, C]
    score_f = score_f + end_transitions[None, :]
    last_tag = jnp.argmax(score_f, axis=1)                # [B]

    def back_step(tag, hist):
        prev = jnp.take_along_axis(hist, tag[:, None], axis=1)[:, 0]
        return prev, prev

    _, tags_prev = jax.lax.scan(back_step, last_tag, history, reverse=True)  # [L-1, B]
    tags = jnp.concatenate([tags_prev, last_tag[None, :]], axis=0)           # [L, B]
    return tags.T.astype(jnp.int32)                        # [B, L], like torch.tensor(encoded)

if __name__ == "__main__":
    import jax
    _d = setup_inputs()
    print(jax.jit(kernel)(*tuple(_d.values())))

</pallas_src>

<mosaic_0001>
#map = affine_map<(d0, d1) -> (0)>
module attributes {stable_mosaic.version = 14 : i64} {
  func.func @k(%arg0: i32, %arg1: i32, %arg2: memref<802816xi32, #tpu.memory_space<hbm>>, %arg3: memref<417792xi32, #tpu.memory_space<hbm>>, %arg4: memref<2088960xi32, #tpu.memory_space<hbm>>, %arg5: memref<100352xi32, #tpu.memory_space<vmem>>, %arg6: memref<2x2048xi32, #tpu.memory_space<vmem>>, %arg7: memref<2x2048xi32, #tpu.memory_space<vmem>>, %arg8: memref<!tpu.dma_semaphore, #tpu.memory_space<semaphore_mem>>, %arg9: memref<!tpu.dma_semaphore, #tpu.memory_space<semaphore_mem>>, %arg10: memref<!tpu.dma_semaphore, #tpu.memory_space<semaphore_mem>>, %arg11: memref<!tpu.dma_semaphore, #tpu.memory_space<semaphore_mem>>) attributes {dimension_semantics = [#tpu.dimension_semantics<core_parallel>, #tpu.dimension_semantics<subcore_parallel>], iteration_bounds = array<i64: 2, 16>, scalar_prefetch = 0 : i64, scratch_operands = 7 : i64, tpu.core_type = #tpu.core_type<sc_vector_subcore>, window_params = [{transform_indices = #map}, {transform_indices = #map}, {transform_indices = #map}]} {
    %mul3A = arith.constant 2 : i32
    %mul3A_0 = arith.muli %arg1, %mul3A : i32
    %add3A = arith.addi %mul3A_0, %arg0 : i32
    %lt3A = arith.constant 30 : i32
    %lt3A_1 = arith.cmpi slt, %add3A, %lt3A : i32
    %convert_element_type3A = arith.extui %lt3A_1 : i1 to i32
    %cond3A = arith.constant 0 : i32
    %cond3A_2 = arith.cmpi ne, %convert_element_type3A, %cond3A : i32
    scf.if %cond3A_2 {
      %jit3A = arith.constant 6 : i32
      %div3A = arith.divsi %add3A, %jit3A : i32
      %sign3A = arith.constant 0 : i32
      %sign3A_3 = arith.cmpi sgt, %add3A, %sign3A : i32
      %sign3A_4 = arith.extui %sign3A_3 : i1 to i32
      %sign3A_5 = arith.constant 0 : i32
      %sign3A_6 = arith.cmpi slt, %add3A, %sign3A_5 : i32
      %sign3A_7 = arith.extui %sign3A_6 : i1 to i32
      %sign3A_8 = arith.subi %sign3A_4, %sign3A_7 : i32
      %sign3A_9 = arith.constant 0 : i32
      %sign3A_10 = arith.cmpi sgt, %jit3A, %sign3A_9 : i32
      %sign3A_11 = arith.extui %sign3A_10 : i1 to i32
      %sign3A_12 = arith.constant 0 : i32
      %sign3A_13 = arith.cmpi slt, %jit3A, %sign3A_12 : i32
      %sign3A_14 = arith.extui %sign3A_13 : i1 to i32
      %sign3A_15 = arith.subi %sign3A_11, %sign3A_14 : i32
      %ne3A = arith.cmpi ne, %sign3A_8, %sign3A_15 : i32
      %rem3A = arith.remsi %add3A, %jit3A : i32
      %ne3A_16 = arith.constant 0 : i32
      %ne3A_17 = arith.cmpi ne, %rem3A, %ne3A_16 : i32
      %and3A = arith.andi %ne3A, %ne3A_17 : i1
      %sub3A = arith.constant 1 : i32
      %sub3A_18 = arith.subi %div3A, %sub3A : i32
      %select_n3A = arith.select %and3A, %sub3A_18, %div3A : i32
      %jit3A_19 = arith.constant 6 : i32
      %eq3A = arith.constant 0 : i32
      %eq3A_20 = arith.cmpi eq, %jit3A_19, %eq3A : i32
      %jit3A_21 = arith.constant 1 : i32
      %select_n3A_22 = arith.select %eq3A_20, %jit3A_21, %jit3A_19 : i32
      %rem3A_23 = arith.remsi %add3A, %select_n3A_22 : i32
      %ne3A_24 = arith.constant 0 : i32
      %ne3A_25 = arith.cmpi ne, %rem3A_23, %ne3A_24 : i32
      %lt3A_26 = arith.constant 0 : i32
      %lt3A_27 = arith.cmpi slt, %rem3A_23, %lt3A_26 : i32
      %lt3A_28 = arith.constant 0 : i32
      %lt3A_29 = arith.cmpi slt, %select_n3A_22, %lt3A_28 : i32
      %ne3A_30 = arith.xori %lt3A_27, %lt3A_29 : i1
      %and3A_31 = arith.andi %ne3A_30, %ne3A_25 : i1
      %add3A_32 = arith.addi %rem3A_23, %select_n3A_22 : i32
      %select_n3A_33 = arith.select %and3A_31, %add3A_32, %rem3A_23 : i32
      %mul3A_34 = arith.constant 34 : i32
      %mul3A_35 = arith.muli %select_n3A_33, %mul3A_34 : i32
      %mul3A_36 = arith.constant 204 : i32
      %mul3A_37 = arith.muli %select_n3A, %mul3A_36 : i32
      %add3A_38 = arith.addi %mul3A_37, %mul3A_35 : i32
      %add3A_39 = arith.constant 0 : i32
      %add3A_40 = arith.addi %mul3A_35, %add3A_39 : i32
      %mul3A_41 = arith.constant 2048 : i32
      %mul3A_42 = arith.muli %add3A_40, %mul3A_41 : i32
      %dma_start3A = arith.constant 0 : i32
      %dma_start3A_43 = arith.constant 0 : i32
      %dma_start3A_44 = tpu.memref_slice %arg6[%dma_start3A, %dma_start3A_43] : memref<2x2048xi32, #tpu.memory_space<vmem>> -> memref<1x2048xi32, #tpu.memory_space<vmem>>
      %dma_start3A_45 = tpu.memref_squeeze %dma_start3A_44 : memref<1x2048xi32, #tpu.memory_space<vmem>> -> memref<2048xi32, #tpu.memory_space<vmem>>
      %dma_start3A_46 = tpu.memref_slice %arg3[%mul3A_42] : memref<417792xi32, #tpu.memory_space<hbm>> -> memref<2048xi32, #tpu.memory_space<hbm>>
      %dma_start3A_47 = arith.constant 0 : i32
      %dma_start3A_48 = tpu.memref_slice %arg6[%dma_start3A, %dma_start3A_47] : memref<2x2048xi32, #tpu.memory_space<vmem>> -> memref<1x2048xi32, #tpu.memory_space<vmem>>
      %dma_start3A_49 = tpu.memref_squeeze %dma_start3A_48 : memref<1x2048xi32, #tpu.memory_space<vmem>> -> memref<2048xi32, #tpu.memory_space<vmem>>
      %dma_start3A_50 = tpu.memref_slice %arg3[%mul3A_42] : memref<417792xi32, #tpu.memory_space<hbm>> -> memref<2048xi32, #tpu.memory_space<hbm>>
      tpu.enqueue_dma source(%dma_start3A_50 : memref<2048xi32, #tpu.memory_space<hbm>>) target(%dma_start3A_49 : memref<2048xi32, #tpu.memory_space<vmem>>) target_semaphore(%arg8 : memref<!tpu.dma_semaphore, #tpu.memory_space<semaphore_mem>>)
      %add3A_51 = arith.constant 1 : i32
      %add3A_52 = arith.addi %mul3A_35, %add3A_51 : i32
      %mul3A_53 = arith.constant 2048 : i32
      %mul3A_54 = arith.muli %add3A_52, %mul3A_53 : i32
      %dma_start3A_55 = arith.constant 1 : i32
      %dma_start3A_56 = arith.constant 0 : i32
      %dma_start3A_57 = tpu.memref_slice %arg6[%dma_start3A_55, %dma_start3A_56] : memref<2x2048xi32, #tpu.memory_space<vmem>> -> memref<1x2048xi32, #tpu.memory_space<vmem>>
      %dma_start3A_58 = tpu.memref_squeeze %dma_start3A_57 : memref<1x2048xi32, #tpu.memory_space<vmem>> -> memref<2048xi32, #tpu.memory_space<vmem>>
      %dma_start3A_59 = tpu.memref_slice %arg3[%mul3A_54] : memref<417792xi32, #tpu.memory_space<hbm>> -> memref<2048xi32, #tpu.memory_space<hbm>>
      %dma_start3A_60 = arith.constant 0 : i32
      %dma_start3A_61 = tpu.memref_slice %arg6[%dma_start3A_55, %dma_start3A_60] : memref<2x2048xi32, #tpu.memory_space<vmem>> -> memref<1x2048xi32, #tpu.memory_space<vmem>>
      %dma_start3A_62 = tpu.memref_squeeze %dma_start3A_61 : memref<1x2048xi32, #tpu.memory_space<vmem>> -> memref<2048xi32, #tpu.memory_space<vmem>>
      %dma_start3A_63 = tpu.memref_slice %arg3[%mul3A_54] : memref<417792xi32, #tpu.memory_space<hbm>> -> memref<2048xi32, #tpu.memory_space<hbm>>
      tpu.enqueue_dma source(%dma_start3A_63 : memref<2048xi32, #tpu.memory_space<hbm>>) target(%dma_start3A_62 : memref<2048xi32, #tpu.memory_space<vmem>>) target_semaphore(%arg9 : memref<!tpu.dma_semaphore, #tpu.memory_space<semaphore_mem>>)
      %mul3A_64 = arith.constant 100352 : i32
      %mul3A_65 = arith.muli %select_n3A, %mul3A_64 : i32
      "tpu.region"() ({
        %run_scoped3A = tpu.sem_alloc : memref<!tpu.dma_semaphore, #tpu.memory_space<semaphore_mem>>
        %dma_start3A_92 = tpu.memref_slice %arg2[%mul3A_65] : memref<802816xi32, #tpu.memory_space<hbm>> -> memref<100352xi32, #tpu.memory_space<hbm>>
        %dma_start3A_93 = tpu.memref_slice %arg2[%mul3A_65] : memref<802816xi32, #tpu.memory_space<hbm>> -> memref<100352xi32, #tpu.memory_space<hbm>>
        tpu.enqueue_dma source(%dma_start3A_93 : memref<100352xi32, #tpu.memory_space<hbm>>) target(%arg5 : memref<100352xi32, #tpu.memory_space<vmem>>) target_semaphore(%run_scoped3A : memref<!tpu.dma_semaphore, #tpu.memory_space<semaphore_mem>>)
        %dma_wait3A_94 = tpu.memref_slice %arg2[%mul3A_65] : memref<802816xi32, #tpu.memory_space<hbm>> -> memref<100352xi32, #tpu.memory_space<hbm>>
        %dma_wait3A_95 = tpu.memref_slice %arg2[%mul3A_65] : memref<802816xi32, #tpu.memory_space<hbm>> -> memref<100352xi32, #tpu.memory_space<hbm>>
        tpu.wait_dma2 semaphore(%run_scoped3A : memref<!tpu.dma_semaphore, #tpu.memory_space<semaphore_mem>>) src(%dma_wait3A_95 : memref<100352xi32, #tpu.memory_space<hbm>>) dst(%arg5 : memref<100352xi32, #tpu.memory_space<vmem>>)
        tpu.yield
      }) : () -> ()
      %scan3A = arith.constant 0 : i32
      %scan3A_66 = arith.constant 0 : i32
      %scan3A_67 = arith.constant 17 : i32
      %scan3A_68 = arith.addi %scan3A_66, %scan3A_67 : i32
      %scan3A_69 = arith.constant 1 : i32
      scf.for %scan3A_92 = %scan3A_66 to %scan3A_68 step %scan3A_69  : i32 {
        %mul3A_93 = arith.constant 2 : i32
        %mul3A_94 = arith.muli %mul3A_93, %scan3A_92 : i32
        %mul3A_95 = arith.constant 2048 : i32
        %mul3A_96 = arith.muli %mul3A_35, %mul3A_95 : i32
        %dma_wait3A_97 = arith.constant 0 : i32
        %dma_wait3A_98 = arith.constant 0 : i32
        %dma_wait3A_99 = tpu.memref_slice %arg6[%dma_wait3A_97, %dma_wait3A_98] : memref<2x2048xi32, #tpu.memory_space<vmem>> -> memref<1x2048xi32, #tpu.memory_space<vmem>>
        %dma_wait3A_100 = tpu.memref_squeeze %dma_wait3A_99 : memref<1x2048xi32, #tpu.memory_space<vmem>> -> memref<2048xi32, #tpu.memory_space<vmem>>
        %dma_wait3A_101 = tpu.memref_slice %arg3[%mul3A_96] : memref<417792xi32, #tpu.memory_space<hbm>> -> memref<2048xi32, #tpu.memory_space<hbm>>
        %dma_wait3A_102 = arith.constant 0 : i32
        %dma_wait3A_103 = tpu.memref_slice %arg6[%dma_wait3A_97, %dma_wait3A_102] : memref<2x2048xi32, #tpu.memory_space<vmem>> -> memref<1x2048xi32, #tpu.memory_space<vmem>>
        %dma_wait3A_104 = tpu.memref_squeeze %dma_wait3A_103 : memref<1x2048xi32, #tpu.memory_space<vmem>> -> memref<2048xi32, #tpu.memory_space<vmem>>
        %dma_wait3A_105 = tpu.memref_slice %arg3[%mul3A_96] : memref<417792xi32, #tpu.memory_space<hbm>> -> memref<2048xi32, #tpu.memory_space<hbm>>
        tpu.wait_dma2 semaphore(%arg8 : memref<!tpu.dma_semaphore, #tpu.memory_space<semaphore_mem>>) src(%dma_wait3A_105 : memref<2048xi32, #tpu.memory_space<hbm>>) dst(%dma_wait3A_104 : memref<2048xi32, #tpu.memory_space<vmem>>)
        %gt3A = arith.constant 0 : i32
        %gt3A_106 = arith.cmpi sgt, %scan3A_92, %gt3A : i32
        %convert_element_type3A_107 = arith.extui %gt3A_106 : i1 to i32
        %cond3A_108 = arith.constant 0 : i32
        %cond3A_109 = arith.cmpi ne, %convert_element_type3A_107, %cond3A_108 : i32
        scf.if %cond3A_109 {
          %mul3A_167 = arith.constant 2048 : i32
          %mul3A_168 = arith.muli %add3A_38, %mul3A_167 : i32
          %dma_wait3A_169 = arith.constant 0 : i32
          %dma_wait3A_170 = arith.constant 0 : i32
          %dma_wait3A_171 = tpu.memref_slice %arg7[%dma_wait3A_169, %dma_wait3A_170] : memref<2x2048xi32, #tpu.memory_space<vmem>> -> memref<1x2048xi32, #tpu.memory_space<vmem>>
          %dma_wait3A_172 = tpu.memref_squeeze %dma_wait3A_171 : memref<1x2048xi32, #tpu.memory_space<vmem>> -> memref<2048xi32, #tpu.memory_space<vmem>>
          %dma_wait3A_173 = tpu.memref_slice %arg4[%mul3A_168] : memref<2088960xi32, #tpu.memory_space<hbm>> -> memref<2048xi32, #tpu.memory_space<hbm>>
          %dma_wait3A_174 = tpu.memref_slice %arg4[%mul3A_168] : memref<2088960xi32, #tpu.memory_space<hbm>> -> memref<2048xi32, #tpu.memory_space<hbm>>
          %dma_wait3A_175 = arith.constant 0 : i32
          %dma_wait3A_176 = tpu.memref_slice %arg7[%dma_wait3A_169, %dma_wait3A_175] : memref<2x2048xi32, #tpu.memory_space<vmem>> -> memref<1x2048xi32, #tpu.memory_space<vmem>>
          %dma_wait3A_177 = tpu.memref_squeeze %dma_wait3A_176 : memref<1x2048xi32, #tpu.memory_space<vmem>> -> memref<2048xi32, #tpu.memory_space<vmem>>
          tpu.wait_dma2 semaphore(%arg10 : memref<!tpu.dma_semaphore, #tpu.memory_space<semaphore_mem>>) src(%dma_wait3A_177 : memref<2048xi32, #tpu.memory_space<vmem>>) dst(%dma_wait3A_174 : memref<2048xi32, #tpu.memory_space<hbm>>)
        } else {
        }
        %parallel_loop3A = arith.constant 0 : i32
        %parallel_loop3A_110 = arith.constant 2048 : i32
        %parallel_loop3A_111 = arith.constant 16 : i32
        scf.for %parallel_loop3A_167 = %parallel_loop3A to %parallel_loop3A_110 step %parallel_loop3A_111  : i32 {
          %parallel_loop3A_168 = arith.constant 0 : i32
          %parallel_loop3A_169 = arith.index_cast %parallel_loop3A_168 : i32 to index
          %parallel_loop3A_170 = arith.index_cast %parallel_loop3A_167 : i32 to index
          %parallel_loop3A_171 = tpu.vector_load %arg6[%parallel_loop3A_169, %parallel_loop3A_170] {strides = array<i32>} : memref<2x2048xi32, #tpu.memory_space<vmem>>, vector<16xi32>,
          %parallel_loop3A_172 = tpu.vector_load_idx %arg5[%parallel_loop3A_171] : memref<100352xi32, #tpu.memory_space<vmem>>[vector<16xi32>], vector<16xi32>,
          %parallel_loop3A_173 = arith.constant 0 : i32
          %parallel_loop3A_174 = arith.index_cast %parallel_loop3A_173 : i32 to index
          %parallel_loop3A_175 = arith.index_cast %parallel_loop3A_167 : i32 to index
          %parallel_loop3A_176 = tpu.vector_load %arg7[%parallel_loop3A_174, %parallel_loop3A_175] {strides = array<i32>} : memref<2x2048xi32, #tpu.memory_space<vmem>>, vector<16xi32>,
          tpu.vector_store %arg7[%parallel_loop3A_174, %parallel_loop3A_175], %parallel_loop3A_172 {strides = array<i32>} : memref<2x2048xi32, #tpu.memory_space<vmem>>, vector<16xi32>,
        } {sc.loop_unroll_factor = 8 : i64, sc.parallel_access}
        %add3A_112 = arith.addi %add3A_38, %mul3A_94 : i32
        %mul3A_113 = arith.constant 2048 : i32
        %mul3A_114 = arith.muli %add3A_112, %mul3A_113 : i32
        %dma_start3A_115 = arith.constant 0 : i32
        %dma_start3A_116 = arith.constant 0 : i32
        %dma_start3A_117 = tpu.memref_slice %arg7[%dma_start3A_115, %dma_start3A_116] : memref<2x2048xi32, #tpu.memory_space<vmem>> -> memref<1x2048xi32, #tpu.memory_space<vmem>>
        %dma_start3A_118 = tpu.memref_squeeze %dma_start3A_117 : memref<1x2048xi32, #tpu.memory_space<vmem>> -> memref<2048xi32, #tpu.memory_space<vmem>>
        %dma_start3A_119 = tpu.memref_slice %arg4[%mul3A_114] : memref<2088960xi32, #tpu.memory_space<hbm>> -> memref<2048xi32, #tpu.memory_space<hbm>>
        %dma_start3A_120 = tpu.memref_slice %arg4[%mul3A_114] : memref<2088960xi32, #tpu.memory_space<hbm>> -> memref<2048xi32, #tpu.memory_space<hbm>>
        %dma_start3A_121 = arith.constant 0 : i32
        %dma_start3A_122 = tpu.memref_slice %arg7[%dma_start3A_115, %dma_start3A_121] : memref<2x2048xi32, #tpu.memory_space<vmem>> -> memref<1x2048xi32, #tpu.memory_space<vmem>>
        %dma_start3A_123 = tpu.memref_squeeze %dma_start3A_122 : memref<1x2048xi32, #tpu.memory_space<vmem>> -> memref<2048xi32, #tpu.memory_space<vmem>>
        tpu.enqueue_dma source(%dma_start3A_123 : memref<2048xi32, #tpu.memory_space<vmem>>) target(%dma_start3A_120 : memref<2048xi32, #tpu.memory_space<hbm>>) target_semaphore(%arg10 : memref<!tpu.dma_semaphore, #tpu.memory_space<semaphore_mem>>)
        %lt3A_124 = arith.constant 16 : i32
        %lt3A_125 = arith.cmpi slt, %scan3A_92, %lt3A_124 : i32
        %convert_element_type3A_126 = arith.extui %lt3A_125 : i1 to i32
        %cond3A_127 = arith.constant 0 : i32
        %cond3A_128 = arith.cmpi ne, %convert_element_type3A_126, %cond3A_127 : i32
        scf.if %cond3A_128 {
          %add3A_167 = arith.constant 2 : i32
          %add3A_168 = arith.addi %mul3A_94, %add3A_167 : i32
          %add3A_169 = arith.addi %mul3A_35, %add3A_168 : i32
          %mul3A_170 = arith.constant 2048 : i32
          %mul3A_171 = arith.muli %add3A_169, %mul3A_170 : i32
          %dma_start3A_172 = arith.constant 0 : i32
          %dma_start3A_173 = arith.constant 0 : i32
          %dma_start3A_174 = tpu.memref_slice %arg6[%dma_start3A_172, %dma_start3A_173] : memref<2x2048xi32, #tpu.memory_space<vmem>> -> memref<1x2048xi32, #tpu.memory_space<vmem>>
          %dma_start3A_175 = tpu.memref_squeeze %dma_start3A_174 : memref<1x2048xi32, #tpu.memory_space<vmem>> -> memref<2048xi32, #tpu.memory_space<vmem>>
          %dma_start3A_176 = tpu.memref_slice %arg3[%mul3A_171] : memref<417792xi32, #tpu.memory_space<hbm>> -> memref<2048xi32, #tpu.memory_space<hbm>>
          %dma_start3A_177 = arith.constant 0 : i32
          %dma_start3A_178 = tpu.memref_slice %arg6[%dma_start3A_172, %dma_start3A_177] : memref<2x2048xi32, #tpu.memory_space<vmem>> -> memref<1x2048xi32, #tpu.memory_space<vmem>>
          %dma_start3A_179 = tpu.memref_squeeze %dma_start3A_178 : memref<1x2048xi32, #tpu.memory_space<vmem>> -> memref<2048xi32, #tpu.memory_space<vmem>>
          %dma_start3A_180 = tpu.memref_slice %arg3[%mul3A_171] : memref<417792xi32, #tpu.memory_space<hbm>> -> memref<2048xi32, #tpu.memory_space<hbm>>
          tpu.enqueue_dma source(%dma_start3A_180 : memref<2048xi32, #tpu.memory_space<hbm>>) target(%dma_start3A_179 : memref<2048xi32, #tpu.memory_space<vmem>>) target_semaphore(%arg8 : memref<!tpu.dma_semaphore, #tpu.memory_space<semaphore_mem>>)
        } else {
        }
        %mul3A_129 = arith.constant 2048 : i32
        %mul3A_130 = arith.muli %mul3A_35, %mul3A_129 : i32
        %dma_wait3A_131 = arith.constant 1 : i32
        %dma_wait3A_132 = arith.constant 0 : i32
        %dma_wait3A_133 = tpu.memref_slice %arg6[%dma_wait3A_131, %dma_wait3A_132] : memref<2x2048xi32, #tpu.memory_space<vmem>> -> memref<1x2048xi32, #tpu.memory_space<vmem>>
        %dma_wait3A_134 = tpu.memref_squeeze %dma_wait3A_133 : memref<1x2048xi32, #tpu.memory_space<vmem>> -> memref<2048xi32, #tpu.memory_space<vmem>>
        %dma_wait3A_135 = tpu.memref_slice %arg3[%mul3A_130] : memref<417792xi32, #tpu.memory_space<hbm>> -> memref<2048xi32, #tpu.memory_space<hbm>>
        %dma_wait3A_136 = arith.constant 0 : i32
        %dma_wait3A_137 = tpu.memref_slice %arg6[%dma_wait3A_131, %dma_wait3A_136] : memref<2x2048xi32, #tpu.memory_space<vmem>> -> memref<1x2048xi32, #tpu.memory_space<vmem>>
        %dma_wait3A_138 = tpu.memref_squeeze %dma_wait3A_137 : memref<1x2048xi32, #tpu.memory_space<vmem>> -> memref<2048xi32, #tpu.memory_space<vmem>>
        %dma_wait3A_139 = tpu.memref_slice %arg3[%mul3A_130] : memref<417792xi32, #tpu.memory_space<hbm>> -> memref<2048xi32, #tpu.memory_space<hbm>>
        tpu.wait_dma2 semaphore(%arg9 : memref<!tpu.dma_semaphore, #tpu.memory_space<semaphore_mem>>) src(%dma_wait3A_139 : memref<2048xi32, #tpu.memory_space<hbm>>) dst(%dma_wait3A_138 : memref<2048xi32, #tpu.memory_space<vmem>>)
        %gt3A_140 = arith.constant 0 : i32
        %gt3A_141 = arith.cmpi sgt, %scan3A_92, %gt3A_140 : i32
        %convert_element_type3A_142 = arith.extui %gt3A_141 : i1 to i32
        %cond3A_143 = arith.constant 0 : i32
        %cond3A_144 = arith.cmpi ne, %convert_element_type3A_142, %cond3A_143 : i32
        scf.if %cond3A_144 {
          %mul3A_167 = arith.constant 2048 : i32
          %mul3A_168 = arith.muli %add3A_38, %mul3A_167 : i32
          %dma_wait3A_169 = arith.constant 1 : i32
          %dma_wait3A_170 = arith.constant 0 : i32
          %dma_wait3A_171 = tpu.memref_slice %arg7[%dma_wait3A_169, %dma_wait3A_170] : memref<2x2048xi32, #tpu.memory_space<vmem>> -> memref<1x2048xi32, #tpu.memory_space<vmem>>
          %dma_wait3A_172 = tpu.memref_squeeze %dma_wait3A_171 : memref<1x2048xi32, #tpu.memory_space<vmem>> -> memref<2048xi32, #tpu.memory_space<vmem>>
          %dma_wait3A_173 = tpu.memref_slice %arg4[%mul3A_168] : memref<2088960xi32, #tpu.memory_space<hbm>> -> memref<2048xi32, #tpu.memory_space<hbm>>
          %dma_wait3A_174 = tpu.memref_slice %arg4[%mul3A_168] : memref<2088960xi32, #tpu.memory_space<hbm>> -> memref<2048xi32, #tpu.memory_space<hbm>>
          %dma_wait3A_175 = arith.constant 0 : i32
          %dma_wait3A_176 = tpu.memref_slice %arg7[%dma_wait3A_169, %dma_wait3A_175] : memref<2x2048xi32, #tpu.memory_space<vmem>> -> memref<1x2048xi32, #tpu.memory_space<vmem>>
          %dma_wait3A_177 = tpu.memref_squeeze %dma_wait3A_176 : memref<1x2048xi32, #tpu.memory_space<vmem>> -> memref<2048xi32, #tpu.memory_space<vmem>>
          tpu.wait_dma2 semaphore(%arg11 : memref<!tpu.dma_semaphore, #tpu.memory_space<semaphore_mem>>) src(%dma_wait3A_177 : memref<2048xi32, #tpu.memory_space<vmem>>) dst(%dma_wait3A_174 : memref<2048xi32, #tpu.memory_space<hbm>>)
        } else {
        }
        %parallel_loop3A_145 = arith.constant 0 : i32
        %parallel_loop3A_146 = arith.constant 2048 : i32
        %parallel_loop3A_147 = arith.constant 16 : i32
        scf.for %parallel_loop3A_167 = %parallel_loop3A_145 to %parallel_loop3A_146 step %parallel_loop3A_147  : i32 {
          %parallel_loop3A_168 = arith.constant 1 : i32
          %parallel_loop3A_169 = arith.index_cast %parallel_loop3A_168 : i32 to index
          %parallel_loop3A_170 = arith.index_cast %parallel_loop3A_167 : i32 to index
          %parallel_loop3A_171 = tpu.vector_load %arg6[%parallel_loop3A_169, %parallel_loop3A_170] {strides = array<i32>} : memref<2x2048xi32, #tpu.memory_space<vmem>>, vector<16xi32>,
          %parallel_loop3A_172 = tpu.vector_load_idx %arg5[%parallel_loop3A_171] : memref<100352xi32, #tpu.memory_space<vmem>>[vector<16xi32>], vector<16xi32>,
          %parallel_loop3A_173 = arith.constant 1 : i32
          %parallel_loop3A_174 = arith.index_cast %parallel_loop3A_173 : i32 to index
          %parallel_loop3A_175 = arith.index_cast %parallel_loop3A_167 : i32 to index
          %parallel_loop3A_176 = tpu.vector_load %arg7[%parallel_loop3A_174, %parallel_loop3A_175] {strides = array<i32>} : memref<2x2048xi32, #tpu.memory_space<vmem>>, vector<16xi32>,
          tpu.vector_store %arg7[%parallel_loop3A_174, %parallel_loop3A_175], %parallel_loop3A_172 {strides = array<i32>} : memref<2x2048xi32, #tpu.memory_space<vmem>>, vector<16xi32>,
        } {sc.loop_unroll_factor = 8 : i64, sc.parallel_access}
        %add3A_148 = arith.constant 1 : i32
        %add3A_149 = arith.addi %mul3A_94, %add3A_148 : i32
        %add3A_150 = arith.addi %add3A_38, %add3A_149 : i32
        %mul3A_151 = arith.constant 2048 : i32
        %mul3A_152 = arith.muli %add3A_150, %mul3A_151 : i32
        %dma_start3A_153 = arith.constant 1 : i32
        %dma_start3A_154 = arith.constant 0 : i32
        %dma_start3A_155 = tpu.memref_slice %arg7[%dma_start3A_153, %dma_start3A_154] : memref<2x2048xi32, #tpu.memory_space<vmem>> -> memref<1x2048xi32, #tpu.memory_space<vmem>>
        %dma_start3A_156 = tpu.memref_squeeze %dma_start3A_155 : memref<1x2048xi32, #tpu.memory_space<vmem>> -> memref<2048xi32, #tpu.memory_space<vmem>>
        %dma_start3A_157 = tpu.memref_slice %arg4[%mul3A_152] : memref<2088960xi32, #tpu.memory_space<hbm>> -> memref<2048xi32, #tpu.memory_space<hbm>>
        %dma_start3A_158 = tpu.memref_slice %arg4[%mul3A_152] : memref<2088960xi32, #tpu.memory_space<hbm>> -> memref<2048xi32, #tpu.memory_space<hbm>>
        %dma_start3A_159 = arith.constant 0 : i32
        %dma_start3A_160 = tpu.memref_slice %arg7[%dma_start3A_153, %dma_start3A_159] : memref<2x2048xi32, #tpu.memory_space<vmem>> -> memref<1x2048xi32, #tpu.memory_space<vmem>>
        %dma_start3A_161 = tpu.memref_squeeze %dma_start3A_160 : memref<1x2048xi32, #tpu.memory_space<vmem>> -> memref<2048xi32, #tpu.memory_space<vmem>>
        tpu.enqueue_dma source(%dma_start3A_161 : memref<2048xi32, #tpu.memory_space<vmem>>) target(%dma_start3A_158 : memref<2048xi32, #tpu.memory_space<hbm>>) target_semaphore(%arg11 : memref<!tpu.dma_semaphore, #tpu.memory_space<semaphore_mem>>)
        %lt3A_162 = arith.constant 16 : i32
        %lt3A_163 = arith.cmpi slt, %scan3A_92, %lt3A_162 : i32
        %convert_element_type3A_164 = arith.extui %lt3A_163 : i1 to i32
        %cond3A_165 = arith.constant 0 : i32
        %cond3A_166 = arith.cmpi ne, %convert_element_type3A_164, %cond3A_165 : i32
        scf.if %cond3A_166 {
          %add3A_167 = arith.constant 3 : i32
          %add3A_168 = arith.addi %mul3A_94, %add3A_167 : i32
          %add3A_169 = arith.addi %mul3A_35, %add3A_168 : i32
          %mul3A_170 = arith.constant 2048 : i32
          %mul3A_171 = arith.muli %add3A_169, %mul3A_170 : i32
          %dma_start3A_172 = arith.constant 1 : i32
          %dma_start3A_173 = arith.constant 0 : i32
          %dma_start3A_174 = tpu.memref_slice %arg6[%dma_start3A_172, %dma_start3A_173] : memref<2x2048xi32, #tpu.memory_space<vmem>> -> memref<1x2048xi32, #tpu.memory_space<vmem>>
          %dma_start3A_175 = tpu.memref_squeeze %dma_start3A_174 : memref<1x2048xi32, #tpu.memory_space<vmem>> -> memref<2048xi32, #tpu.memory_space<vmem>>
          %dma_start3A_176 = tpu.memref_slice %arg3[%mul3A_171] : memref<417792xi32, #tpu.memory_space<hbm>> -> memref<2048xi32, #tpu.memory_space<hbm>>
          %dma_start3A_177 = arith.constant 0 : i32
          %dma_start3A_178 = tpu.memref_slice %arg6[%dma_start3A_172, %dma_start3A_177] : memref<2x2048xi32, #tpu.memory_space<vmem>> -> memref<1x2048xi32, #tpu.memory_space<vmem>>
          %dma_start3A_179 = tpu.memref_squeeze %dma_start3A_178 : memref<1x2048xi32, #tpu.memory_space<vmem>> -> memref<2048xi32, #tpu.memory_space<vmem>>
          %dma_start3A_180 = tpu.memref_slice %arg3[%mul3A_171] : memref<417792xi32, #tpu.memory_space<hbm>> -> memref<2048xi32, #tpu.memory_space<hbm>>
          tpu.enqueue_dma source(%dma_start3A_180 : memref<2048xi32, #tpu.memory_space<hbm>>) target(%dma_start3A_179 : memref<2048xi32, #tpu.memory_space<vmem>>) target_semaphore(%arg9 : memref<!tpu.dma_semaphore, #tpu.memory_space<semaphore_mem>>)
        } else {
        }
      }
      %scan3A_70 = arith.constant 17 : i32
      %mul3A_71 = arith.constant 2048 : i32
      %mul3A_72 = arith.muli %add3A_38, %mul3A_71 : i32
      %dma_wait3A = arith.constant 0 : i32
      %dma_wait3A_73 = arith.constant 0 : i32
      %dma_wait3A_74 = tpu.memref_slice %arg7[%dma_wait3A, %dma_wait3A_73] : memref<2x2048xi32, #tpu.memory_space<vmem>> -> memref<1x2048xi32, #tpu.memory_space<vmem>>
      %dma_wait3A_75 = tpu.memref_squeeze %dma_wait3A_74 : memref<1x2048xi32, #tpu.memory_space<vmem>> -> memref<2048xi32, #tpu.memory_space<vmem>>
      %dma_wait3A_76 = tpu.memref_slice %arg4[%mul3A_72] : memref<2088960xi32, #tpu.memory_space<hbm>> -> memref<2048xi32, #tpu.memory_space<hbm>>
      %dma_wait3A_77 = tpu.memref_slice %arg4[%mul3A_72] : memref<2088960xi32, #tpu.memory_space<hbm>> -> memref<2048xi32, #tpu.memory_space<hbm>>
      %dma_wait3A_78 = arith.constant 0 : i32
      %dma_wait3A_79 = tpu.memref_slice %arg7[%dma_wait3A, %dma_wait3A_78] : memref<2x2048xi32, #tpu.memory_space<vmem>> -> memref<1x2048xi32, #tpu.memory_space<vmem>>
      %dma_wait3A_80 = tpu.memref_squeeze %dma_wait3A_79 : memref<1x2048xi32, #tpu.memory_space<vmem>> -> memref<2048xi32, #tpu.memory_space<vmem>>
      tpu.wait_dma2 semaphore(%arg10 : memref<!tpu.dma_semaphore, #tpu.memory_space<semaphore_mem>>) src(%dma_wait3A_80 : memref<2048xi32, #tpu.memory_space<vmem>>) dst(%dma_wait3A_77 : memref<2048xi32, #tpu.memory_space<hbm>>)
      %mul3A_81 = arith.constant 2048 : i32
      %mul3A_82 = arith.muli %add3A_38, %mul3A_81 : i32
      %dma_wait3A_83 = arith.constant 1 : i32
      %dma_wait3A_84 = arith.constant 0 : i32
      %dma_wait3A_85 = tpu.memref_slice %arg7[%dma_wait3A_83, %dma_wait3A_84] : memref<2x2048xi32, #tpu.memory_space<vmem>> -> memref<1x2048xi32, #tpu.memory_space<vmem>>
      %dma_wait3A_86 = tpu.memref_squeeze %dma_wait3A_85 : memref<1x2048xi32, #tpu.memory_space<vmem>> -> memref<2048xi32, #tpu.memory_space<vmem>>
      %dma_wait3A_87 = tpu.memref_slice %arg4[%mul3A_82] : memref<2088960xi32, #tpu.memory_space<hbm>> -> memref<2048xi32, #tpu.memory_space<hbm>>
      %dma_wait3A_88 = tpu.memref_slice %arg4[%mul3A_82] : memref<2088960xi32, #tpu.memory_space<hbm>> -> memref<2048xi32, #tpu.memory_space<hbm>>
      %dma_wait3A_89 = arith.constant 0 : i32
      %dma_wait3A_90 = tpu.memref_slice %arg7[%dma_wait3A_83, %dma_wait3A_89] : memref<2x2048xi32, #tpu.memory_space<vmem>> -> memref<1x2048xi32, #tpu.memory_space<vmem>>
      %dma_wait3A_91 = tpu.memref_squeeze %dma_wait3A_90 : memref<1x2048xi32, #tpu.memory_space<vmem>> -> memref<2048xi32, #tpu.memory_space<vmem>>
      tpu.wait_dma2 semaphore(%arg11 : memref<!tpu.dma_semaphore, #tpu.memory_space<semaphore_mem>>) src(%dma_wait3A_91 : memref<2048xi32, #tpu.memory_space<vmem>>) dst(%dma_wait3A_88 : memref<2048xi32, #tpu.memory_space<hbm>>)
    } else {
    }
    return
  }
}

#map = affine_map<(d0, d1) -> (0)>
module attributes {stable_mosaic.version = 14 : i64} {
  func.func @k(%arg0: i32, %arg1: i32, %arg2: memref<802816xi32, #tpu.memory_space<hbm>>, %arg3: memref<417792xi32, #tpu.memory_space<hbm>>, %arg4: memref<2088960xi32, #tpu.memory_space<hbm>>, %arg5: memref<100352xi32, #tpu.memory_space<vmem>>, %arg6: memref<2x2048xi32, #tpu.memory_space<vmem>>, %arg7: memref<2x2048xi32, #tpu.memory_space<vmem>>, %arg8: memref<!tpu.dma_semaphore, #tpu.memory_space<semaphore_mem>>, %arg9: memref<!tpu.dma_semaphore, #tpu.memory_space<semaphore_mem>>, %arg10: memref<!tpu.dma_semaphore, #tpu.memory_space<semaphore_mem>>, %arg11: memref<!tpu.dma_semaphore, #tpu.memory_space<semaphore_mem>>) attributes {dimension_semantics = [#tpu.dimension_semantics<core_parallel>, #tpu.dimension_semantics<subcore_parallel>], iteration_bounds = array<i64: 2, 16>, scalar_prefetch = 0 : i64, scratch_operands = 7 : i64, tpu.core_type = #tpu.core_type<sc_vector_subcore>, window_params = [{transform_indices = #map}, {transform_indices = #map}, {transform_indices = #map}]} {
    %mul3A = arith.constant 2 : i32
    %mul3A_0 = arith.muli %arg1, %mul3A : i32
    %add3A = arith.addi %mul3A_0, %arg0 : i32
    %lt3A = arith.constant 30 : i32
    %lt3A_1 = arith.cmpi slt, %add3A, %lt3A : i32
    %convert_element_type3A = arith.extui %lt3A_1 : i1 to i32
    %cond3A = arith.constant 0 : i32
    %cond3A_2 = arith.cmpi ne, %convert_element_type3A, %cond3A : i32
    scf.if %cond3A_2 {
      %jit3A = arith.constant 6 : i32
      %div3A = arith.divsi %add3A, %jit3A : i32
      %sign3A = arith.constant 0 : i32
      %sign3A_3 = arith.cmpi sgt, %add3A, %sign3A : i32
      %sign3A_4 = arith.extui %sign3A_3 : i1 to i32
      %sign3A_5 = arith.constant 0 : i32
      %sign3A_6 = arith.cmpi slt, %add3A, %sign3A_5 : i32
      %sign3A_7 = arith.extui %sign3A_6 : i1 to i32
      %sign3A_8 = arith.subi %sign3A_4, %sign3A_7 : i32
      %sign3A_9 = arith.constant 0 : i32
      %sign3A_10 = arith.cmpi sgt, %jit3A, %sign3A_9 : i32
      %sign3A_11 = arith.extui %sign3A_10 : i1 to i32
      %sign3A_12 = arith.constant 0 : i32
      %sign3A_13 = arith.cmpi slt, %jit3A, %sign3A_12 : i32
      %sign3A_14 = arith.extui %sign3A_13 : i1 to i32
      %sign3A_15 = arith.subi %sign3A_11, %sign3A_14 : i32
      %ne3A = arith.cmpi ne, %sign3A_8, %sign3A_15 : i32
      %rem3A = arith.remsi %add3A, %jit3A : i32
      %ne3A_16 = arith.constant 0 : i32
      %ne3A_17 = arith.cmpi ne, %rem3A, %ne3A_16 : i32
      %and3A = arith.andi %ne3A, %ne3A_17 : i1
      %sub3A = arith.constant 1 : i32
      %sub3A_18 = arith.subi %div3A, %sub3A : i32
      %select_n3A = arith.select %and3A, %sub3A_18, %div3A : i32
      %jit3A_19 = arith.constant 6 : i32
      %eq3A = arith.constant 0 : i32
      %eq3A_20 = arith.cmpi eq, %jit3A_19, %eq3A : i32
      %jit3A_21 = arith.constant 1 : i32
      %select_n3A_22 = arith.select %eq3A_20, %jit3A_21, %jit3A_19 : i32
      %rem3A_23 = arith.remsi %add3A, %select_n3A_22 : i32
      %ne3A_24 = arith.constant 0 : i32
      %ne3A_25 = arith.cmpi ne, %rem3A_23, %ne3A_24 : i32
      %lt3A_26 = arith.constant 0 : i32
      %lt3A_27 = arith.cmpi slt, %rem3A_23, %lt3A_26 : i32
      %lt3A_28 = arith.constant 0 : i32
      %lt3A_29 = arith.cmpi slt, %select_n3A_22, %lt3A_28 : i32
      %ne3A_30 = arith.xori %lt3A_27, %lt3A_29 : i1
      %and3A_31 = arith.andi %ne3A_30, %ne3A_25 : i1
      %add3A_32 = arith.addi %rem3A_23, %select_n3A_22 : i32
      %select_n3A_33 = arith.select %and3A_31, %add3A_32, %rem3A_23 : i32
      %mul3A_34 = arith.constant 34 : i32
      %mul3A_35 = arith.muli %select_n3A_33, %mul3A_34 : i32
      %mul3A_36 = arith.constant 204 : i32
      %mul3A_37 = arith.muli %select_n3A, %mul3A_36 : i32
      %add3A_38 = arith.addi %mul3A_37, %mul3A_35 : i32
      %add3A_39 = arith.constant 0 : i32
      %add3A_40 = arith.addi %mul3A_35, %add3A_39 : i32
      %mul3A_41 = arith.constant 2048 : i32
      %mul3A_42 = arith.muli %add3A_40, %mul3A_41 : i32
      %dma_start3A = arith.constant 0 : i32
      %dma_start3A_43 = arith.constant 0 : i32
      %dma_start3A_44 = tpu.memref_slice %arg6[%dma_start3A, %dma_start3A_43] : memref<2x2048xi32, #tpu.memory_space<vmem>> -> memref<1x2048xi32, #tpu.memory_space<vmem>>
      %dma_start3A_45 = tpu.memref_squeeze %dma_start3A_44 : memref<1x2048xi32, #tpu.memory_space<vmem>> -> memref<2048xi32, #tpu.memory_space<vmem>>
      %dma_start3A_46 = tpu.memref_slice %arg3[%mul3A_42] : memref<417792xi32, #tpu.memory_space<hbm>> -> memref<2048xi32, #tpu.memory_space<hbm>>
      %dma_start3A_47 = arith.constant 0 : i32
      %dma_start3A_48 = tpu.memref_slice %arg6[%dma_start3A, %dma_start3A_47] : memref<2x2048xi32, #tpu.memory_space<vmem>> -> memref<1x2048xi32, #tpu.memory_space<vmem>>
      %dma_start3A_49 = tpu.memref_squeeze %dma_start3A_48 : memref<1x2048xi32, #tpu.memory_space<vmem>> -> memref<2048xi32, #tpu.memory_space<vmem>>
      %dma_start3A_50 = tpu.memref_slice %arg3[%mul3A_42] : memref<417792xi32, #tpu.memory_space<hbm>> -> memref<2048xi32, #tpu.memory_space<hbm>>
      tpu.enqueue_dma source(%dma_start3A_50 : memref<2048xi32, #tpu.memory_space<hbm>>) target(%dma_start3A_49 : memref<2048xi32, #tpu.memory_space<vmem>>) target_semaphore(%arg8 : memref<!tpu.dma_semaphore, #tpu.memory_space<semaphore_mem>>)
      %add3A_51 = arith.constant 1 : i32
      %add3A_52 = arith.addi %mul3A_35, %add3A_51 : i32
      %mul3A_53 = arith.constant 2048 : i32
      %mul3A_54 = arith.muli %add3A_52, %mul3A_53 : i32
      %dma_start3A_55 = arith.constant 1 : i32
      %dma_start3A_56 = arith.constant 0 : i32
      %dma_start3A_57 = tpu.memref_slice %arg6[%dma_start3A_55, %dma_start3A_56] : memref<2x2048xi32, #tpu.memory_space<vmem>> -> memref<1x2048xi32, #tpu.memory_space<vmem>>
      %dma_start3A_58 = tpu.memref_squeeze %dma_start3A_57 : memref<1x2048xi32, #tpu.memory_space<vmem>> -> memref<2048xi32, #tpu.memory_space<vmem>>
      %dma_start3A_59 = tpu.memref_slice %arg3[%mul3A_54] : memref<417792xi32, #tpu.memory_space<hbm>> -> memref<2048xi32, #tpu.memory_space<hbm>>
      %dma_start3A_60 = arith.constant 0 : i32
      %dma_start3A_61 = tpu.memref_slice %arg6[%dma_start3A_55, %dma_start3A_60] : memref<2x2048xi32, #tpu.memory_space<vmem>> -> memref<1x2048xi32, #tpu.memory_space<vmem>>
      %dma_start3A_62 = tpu.memref_squeeze %dma_start3A_61 : memref<1x2048xi32, #tpu.memory_space<vmem>> -> memref<2048xi32, #tpu.memory_space<vmem>>
      %dma_start3A_63 = tpu.memref_slice %arg3[%mul3A_54] : memref<417792xi32, #tpu.memory_space<hbm>> -> memref<2048xi32, #tpu.memory_space<hbm>>
      tpu.enqueue_dma source(%dma_start3A_63 : memref<2048xi32, #tpu.memory_space<hbm>>) target(%dma_start3A_62 : memref<2048xi32, #tpu.memory_space<vmem>>) target_semaphore(%arg9 : memref<!tpu.dma_semaphore, #tpu.memory_space<semaphore_mem>>)
      %mul3A_64 = arith.constant 100352 : i32
      %mul3A_65 = arith.muli %select_n3A, %mul3A_64 : i32
      "tpu.region"() ({
        %run_scoped3A = tpu.sem_alloc : memref<!tpu.dma_semaphore, #tpu.memory_space<semaphore_mem>>
        %dma_start3A_92 = tpu.memref_slice %arg2[%mul3A_65] : memref<802816xi32, #tpu.memory_space<hbm>> -> memref<100352xi32, #tpu.memory_space<hbm>>
        %dma_start3A_93 = tpu.memref_slice %arg2[%mul3A_65] : memref<802816xi32, #tpu.memory_space<hbm>> -> memref<100352xi32, #tpu.memory_space<hbm>>
        tpu.enqueue_dma source(%dma_start3A_93 : memref<100352xi32, #tpu.memory_space<hbm>>) target(%arg5 : memref<100352xi32, #tpu.memory_space<vmem>>) target_semaphore(%run_scoped3A : memref<!tpu.dma_semaphore, #tpu.memory_space<semaphore_mem>>)
        %dma_wait3A_94 = tpu.memref_slice %arg2[%mul3A_65] : memref<802816xi32, #tpu.memory_space<hbm>> -> memref<100352xi32, #tpu.memory_space<hbm>>
        %dma_wait3A_95 = tpu.memref_slice %arg2[%mul3A_65] : memref<802816xi32, #tpu.memory_space<hbm>> -> memref<100352xi32, #tpu.memory_space<hbm>>
        tpu.wait_dma2 semaphore(%run_scoped3A : memref<!tpu.dma_semaphore, #tpu.memory_space<semaphore_mem>>) src(%dma_wait3A_95 : memref<100352xi32, #tpu.memory_space<hbm>>) dst(%arg5 : memref<100352xi32, #tpu.memory_space<vmem>>)
        tpu.yield
      }) : () -> ()
      %scan3A = arith.constant 0 : i32
      %scan3A_66 = arith.constant 0 : i32
      %scan3A_67 = arith.constant 17 : i32
      %scan3A_68 = arith.addi %scan3A_66, %scan3A_67 : i32
      %scan3A_69 = arith.constant 1 : i32
      scf.for %scan3A_92 = %scan3A_66 to %scan3A_68 step %scan3A_69  : i32 {
        %mul3A_93 = arith.constant 2 : i32
        %mul3A_94 = arith.muli %mul3A_93, %scan3A_92 : i32
        %mul3A_95 = arith.constant 2048 : i32
        %mul3A_96 = arith.muli %mul3A_35, %mul3A_95 : i32
        %dma_wait3A_97 = arith.constant 0 : i32
        %dma_wait3A_98 = arith.constant 0 : i32
        %dma_wait3A_99 = tpu.memref_slice %arg6[%dma_wait3A_97, %dma_wait3A_98] : memref<2x2048xi32, #tpu.memory_space<vmem>> -> memref<1x2048xi32, #tpu.memory_space<vmem>>
        %dma_wait3A_100 = tpu.memref_squeeze %dma_wait3A_99 : memref<1x2048xi32, #tpu.memory_space<vmem>> -> memref<2048xi32, #tpu.memory_space<vmem>>
        %dma_wait3A_101 = tpu.memref_slice %arg3[%mul3A_96] : memref<417792xi32, #tpu.memory_space<hbm>> -> memref<2048xi32, #tpu.memory_space<hbm>>
        %dma_wait3A_102 = arith.constant 0 : i32
        %dma_wait3A_103 = tpu.memref_slice %arg6[%dma_wait3A_97, %dma_wait3A_102] : memref<2x2048xi32, #tpu.memory_space<vmem>> -> memref<1x2048xi32, #tpu.memory_space<vmem>>
        %dma_wait3A_104 = tpu.memref_squeeze %dma_wait3A_103 : memref<1x2048xi32, #tpu.memory_space<vmem>> -> memref<2048xi32, #tpu.memory_space<vmem>>
        %dma_wait3A_105 = tpu.memref_slice %arg3[%mul3A_96] : memref<417792xi32, #tpu.memory_space<hbm>> -> memref<2048xi32, #tpu.memory_space<hbm>>
        tpu.wait_dma2 semaphore(%arg8 : memref<!tpu.dma_semaphore, #tpu.memory_space<semaphore_mem>>) src(%dma_wait3A_105 : memref<2048xi32, #tpu.memory_space<hbm>>) dst(%dma_wait3A_104 : memref<2048xi32, #tpu.memory_space<vmem>>)
        %gt3A = arith.constant 0 : i32
        %gt3A_106 = arith.cmpi sgt, %scan3A_92, %gt3A : i32
        %convert_element_type3A_107 = arith.extui %gt3A_106 : i1 to i32
        %cond3A_108 = arith.constant 0 : i32
        %cond3A_109 = arith.cmpi ne, %convert_element_type3A_107, %cond3A_108 : i32
        scf.if %cond3A_109 {
          %mul3A_167 = arith.constant 2048 : i32
          %mul3A_168 = arith.muli %add3A_38, %mul3A_167 : i32
          %dma_wait3A_169 = arith.constant 0 : i32
          %dma_wait3A_170 = arith.constant 0 : i32
          %dma_wait3A_171 = tpu.memref_slice %arg7[%dma_wait3A_169, %dma_wait3A_170] : memref<2x2048xi32, #tpu.memory_space<vmem>> -> memref<1x2048xi32, #tpu.memory_space<vmem>>
          %dma_wait3A_172 = tpu.memref_squeeze %dma_wait3A_171 : memref<1x2048xi32, #tpu.memory_space<vmem>> -> memref<2048xi32, #tpu.memory_space<vmem>>
          %dma_wait3A_173 = tpu.memref_slice %arg4[%mul3A_168] : memref<2088960xi32, #tpu.memory_space<hbm>> -> memref<2048xi32, #tpu.memory_space<hbm>>
          %dma_wait3A_174 = tpu.memref_slice %arg4[%mul3A_168] : memref<2088960xi32, #tpu.memory_space<hbm>> -> memref<2048xi32, #tpu.memory_space<hbm>>
          %dma_wait3A_175 = arith.constant 0 : i32
          %dma_wait3A_176 = tpu.memref_slice %arg7[%dma_wait3A_169, %dma_wait3A_175] : memref<2x2048xi32, #tpu.memory_space<vmem>> -> memref<1x2048xi32, #tpu.memory_space<vmem>>
          %dma_wait3A_177 = tpu.memref_squeeze %dma_wait3A_176 : memref<1x2048xi32, #tpu.memory_space<vmem>> -> memref<2048xi32, #tpu.memory_space<vmem>>
          tpu.wait_dma2 semaphore(%arg10 : memref<!tpu.dma_semaphore, #tpu.memory_space<semaphore_mem>>) src(%dma_wait3A_177 : memref<2048xi32, #tpu.memory_space<vmem>>) dst(%dma_wait3A_174 : memref<2048xi32, #tpu.memory_space<hbm>>)
        } else {
        }
        %parallel_loop3A = arith.constant 0 : i32
        %parallel_loop3A_110 = arith.constant 2048 : i32
        %parallel_loop3A_111 = arith.constant 16 : i32
        scf.for %parallel_loop3A_167 = %parallel_loop3A to %parallel_loop3A_110 step %parallel_loop3A_111  : i32 {
          %parallel_loop3A_168 = arith.constant 0 : i32
          %parallel_loop3A_169 = arith.index_cast %parallel_loop3A_168 : i32 to index
          %parallel_loop3A_170 = arith.index_cast %parallel_loop3A_167 : i32 to index
          %parallel_loop3A_171 = tpu.vector_load %arg6[%parallel_loop3A_169, %parallel_loop3A_170] {strides = array<i32>} : memref<2x2048xi32, #tpu.memory_space<vmem>>, vector<16xi32>,
          %parallel_loop3A_172 = tpu.vector_load_idx %arg5[%parallel_loop3A_171] : memref<100352xi32, #tpu.memory_space<vmem>>[vector<16xi32>], vector<16xi32>,
          %parallel_loop3A_173 = arith.constant 0 : i32
          %parallel_loop3A_174 = arith.index_cast %parallel_loop3A_173 : i32 to index
          %parallel_loop3A_175 = arith.index_cast %parallel_loop3A_167 : i32 to index
          %parallel_loop3A_176 = tpu.vector_load %arg7[%parallel_loop3A_174, %parallel_loop3A_175] {strides = array<i32>} : memref<2x2048xi32, #tpu.memory_space<vmem>>, vector<16xi32>,
          tpu.vector_store %arg7[%parallel_loop3A_174, %parallel_loop3A_175], %parallel_loop3A_172 {strides = array<i32>} : memref<2x2048xi32, #tpu.memory_space<vmem>>, vector<16xi32>,
        } {sc.loop_unroll_factor = 8 : i64, sc.parallel_access}
        %add3A_112 = arith.addi %add3A_38, %mul3A_94 : i32
        %mul3A_113 = arith.constant 2048 : i32
        %mul3A_114 = arith.muli %add3A_112, %mul3A_113 : i32
        %dma_start3A_115 = arith.constant 0 : i32
        %dma_start3A_116 = arith.constant 0 : i32
        %dma_start3A_117 = tpu.memref_slice %arg7[%dma_start3A_115, %dma_start3A_116] : memref<2x2048xi32, #tpu.memory_space<vmem>> -> memref<1x2048xi32, #tpu.memory_space<vmem>>
        %dma_start3A_118 = tpu.memref_squeeze %dma_start3A_117 : memref<1x2048xi32, #tpu.memory_space<vmem>> -> memref<2048xi32, #tpu.memory_space<vmem>>
        %dma_start3A_119 = tpu.memref_slice %arg4[%mul3A_114] : memref<2088960xi32, #tpu.memory_space<hbm>> -> memref<2048xi32, #tpu.memory_space<hbm>>
        %dma_start3A_120 = tpu.memref_slice %arg4[%mul3A_114] : memref<2088960xi32, #tpu.memory_space<hbm>> -> memref<2048xi32, #tpu.memory_space<hbm>>
        %dma_start3A_121 = arith.constant 0 : i32
        %dma_start3A_122 = tpu.memref_slice %arg7[%dma_start3A_115, %dma_start3A_121] : memref<2x2048xi32, #tpu.memory_space<vmem>> -> memref<1x2048xi32, #tpu.memory_space<vmem>>
        %dma_start3A_123 = tpu.memref_squeeze %dma_start3A_122 : memref<1x2048xi32, #tpu.memory_space<vmem>> -> memref<2048xi32, #tpu.memory_space<vmem>>
        tpu.enqueue_dma source(%dma_start3A_123 : memref<2048xi32, #tpu.memory_space<vmem>>) target(%dma_start3A_120 : memref<2048xi32, #tpu.memory_space<hbm>>) target_semaphore(%arg10 : memref<!tpu.dma_semaphore, #tpu.memory_space<semaphore_mem>>)
        %lt3A_124 = arith.constant 16 : i32
        %lt3A_125 = arith.cmpi slt, %scan3A_92, %lt3A_124 : i32
        %convert_element_type3A_126 = arith.extui %lt3A_125 : i1 to i32
        %cond3A_127 = arith.constant 0 : i32
        %cond3A_128 = arith.cmpi ne, %convert_element_type3A_126, %cond3A_127 : i32
        scf.if %cond3A_128 {
          %add3A_167 = arith.constant 2 : i32
          %add3A_168 = arith.addi %mul3A_94, %add3A_167 : i32
          %add3A_169 = arith.addi %mul3A_35, %add3A_168 : i32
          %mul3A_170 = arith.constant 2048 : i32
          %mul3A_171 = arith.muli %add3A_169, %mul3A_170 : i32
          %dma_start3A_172 = arith.constant 0 : i32
          %dma_start3A_173 = arith.constant 0 : i32
          %dma_start3A_174 = tpu.memref_slice %arg6[%dma_start3A_172, %dma_start3A_173] : memref<2x2048xi32, #tpu.memory_space<vmem>> -> memref<1x2048xi32, #tpu.memory_space<vmem>>
          %dma_start3A_175 = tpu.memref_squeeze %dma_start3A_174 : memref<1x2048xi32, #tpu.memory_space<vmem>> -> memref<2048xi32, #tpu.memory_space<vmem>>
          %dma_start3A_176 = tpu.memref_slice %arg3[%mul3A_171] : memref<417792xi32, #tpu.memory_space<hbm>> -> memref<2048xi32, #tpu.memory_space<hbm>>
          %dma_start3A_177 = arith.constant 0 : i32
          %dma_start3A_178 = tpu.memref_slice %arg6[%dma_start3A_172, %dma_start3A_177] : memref<2x2048xi32, #tpu.memory_space<vmem>> -> memref<1x2048xi32, #tpu.memory_space<vmem>>
          %dma_start3A_179 = tpu.memref_squeeze %dma_start3A_178 : memref<1x2048xi32, #tpu.memory_space<vmem>> -> memref<2048xi32, #tpu.memory_space<vmem>>
          %dma_start3A_180 = tpu.memref_slice %arg3[%mul3A_171] : memref<417792xi32, #tpu.memory_space<hbm>> -> memref<2048xi32, #tpu.memory_space<hbm>>
          tpu.enqueue_dma source(%dma_start3A_180 : memref<2048xi32, #tpu.memory_space<hbm>>) target(%dma_start3A_179 : memref<2048xi32, #tpu.memory_space<vmem>>) target_semaphore(%arg8 : memref<!tpu.dma_semaphore, #tpu.memory_space<semaphore_mem>>)
        } else {
        }
        %mul3A_129 = arith.constant 2048 : i32
        %mul3A_130 = arith.muli %mul3A_35, %mul3A_129 : i32
        %dma_wait3A_131 = arith.constant 1 : i32
        %dma_wait3A_132 = arith.constant 0 : i32
        %dma_wait3A_133 = tpu.memref_slice %arg6[%dma_wait3A_131, %dma_wait3A_132] : memref<2x2048xi32, #tpu.memory_space<vmem>> -> memref<1x2048xi32, #tpu.memory_space<vmem>>
        %dma_wait3A_134 = tpu.memref_squeeze %dma_wait3A_133 : memref<1x2048xi32, #tpu.memory_space<vmem>> -> memref<2048xi32, #tpu.memory_space<vmem>>
        %dma_wait3A_135 = tpu.memref_slice %arg3[%mul3A_130] : memref<417792xi32, #tpu.memory_space<hbm>> -> memref<2048xi32, #tpu.memory_space<hbm>>
        %dma_wait3A_136 = arith.constant 0 : i32
        %dma_wait3A_137 = tpu.memref_slice %arg6[%dma_wait3A_131, %dma_wait3A_136] : memref<2x2048xi32, #tpu.memory_space<vmem>> -> memref<1x2048xi32, #tpu.memory_space<vmem>>
        %dma_wait3A_138 = tpu.memref_squeeze %dma_wait3A_137 : memref<1x2048xi32, #tpu.memory_space<vmem>> -> memref<2048xi32, #tpu.memory_space<vmem>>
        %dma_wait3A_139 = tpu.memref_slice %arg3[%mul3A_130] : memref<417792xi32, #tpu.memory_space<hbm>> -> memref<2048xi32, #tpu.memory_space<hbm>>
        tpu.wait_dma2 semaphore(%arg9 : memref<!tpu.dma_semaphore, #tpu.memory_space<semaphore_mem>>) src(%dma_wait3A_139 : memref<2048xi32, #tpu.memory_space<hbm>>) dst(%dma_wait3A_138 : memref<2048xi32, #tpu.memory_space<vmem>>)
        %gt3A_140 = arith.constant 0 : i32
        %gt3A_141 = arith.cmpi sgt, %scan3A_92, %gt3A_140 : i32
        %convert_element_type3A_142 = arith.extui %gt3A_141 : i1 to i32
        %cond3A_143 = arith.constant 0 : i32
        %cond3A_144 = arith.cmpi ne, %convert_element_type3A_142, %cond3A_143 : i32
        scf.if %cond3A_144 {
          %mul3A_167 = arith.constant 2048 : i32
          %mul3A_168 = arith.muli %add3A_38, %mul3A_167 : i32
          %dma_wait3A_169 = arith.constant 1 : i32
          %dma_wait3A_170 = arith.constant 0 : i32
          %dma_wait3A_171 = tpu.memref_slice %arg7[%dma_wait3A_169, %dma_wait3A_170] : memref<2x2048xi32, #tpu.memory_space<vmem>> -> memref<1x2048xi32, #tpu.memory_space<vmem>>
          %dma_wait3A_172 = tpu.memref_squeeze %dma_wait3A_171 : memref<1x2048xi32, #tpu.memory_space<vmem>> -> memref<2048xi32, #tpu.memory_space<vmem>>
          %dma_wait3A_173 = tpu.memref_slice %arg4[%mul3A_168] : memref<2088960xi32, #tpu.memory_space<hbm>> -> memref<2048xi32, #tpu.memory_space<hbm>>
          %dma_wait3A_174 = tpu.memref_slice %arg4[%mul3A_168] : memref<2088960xi32, #tpu.memory_space<hbm>> -> memref<2048xi32, #tpu.memory_space<hbm>>
          %dma_wait3A_175 = arith.constant 0 : i32
          %dma_wait3A_176 = tpu.memref_slice %arg7[%dma_wait3A_169, %dma_wait3A_175] : memref<2x2048xi32, #tpu.memory_space<vmem>> -> memref<1x2048xi32, #tpu.memory_space<vmem>>
          %dma_wait3A_177 = tpu.memref_squeeze %dma_wait3A_176 : memref<1x2048xi32, #tpu.memory_space<vmem>> -> memref<2048xi32, #tpu.memory_space<vmem>>
          tpu.wait_dma2 semaphore(%arg11 : memref<!tpu.dma_semaphore, #tpu.memory_space<semaphore_mem>>) src(%dma_wait3A_177 : memref<2048xi32, #tpu.memory_space<vmem>>) dst(%dma_wait3A_174 : memref<2048xi32, #tpu.memory_space<hbm>>)
        } else {
        }
        %parallel_loop3A_145 = arith.constant 0 : i32
        %parallel_loop3A_146 = arith.constant 2048 : i32
        %parallel_loop3A_147 = arith.constant 16 : i32
        scf.for %parallel_loop3A_167 = %parallel_loop3A_145 to %parallel_loop3A_146 step %parallel_loop3A_147  : i32 {
          %parallel_loop3A_168 = arith.constant 1 : i32
          %parallel_loop3A_169 = arith.index_cast %parallel_loop3A_168 : i32 to index
          %parallel_loop3A_170 = arith.index_cast %parallel_loop3A_167 : i32 to index
          %parallel_loop3A_171 = tpu.vector_load %arg6[%parallel_loop3A_169, %parallel_loop3A_170] {strides = array<i32>} : memref<2x2048xi32, #tpu.memory_space<vmem>>, vector<16xi32>,
          %parallel_loop3A_172 = tpu.vector_load_idx %arg5[%parallel_loop3A_171] : memref<100352xi32, #tpu.memory_space<vmem>>[vector<16xi32>], vector<16xi32>,
          %parallel_loop3A_173 = arith.constant 1 : i32
          %parallel_loop3A_174 = arith.index_cast %parallel_loop3A_173 : i32 to index
          %parallel_loop3A_175 = arith.index_cast %parallel_loop3A_167 : i32 to index
          %parallel_loop3A_176 = tpu.vector_load %arg7[%parallel_loop3A_174, %parallel_loop3A_175] {strides = array<i32>} : memref<2x2048xi32, #tpu.memory_space<vmem>>, vector<16xi32>,
          tpu.vector_store %arg7[%parallel_loop3A_174, %parallel_loop3A_175], %parallel_loop3A_172 {strides = array<i32>} : memref<2x2048xi32, #tpu.memory_space<vmem>>, vector<16xi32>,
        } {sc.loop_unroll_factor = 8 : i64, sc.parallel_access}
        %add3A_148 = arith.constant 1 : i32
        %add3A_149 = arith.addi %mul3A_94, %add3A_148 : i32
        %add3A_150 = arith.addi %add3A_38, %add3A_149 : i32
        %mul3A_151 = arith.constant 2048 : i32
        %mul3A_152 = arith.muli %add3A_150, %mul3A_151 : i32
        %dma_start3A_153 = arith.constant 1 : i32
        %dma_start3A_154 = arith.constant 0 : i32
        %dma_start3A_155 = tpu.memref_slice %arg7[%dma_start3A_153, %dma_start3A_154] : memref<2x2048xi32, #tpu.memory_space<vmem>> -> memref<1x2048xi32, #tpu.memory_space<vmem>>
        %dma_start3A_156 = tpu.memref_squeeze %dma_start3A_155 : memref<1x2048xi32, #tpu.memory_space<vmem>> -> memref<2048xi32, #tpu.memory_space<vmem>>
        %dma_start3A_157 = tpu.memref_slice %arg4[%mul3A_152] : memref<2088960xi32, #tpu.memory_space<hbm>> -> memref<2048xi32, #tpu.memory_space<hbm>>
        %dma_start3A_158 = tpu.memref_slice %arg4[%mul3A_152] : memref<2088960xi32, #tpu.memory_space<hbm>> -> memref<2048xi32, #tpu.memory_space<hbm>>
        %dma_start3A_159 = arith.constant 0 : i32
        %dma_start3A_160 = tpu.memref_slice %arg7[%dma_start3A_153, %dma_start3A_159] : memref<2x2048xi32, #tpu.memory_space<vmem>> -> memref<1x2048xi32, #tpu.memory_space<vmem>>
        %dma_start3A_161 = tpu.memref_squeeze %dma_start3A_160 : memref<1x2048xi32, #tpu.memory_space<vmem>> -> memref<2048xi32, #tpu.memory_space<vmem>>
        tpu.enqueue_dma source(%dma_start3A_161 : memref<2048xi32, #tpu.memory_space<vmem>>) target(%dma_start3A_158 : memref<2048xi32, #tpu.memory_space<hbm>>) target_semaphore(%arg11 : memref<!tpu.dma_semaphore, #tpu.memory_space<semaphore_mem>>)
        %lt3A_162 = arith.constant 16 : i32
        %lt3A_163 = arith.cmpi slt, %scan3A_92, %lt3A_162 : i32
        %convert_element_type3A_164 = arith.extui %lt3A_163 : i1 to i32
        %cond3A_165 = arith.constant 0 : i32
        %cond3A_166 = arith.cmpi ne, %convert_element_type3A_164, %cond3A_165 : i32
        scf.if %cond3A_166 {
          %add3A_167 = arith.constant 3 : i32
          %add3A_168 = arith.addi %mul3A_94, %add3A_167 : i32
          %add3A_169 = arith.addi %mul3A_35, %add3A_168 : i32
          %mul3A_170 = arith.constant 2048 : i32
          %mul3A_171 = arith.muli %add3A_169, %mul3A_170 : i32
          %dma_start3A_172 = arith.constant 1 : i32
          %dma_start3A_173 = arith.constant 0 : i32
          %dma_start3A_174 = tpu.memref_slice %arg6[%dma_start3A_172, %dma_start3A_173] : memref<2x2048xi32, #tpu.memory_space<vmem>> -> memref<1x2048xi32, #tpu.memory_space<vmem>>
          %dma_start3A_175 = tpu.memref_squeeze %dma_start3A_174 : memref<1x2048xi32, #tpu.memory_space<vmem>> -> memref<2048xi32, #tpu.memory_space<vmem>>
          %dma_start3A_176 = tpu.memref_slice %arg3[%mul3A_171] : memref<417792xi32, #tpu.memory_space<hbm>> -> memref<2048xi32, #tpu.memory_space<hbm>>
          %dma_start3A_177 = arith.constant 0 : i32
          %dma_start3A_178 = tpu.memref_slice %arg6[%dma_start3A_172, %dma_start3A_177] : memref<2x2048xi32, #tpu.memory_space<vmem>> -> memref<1x2048xi32, #tpu.memory_space<vmem>>
          %dma_start3A_179 = tpu.memref_squeeze %dma_start3A_178 : memref<1x2048xi32, #tpu.memory_space<vmem>> -> memref<2048xi32, #tpu.memory_space<vmem>>
          %dma_start3A_180 = tpu.memref_slice %arg3[%mul3A_171] : memref<417792xi32, #tpu.memory_space<hbm>> -> memref<2048xi32, #tpu.memory_space<hbm>>
          tpu.enqueue_dma source(%dma_start3A_180 : memref<2048xi32, #tpu.memory_space<hbm>>) target(%dma_start3A_179 : memref<2048xi32, #tpu.memory_space<vmem>>) target_semaphore(%arg9 : memref<!tpu.dma_semaphore, #tpu.memory_space<semaphore_mem>>)
        } else {
        }
      }
      %scan3A_70 = arith.constant 17 : i32
      %mul3A_71 = arith.constant 2048 : i32
      %mul3A_72 = arith.muli %add3A_38, %mul3A_71 : i32
      %dma_wait3A = arith.constant 0 : i32
      %dma_wait3A_73 = arith.constant 0 : i32
      %dma_wait3A_74 = tpu.memref_slice %arg7[%dma_wait3A, %dma_wait3A_73] : memref<2x2048xi32, #tpu.memory_space<vmem>> -> memref<1x2048xi32, #tpu.memory_space<vmem>>
      %dma_wait3A_75 = tpu.memref_squeeze %dma_wait3A_74 : memref<1x2048xi32, #tpu.memory_space<vmem>> -> memref<2048xi32, #tpu.memory_space<vmem>>
      %dma_wait3A_76 = tpu.memref_slice %arg4[%mul3A_72] : memref<2088960xi32, #tpu.memory_space<hbm>> -> memref<2048xi32, #tpu.memory_space<hbm>>
      %dma_wait3A_77 = tpu.memref_slice %arg4[%mul3A_72] : memref<2088960xi32, #tpu.memory_space<hbm>> -> memref<2048xi32, #tpu.memory_space<hbm>>
      %dma_wait3A_78 = arith.constant 0 : i32
      %dma_wait3A_79 = tpu.memref_slice %arg7[%dma_wait3A, %dma_wait3A_78] : memref<2x2048xi32, #tpu.memory_space<vmem>> -> memref<1x2048xi32, #tpu.memory_space<vmem>>
      %dma_wait3A_80 = tpu.memref_squeeze %dma_wait3A_79 : memref<1x2048xi32, #tpu.memory_space<vmem>> -> memref<2048xi32, #tpu.memory_space<vmem>>
      tpu.wait_dma2 semaphore(%arg10 : memref<!tpu.dma_semaphore, #tpu.memory_space<semaphore_mem>>) src(%dma_wait3A_80 : memref<2048xi32, #tpu.memory_space<vmem>>) dst(%dma_wait3A_77 : memref<2048xi32, #tpu.memory_space<hbm>>)
      %mul3A_81 = arith.constant 2048 : i32
      %mul3A_82 = arith.muli %add3A_38, %mul3A_81 : i32
      %dma_wait3A_83 = arith.constant 1 : i32
      %dma_wait3A_84 = arith.constant 0 : i32
      %dma_wait3A_85 = tpu.memref_slice %arg7[%dma_wait3A_83, %dma_wait3A_84] : memref<2x2048xi32, #tpu.memory_space<vmem>> -> memref<1x2048xi32, #tpu.memory_space<vmem>>
      %dma_wait3A_86 = tpu.memref_squeeze %dma_wait3A_85 : memref<1x2048xi32, #tpu.memory_space<vmem>> -> memref<2048xi32, #tpu.memory_space<vmem>>
      %dma_wait3A_87 = tpu.memref_slice %arg4[%mul3A_82] : memref<2088960xi32, #tpu.memory_space<hbm>> -> memref<2048xi32, #tpu.memory_space<hbm>>
      %dma_wait3A_88 = tpu.memref_slice %arg4[%mul3A_82] : memref<2088960xi32, #tpu.memory_space<hbm>> -> memref<2048xi32, #tpu.memory_space<hbm>>
      %dma_wait3A_89 = arith.constant 0 : i32
      %dma_wait3A_90 = tpu.memref_slice %arg7[%dma_wait3A_83, %dma_wait3A_89] : memref<2x2048xi32, #tpu.memory_space<vmem>> -> memref<1x2048xi32, #tpu.memory_space<vmem>>
      %dma_wait3A_91 = tpu.memref_squeeze %dma_wait3A_90 : memref<1x2048xi32, #tpu.memory_space<vmem>> -> memref<2048xi32, #tpu.memory_space<vmem>>
      tpu.wait_dma2 semaphore(%arg11 : memref<!tpu.dma_semaphore, #tpu.memory_space<semaphore_mem>>) src(%dma_wait3A_91 : memref<2048xi32, #tpu.memory_space<vmem>>) dst(%dma_wait3A_88 : memref<2048xi32, #tpu.memory_space<hbm>>)
    } else {
    }
    return
  }
}

module attributes {stable_mosaic.version = 14 : i64} {
  func.func @_pt_body(%arg0: memref<16x16xf32, #tpu.memory_space<vmem>>, %arg1: memref<16x100352xf32, #tpu.memory_space<vmem>>, %arg2: memref<16x1xf32, #tpu.memory_space<vmem>>, %arg3: memref<8x100352xi32, #tpu.memory_space<vmem>>) attributes {dimension_semantics = [], scalar_prefetch = 0 : i64, scratch_operands = 0 : i64, tpu.core_type = #tpu.core_type<tc>} {
    %get3A = arith.constant 0 : index
    %get3A_0 = arith.constant 0 : index
    %get3A_1 = vector.load %arg0[%get3A, %get3A_0] : memref<16x16xf32, #tpu.memory_space<vmem>>, vector<16x16xf32>
    %get3A_2 = arith.constant 0 : index
    %get3A_3 = arith.constant 0 : index
    %get3A_4 = vector.load %arg1[%get3A_2, %get3A_3] : memref<16x100352xf32, #tpu.memory_space<vmem>>, vector<16x100352xf32>
    %dot_general3A = arith.constant dense<0.000000e+00> : vector<16x100352xf32>
    %dot_general3A_5 = tpu.matmul %get3A_1, %get3A_4, %dot_general3A {dimension_numbers = #tpu.dot_dimension_numbers<[1], [0], [0], [1], [0, 0, 1, 1], [], []>, transpose_lhs_hint = false} : vector<16x16xf32>, vector<16x100352xf32>, vector<16x100352xf32> -> vector<16x100352xf32>
    %get3A_6 = arith.constant 0 : index
    %get3A_7 = arith.constant 0 : index
    %get3A_8 = vector.load %arg2[%get3A_6, %get3A_7] : memref<16x1xf32, #tpu.memory_space<vmem>>, vector<16x1xf32>
    %add3A = vector.broadcast %get3A_8 : vector<16x1xf32> to vector<16x100352xf32>
    %add3A_9 = arith.addf %dot_general3A_5, %add3A : vector<16x100352xf32>
    %convert_element_type3A = arith.truncf %add3A_9 : vector<16x100352xf32> to vector<16x100352xbf16>
    %bitcast_convert_type3A = tpu.bitcast %convert_element_type3A : vector<16x100352xbf16> -> vector<16x100352xi16>
    %convert_element_type3A_10 = arith.extui %bitcast_convert_type3A : vector<16x100352xi16> to vector<16x100352xi32>
    %slice3A = vector.extract_strided_slice %convert_element_type3A_10 {offsets = [8, 0], sizes = [8, 100352], strides = [1, 1]} : vector<16x100352xi32> to vector<8x100352xi32>
    %shift_left3A = arith.constant 16 : i32
    %shift_left3A_11 = vector.broadcast %shift_left3A : i32 to vector<8x100352xi32>
    %shift_left3A_12 = arith.shli %slice3A, %shift_left3A_11 : vector<8x100352xi32>
    %slice3A_13 = vector.extract_strided_slice %convert_element_type3A_10 {offsets = [0, 0], sizes = [8, 100352], strides = [1, 1]} : vector<16x100352xi32> to vector<8x100352xi32>
    %or3A = arith.ori %shift_left3A_12, %slice3A_13 : vector<8x100352xi32>
    %swap3A = arith.constant 0 : index
    %swap3A_14 = arith.constant 0 : index
    %swap3A_15 = vector.load %arg3[%swap3A, %swap3A_14] : memref<8x100352xi32, #tpu.memory_space<vmem>>, vector<8x100352xi32>
    tpu.vector_store %arg3[%swap3A, %swap3A_14], %or3A {strides = array<i32>} : memref<8x100352xi32, #tpu.memory_space<vmem>>, vector<8x100352xi32>,
    return
  }
}

module attributes {stable_mosaic.version = 14 : i64} {
  func.func @_vit_body(%arg0: memref<9x9xf32, #tpu.memory_space<smem>>, %arg1: memref<9xf32, #tpu.memory_space<smem>>, %arg2: memref<9xf32, #tpu.memory_space<smem>>, %arg3: memref<5x204x16x128xi32, #tpu.memory_space<vmem>>, %arg4: memref<200x16x128xi32, #tpu.memory_space<vmem>>, %arg5: memref<9x200x16x128xi32, #tpu.memory_space<vmem>>) attributes {dimension_semantics = [], scalar_prefetch = 0 : i64, scratch_operands = 1 : i64, tpu.core_type = #tpu.core_type<tc>} {
    %broadcast_in_dim3A = arith.constant 0 : i32
    %broadcast_in_dim3A_0 = vector.broadcast %broadcast_in_dim3A : i32 to vector<16x128xi32>
    %get3A = arith.constant 0 : index
    %get3A_1 = arith.constant 0 : index
    %get3A_2 = arith.constant 0 : index
    %get3A_3 = arith.constant 0 : index
    %get3A_4 = vector.load %arg3[%get3A, %get3A_1, %get3A_2, %get3A_3] : memref<5x204x16x128xi32, #tpu.memory_space<vmem>>, vector<1x1x16x128xi32>
    %get3A_5 = vector.shape_cast %get3A_4 : vector<1x1x16x128xi32> to vector<16x128xi32>
    %shift_left3A = arith.constant 16 : i32
    %shift_left3A_6 = vector.broadcast %shift_left3A : i32 to vector<16x128xi32>
    %shift_left3A_7 = arith.shli %get3A_5, %shift_left3A_6 : vector<16x128xi32>
    %bitcast_convert_type3A = tpu.bitcast %shift_left3A_7 : vector<16x128xi32> -> vector<16x128xf32>
    %and3A = arith.constant -65536 : i32
    %and3A_8 = vector.broadcast %and3A : i32 to vector<16x128xi32>
    %and3A_9 = arith.andi %get3A_5, %and3A_8 : vector<16x128xi32>
    %bitcast_convert_type3A_10 = tpu.bitcast %and3A_9 : vector<16x128xi32> -> vector<16x128xf32>
    %get3A_11 = arith.constant 1 : index
    %get3A_12 = arith.constant 0 : index
    %get3A_13 = arith.constant 0 : index
    %get3A_14 = arith.constant 0 : index
    %get3A_15 = vector.load %arg3[%get3A_11, %get3A_12, %get3A_13, %get3A_14] : memref<5x204x16x128xi32, #tpu.memory_space<vmem>>, vector<1x1x16x128xi32>
    %get3A_16 = vector.shape_cast %get3A_15 : vector<1x1x16x128xi32> to vector<16x128xi32>
    %shift_left3A_17 = arith.constant 16 : i32
    %shift_left3A_18 = vector.broadcast %shift_left3A_17 : i32 to vector<16x128xi32>
    %shift_left3A_19 = arith.shli %get3A_16, %shift_left3A_18 : vector<16x128xi32>
    %bitcast_convert_type3A_20 = tpu.bitcast %shift_left3A_19 : vector<16x128xi32> -> vector<16x128xf32>
    %and3A_21 = arith.constant -65536 : i32
    %and3A_22 = vector.broadcast %and3A_21 : i32 to vector<16x128xi32>
    %and3A_23 = arith.andi %get3A_16, %and3A_22 : vector<16x128xi32>
    %bitcast_convert_type3A_24 = tpu.bitcast %and3A_23 : vector<16x128xi32> -> vector<16x128xf32>
    %get3A_25 = arith.constant 2 : index
    %get3A_26 = arith.constant 0 : index
    %get3A_27 = arith.constant 0 : index
    %get3A_28 = arith.constant 0 : index
    %get3A_29 = vector.load %arg3[%get3A_25, %get3A_26, %get3A_27, %get3A_28] : memref<5x204x16x128xi32, #tpu.memory_space<vmem>>, vector<1x1x16x128xi32>
    %get3A_30 = vector.shape_cast %get3A_29 : vector<1x1x16x128xi32> to vector<16x128xi32>
    %shift_left3A_31 = arith.constant 16 : i32
    %shift_left3A_32 = vector.broadcast %shift_left3A_31 : i32 to vector<16x128xi32>
    %shift_left3A_33 = arith.shli %get3A_30, %shift_left3A_32 : vector<16x128xi32>
    %bitcast_convert_type3A_34 = tpu.bitcast %shift_left3A_33 : vector<16x128xi32> -> vector<16x128xf32>
    %and3A_35 = arith.constant -65536 : i32
    %and3A_36 = vector.broadcast %and3A_35 : i32 to vector<16x128xi32>
    %and3A_37 = arith.andi %get3A_30, %and3A_36 : vector<16x128xi32>
    %bitcast_convert_type3A_38 = tpu.bitcast %and3A_37 : vector<16x128xi32> -> vector<16x128xf32>
    %get3A_39 = arith.constant 3 : index
    %get3A_40 = arith.constant 0 : index
    %get3A_41 = arith.constant 0 : index
    %get3A_42 = arith.constant 0 : index
    %get3A_43 = vector.load %arg3[%get3A_39, %get3A_40, %get3A_41, %get3A_42] : memref<5x204x16x128xi32, #tpu.memory_space<vmem>>, vector<1x1x16x128xi32>
    %get3A_44 = vector.shape_cast %get3A_43 : vector<1x1x16x128xi32> to vector<16x128xi32>
    %shift_left3A_45 = arith.constant 16 : i32
    %shift_left3A_46 = vector.broadcast %shift_left3A_45 : i32 to vector<16x128xi32>
    %shift_left3A_47 = arith.shli %get3A_44, %shift_left3A_46 : vector<16x128xi32>
    %bitcast_convert_type3A_48 = tpu.bitcast %shift_left3A_47 : vector<16x128xi32> -> vector<16x128xf32>
    %and3A_49 = arith.constant -65536 : i32
    %and3A_50 = vector.broadcast %and3A_49 : i32 to vector<16x128xi32>
    %and3A_51 = arith.andi %get3A_44, %and3A_50 : vector<16x128xi32>
    %bitcast_convert_type3A_52 = tpu.bitcast %and3A_51 : vector<16x128xi32> -> vector<16x128xf32>
    %get3A_53 = arith.constant 4 : index
    %get3A_54 = arith.constant 0 : index
    %get3A_55 = arith.constant 0 : index
    %get3A_56 = arith.constant 0 : index
    %get3A_57 = vector.load %arg3[%get3A_53, %get3A_54, %get3A_55, %get3A_56] : memref<5x204x16x128xi32, #tpu.memory_space<vmem>>, vector<1x1x16x128xi32>
    %get3A_58 = vector.shape_cast %get3A_57 : vector<1x1x16x128xi32> to vector<16x128xi32>
    %shift_left3A_59 = arith.constant 16 : i32
    %shift_left3A_60 = vector.broadcast %shift_left3A_59 : i32 to vector<16x128xi32>
    %shift_left3A_61 = arith.shli %get3A_58, %shift_left3A_60 : vector<16x128xi32>
    %bitcast_convert_type3A_62 = tpu.bitcast %shift_left3A_61 : vector<16x128xi32> -> vector<16x128xf32>
    %get3A_63 = arith.constant 0 : index
    %get3A_64 = memref.load %arg1[%get3A_63] : memref<9xf32, #tpu.memory_space<smem>>
    %add3A = vector.broadcast %get3A_64 : f32 to vector<16x128xf32>
    %add3A_65 = arith.addf %add3A, %bitcast_convert_type3A : vector<16x128xf32>
    %get3A_66 = arith.constant 1 : index
    %get3A_67 = memref.load %arg1[%get3A_66] : memref<9xf32, #tpu.memory_space<smem>>
    %add3A_68 = vector.broadcast %get3A_67 : f32 to vector<16x128xf32>
    %add3A_69 = arith.addf %add3A_68, %bitcast_convert_type3A_10 : vector<16x128xf32>
    %get3A_70 = arith.constant 2 : index
    %get3A_71 = memref.load %arg1[%get3A_70] : memref<9xf32, #tpu.memory_space<smem>>
    %add3A_72 = vector.broadcast %get3A_71 : f32 to vector<16x128xf32>
    %add3A_73 = arith.addf %add3A_72, %bitcast_convert_type3A_20 : vector<16x128xf32>
    %get3A_74 = arith.constant 3 : index
    %get3A_75 = memref.load %arg1[%get3A_74] : memref<9xf32, #tpu.memory_space<smem>>
    %add3A_76 = vector.broadcast %get3A_75 : f32 to vector<16x128xf32>
    %add3A_77 = arith.addf %add3A_76, %bitcast_convert_type3A_24 : vector<16x128xf32>
    %get3A_78 = arith.constant 4 : index
    %get3A_79 = memref.load %arg1[%get3A_78] : memref<9xf32, #tpu.memory_space<smem>>
    %add3A_80 = vector.broadcast %get3A_79 : f32 to vector<16x128xf32>
    %add3A_81 = arith.addf %add3A_80, %bitcast_convert_type3A_34 : vector<16x128xf32>
    %get3A_82 = arith.constant 5 : index
    %get3A_83 = memref.load %arg1[%get3A_82] : memref<9xf32, #tpu.memory_space<smem>>
    %add3A_84 = vector.broadcast %get3A_83 : f32 to vector<16x128xf32>
    %add3A_85 = arith.addf %add3A_84, %bitcast_convert_type3A_38 : vector<16x128xf32>
    %get3A_86 = arith.constant 6 : index
    %get3A_87 = memref.load %arg1[%get3A_86] : memref<9xf32, #tpu.memory_space<smem>>
    %add3A_88 = vector.broadcast %get3A_87 : f32 to vector<16x128xf32>
    %add3A_89 = arith.addf %add3A_88, %bitcast_convert_type3A_48 : vector<16x128xf32>
    %get3A_90 = arith.constant 7 : index
    %get3A_91 = memref.load %arg1[%get3A_90] : memref<9xf32, #tpu.memory_space<smem>>
    %add3A_92 = vector.broadcast %get3A_91 : f32 to vector<16x128xf32>
    %add3A_93 = arith.addf %add3A_92, %bitcast_convert_type3A_52 : vector<16x128xf32>
    %get3A_94 = arith.constant 8 : index
    %get3A_95 = memref.load %arg1[%get3A_94] : memref<9xf32, #tpu.memory_space<smem>>
    %add3A_96 = vector.broadcast %get3A_95 : f32 to vector<16x128xf32>
    %add3A_97 = arith.addf %add3A_96, %bitcast_convert_type3A_62 : vector<16x128xf32>
    %scan3A = arith.constant -65536 : i32
    %scan3A_98 = arith.constant 1 : i32
    %scan3A_99 = arith.constant 198 : i32
    %scan3A_100 = arith.addi %scan3A_98, %scan3A_99 : i32
    %scan3A_101 = arith.constant 2 : i32
    %scan3A_102:9 = scf.for %scan3A_1106 = %scan3A_98 to %scan3A_100 step %scan3A_101 iter_args(%scan3A_1107 = %add3A_65, %scan3A_1108 = %add3A_69, %scan3A_1109 = %add3A_73, %scan3A_1110 = %add3A_77, %scan3A_1111 = %add3A_81, %scan3A_1112 = %add3A_85, %scan3A_1113 = %add3A_89, %scan3A_1114 = %add3A_93, %scan3A_1115 = %add3A_97) -> (vector<16x128xf32>, vector<16x128xf32>, vector<16x128xf32>, vector<16x128xf32>, vector<16x128xf32>, vector<16x128xf32>, vector<16x128xf32>, vector<16x128xf32>, vector<16x128xf32>)  : i32 {
      %get3A_1116 = arith.constant 0 : index
      %get3A_1117 = arith.index_cast %scan3A_1106 : i32 to index
      %get3A_1118 = arith.constant 0 : index
      %get3A_1119 = arith.constant 0 : index
      %get3A_1120 = vector.load %arg3[%get3A_1116, %get3A_1117, %get3A_1118, %get3A_1119] : memref<5x204x16x128xi32, #tpu.memory_space<vmem>>, vector<1x1x16x128xi32>
      %get3A_1121 = vector.shape_cast %get3A_1120 : vector<1x1x16x128xi32> to vector<16x128xi32>
      %shift_left3A_1122 = arith.constant 16 : i32
      %shift_left3A_1123 = vector.broadcast %shift_left3A_1122 : i32 to vector<16x128xi32>
      %shift_left3A_1124 = arith.shli %get3A_1121, %shift_left3A_1123 : vector<16x128xi32>
      %bitcast_convert_type3A_1125 = tpu.bitcast %shift_left3A_1124 : vector<16x128xi32> -> vector<16x128xf32>
      %and3A_1126 = vector.broadcast %scan3A : i32 to vector<16x128xi32>
      %and3A_1127 = arith.andi %get3A_1121, %and3A_1126 : vector<16x128xi32>
      %bitcast_convert_type3A_1128 = tpu.bitcast %and3A_1127 : vector<16x128xi32> -> vector<16x128xf32>
      %get3A_1129 = arith.constant 1 : index
      %get3A_1130 = arith.index_cast %scan3A_1106 : i32 to index
      %get3A_1131 = arith.constant 0 : index
      %get3A_1132 = arith.constant 0 : index
      %get3A_1133 = vector.load %arg3[%get3A_1129, %get3A_1130, %get3A_1131, %get3A_1132] : memref<5x204x16x128xi32, #tpu.memory_space<vmem>>, vector<1x1x16x128xi32>
      %get3A_1134 = vector.shape_cast %get3A_1133 : vector<1x1x16x128xi32> to vector<16x128xi32>
      %shift_left3A_1135 = arith.constant 16 : i32
      %shift_left3A_1136 = vector.broadcast %shift_left3A_1135 : i32 to vector<16x128xi32>
      %shift_left3A_1137 = arith.shli %get3A_1134, %shift_left3A_1136 : vector<16x128xi32>
      %bitcast_convert_type3A_1138 = tpu.bitcast %shift_left3A_1137 : vector<16x128xi32> -> vector<16x128xf32>
      %and3A_1139 = vector.broadcast %scan3A : i32 to vector<16x128xi32>
      %and3A_1140 = arith.andi %get3A_1134, %and3A_1139 : vector<16x128xi32>
      %bitcast_convert_type3A_1141 = tpu.bitcast %and3A_1140 : vector<16x128xi32> -> vector<16x128xf32>
      %get3A_1142 = arith.constant 2 : index
      %get3A_1143 = arith.index_cast %scan3A_1106 : i32 to index
      %get3A_1144 = arith.constant 0 : index
      %get3A_1145 = arith.constant 0 : index
      %get3A_1146 = vector.load %arg3[%get3A_1142, %get3A_1143, %get3A_1144, %get3A_1145] : memref<5x204x16x128xi32, #tpu.memory_space<vmem>>, vector<1x1x16x128xi32>
      %get3A_1147 = vector.shape_cast %get3A_1146 : vector<1x1x16x128xi32> to vector<16x128xi32>
      %shift_left3A_1148 = arith.constant 16 : i32
      %shift_left3A_1149 = vector.broadcast %shift_left3A_1148 : i32 to vector<16x128xi32>
      %shift_left3A_1150 = arith.shli %get3A_1147, %shift_left3A_1149 : vector<16x128xi32>
      %bitcast_convert_type3A_1151 = tpu.bitcast %shift_left3A_1150 : vector<16x128xi32> -> vector<16x128xf32>
      %and3A_1152 = vector.broadcast %scan3A : i32 to vector<16x128xi32>
      %and3A_1153 = arith.andi %get3A_1147, %and3A_1152 : vector<16x128xi32>
      %bitcast_convert_type3A_1154 = tpu.bitcast %and3A_1153 : vector<16x128xi32> -> vector<16x128xf32>
      %get3A_1155 = arith.constant 3 : index
      %get3A_1156 = arith.index_cast %scan3A_1106 : i32 to index
      %get3A_1157 = arith.constant 0 : index
      %get3A_1158 = arith.constant 0 : index
      %get3A_1159 = vector.load %arg3[%get3A_1155, %get3A_1156, %get3A_1157, %get3A_1158] : memref<5x204x16x128xi32, #tpu.memory_space<vmem>>, vector<1x1x16x128xi32>
      %get3A_1160 = vector.shape_cast %get3A_1159 : vector<1x1x16x128xi32> to vector<16x128xi32>
      %shift_left3A_1161 = arith.constant 16 : i32
      %shift_left3A_1162 = vector.broadcast %shift_left3A_1161 : i32 to vector<16x128xi32>
      %shift_left3A_1163 = arith.shli %get3A_1160, %shift_left3A_1162 : vector<16x128xi32>
      %bitcast_convert_type3A_1164 = tpu.bitcast %shift_left3A_1163 : vector<16x128xi32> -> vector<16x128xf32>
      %and3A_1165 = vector.broadcast %scan3A : i32 to vector<16x128xi32>
      %and3A_1166 = arith.andi %get3A_1160, %and3A_1165 : vector<16x128xi32>
      %bitcast_convert_type3A_1167 = tpu.bitcast %and3A_1166 : vector<16x128xi32> -> vector<16x128xf32>
      %get3A_1168 = arith.constant 4 : index
      %get3A_1169 = arith.index_cast %scan3A_1106 : i32 to index
      %get3A_1170 = arith.constant 0 : index
      %get3A_1171 = arith.constant 0 : index
      %get3A_1172 = vector.load %arg3[%get3A_1168, %get3A_1169, %get3A_1170, %get3A_1171] : memref<5x204x16x128xi32, #tpu.memory_space<vmem>>, vector<1x1x16x128xi32>
      %get3A_1173 = vector.shape_cast %get3A_1172 : vector<1x1x16x128xi32> to vector<16x128xi32>
      %shift_left3A_1174 = arith.constant 16 : i32
      %shift_left3A_1175 = vector.broadcast %shift_left3A_1174 : i32 to vector<16x128xi32>
      %shift_left3A_1176 = arith.shli %get3A_1173, %shift_left3A_1175 : vector<16x128xi32>
      %bitcast_convert_type3A_1177 = tpu.bitcast %shift_left3A_1176 : vector<16x128xi32> -> vector<16x128xf32>
      %get3A_1178 = arith.constant 0 : index
      %get3A_1179 = arith.constant 0 : index
      %get3A_1180 = memref.load %arg0[%get3A_1178, %get3A_1179] : memref<9x9xf32, #tpu.memory_space<smem>>
      %add3A_1181 = vector.broadcast %get3A_1180 : f32 to vector<16x128xf32>
      %add3A_1182 = arith.addf %scan3A_1107, %add3A_1181 : vector<16x128xf32>
      %get3A_1183 = arith.constant 1 : index
      %get3A_1184 = arith.constant 0 : index
      %get3A_1185 = memref.load %arg0[%get3A_1183, %get3A_1184] : memref<9x9xf32, #tpu.memory_space<smem>>
      %add3A_1186 = vector.broadcast %get3A_1185 : f32 to vector<16x128xf32>
      %add3A_1187 = arith.addf %scan3A_1108, %add3A_1186 : vector<16x128xf32>
      %get3A_1188 = arith.constant 2 : index
      %get3A_1189 = arith.constant 0 : index
      %get3A_1190 = memref.load %arg0[%get3A_1188, %get3A_1189] : memref<9x9xf32, #tpu.memory_space<smem>>
      %add3A_1191 = vector.broadcast %get3A_1190 : f32 to vector<16x128xf32>
      %add3A_1192 = arith.addf %scan3A_1109, %add3A_1191 : vector<16x128xf32>
      %get3A_1193 = arith.constant 3 : index
      %get3A_1194 = arith.constant 0 : index
      %get3A_1195 = memref.load %arg0[%get3A_1193, %get3A_1194] : memref<9x9xf32, #tpu.memory_space<smem>>
      %add3A_1196 = vector.broadcast %get3A_1195 : f32 to vector<16x128xf32>
      %add3A_1197 = arith.addf %scan3A_1110, %add3A_1196 : vector<16x128xf32>
      %get3A_1198 = arith.constant 4 : index
      %get3A_1199 = arith.constant 0 : index
      %get3A_1200 = memref.load %arg0[%get3A_1198, %get3A_1199] : memref<9x9xf32, #tpu.memory_space<smem>>
      %add3A_1201 = vector.broadcast %get3A_1200 : f32 to vector<16x128xf32>
      %add3A_1202 = arith.addf %scan3A_1111, %add3A_1201 : vector<16x128xf32>
      %get3A_1203 = arith.constant 5 : index
      %get3A_1204 = arith.constant 0 : index
      %get3A_1205 = memref.load %arg0[%get3A_1203, %get3A_1204] : memref<9x9xf32, #tpu.memory_space<smem>>
      %add3A_1206 = vector.broadcast %get3A_1205 : f32 to vector<16x128xf32>
      %add3A_1207 = arith.addf %scan3A_1112, %add3A_1206 : vector<16x128xf32>
      %get3A_1208 = arith.constant 6 : index
      %get3A_1209 = arith.constant 0 : index
      %get3A_1210 = memref.load %arg0[%get3A_1208, %get3A_1209] : memref<9x9xf32, #tpu.memory_space<smem>>
      %add3A_1211 = vector.broadcast %get3A_1210 : f32 to vector<16x128xf32>
      %add3A_1212 = arith.addf %scan3A_1113, %add3A_1211 : vector<16x128xf32>
      %get3A_1213 = arith.constant 7 : index
      %get3A_1214 = arith.constant 0 : index
      %get3A_1215 = memref.load %arg0[%get3A_1213, %get3A_1214] : memref<9x9xf32, #tpu.memory_space<smem>>
      %add3A_1216 = vector.broadcast %get3A_1215 : f32 to vector<16x128xf32>
      %add3A_1217 = arith.addf %scan3A_1114, %add3A_1216 : vector<16x128xf32>
      %get3A_1218 = arith.constant 8 : index
      %get3A_1219 = arith.constant 0 : index
      %get3A_1220 = memref.load %arg0[%get3A_1218, %get3A_1219] : memref<9x9xf32, #tpu.memory_space<smem>>
      %add3A_1221 = vector.broadcast %get3A_1220 : f32 to vector<16x128xf32>
      %add3A_1222 = arith.addf %scan3A_1115, %add3A_1221 : vector<16x128xf32>
      %gt3A_1223 = arith.cmpf ogt, %add3A_1187, %add3A_1182 : vector<16x128xf32>
      %select_n3A_1224 = arith.select %gt3A_1223, %add3A_1187, %add3A_1182 : vector<16x128xi1>, vector<16x128xf32>
      %jit3A_1225 = arith.constant 1 : i32
      %jit3A_1226 = arith.constant 0 : i32
      %broadcast_in_dim3A_1227 = vector.broadcast %jit3A_1225 : i32 to vector<16x128xi32>
      %broadcast_in_dim3A_1228 = vector.broadcast %jit3A_1226 : i32 to vector<16x128xi32>
      %select_n3A_1229 = arith.select %gt3A_1223, %broadcast_in_dim3A_1227, %broadcast_in_dim3A_1228 : vector<16x128xi1>, vector<16x128xi32>
      %gt3A_1230 = arith.cmpf ogt, %add3A_1197, %add3A_1192 : vector<16x128xf32>
      %select_n3A_1231 = arith.select %gt3A_1230, %add3A_1197, %add3A_1192 : vector<16x128xi1>, vector<16x128xf32>
      %jit3A_1232 = arith.constant 3 : i32
      %jit3A_1233 = arith.constant 2 : i32
      %broadcast_in_dim3A_1234 = vector.broadcast %jit3A_1232 : i32 to vector<16x128xi32>
      %broadcast_in_dim3A_1235 = vector.broadcast %jit3A_1233 : i32 to vector<16x128xi32>
      %select_n3A_1236 = arith.select %gt3A_1230, %broadcast_in_dim3A_1234, %broadcast_in_dim3A_1235 : vector<16x128xi1>, vector<16x128xi32>
      %gt3A_1237 = arith.cmpf ogt, %add3A_1207, %add3A_1202 : vector<16x128xf32>
      %select_n3A_1238 = arith.select %gt3A_1237, %add3A_1207, %add3A_1202 : vector<16x128xi1>, vector<16x128xf32>
      %jit3A_1239 = arith.constant 5 : i32
      %jit3A_1240 = arith.constant 4 : i32
      %broadcast_in_dim3A_1241 = vector.broadcast %jit3A_1239 : i32 to vector<16x128xi32>
      %broadcast_in_dim3A_1242 = vector.broadcast %jit3A_1240 : i32 to vector<16x128xi32>
      %select_n3A_1243 = arith.select %gt3A_1237, %broadcast_in_dim3A_1241, %broadcast_in_dim3A_1242 : vector<16x128xi1>, vector<16x128xi32>
      %gt3A_1244 = arith.cmpf ogt, %add3A_1217, %add3A_1212 : vector<16x128xf32>
      %select_n3A_1245 = arith.select %gt3A_1244, %add3A_1217, %add3A_1212 : vector<16x128xi1>, vector<16x128xf32>
      %jit3A_1246 = arith.constant 7 : i32
      %jit3A_1247 = arith.constant 6 : i32
      %broadcast_in_dim3A_1248 = vector.broadcast %jit3A_1246 : i32 to vector<16x128xi32>
      %broadcast_in_dim3A_1249 = vector.broadcast %jit3A_1247 : i32 to vector<16x128xi32>
      %select_n3A_1250 = arith.select %gt3A_1244, %broadcast_in_dim3A_1248, %broadcast_in_dim3A_1249 : vector<16x128xi1>, vector<16x128xi32>
      %gt3A_1251 = arith.cmpf ogt, %select_n3A_1231, %select_n3A_1224 : vector<16x128xf32>
      %select_n3A_1252 = arith.select %gt3A_1251, %select_n3A_1231, %select_n3A_1224 : vector<16x128xi1>, vector<16x128xf32>
      %select_n3A_1253 = arith.select %gt3A_1251, %select_n3A_1236, %select_n3A_1229 : vector<16x128xi1>, vector<16x128xi32>
      %gt3A_1254 = arith.cmpf ogt, %select_n3A_1245, %select_n3A_1238 : vector<16x128xf32>
      %select_n3A_1255 = arith.select %gt3A_1254, %select_n3A_1245, %select_n3A_1238 : vector<16x128xi1>, vector<16x128xf32>
      %select_n3A_1256 = arith.select %gt3A_1254, %select_n3A_1250, %select_n3A_1243 : vector<16x128xi1>, vector<16x128xi32>
      %gt3A_1257 = arith.cmpf ogt, %select_n3A_1255, %select_n3A_1252 : vector<16x128xf32>
      %select_n3A_1258 = arith.select %gt3A_1257, %select_n3A_1255, %select_n3A_1252 : vector<16x128xi1>, vector<16x128xf32>
      %select_n3A_1259 = arith.select %gt3A_1257, %select_n3A_1256, %select_n3A_1253 : vector<16x128xi1>, vector<16x128xi32>
      %gt3A_1260 = arith.cmpf ogt, %add3A_1222, %select_n3A_1258 : vector<16x128xf32>
      %select_n3A_1261 = arith.select %gt3A_1260, %add3A_1222, %select_n3A_1258 : vector<16x128xi1>, vector<16x128xf32>
      %jit3A_1262 = arith.constant 8 : i32
      %broadcast_in_dim3A_1263 = vector.broadcast %jit3A_1262 : i32 to vector<16x128xi32>
      %select_n3A_1264 = arith.select %gt3A_1260, %broadcast_in_dim3A_1263, %select_n3A_1259 : vector<16x128xi1>, vector<16x128xi32>
      %swap3A_1265 = arith.constant 0 : index
      %swap3A_1266 = arith.index_cast %scan3A_1106 : i32 to index
      %swap3A_1267 = arith.constant 0 : index
      %swap3A_1268 = arith.constant 0 : index
      %swap3A_1269 = vector.load %arg5[%swap3A_1265, %swap3A_1266, %swap3A_1267, %swap3A_1268] : memref<9x200x16x128xi32, #tpu.memory_space<vmem>>, vector<1x1x16x128xi32>
      %swap3A_1270 = vector.shape_cast %swap3A_1269 : vector<1x1x16x128xi32> to vector<16x128xi32>
      %swap3A_1271 = vector.shape_cast %select_n3A_1264 : vector<16x128xi32> to vector<1x1x16x128xi32>
      tpu.vector_store %arg5[%swap3A_1265, %swap3A_1266, %swap3A_1267, %swap3A_1268], %swap3A_1271 {strides = array<i32>} : memref<9x200x16x128xi32, #tpu.memory_space<vmem>>, vector<1x1x16x128xi32>,
      %add3A_1272 = arith.addf %select_n3A_1261, %bitcast_convert_type3A_1125 : vector<16x128xf32>
      %get3A_1273 = arith.constant 0 : index
      %get3A_1274 = arith.constant 1 : index
      %get3A_1275 = memref.load %arg0[%get3A_1273, %get3A_1274] : memref<9x9xf32, #tpu.memory_space<smem>>
      %add3A_1276 = vector.broadcast %get3A_1275 : f32 to vector<16x128xf32>
      %add3A_1277 = arith.addf %scan3A_1107, %add3A_1276 : vector<16x128xf32>
      %get3A_1278 = arith.constant 1 : index
      %get3A_1279 = arith.constant 1 : index
      %get3A_1280 = memref.load %arg0[%get3A_1278, %get3A_1279] : memref<9x9xf32, #tpu.memory_space<smem>>
      %add3A_1281 = vector.broadcast %get3A_1280 : f32 to vector<16x128xf32>
      %add3A_1282 = arith.addf %scan3A_1108, %add3A_1281 : vector<16x128xf32>
      %get3A_1283 = arith.constant 2 : index
      %get3A_1284 = arith.constant 1 : index
      %get3A_1285 = memref.load %arg0[%get3A_1283, %get3A_1284] : memref<9x9xf32, #tpu.memory_space<smem>>
      %add3A_1286 = vector.broadcast %get3A_1285 : f32 to vector<16x128xf32>
      %add3A_1287 = arith.addf %scan3A_1109, %add3A_1286 : vector<16x128xf32>
      %get3A_1288 = arith.constant 3 : index
      %get3A_1289 = arith.constant 1 : index
      %get3A_1290 = memref.load %arg0[%get3A_1288, %get3A_1289] : memref<9x9xf32, #tpu.memory_space<smem>>
      %add3A_1291 = vector.broadcast %get3A_1290 : f32 to vector<16x128xf32>
      %add3A_1292 = arith.addf %scan3A_1110, %add3A_1291 : vector<16x128xf32>
      %get3A_1293 = arith.constant 4 : index
      %get3A_1294 = arith.constant 1 : index
      %get3A_1295 = memref.load %arg0[%get3A_1293, %get3A_1294] : memref<9x9xf32, #tpu.memory_space<smem>>
      %add3A_1296 = vector.broadcast %get3A_1295 : f32 to vector<16x128xf32>
      %add3A_1297 = arith.addf %scan3A_1111, %add3A_1296 : vector<16x128xf32>
      %get3A_1298 = arith.constant 5 : index
      %get3A_1299 = arith.constant 1 : index
      %get3A_1300 = memref.load %arg0[%get3A_1298, %get3A_1299] : memref<9x9xf32, #tpu.memory_space<smem>>
      %add3A_1301 = vector.broadcast %get3A_1300 : f32 to vector<16x128xf32>
      %add3A_1302 = arith.addf %scan3A_1112, %add3A_1301 : vector<16x128xf32>
      %get3A_1303 = arith.constant 6 : index
      %get3A_1304 = arith.constant 1 : index
      %get3A_1305 = memref.load %arg0[%get3A_1303, %get3A_1304] : memref<9x9xf32, #tpu.memory_space<smem>>
      %add3A_1306 = vector.broadcast %get3A_1305 : f32 to vector<16x128xf32>
      %add3A_1307 = arith.addf %scan3A_1113, %add3A_1306 : vector<16x128xf32>
      %get3A_1308 = arith.constant 7 : index
      %get3A_1309 = arith.constant 1 : index
      %get3A_1310 = memref.load %arg0[%get3A_1308, %get3A_1309] : memref<9x9xf32, #tpu.memory_space<smem>>
      %add3A_1311 = vector.broadcast %get3A_1310 : f32 to vector<16x128xf32>
      %add3A_1312 = arith.addf %scan3A_1114, %add3A_1311 : vector<16x128xf32>
      %get3A_1313 = arith.constant 8 : index
      %get3A_1314 = arith.constant 1 : index
      %get3A_1315 = memref.load %arg0[%get3A_1313, %get3A_1314] : memref<9x9xf32, #tpu.memory_space<smem>>
      %add3A_1316 = vector.broadcast %get3A_1315 : f32 to vector<16x128xf32>
      %add3A_1317 = arith.addf %scan3A_1115, %add3A_1316 : vector<16x128xf32>
      %gt3A_1318 = arith.cmpf ogt, %add3A_1282, %add3A_1277 : vector<16x128xf32>
      %select_n3A_1319 = arith.select %gt3A_1318, %add3A_1282, %add3A_1277 : vector<16x128xi1>, vector<16x128xf32>
      %jit3A_1320 = arith.constant 1 : i32
      %jit3A_1321 = arith.constant 0 : i32
      %broadcast_in_dim3A_1322 = vector.broadcast %jit3A_1320 : i32 to vector<16x128xi32>
      %broadcast_in_dim3A_1323 = vector.broadcast %jit3A_1321 : i32 to vector<16x128xi32>
      %select_n3A_1324 = arith.select %gt3A_1318, %broadcast_in_dim3A_1322, %broadcast_in_dim3A_1323 : vector<16x128xi1>, vector<16x128xi32>
      %gt3A_1325 = arith.cmpf ogt, %add3A_1292, %add3A_1287 : vector<16x128xf32>
      %select_n3A_1326 = arith.select %gt3A_1325, %add3A_1292, %add3A_1287 : vector<16x128xi1>, vector<16x128xf32>
      %jit3A_1327 = arith.constant 3 : i32
      %jit3A_1328 = arith.constant 2 : i32
      %broadcast_in_dim3A_1329 = vector.broadcast %jit3A_1327 : i32 to vector<16x128xi32>
      %broadcast_in_dim3A_1330 = vector.broadcast %jit3A_1328 : i32 to vector<16x128xi32>
      %select_n3A_1331 = arith.select %gt3A_1325, %broadcast_in_dim3A_1329, %broadcast_in_dim3A_1330 : vector<16x128xi1>, vector<16x128xi32>
      %gt3A_1332 = arith.cmpf ogt, %add3A_1302, %add3A_1297 : vector<16x128xf32>
      %select_n3A_1333 = arith.select %gt3A_1332, %add3A_1302, %add3A_1297 : vector<16x128xi1>, vector<16x128xf32>
      %jit3A_1334 = arith.constant 5 : i32
      %jit3A_1335 = arith.constant 4 : i32
      %broadcast_in_dim3A_1336 = vector.broadcast %jit3A_1334 : i32 to vector<16x128xi32>
      %broadcast_in_dim3A_1337 = vector.broadcast %jit3A_1335 : i32 to vector<16x128xi32>
      %select_n3A_1338 = arith.select %gt3A_1332, %broadcast_in_dim3A_1336, %broadcast_in_dim3A_1337 : vector<16x128xi1>, vector<16x128xi32>
      %gt3A_1339 = arith.cmpf ogt, %add3A_1312, %add3A_1307 : vector<16x128xf32>
      %select_n3A_1340 = arith.select %gt3A_1339, %add3A_1312, %add3A_1307 : vector<16x128xi1>, vector<16x128xf32>
      %jit3A_1341 = arith.constant 7 : i32
      %jit3A_1342 = arith.constant 6 : i32
      %broadcast_in_dim3A_1343 = vector.broadcast %jit3A_1341 : i32 to vector<16x128xi32>
      %broadcast_in_dim3A_1344 = vector.broadcast %jit3A_1342 : i32 to vector<16x128xi32>
      %select_n3A_1345 = arith.select %gt3A_1339, %broadcast_in_dim3A_1343, %broadcast_in_dim3A_1344 : vector<16x128xi1>, vector<16x128xi32>
      %gt3A_1346 = arith.cmpf ogt, %select_n3A_1326, %select_n3A_1319 : vector<16x128xf32>
      %select_n3A_1347 = arith.select %gt3A_1346, %select_n3A_1326, %select_n3A_1319 : vector<16x128xi1>, vector<16x128xf32>
      %select_n3A_1348 = arith.select %gt3A_1346, %select_n3A_1331, %select_n3A_1324 : vector<16x128xi1>, vector<16x128xi32>
      %gt3A_1349 = arith.cmpf ogt, %select_n3A_1340, %select_n3A_1333 : vector<16x128xf32>
      %select_n3A_1350 = arith.select %gt3A_1349, %select_n3A_1340, %select_n3A_1333 : vector<16x128xi1>, vector<16x128xf32>
      %select_n3A_1351 = arith.select %gt3A_1349, %select_n3A_1345, %select_n3A_1338 : vector<16x128xi1>, vector<16x128xi32>
      %gt3A_1352 = arith.cmpf ogt, %select_n3A_1350, %select_n3A_1347 : vector<16x128xf32>
      %select_n3A_1353 = arith.select %gt3A_1352, %select_n3A_1350, %select_n3A_1347 : vector<16x128xi1>, vector<16x128xf32>
      %select_n3A_1354 = arith.select %gt3A_1352, %select_n3A_1351, %select_n3A_1348 : vector<16x128xi1>, vector<16x128xi32>
      %gt3A_1355 = arith.cmpf ogt, %add3A_1317, %select_n3A_1353 : vector<16x128xf32>
      %select_n3A_1356 = arith.select %gt3A_1355, %add3A_1317, %select_n3A_1353 : vector<16x128xi1>, vector<16x128xf32>
      %jit3A_1357 = arith.constant 8 : i32
      %broadcast_in_dim3A_1358 = vector.broadcast %jit3A_1357 : i32 to vector<16x128xi32>
      %select_n3A_1359 = arith.select %gt3A_1355, %broadcast_in_dim3A_1358, %select_n3A_1354 : vector<16x128xi1>, vector<16x128xi32>
      %swap3A_1360 = arith.constant 1 : index
      %swap3A_1361 = arith.index_cast %scan3A_1106 : i32 to index
      %swap3A_1362 = arith.constant 0 : index
      %swap3A_1363 = arith.constant 0 : index
      %swap3A_1364 = vector.load %arg5[%swap3A_1360, %swap3A_1361, %swap3A_1362, %swap3A_1363] : memref<9x200x16x128xi32, #tpu.memory_space<vmem>>, vector<1x1x16x128xi32>
      %swap3A_1365 = vector.shape_cast %swap3A_1364 : vector<1x1x16x128xi32> to vector<16x128xi32>
      %swap3A_1366 = vector.shape_cast %select_n3A_1359 : vector<16x128xi32> to vector<1x1x16x128xi32>
      tpu.vector_store %arg5[%swap3A_1360, %swap3A_1361, %swap3A_1362, %swap3A_1363], %swap3A_1366 {strides = array<i32>} : memref<9x200x16x128xi32, #tpu.memory_space<vmem>>, vector<1x1x16x128xi32>,
      %add3A_1367 = arith.addf %select_n3A_1356, %bitcast_convert_type3A_1128 : vector<16x128xf32>
      %get3A_1368 = arith.constant 0 : index
      %get3A_1369 = arith.constant 2 : index
      %get3A_1370 = memref.load %arg0[%get3A_1368, %get3A_1369] : memref<9x9xf32, #tpu.memory_space<smem>>
      %add3A_1371 = vector.broadcast %get3A_1370 : f32 to vector<16x128xf32>
      %add3A_1372 = arith.addf %scan3A_1107, %add3A_1371 : vector<16x128xf32>
      %get3A_1373 = arith.constant 1 : index
      %get3A_1374 = arith.constant 2 : index
      %get3A_1375 = memref.load %arg0[%get3A_1373, %get3A_1374] : memref<9x9xf32, #tpu.memory_space<smem>>
      %add3A_1376 = vector.broadcast %get3A_1375 : f32 to vector<16x128xf32>
      %add3A_1377 = arith.addf %scan3A_1108, %add3A_1376 : vector<16x128xf32>
      %get3A_1378 = arith.constant 2 : index
      %get3A_1379 = arith.constant 2 : index
      %get3A_1380 = memref.load %arg0[%get3A_1378, %get3A_1379] : memref<9x9xf32, #tpu.memory_space<smem>>
      %add3A_1381 = vector.broadcast %get3A_1380 : f32 to vector<16x128xf32>
      %add3A_1382 = arith.addf %scan3A_1109, %add3A_1381 : vector<16x128xf32>
      %get3A_1383 = arith.constant 3 : index
      %get3A_1384 = arith.constant 2 : index
      %get3A_1385 = memref.load %arg0[%get3A_1383, %get3A_1384] : memref<9x9xf32, #tpu.memory_space<smem>>
      %add3A_1386 = vector.broadcast %get3A_1385 : f32 to vector<16x128xf32>
      %add3A_1387 = arith.addf %scan3A_1110, %add3A_1386 : vector<16x128xf32>
      %get3A_1388 = arith.constant 4 : index
      %get3A_1389 = arith.constant 2 : index
      %get3A_1390 = memref.load %arg0[%get3A_1388, %get3A_1389] : memref<9x9xf32, #tpu.memory_space<smem>>
      %add3A_1391 = vector.broadcast %get3A_1390 : f32 to vector<16x128xf32>
      %add3A_1392 = arith.addf %scan3A_1111, %add3A_1391 : vector<16x128xf32>
      %get3A_1393 = arith.constant 5 : index
      %get3A_1394 = arith.constant 2 : index
      %get3A_1395 = memref.load %arg0[%get3A_1393, %get3A_1394] : memref<9x9xf32, #tpu.memory_space<smem>>
      %add3A_1396 = vector.broadcast %get3A_1395 : f32 to vector<16x128xf32>
      %add3A_1397 = arith.addf %scan3A_1112, %add3A_1396 : vector<16x128xf32>
      %get3A_1398 = arith.constant 6 : index
      %get3A_1399 = arith.constant 2 : index
      %get3A_1400 = memref.load %arg0[%get3A_1398, %get3A_1399] : memref<9x9xf32, #tpu.memory_space<smem>>
      %add3A_1401 = vector.broadcast %get3A_1400 : f32 to vector<16x128xf32>
      %add3A_1402 = arith.addf %scan3A_1113, %add3A_1401 : vector<16x128xf32>
      %get3A_1403 = arith.constant 7 : index
      %get3A_1404 = arith.constant 2 : index
      %get3A_1405 = memref.load %arg0[%get3A_1403, %get3A_1404] : memref<9x9xf32, #tpu.memory_space<smem>>
      %add3A_1406 = vector.broadcast %get3A_1405 : f32 to vector<16x128xf32>
      %add3A_1407 = arith.addf %scan3A_1114, %add3A_1406 : vector<16x128xf32>
      %get3A_1408 = arith.constant 8 : index
      %get3A_1409 = arith.constant 2 : index
      %get3A_1410 = memref.load %arg0[%get3A_1408, %get3A_1409] : memref<9x9xf32, #tpu.memory_space<smem>>
      %add3A_1411 = vector.broadcast %get3A_1410 : f32 to vector<16x128xf32>
      %add3A_1412 = arith.addf %scan3A_1115, %add3A_1411 : vector<16x128xf32>
      %gt3A_1413 = arith.cmpf ogt, %add3A_1377, %add3A_1372 : vector<16x128xf32>
      %select_n3A_1414 = arith.select %gt3A_1413, %add3A_1377, %add3A_1372 : vector<16x128xi1>, vector<16x128xf32>
      %jit3A_1415 = arith.constant 1 : i32
      %jit3A_1416 = arith.constant 0 : i32
      %broadcast_in_dim3A_1417 = vector.broadcast %jit3A_1415 : i32 to vector<16x128xi32>
      %broadcast_in_dim3A_1418 = vector.broadcast %jit3A_1416 : i32 to vector<16x128xi32>
      %select_n3A_1419 = arith.select %gt3A_1413, %broadcast_in_dim3A_1417, %broadcast_in_dim3A_1418 : vector<16x128xi1>, vector<16x128xi32>
      %gt3A_1420 = arith.cmpf ogt, %add3A_1387, %add3A_1382 : vector<16x128xf32>
      %select_n3A_1421 = arith.select %gt3A_1420, %add3A_1387, %add3A_1382 : vector<16x128xi1>, vector<16x128xf32>
      %jit3A_1422 = arith.constant 3 : i32
      %jit3A_1423 = arith.constant 2 : i32
      %broadcast_in_dim3A_1424 = vector.broadcast %jit3A_1422 : i32 to vector<16x128xi32>
      %broadcast_in_dim3A_1425 = vector.broadcast %jit3A_1423 : i32 to vector<16x128xi32>
      %select_n3A_1426 = arith.select %gt3A_1420, %broadcast_in_dim3A_1424, %broadcast_in_dim3A_1425 : vector<16x128xi1>, vector<16x128xi32>
      %gt3A_1427 = arith.cmpf ogt, %add3A_1397, %add3A_1392 : vector<16x128xf32>
      %select_n3A_1428 = arith.select %gt3A_1427, %add3A_1397, %add3A_1392 : vector<16x128xi1>, vector<16x128xf32>
      %jit3A_1429 = arith.constant 5 : i32
      %jit3A_1430 = arith.constant 4 : i32
      %broadcast_in_dim3A_1431 = vector.broadcast %jit3A_1429 : i32 to vector<16x128xi32>
      %broadcast_in_dim3A_1432 = vector.broadcast %jit3A_1430 : i32 to vector<16x128xi32>
      %select_n3A_1433 = arith.select %gt3A_1427, %broadcast_in_dim3A_1431, %broadcast_in_dim3A_1432 : vector<16x128xi1>, vector<16x128xi32>
      %gt3A_1434 = arith.cmpf ogt, %add3A_1407, %add3A_1402 : vector<16x128xf32>
      %select_n3A_1435 = arith.select %gt3A_1434, %add3A_1407, %add3A_1402 : vector<16x128xi1>, vector<16x128xf32>
      %jit3A_1436 = arith.constant 7 : i32
      %jit3A_1437 = arith.constant 6 : i32
      %broadcast_in_dim3A_1438 = vector.broadcast %jit3A_1436 : i32 to vector<16x128xi32>
      %broadcast_in_dim3A_1439 = vector.broadcast %jit3A_1437 : i32 to vector<16x128xi32>
      %select_n3A_1440 = arith.select %gt3A_1434, %broadcast_in_dim3A_1438, %broadcast_in_dim3A_1439 : vector<16x128xi1>, vector<16x128xi32>
      %gt3A_1441 = arith.cmpf ogt, %select_n3A_1421, %select_n3A_1414 : vector<16x128xf32>
      %select_n3A_1442 = arith.select %gt3A_1441, %select_n3A_1421, %select_n3A_1414 : vector<16x128xi1>, vector<16x128xf32>
      %select_n3A_1443 = arith.select %gt3A_1441, %select_n3A_1426, %select_n3A_1419 : vector<16x128xi1>, vector<16x128xi32>
      %gt3A_1444 = arith.cmpf ogt, %select_n3A_1435, %select_n3A_1428 : vector<16x128xf32>
      %select_n3A_1445 = arith.select %gt3A_1444, %select_n3A_1435, %select_n3A_1428 : vector<16x128xi1>, vector<16x128xf32>
      %select_n3A_1446 = arith.select %gt3A_1444, %select_n3A_1440, %select_n3A_1433 : vector<16x128xi1>, vector<16x128xi32>
      %gt3A_1447 = arith.cmpf ogt, %select_n3A_1445, %select_n3A_1442 : vector<16x128xf32>
      %select_n3A_1448 = arith.select %gt3A_1447, %select_n3A_1445, %select_n3A_1442 : vector<16x128xi1>, vector<16x128xf32>
      %select_n3A_1449 = arith.select %gt3A_1447, %select_n3A_1446, %select_n3A_1443 : vector<16x128xi1>, vector<16x128xi32>
      %gt3A_1450 = arith.cmpf ogt, %add3A_1412, %select_n3A_1448 : vector<16x128xf32>
      %select_n3A_1451 = arith.select %gt3A_1450, %add3A_1412, %select_n3A_1448 : vector<16x128xi1>, vector<16x128xf32>
      %jit3A_1452 = arith.constant 8 : i32
      %broadcast_in_dim3A_1453 = vector.broadcast %jit3A_1452 : i32 to vector<16x128xi32>
      %select_n3A_1454 = arith.select %gt3A_1450, %broadcast_in_dim3A_1453, %select_n3A_1449 : vector<16x128xi1>, vector<16x128xi32>
      %swap3A_1455 = arith.constant 2 : index
      %swap3A_1456 = arith.index_cast %scan3A_1106 : i32 to index
      %swap3A_1457 = arith.constant 0 : index
      %swap3A_1458 = arith.constant 0 : index
      %swap3A_1459 = vector.load %arg5[%swap3A_1455, %swap3A_1456, %swap3A_1457, %swap3A_1458] : memref<9x200x16x128xi32, #tpu.memory_space<vmem>>, vector<1x1x16x128xi32>
      %swap3A_1460 = vector.shape_cast %swap3A_1459 : vector<1x1x16x128xi32> to vector<16x128xi32>
      %swap3A_1461 = vector.shape_cast %select_n3A_1454 : vector<16x128xi32> to vector<1x1x16x128xi32>
      tpu.vector_store %arg5[%swap3A_1455, %swap3A_1456, %swap3A_1457, %swap3A_1458], %swap3A_1461 {strides = array<i32>} : memref<9x200x16x128xi32, #tpu.memory_space<vmem>>, vector<1x1x16x128xi32>,
      %add3A_1462 = arith.addf %select_n3A_1451, %bitcast_convert_type3A_1138 : vector<16x128xf32>
      %get3A_1463 = arith.constant 0 : index
      %get3A_1464 = arith.constant 3 : index
      %get3A_1465 = memref.load %arg0[%get3A_1463, %get3A_1464] : memref<9x9xf32, #tpu.memory_space<smem>>
      %add3A_1466 = vector.broadcast %get3A_1465 : f32 to vector<16x128xf32>
      %add3A_1467 = arith.addf %scan3A_1107, %add3A_1466 : vector<16x128xf32>
      %get3A_1468 = arith.constant 1 : index
      %get3A_1469 = arith.constant 3 : index
      %get3A_1470 = memref.load %arg0[%get3A_1468, %get3A_1469] : memref<9x9xf32, #tpu.memory_space<smem>>
      %add3A_1471 = vector.broadcast %get3A_1470 : f32 to vector<16x128xf32>
      %add3A_1472 = arith.addf %scan3A_1108, %add3A_1471 : vector<16x128xf32>
      %get3A_1473 = arith.constant 2 : index
      %get3A_1474 = arith.constant 3 : index
      %get3A_1475 = memref.load %arg0[%get3A_1473, %get3A_1474] : memref<9x9xf32, #tpu.memory_space<smem>>
      %add3A_1476 = vector.broadcast %get3A_1475 : f32 to vector<16x128xf32>
      %add3A_1477 = arith.addf %scan3A_1109, %add3A_1476 : vector<16x128xf32>
      %get3A_1478 = arith.constant 3 : index
      %get3A_1479 = arith.constant 3 : index
      %get3A_1480 = memref.load %arg0[%get3A_1478, %get3A_1479] : memref<9x9xf32, #tpu.memory_space<smem>>
      %add3A_1481 = vector.broadcast %get3A_1480 : f32 to vector<16x128xf32>
      %add3A_1482 = arith.addf %scan3A_1110, %add3A_1481 : vector<16x128xf32>
      %get3A_1483 = arith.constant 4 : index
      %get3A_1484 = arith.constant 3 : index
      %get3A_1485 = memref.load %arg0[%get3A_1483, %get3A_1484] : memref<9x9xf32, #tpu.memory_space<smem>>
      %add3A_1486 = vector.broadcast %get3A_1485 : f32 to vector<16x128xf32>
      %add3A_1487 = arith.addf %scan3A_1111, %add3A_1486 : vector<16x128xf32>
      %get3A_1488 = arith.constant 5 : index
      %get3A_1489 = arith.constant 3 : index
      %get3A_1490 = memref.load %arg0[%get3A_1488, %get3A_1489] : memref<9x9xf32, #tpu.memory_space<smem>>
      %add3A_1491 = vector.broadcast %get3A_1490 : f32 to vector<16x128xf32>
      %add3A_1492 = arith.addf %scan3A_1112, %add3A_1491 : vector<16x128xf32>
      %get3A_1493 = arith.constant 6 : index
      %get3A_1494 = arith.constant 3 : index
      %get3A_1495 = memref.load %arg0[%get3A_1493, %get3A_1494] : memref<9x9xf32, #tpu.memory_space<smem>>
      %add3A_1496 = vector.broadcast %get3A_1495 : f32 to vector<16x128xf32>
      %add3A_1497 = arith.addf %scan3A_1113, %add3A_1496 : vector<16x128xf32>
      %get3A_1498 = arith.constant 7 : index
      %get3A_1499 = arith.constant 3 : index
      %get3A_1500 = memref.load %arg0[%get3A_1498, %get3A_1499] : memref<9x9xf32, #tpu.memory_space<smem>>
      %add3A_1501 = vector.broadcast %get3A_1500 : f32 to vector<16x128xf32>
      %add3A_1502 = arith.addf %scan3A_1114, %add3A_1501 : vector<16x128xf32>
      %get3A_1503 = arith.constant 8 : index
      %get3A_1504 = arith.constant 3 : index
      %get3A_1505 = memref.load %arg0[%get3A_1503, %get3A_1504] : memref<9x9xf32, #tpu.memory_space<smem>>
      %add3A_1506 = vector.broadcast %get3A_1505 : f32 to vector<16x128xf32>
      %add3A_1507 = arith.addf %scan3A_1115, %add3A_1506 : vector<16x128xf32>
      %gt3A_1508 = arith.cmpf ogt, %add3A_1472, %add3A_1467 : vector<16x128xf32>
      %select_n3A_1509 = arith.select %gt3A_1508, %add3A_1472, %add3A_1467 : vector<16x128xi1>, vector<16x128xf32>
      %jit3A_1510 = arith.constant 1 : i32
      %jit3A_1511 = arith.constant 0 : i32
      %broadcast_in_dim3A_1512 = vector.broadcast %jit3A_1510 : i32 to vector<16x128xi32>
      %broadcast_in_dim3A_1513 = vector.broadcast %jit3A_1511 : i32 to vector<16x128xi32>
      %select_n3A_1514 = arith.select %gt3A_1508, %broadcast_in_dim3A_1512, %broadcast_in_dim3A_1513 : vector<16x128xi1>, vector<16x128xi32>
      %gt3A_1515 = arith.cmpf ogt, %add3A_1482, %add3A_1477 : vector<16x128xf32>
      %select_n3A_1516 = arith.select %gt3A_1515, %add3A_1482, %add3A_1477 : vector<16x128xi1>, vector<16x128xf32>
      %jit3A_1517 = arith.constant 3 : i32
      %jit3A_1518 = arith.constant 2 : i32
      %broadcast_in_dim3A_1519 = vector.broadcast %jit3A_1517 : i32 to vector<16x128xi32>
      %broadcast_in_dim3A_1520 = vector.broadcast %jit3A_1518 : i32 to vector<16x128xi32>
      %select_n3A_1521 = arith.select %gt3A_1515, %broadcast_in_dim3A_1519, %broadcast_in_dim3A_1520 : vector<16x128xi1>, vector<16x128xi32>
      %gt3A_1522 = arith.cmpf ogt, %add3A_1492, %add3A_1487 : vector<16x128xf32>
      %select_n3A_1523 = arith.select %gt3A_1522, %add3A_1492, %add3A_1487 : vector<16x128xi1>, vector<16x128xf32>
      %jit3A_1524 = arith.constant 5 : i32
      %jit3A_1525 = arith.constant 4 : i32
      %broadcast_in_dim3A_1526 = vector.broadcast %jit3A_1524 : i32 to vector<16x128xi32>
      %broadcast_in_dim3A_1527 = vector.broadcast %jit3A_1525 : i32 to vector<16x128xi32>
      %select_n3A_1528 = arith.select %gt3A_1522, %broadcast_in_dim3A_1526, %broadcast_in_dim3A_1527 : vector<16x128xi1>, vector<16x128xi32>
      %gt3A_1529 = arith.cmpf ogt, %add3A_1502, %add3A_1497 : vector<16x128xf32>
      %select_n3A_1530 = arith.select %gt3A_1529, %add3A_1502, %add3A_1497 : vector<16x128xi1>, vector<16x128xf32>
      %jit3A_1531 = arith.constant 7 : i32
      %jit3A_1532 = arith.constant 6 : i32
      %broadcast_in_dim3A_1533 = vector.broadcast %jit3A_1531 : i32 to vector<16x128xi32>
      %broadcast_in_dim3A_1534 = vector.broadcast %jit3A_1532 : i32 to vector<16x128xi32>
      %select_n3A_1535 = arith.select %gt3A_1529, %broadcast_in_dim3A_1533, %broadcast_in_dim3A_1534 : vector<16x128xi1>, vector<16x128xi32>
      %gt3A_1536 = arith.cmpf ogt, %select_n3A_1516, %select_n3A_1509 : vector<16x128xf32>
      %select_n3A_1537 = arith.select %gt3A_1536, %select_n3A_1516, %select_n3A_1509 : vector<16x128xi1>, vector<16x128xf32>
      %select_n3A_1538 = arith.select %gt3A_1536, %select_n3A_1521, %select_n3A_1514 : vector<16x128xi1>, vector<16x128xi32>
      %gt3A_1539 = arith.cmpf ogt, %select_n3A_1530, %select_n3A_1523 : vector<16x128xf32>
      %select_n3A_1540 = arith.select %gt3A_1539, %select_n3A_1530, %select_n3A_1523 : vector<16x128xi1>, vector<16x128xf32>
      %select_n3A_1541 = arith.select %gt3A_1539, %select_n3A_1535, %select_n3A_1528 : vector<16x128xi1>, vector<16x128xi32>
      %gt3A_1542 = arith.cmpf ogt, %select_n3A_1540, %select_n3A_1537 : vector<16x128xf32>
      %select_n3A_1543 = arith.select %gt3A_1542, %select_n3A_1540, %select_n3A_1537 : vector<16x128xi1>, vector<16x128xf32>
      %select_n3A_1544 = arith.select %gt3A_1542, %select_n3A_1541, %select_n3A_1538 : vector<16x128xi1>, vector<16x128xi32>
      %gt3A_1545 = arith.cmpf ogt, %add3A_1507, %select_n3A_1543 : vector<16x128xf32>
      %select_n3A_1546 = arith.select %gt3A_1545, %add3A_1507, %select_n3A_1543 : vector<16x128xi1>, vector<16x128xf32>
      %jit3A_1547 = arith.constant 8 : i32
      %broadcast_in_dim3A_1548 = vector.broadcast %jit3A_1547 : i32 to vector<16x128xi32>
      %select_n3A_1549 = arith.select %gt3A_1545, %broadcast_in_dim3A_1548, %select_n3A_1544 : vector<16x128xi1>, vector<16x128xi32>
      %swap3A_1550 = arith.constant 3 : index
      %swap3A_1551 = arith.index_cast %scan3A_1106 : i32 to index
      %swap3A_1552 = arith.constant 0 : index
      %swap3A_1553 = arith.constant 0 : index
      %swap3A_1554 = vector.load %arg5[%swap3A_1550, %swap3A_1551, %swap3A_1552, %swap3A_1553] : memref<9x200x16x128xi32, #tpu.memory_space<vmem>>, vector<1x1x16x128xi32>
      %swap3A_1555 = vector.shape_cast %swap3A_1554 : vector<1x1x16x128xi32> to vector<16x128xi32>
      %swap3A_1556 = vector.shape_cast %select_n3A_1549 : vector<16x128xi32> to vector<1x1x16x128xi32>
      tpu.vector_store %arg5[%swap3A_1550, %swap3A_1551, %swap3A_1552, %swap3A_1553], %swap3A_1556 {strides = array<i32>} : memref<9x200x16x128xi32, #tpu.memory_space<vmem>>, vector<1x1x16x128xi32>,
      %add3A_1557 = arith.addf %select_n3A_1546, %bitcast_convert_type3A_1141 : vector<16x128xf32>
      %get3A_1558 = arith.constant 0 : index
      %get3A_1559 = arith.constant 4 : index
      %get3A_1560 = memref.load %arg0[%get3A_1558, %get3A_1559] : memref<9x9xf32, #tpu.memory_space<smem>>
      %add3A_1561 = vector.broadcast %get3A_1560 : f32 to vector<16x128xf32>
      %add3A_1562 = arith.addf %scan3A_1107, %add3A_1561 : vector<16x128xf32>
      %get3A_1563 = arith.constant 1 : index
      %get3A_1564 = arith.constant 4 : index
      %get3A_1565 = memref.load %arg0[%get3A_1563, %get3A_1564] : memref<9x9xf32, #tpu.memory_space<smem>>
      %add3A_1566 = vector.broadcast %get3A_1565 : f32 to vector<16x128xf32>
      %add3A_1567 = arith.addf %scan3A_1108, %add3A_1566 : vector<16x128xf32>
      %get3A_1568 = arith.constant 2 : index
      %get3A_1569 = arith.constant 4 : index
      %get3A_1570 = memref.load %arg0[%get3A_1568, %get3A_1569] : memref<9x9xf32, #tpu.memory_space<smem>>
      %add3A_1571 = vector.broadcast %get3A_1570 : f32 to vector<16x128xf32>
      %add3A_1572 = arith.addf %scan3A_1109, %add3A_1571 : vector<16x128xf32>
      %get3A_1573 = arith.constant 3 : index
      %get3A_1574 = arith.constant 4 : index
      %get3A_1575 = memref.load %arg0[%get3A_1573, %get3A_1574] : memref<9x9xf32, #tpu.memory_space<smem>>
      %add3A_1576 = vector.broadcast %get3A_1575 : f32 to vector<16x128xf32>
      %add3A_1577 = arith.addf %scan3A_1110, %add3A_1576 : vector<16x128xf32>
      %get3A_1578 = arith.constant 4 : index
      %get3A_1579 = arith.constant 4 : index
      %get3A_1580 = memref.load %arg0[%get3A_1578, %get3A_1579] : memref<9x9xf32, #tpu.memory_space<smem>>
      %add3A_1581 = vector.broadcast %get3A_1580 : f32 to vector<16x128xf32>
      %add3A_1582 = arith.addf %scan3A_1111, %add3A_1581 : vector<16x128xf32>
      %get3A_1583 = arith.constant 5 : index
      %get3A_1584 = arith.constant 4 : index
      %get3A_1585 = memref.load %arg0[%get3A_1583, %get3A_1584] : memref<9x9xf32, #tpu.memory_space<smem>>
      %add3A_1586 = vector.broadcast %get3A_1585 : f32 to vector<16x128xf32>
      %add3A_1587 = arith.addf %scan3A_1112, %add3A_1586 : vector<16x128xf32>
      %get3A_1588 = arith.constant 6 : index
      %get3A_1589 = arith.constant 4 : index
      %get3A_1590 = memref.load %arg0[%get3A_1588, %get3A_1589] : memref<9x9xf32, #tpu.memory_space<smem>>
      %add3A_1591 = vector.broadcast %get3A_1590 : f32 to vector<16x128xf32>
      %add3A_1592 = arith.addf %scan3A_1113, %add3A_1591 : vector<16x128xf32>
      %get3A_1593 = arith.constant 7 : index
      %get3A_1594 = arith.constant 4 : index
      %get3A_1595 = memref.load %arg0[%get3A_1593, %get3A_1594] : memref<9x9xf32, #tpu.memory_space<smem>>
      %add3A_1596 = vector.broadcast %get3A_1595 : f32 to vector<16x128xf32>
      %add3A_1597 = arith.addf %scan3A_1114, %add3A_1596 : vector<16x128xf32>
      %get3A_1598 = arith.constant 8 : index
      %get3A_1599 = arith.constant 4 : index
      %get3A_1600 = memref.load %arg0[%get3A_1598, %get3A_1599] : memref<9x9xf32, #tpu.memory_space<smem>>
      %add3A_1601 = vector.broadcast %get3A_1600 : f32 to vector<16x128xf32>
      %add3A_1602 = arith.addf %scan3A_1115, %add3A_1601 : vector<16x128xf32>
      %gt3A_1603 = arith.cmpf ogt, %add3A_1567, %add3A_1562 : vector<16x128xf32>
      %select_n3A_1604 = arith.select %gt3A_1603, %add3A_1567, %add3A_1562 : vector<16x128xi1>, vector<16x128xf32>
      %jit3A_1605 = arith.constant 1 : i32
      %jit3A_1606 = arith.constant 0 : i32
      %broadcast_in_dim3A_1607 = vector.broadcast %jit3A_1605 : i32 to vector<16x128xi32>
      %broadcast_in_dim3A_1608 = vector.broadcast %jit3A_1606 : i32 to vector<16x128xi32>
      %select_n3A_1609 = arith.select %gt3A_1603, %broadcast_in_dim3A_1607, %broadcast_in_dim3A_1608 : vector<16x128xi1>, vector<16x128xi32>
      %gt3A_1610 = arith.cmpf ogt, %add3A_1577, %add3A_1572 : vector<16x128xf32>
      %select_n3A_1611 = arith.select %gt3A_1610, %add3A_1577, %add3A_1572 : vector<16x128xi1>, vector<16x128xf32>
      %jit3A_1612 = arith.constant 3 : i32
      %jit3A_1613 = arith.constant 2 : i32
      %broadcast_in_dim3A_1614 = vector.broadcast %jit3A_1612 : i32 to vector<16x128xi32>
      %broadcast_in_dim3A_1615 = vector.broadcast %jit3A_1613 : i32 to vector<16x128xi32>
      %select_n3A_1616 = arith.select %gt3A_1610, %broadcast_in_dim3A_1614, %broadcast_in_dim3A_1615 : vector<16x128xi1>, vector<16x128xi32>
      %gt3A_1617 = arith.cmpf ogt, %add3A_1587, %add3A_1582 : vector<16x128xf32>
      %select_n3A_1618 = arith.select %gt3A_1617, %add3A_1587, %add3A_1582 : vector<16x128xi1>, vector<16x128xf32>
      %jit3A_1619 = arith.constant 5 : i32
      %jit3A_1620 = arith.constant 4 : i32
      %broadcast_in_dim3A_1621 = vector.broadcast %jit3A_1619 : i32 to vector<16x128xi32>
      %broadcast_in_dim3A_1622 = vector.broadcast %jit3A_1620 : i32 to vector<16x128xi32>
      %select_n3A_1623 = arith.select %gt3A_1617, %broadcast_in_dim3A_1621, %broadcast_in_dim3A_1622 : vector<16x128xi1>, vector<16x128xi32>
      %gt3A_1624 = arith.cmpf ogt, %add3A_1597, %add3A_1592 : vector<16x128xf32>
      %select_n3A_1625 = arith.select %gt3A_1624, %add3A_1597, %add3A_1592 : vector<16x128xi1>, vector<16x128xf32>
      %jit3A_1626 = arith.constant 7 : i32
      %jit3A_1627 = arith.constant 6 : i32
      %broadcast_in_dim3A_1628 = vector.broadcast %jit3A_1626 : i32 to vector<16x128xi32>
      %broadcast_in_dim3A_1629 = vector.broadcast %jit3A_1627 : i32 to vector<16x128xi32>
      %select_n3A_1630 = arith.select %gt3A_1624, %broadcast_in_dim3A_1628, %broadcast_in_dim3A_1629 : vector<16x128xi1>, vector<16x128xi32>
      %gt3A_1631 = arith.cmpf ogt, %select_n3A_1611, %select_n3A_1604 : vector<16x128xf32>
      %select_n3A_1632 = arith.select %gt3A_1631, %select_n3A_1611, %select_n3A_1604 : vector<16x128xi1>, vector<16x128xf32>
      %select_n3A_1633 = arith.select %gt3A_1631, %select_n3A_1616, %select_n3A_1609 : vector<16x128xi1>, vector<16x128xi32>
      %gt3A_1634 = arith.cmpf ogt, %select_n3A_1625, %select_n3A_1618 : vector<16x128xf32>
      %select_n3A_1635 = arith.select %gt3A_1634, %select_n3A_1625, %select_n3A_1618 : vector<16x128xi1>, vector<16x128xf32>
      %select_n3A_1636 = arith.select %gt3A_1634, %select_n3A_1630, %select_n3A_1623 : vector<16x128xi1>, vector<16x128xi32>
      %gt3A_1637 = arith.cmpf ogt, %select_n3A_1635, %select_n3A_1632 : vector<16x128xf32>
      %select_n3A_1638 = arith.select %gt3A_1637, %select_n3A_1635, %select_n3A_1632 : vector<16x128xi1>, vector<16x128xf32>
      %select_n3A_1639 = arith.select %gt3A_1637, %select_n3A_1636, %select_n3A_1633 : vector<16x128xi1>, vector<16x128xi32>
      %gt3A_1640 = arith.cmpf ogt, %add3A_1602, %select_n3A_1638 : vector<16x128xf32>
      %select_n3A_1641 = arith.select %gt3A_1640, %add3A_1602, %select_n3A_1638 : vector<16x128xi1>, vector<16x128xf32>
      %jit3A_1642 = arith.constant 8 : i32
      %broadcast_in_dim3A_1643 = vector.broadcast %jit3A_1642 : i32 to vector<16x128xi32>
      %select_n3A_1644 = arith.select %gt3A_1640, %broadcast_in_dim3A_1643, %select_n3A_1639 : vector<16x128xi1>, vector<16x128xi32>
      %swap3A_1645 = arith.constant 4 : index
      %swap3A_1646 = arith.index_cast %scan3A_1106 : i32 to index
      %swap3A_1647 = arith.constant 0 : index
      %swap3A_1648 = arith.constant 0 : index
      %swap3A_1649 = vector.load %arg5[%swap3A_1645, %swap3A_1646, %swap3A_1647, %swap3A_1648] : memref<9x200x16x128xi32, #tpu.memory_space<vmem>>, vector<1x1x16x128xi32>
      %swap3A_1650 = vector.shape_cast %swap3A_1649 : vector<1x1x16x128xi32> to vector<16x128xi32>
      %swap3A_1651 = vector.shape_cast %select_n3A_1644 : vector<16x128xi32> to vector<1x1x16x128xi32>
      tpu.vector_store %arg5[%swap3A_1645, %swap3A_1646, %swap3A_1647, %swap3A_1648], %swap3A_1651 {strides = array<i32>} : memref<9x200x16x128xi32, #tpu.memory_space<vmem>>, vector<1x1x16x128xi32>,
      %add3A_1652 = arith.addf %select_n3A_1641, %bitcast_convert_type3A_1151 : vector<16x128xf32>
      %get3A_1653 = arith.constant 0 : index
      %get3A_1654 = arith.constant 5 : index
      %get3A_1655 = memref.load %arg0[%get3A_1653, %get3A_1654] : memref<9x9xf32, #tpu.memory_space<smem>>
      %add3A_1656 = vector.broadcast %get3A_1655 : f32 to vector<16x128xf32>
      %add3A_1657 = arith.addf %scan3A_1107, %add3A_1656 : vector<16x128xf32>
      %get3A_1658 = arith.constant 1 : index
      %get3A_1659 = arith.constant 5 : index
      %get3A_1660 = memref.load %arg0[%get3A_1658, %get3A_1659] : memref<9x9xf32, #tpu.memory_space<smem>>
      %add3A_1661 = vector.broadcast %get3A_1660 : f32 to vector<16x128xf32>
      %add3A_1662 = arith.addf %scan3A_1108, %add3A_1661 : vector<16x128xf32>
      %get3A_1663 = arith.constant 2 : index
      %get3A_1664 = arith.constant 5 : index
      %get3A_1665 = memref.load %arg0[%get3A_1663, %get3A_1664] : memref<9x9xf32, #tpu.memory_space<smem>>
      %add3A_1666 = vector.broadcast %get3A_1665 : f32 to vector<16x128xf32>
      %add3A_1667 = arith.addf %scan3A_1109, %add3A_1666 : vector<16x128xf32>
      %get3A_1668 = arith.constant 3 : index
      %get3A_1669 = arith.constant 5 : index
      %get3A_1670 = memref.load %arg0[%get3A_1668, %get3A_1669] : memref<9x9xf32, #tpu.memory_space<smem>>
      %add3A_1671 = vector.broadcast %get3A_1670 : f32 to vector<16x128xf32>
      %add3A_1672 = arith.addf %scan3A_1110, %add3A_1671 : vector<16x128xf32>
      %get3A_1673 = arith.constant 4 : index
      %get3A_1674 = arith.constant 5 : index
      %get3A_1675 = memref.load %arg0[%get3A_1673, %get3A_1674] : memref<9x9xf32, #tpu.memory_space<smem>>
      %add3A_1676 = vector.broadcast %get3A_1675 : f32 to vector<16x128xf32>
      %add3A_1677 = arith.addf %scan3A_1111, %add3A_1676 : vector<16x128xf32>
      %get3A_1678 = arith.constant 5 : index
      %get3A_1679 = arith.constant 5 : index
      %get3A_1680 = memref.load %arg0[%get3A_1678, %get3A_1679] : memref<9x9xf32, #tpu.memory_space<smem>>
      %add3A_1681 = vector.broadcast %get3A_1680 : f32 to vector<16x128xf32>
      %add3A_1682 = arith.addf %scan3A_1112, %add3A_1681 : vector<16x128xf32>
      %get3A_1683 = arith.constant 6 : index
      %get3A_1684 = arith.constant 5 : index
      %get3A_1685 = memref.load %arg0[%get3A_1683, %get3A_1684] : memref<9x9xf32, #tpu.memory_space<smem>>
      %add3A_1686 = vector.broadcast %get3A_1685 : f32 to vector<16x128xf32>
      %add3A_1687 = arith.addf %scan3A_1113, %add3A_1686 : vector<16x128xf32>
      %get3A_1688 = arith.constant 7 : index
      %get3A_1689 = arith.constant 5 : index
      %get3A_1690 = memref.load %arg0[%get3A_1688, %get3A_1689] : memref<9x9xf32, #tpu.memory_space<smem>>
      %add3A_1691 = vector.broadcast %get3A_1690 : f32 to vector<16x128xf32>
      %add3A_1692 = arith.addf %scan3A_1114, %add3A_1691 : vector<16x128xf32>
      %get3A_1693 = arith.constant 8 : index
      %get3A_1694 = arith.constant 5 : index
      %get3A_1695 = memref.load %arg0[%get3A_1693, %get3A_1694] : memref<9x9xf32, #tpu.memory_space<smem>>
      %add3A_1696 = vector.broadcast %get3A_1695 : f32 to vector<16x128xf32>
      %add3A_1697 = arith.addf %scan3A_1115, %add3A_1696 : vector<16x128xf32>
      %gt3A_1698 = arith.cmpf ogt, %add3A_1662, %add3A_1657 : vector<16x128xf32>
      %select_n3A_1699 = arith.select %gt3A_1698, %add3A_1662, %add3A_1657 : vector<16x128xi1>, vector<16x128xf32>
      %jit3A_1700 = arith.constant 1 : i32
      %jit3A_1701 = arith.constant 0 : i32
      %broadcast_in_dim3A_1702 = vector.broadcast %jit3A_1700 : i32 to vector<16x128xi32>
      %broadcast_in_dim3A_1703 = vector.broadcast %jit3A_1701 : i32 to vector<16x128xi32>
      %select_n3A_1704 = arith.select %gt3A_1698, %broadcast_in_dim3A_1702, %broadcast_in_dim3A_1703 : vector<16x128xi1>, vector<16x128xi32>
      %gt3A_1705 = arith.cmpf ogt, %add3A_1672, %add3A_1667 : vector<16x128xf32>
      %select_n3A_1706 = arith.select %gt3A_1705, %add3A_1672, %add3A_1667 : vector<16x128xi1>, vector<16x128xf32>
      %jit3A_1707 = arith.constant 3 : i32
      %jit3A_1708 = arith.constant 2 : i32
      %broadcast_in_dim3A_1709 = vector.broadcast %jit3A_1707 : i32 to vector<16x128xi32>
      %broadcast_in_dim3A_1710 = vector.broadcast %jit3A_1708 : i32 to vector<16x128xi32>
      %select_n3A_1711 = arith.select %gt3A_1705, %broadcast_in_dim3A_1709, %broadcast_in_dim3A_1710 : vector<16x128xi1>, vector<16x128xi32>
      %gt3A_1712 = arith.cmpf ogt, %add3A_1682, %add3A_1677 : vector<16x128xf32>
      %select_n3A_1713 = arith.select %gt3A_1712, %add3A_1682, %add3A_1677 : vector<16x128xi1>, vector<16x128xf32>
      %jit3A_1714 = arith.constant 5 : i32
      %jit3A_1715 = arith.constant 4 : i32
      %broadcast_in_dim3A_1716 = vector.broadcast %jit3A_1714 : i32 to vector<16x128xi32>
      %broadcast_in_dim3A_1717 = vector.broadcast %jit3A_1715 : i32 to vector<16x128xi32>
      %select_n3A_1718 = arith.select %gt3A_1712, %broadcast_in_dim3A_1716, %broadcast_in_dim3A_1717 : vector<16x128xi1>, vector<16x128xi32>
      %gt3A_1719 = arith.cmpf ogt, %add3A_1692, %add3A_1687 : vector<16x128xf32>
      %select_n3A_1720 = arith.select %gt3A_1719, %add3A_1692, %add3A_1687 : vector<16x128xi1>, vector<16x128xf32>
      %jit3A_1721 = arith.constant 7 : i32
      %jit3A_1722 = arith.constant 6 : i32
      %broadcast_in_dim3A_1723 = vector.broadcast %jit3A_1721 : i32 to vector<16x128xi32>
      %broadcast_in_dim3A_1724 = vector.broadcast %jit3A_1722 : i32 to vector<16x128xi32>
      %select_n3A_1725 = arith.select %gt3A_1719, %broadcast_in_dim3A_1723, %broadcast_in_dim3A_1724 : vector<16x128xi1>, vector<16x128xi32>
      %gt3A_1726 = arith.cmpf ogt, %select_n3A_1706, %select_n3A_1699 : vector<16x128xf32>
      %select_n3A_1727 = arith.select %gt3A_1726, %select_n3A_1706, %select_n3A_1699 : vector<16x128xi1>, vector<16x128xf32>
      %select_n3A_1728 = arith.select %gt3A_1726, %select_n3A_1711, %select_n3A_1704 : vector<16x128xi1>, vector<16x128xi32>
      %gt3A_1729 = arith.cmpf ogt, %select_n3A_1720, %select_n3A_1713 : vector<16x128xf32>
      %select_n3A_1730 = arith.select %gt3A_1729, %select_n3A_1720, %select_n3A_1713 : vector<16x128xi1>, vector<16x128xf32>
      %select_n3A_1731 = arith.select %gt3A_1729, %select_n3A_1725, %select_n3A_1718 : vector<16x128xi1>, vector<16x128xi32>
      %gt3A_1732 = arith.cmpf ogt, %select_n3A_1730, %select_n3A_1727 : vector<16x128xf32>
      %select_n3A_1733 = arith.select %gt3A_1732, %select_n3A_1730, %select_n3A_1727 : vector<16x128xi1>, vector<16x128xf32>
      %select_n3A_1734 = arith.select %gt3A_1732, %select_n3A_1731, %select_n3A_1728 : vector<16x128xi1>, vector<16x128xi32>
      %gt3A_1735 = arith.cmpf ogt, %add3A_1697, %select_n3A_1733 : vector<16x128xf32>
      %select_n3A_1736 = arith.select %gt3A_1735, %add3A_1697, %select_n3A_1733 : vector<16x128xi1>, vector<16x128xf32>
      %jit3A_1737 = arith.constant 8 : i32
      %broadcast_in_dim3A_1738 = vector.broadcast %jit3A_1737 : i32 to vector<16x128xi32>
      %select_n3A_1739 = arith.select %gt3A_1735, %broadcast_in_dim3A_1738, %select_n3A_1734 : vector<16x128xi1>, vector<16x128xi32>
      %swap3A_1740 = arith.constant 5 : index
      %swap3A_1741 = arith.index_cast %scan3A_1106 : i32 to index
      %swap3A_1742 = arith.constant 0 : index
      %swap3A_1743 = arith.constant 0 : index
      %swap3A_1744 = vector.load %arg5[%swap3A_1740, %swap3A_1741, %swap3A_1742, %swap3A_1743] : memref<9x200x16x128xi32, #tpu.memory_space<vmem>>, vector<1x1x16x128xi32>
      %swap3A_1745 = vector.shape_cast %swap3A_1744 : vector<1x1x16x128xi32> to vector<16x128xi32>
      %swap3A_1746 = vector.shape_cast %select_n3A_1739 : vector<16x128xi32> to vector<1x1x16x128xi32>
      tpu.vector_store %arg5[%swap3A_1740, %swap3A_1741, %swap3A_1742, %swap3A_1743], %swap3A_1746 {strides = array<i32>} : memref<9x200x16x128xi32, #tpu.memory_space<vmem>>, vector<1x1x16x128xi32>,
      %add3A_1747 = arith.addf %select_n3A_1736, %bitcast_convert_type3A_1154 : vector<16x128xf32>
      %get3A_1748 = arith.constant 0 : index
      %get3A_1749 = arith.constant 6 : index
      %get3A_1750 = memref.load %arg0[%get3A_1748, %get3A_1749] : memref<9x9xf32, #tpu.memory_space<smem>>
      %add3A_1751 = vector.broadcast %get3A_1750 : f32 to vector<16x128xf32>
      %add3A_1752 = arith.addf %scan3A_1107, %add3A_1751 : vector<16x128xf32>
      %get3A_1753 = arith.constant 1 : index
      %get3A_1754 = arith.constant 6 : index
      %get3A_1755 = memref.load %arg0[%get3A_1753, %get3A_1754] : memref<9x9xf32, #tpu.memory_space<smem>>
      %add3A_1756 = vector.broadcast %get3A_1755 : f32 to vector<16x128xf32>
      %add3A_1757 = arith.addf %scan3A_1108, %add3A_1756 : vector<16x128xf32>
      %get3A_1758 = arith.constant 2 : index
      %get3A_1759 = arith.constant 6 : index
      %get3A_1760 = memref.load %arg0[%get3A_1758, %get3A_1759] : memref<9x9xf32, #tpu.memory_space<smem>>
      %add3A_1761 = vector.broadcast %get3A_1760 : f32 to vector<16x128xf32>
      %add3A_1762 = arith.addf %scan3A_1109, %add3A_1761 : vector<16x128xf32>
      %get3A_1763 = arith.constant 3 : index
      %get3A_1764 = arith.constant 6 : index
      %get3A_1765 = memref.load %arg0[%get3A_1763, %get3A_1764] : memref<9x9xf32, #tpu.memory_space<smem>>
      %add3A_1766 = vector.broadcast %get3A_1765 : f32 to vector<16x128xf32>
      %add3A_1767 = arith.addf %scan3A_1110, %add3A_1766 : vector<16x128xf32>
      %get3A_1768 = arith.constant 4 : index
      %get3A_1769 = arith.constant 6 : index
      %get3A_1770 = memref.load %arg0[%get3A_1768, %get3A_1769] : memref<9x9xf32, #tpu.memory_space<smem>>
      %add3A_1771 = vector.broadcast %get3A_1770 : f32 to vector<16x128xf32>
      %add3A_1772 = arith.addf %scan3A_1111, %add3A_1771 : vector<16x128xf32>
      %get3A_1773 = arith.constant 5 : index
      %get3A_1774 = arith.constant 6 : index
      %get3A_1775 = memref.load %arg0[%get3A_1773, %get3A_1774] : memref<9x9xf32, #tpu.memory_space<smem>>
      %add3A_1776 = vector.broadcast %get3A_1775 : f32 to vector<16x128xf32>
      %add3A_1777 = arith.addf %scan3A_1112, %add3A_1776 : vector<16x128xf32>
      %get3A_1778 = arith.constant 6 : index
      %get3A_1779 = arith.constant 6 : index
      %get3A_1780 = memref.load %arg0[%get3A_1778, %get3A_1779] : memref<9x9xf32, #tpu.memory_space<smem>>
      %add3A_1781 = vector.broadcast %get3A_1780 : f32 to vector<16x128xf32>
      %add3A_1782 = arith.addf %scan3A_1113, %add3A_1781 : vector<16x128xf32>
      %get3A_1783 = arith.constant 7 : index
      %get3A_1784 = arith.constant 6 : index
      %get3A_1785 = memref.load %arg0[%get3A_1783, %get3A_1784] : memref<9x9xf32, #tpu.memory_space<smem>>
      %add3A_1786 = vector.broadcast %get3A_1785 : f32 to vector<16x128xf32>
      %add3A_1787 = arith.addf %scan3A_1114, %add3A_1786 : vector<16x128xf32>
      %get3A_1788 = arith.constant 8 : index
      %get3A_1789 = arith.constant 6 : index
      %get3A_1790 = memref.load %arg0[%get3A_1788, %get3A_1789] : memref<9x9xf32, #tpu.memory_space<smem>>
      %add3A_1791 = vector.broadcast %get3A_1790 : f32 to vector<16x128xf32>
      %add3A_1792 = arith.addf %scan3A_1115, %add3A_1791 : vector<16x128xf32>
      %gt3A_1793 = arith.cmpf ogt, %add3A_1757, %add3A_1752 : vector<16x128xf32>
      %select_n3A_1794 = arith.select %gt3A_1793, %add3A_1757, %add3A_1752 : vector<16x128xi1>, vector<16x128xf32>
      %jit3A_1795 = arith.constant 1 : i32
      %jit3A_1796 = arith.constant 0 : i32
      %broadcast_in_dim3A_1797 = vector.broadcast %jit3A_1795 : i32 to vector<16x128xi32>
      %broadcast_in_dim3A_1798 = vector.broadcast %jit3A_1796 : i32 to vector<16x128xi32>
      %select_n3A_1799 = arith.select %gt3A_1793, %broadcast_in_dim3A_1797, %broadcast_in_dim3A_1798 : vector<16x128xi1>, vector<16x128xi32>
      %gt3A_1800 = arith.cmpf ogt, %add3A_1767, %add3A_1762 : vector<16x128xf32>
      %select_n3A_1801 = arith.select %gt3A_1800, %add3A_1767, %add3A_1762 : vector<16x128xi1>, vector<16x128xf32>
      %jit3A_1802 = arith.constant 3 : i32
      %jit3A_1803 = arith.constant 2 : i32
      %broadcast_in_dim3A_1804 = vector.broadcast %jit3A_1802 : i32 to vector<16x128xi32>
      %broadcast_in_dim3A_1805 = vector.broadcast %jit3A_1803 : i32 to vector<16x128xi32>
      %select_n3A_1806 = arith.select %gt3A_1800, %broadcast_in_dim3A_1804, %broadcast_in_dim3A_1805 : vector<16x128xi1>, vector<16x128xi32>
      %gt3A_1807 = arith.cmpf ogt, %add3A_1777, %add3A_1772 : vector<16x128xf32>
      %select_n3A_1808 = arith.select %gt3A_1807, %add3A_1777, %add3A_1772 : vector<16x128xi1>, vector<16x128xf32>
      %jit3A_1809 = arith.constant 5 : i32
      %jit3A_1810 = arith.constant 4 : i32
      %broadcast_in_dim3A_1811 = vector.broadcast %jit3A_1809 : i32 to vector<16x128xi32>
      %broadcast_in_dim3A_1812 = vector.broadcast %jit3A_1810 : i32 to vector<16x128xi32>
      %select_n3A_1813 = arith.select %gt3A_1807, %broadcast_in_dim3A_1811, %broadcast_in_dim3A_1812 : vector<16x128xi1>, vector<16x128xi32>
      %gt3A_1814 = arith.cmpf ogt, %add3A_1787, %add3A_1782 : vector<16x128xf32>
      %select_n3A_1815 = arith.select %gt3A_1814, %add3A_1787, %add3A_1782 : vector<16x128xi1>, vector<16x128xf32>
      %jit3A_1816 = arith.constant 7 : i32
      %jit3A_1817 = arith.constant 6 : i32
      %broadcast_in_dim3A_1818 = vector.broadcast %jit3A_1816 : i32 to vector<16x128xi32>
      %broadcast_in_dim3A_1819 = vector.broadcast %jit3A_1817 : i32 to vector<16x128xi32>
      %select_n3A_1820 = arith.select %gt3A_1814, %broadcast_in_dim3A_1818, %broadcast_in_dim3A_1819 : vector<16x128xi1>, vector<16x128xi32>
      %gt3A_1821 = arith.cmpf ogt, %select_n3A_1801, %select_n3A_1794 : vector<16x128xf32>
      %select_n3A_1822 = arith.select %gt3A_1821, %select_n3A_1801, %select_n3A_1794 : vector<16x128xi1>, vector<16x128xf32>
      %select_n3A_1823 = arith.select %gt3A_1821, %select_n3A_1806, %select_n3A_1799 : vector<16x128xi1>, vector<16x128xi32>
      %gt3A_1824 = arith.cmpf ogt, %select_n3A_1815, %select_n3A_1808 : vector<16x128xf32>
      %select_n3A_1825 = arith.select %gt3A_1824, %select_n3A_1815, %select_n3A_1808 : vector<16x128xi1>, vector<16x128xf32>
      %select_n3A_1826 = arith.select %gt3A_1824, %select_n3A_1820, %select_n3A_1813 : vector<16x128xi1>, vector<16x128xi32>
      %gt3A_1827 = arith.cmpf ogt, %select_n3A_1825, %select_n3A_1822 : vector<16x128xf32>
      %select_n3A_1828 = arith.select %gt3A_1827, %select_n3A_1825, %select_n3A_1822 : vector<16x128xi1>, vector<16x128xf32>
      %select_n3A_1829 = arith.select %gt3A_1827, %select_n3A_1826, %select_n3A_1823 : vector<16x128xi1>, vector<16x128xi32>
      %gt3A_1830 = arith.cmpf ogt, %add3A_1792, %select_n3A_1828 : vector<16x128xf32>
      %select_n3A_1831 = arith.select %gt3A_1830, %add3A_1792, %select_n3A_1828 : vector<16x128xi1>, vector<16x128xf32>
      %jit3A_1832 = arith.constant 8 : i32
      %broadcast_in_dim3A_1833 = vector.broadcast %jit3A_1832 : i32 to vector<16x128xi32>
      %select_n3A_1834 = arith.select %gt3A_1830, %broadcast_in_dim3A_1833, %select_n3A_1829 : vector<16x128xi1>, vector<16x128xi32>
      %swap3A_1835 = arith.constant 6 : index
      %swap3A_1836 = arith.index_cast %scan3A_1106 : i32 to index
      %swap3A_1837 = arith.constant 0 : index
      %swap3A_1838 = arith.constant 0 : index
      %swap3A_1839 = vector.load %arg5[%swap3A_1835, %swap3A_1836, %swap3A_1837, %swap3A_1838] : memref<9x200x16x128xi32, #tpu.memory_space<vmem>>, vector<1x1x16x128xi32>
      %swap3A_1840 = vector.shape_cast %swap3A_1839 : vector<1x1x16x128xi32> to vector<16x128xi32>
      %swap3A_1841 = vector.shape_cast %select_n3A_1834 : vector<16x128xi32> to vector<1x1x16x128xi32>
      tpu.vector_store %arg5[%swap3A_1835, %swap3A_1836, %swap3A_1837, %swap3A_1838], %swap3A_1841 {strides = array<i32>} : memref<9x200x16x128xi32, #tpu.memory_space<vmem>>, vector<1x1x16x128xi32>,
      %add3A_1842 = arith.addf %select_n3A_1831, %bitcast_convert_type3A_1164 : vector<16x128xf32>
      %get3A_1843 = arith.constant 0 : index
      %get3A_1844 = arith.constant 7 : index
      %get3A_1845 = memref.load %arg0[%get3A_1843, %get3A_1844] : memref<9x9xf32, #tpu.memory_space<smem>>
      %add3A_1846 = vector.broadcast %get3A_1845 : f32 to vector<16x128xf32>
      %add3A_1847 = arith.addf %scan3A_1107, %add3A_1846 : vector<16x128xf32>
      %get3A_1848 = arith.constant 1 : index
      %get3A_1849 = arith.constant 7 : index
      %get3A_1850 = memref.load %arg0[%get3A_1848, %get3A_1849] : memref<9x9xf32, #tpu.memory_space<smem>>
      %add3A_1851 = vector.broadcast %get3A_1850 : f32 to vector<16x128xf32>
      %add3A_1852 = arith.addf %scan3A_1108, %add3A_1851 : vector<16x128xf32>
      %get3A_1853 = arith.constant 2 : index
      %get3A_1854 = arith.constant 7 : index
      %get3A_1855 = memref.load %arg0[%get3A_1853, %get3A_1854] : memref<9x9xf32, #tpu.memory_space<smem>>
      %add3A_1856 = vector.broadcast %get3A_1855 : f32 to vector<16x128xf32>
      %add3A_1857 = arith.addf %scan3A_1109, %add3A_1856 : vector<16x128xf32>
      %get3A_1858 = arith.constant 3 : index
      %get3A_1859 = arith.constant 7 : index
      %get3A_1860 = memref.load %arg0[%get3A_1858, %get3A_1859] : memref<9x9xf32, #tpu.memory_space<smem>>
      %add3A_1861 = vector.broadcast %get3A_1860 : f32 to vector<16x128xf32>
      %add3A_1862 = arith.addf %scan3A_1110, %add3A_1861 : vector<16x128xf32>
      %get3A_1863 = arith.constant 4 : index
      %get3A_1864 = arith.constant 7 : index
      %get3A_1865 = memref.load %arg0[%get3A_1863, %get3A_1864] : memref<9x9xf32, #tpu.memory_space<smem>>
      %add3A_1866 = vector.broadcast %get3A_1865 : f32 to vector<16x128xf32>
      %add3A_1867 = arith.addf %scan3A_1111, %add3A_1866 : vector<16x128xf32>
      %get3A_1868 = arith.constant 5 : index
      %get3A_1869 = arith.constant 7 : index
      %get3A_1870 = memref.load %arg0[%get3A_1868, %get3A_1869] : memref<9x9xf32, #tpu.memory_space<smem>>
      %add3A_1871 = vector.broadcast %get3A_1870 : f32 to vector<16x128xf32>
      %add3A_1872 = arith.addf %scan3A_1112, %add3A_1871 : vector<16x128xf32>
      %get3A_1873 = arith.constant 6 : index
      %get3A_1874 = arith.constant 7 : index
      %get3A_1875 = memref.load %arg0[%get3A_1873, %get3A_1874] : memref<9x9xf32, #tpu.memory_space<smem>>
      %add3A_1876 = vector.broadcast %get3A_1875 : f32 to vector<16x128xf32>
      %add3A_1877 = arith.addf %scan3A_1113, %add3A_1876 : vector<16x128xf32>
      %get3A_1878 = arith.constant 7 : index
      %get3A_1879 = arith.constant 7 : index
      %get3A_1880 = memref.load %arg0[%get3A_1878, %get3A_1879] : memref<9x9xf32, #tpu.memory_space<smem>>
      %add3A_1881 = vector.broadcast %get3A_1880 : f32 to vector<16x128xf32>
      %add3A_1882 = arith.addf %scan3A_1114, %add3A_1881 : vector<16x128xf32>
      %get3A_1883 = arith.constant 8 : index
      %get3A_1884 = arith.constant 7 : index
      %get3A_1885 = memref.load %arg0[%get3A_1883, %get3A_1884] : memref<9x9xf32, #tpu.memory_space<smem>>
      %add3A_1886 = vector.broadcast %get3A_1885 : f32 to vector<16x128xf32>
      %add3A_1887 = arith.addf %scan3A_1115, %add3A_1886 : vector<16x128xf32>
      %gt3A_1888 = arith.cmpf ogt, %add3A_1852, %add3A_1847 : vector<16x128xf32>
      %select_n3A_1889 = arith.select %gt3A_1888, %add3A_1852, %add3A_1847 : vector<16x128xi1>, vector<16x128xf32>
      %jit3A_1890 = arith.constant 1 : i32
      %jit3A_1891 = arith.constant 0 : i32
      %broadcast_in_dim3A_1892 = vector.broadcast %jit3A_1890 : i32 to vector<16x128xi32>
      %broadcast_in_dim3A_1893 = vector.broadcast %jit3A_1891 : i32 to vector<16x128xi32>
      %select_n3A_1894 = arith.select %gt3A_1888, %broadcast_in_dim3A_1892, %broadcast_in_dim3A_1893 : vector<16x128xi1>, vector<16x128xi32>
      %gt3A_1895 = arith.cmpf ogt, %add3A_1862, %add3A_1857 : vector<16x128xf32>
      %select_n3A_1896 = arith.select %gt3A_1895, %add3A_1862, %add3A_1857 : vector<16x128xi1>, vector<16x128xf32>
      %jit3A_1897 = arith.constant 3 : i32
      %jit3A_1898 = arith.constant 2 : i32
      %broadcast_in_dim3A_1899 = vector.broadcast %jit3A_1897 : i32 to vector<16x128xi32>
      %broadcast_in_dim3A_1900 = vector.broadcast %jit3A_1898 : i32 to vector<16x128xi32>
      %select_n3A_1901 = arith.select %gt3A_1895, %broadcast_in_dim3A_1899, %broadcast_in_dim3A_1900 : vector<16x128xi1>, vector<16x128xi32>
      %gt3A_1902 = arith.cmpf ogt, %add3A_1872, %add3A_1867 : vector<16x128xf32>
      %select_n3A_1903 = arith.select %gt3A_1902, %add3A_1872, %add3A_1867 : vector<16x128xi1>, vector<16x128xf32>
      %jit3A_1904 = arith.constant 5 : i32
      %jit3A_1905 = arith.constant 4 : i32
      %broadcast_in_dim3A_1906 = vector.broadcast %jit3A_1904 : i32 to vector<16x128xi32>
      %broadcast_in_dim3A_1907 = vector.broadcast %jit3A_1905 : i32 to vector<16x128xi32>
      %select_n3A_1908 = arith.select %gt3A_1902, %broadcast_in_dim3A_1906, %broadcast_in_dim3A_1907 : vector<16x128xi1>, vector<16x128xi32>
      %gt3A_1909 = arith.cmpf ogt, %add3A_1882, %add3A_1877 : vector<16x128xf32>
      %select_n3A_1910 = arith.select %gt3A_1909, %add3A_1882, %add3A_1877 : vector<16x128xi1>, vector<16x128xf32>
      %jit3A_1911 = arith.constant 7 : i32
      %jit3A_1912 = arith.constant 6 : i32
      %broadcast_in_dim3A_1913 = vector.broadcast %jit3A_1911 : i32 to vector<16x128xi32>
      %broadcast_in_dim3A_1914 = vector.broadcast %jit3A_1912 : i32 to vector<16x128xi32>
      %select_n3A_1915 = arith.select %gt3A_1909, %broadcast_in_dim3A_1913, %broadcast_in_dim3A_1914 : vector<16x128xi1>, vector<16x128xi32>
      %gt3A_1916 = arith.cmpf ogt, %select_n3A_1896, %select_n3A_1889 : vector<16x128xf32>
      %select_n3A_1917 = arith.select %gt3A_1916, %select_n3A_1896, %select_n3A_1889 : vector<16x128xi1>, vector<16x128xf32>
      %select_n3A_1918 = arith.select %gt3A_1916, %select_n3A_1901, %select_n3A_1894 : vector<16x128xi1>, vector<16x128xi32>
      %gt3A_1919 = arith.cmpf ogt, %select_n3A_1910, %select_n3A_1903 : vector<16x128xf32>
      %select_n3A_1920 = arith.select %gt3A_1919, %select_n3A_1910, %select_n3A_1903 : vector<16x128xi1>, vector<16x128xf32>
      %select_n3A_1921 = arith.select %gt3A_1919, %select_n3A_1915, %select_n3A_1908 : vector<16x128xi1>, vector<16x128xi32>
      %gt3A_1922 = arith.cmpf ogt, %select_n3A_1920, %select_n3A_1917 : vector<16x128xf32>
      %select_n3A_1923 = arith.select %gt3A_1922, %select_n3A_1920, %select_n3A_1917 : vector<16x128xi1>, vector<16x128xf32>
      %select_n3A_1924 = arith.select %gt3A_1922, %select_n3A_1921, %select_n3A_1918 : vector<16x128xi1>, vector<16x128xi32>
      %gt3A_1925 = arith.cmpf ogt, %add3A_1887, %select_n3A_1923 : vector<16x128xf32>
      %select_n3A_1926 = arith.select %gt3A_1925, %add3A_1887, %select_n3A_1923 : vector<16x128xi1>, vector<16x128xf32>
      %jit3A_1927 = arith.constant 8 : i32
      %broadcast_in_dim3A_1928 = vector.broadcast %jit3A_1927 : i32 to vector<16x128xi32>
      %select_n3A_1929 = arith.select %gt3A_1925, %broadcast_in_dim3A_1928, %select_n3A_1924 : vector<16x128xi1>, vector<16x128xi32>
      %swap3A_1930 = arith.constant 7 : index
      %swap3A_1931 = arith.index_cast %scan3A_1106 : i32 to index
      %swap3A_1932 = arith.constant 0 : index
      %swap3A_1933 = arith.constant 0 : index
      %swap3A_1934 = vector.load %arg5[%swap3A_1930, %swap3A_1931, %swap3A_1932, %swap3A_1933] : memref<9x200x16x128xi32, #tpu.memory_space<vmem>>, vector<1x1x16x128xi32>
      %swap3A_1935 = vector.shape_cast %swap3A_1934 : vector<1x1x16x128xi32> to vector<16x128xi32>
      %swap3A_1936 = vector.shape_cast %select_n3A_1929 : vector<16x128xi32> to vector<1x1x16x128xi32>
      tpu.vector_store %arg5[%swap3A_1930, %swap3A_1931, %swap3A_1932, %swap3A_1933], %swap3A_1936 {strides = array<i32>} : memref<9x200x16x128xi32, #tpu.memory_space<vmem>>, vector<1x1x16x128xi32>,
      %add3A_1937 = arith.addf %select_n3A_1926, %bitcast_convert_type3A_1167 : vector<16x128xf32>
      %get3A_1938 = arith.constant 0 : index
      %get3A_1939 = arith.constant 8 : index
      %get3A_1940 = memref.load %arg0[%get3A_1938, %get3A_1939] : memref<9x9xf32, #tpu.memory_space<smem>>
      %add3A_1941 = vector.broadcast %get3A_1940 : f32 to vector<16x128xf32>
      %add3A_1942 = arith.addf %scan3A_1107, %add3A_1941 : vector<16x128xf32>
      %get3A_1943 = arith.constant 1 : index
      %get3A_1944 = arith.constant 8 : index
      %get3A_1945 = memref.load %arg0[%get3A_1943, %get3A_1944] : memref<9x9xf32, #tpu.memory_space<smem>>
      %add3A_1946 = vector.broadcast %get3A_1945 : f32 to vector<16x128xf32>
      %add3A_1947 = arith.addf %scan3A_1108, %add3A_1946 : vector<16x128xf32>
      %get3A_1948 = arith.constant 2 : index
      %get3A_1949 = arith.constant 8 : index
      %get3A_1950 = memref.load %arg0[%get3A_1948, %get3A_1949] : memref<9x9xf32, #tpu.memory_space<smem>>
      %add3A_1951 = vector.broadcast %get3A_1950 : f32 to vector<16x128xf32>
      %add3A_1952 = arith.addf %scan3A_1109, %add3A_1951 : vector<16x128xf32>
      %get3A_1953 = arith.constant 3 : index
      %get3A_1954 = arith.constant 8 : index
      %get3A_1955 = memref.load %arg0[%get3A_1953, %get3A_1954] : memref<9x9xf32, #tpu.memory_space<smem>>
      %add3A_1956 = vector.broadcast %get3A_1955 : f32 to vector<16x128xf32>
      %add3A_1957 = arith.addf %scan3A_1110, %add3A_1956 : vector<16x128xf32>
      %get3A_1958 = arith.constant 4 : index
      %get3A_1959 = arith.constant 8 : index
      %get3A_1960 = memref.load %arg0[%get3A_1958, %get3A_1959] : memref<9x9xf32, #tpu.memory_space<smem>>
      %add3A_1961 = vector.broadcast %get3A_1960 : f32 to vector<16x128xf32>
      %add3A_1962 = arith.addf %scan3A_1111, %add3A_1961 : vector<16x128xf32>
      %get3A_1963 = arith.constant 5 : index
      %get3A_1964 = arith.constant 8 : index
      %get3A_1965 = memref.load %arg0[%get3A_1963, %get3A_1964] : memref<9x9xf32, #tpu.memory_space<smem>>
      %add3A_1966 = vector.broadcast %get3A_1965 : f32 to vector<16x128xf32>
      %add3A_1967 = arith.addf %scan3A_1112, %add3A_1966 : vector<16x128xf32>
      %get3A_1968 = arith.constant 6 : index
      %get3A_1969 = arith.constant 8 : index
      %get3A_1970 = memref.load %arg0[%get3A_1968, %get3A_1969] : memref<9x9xf32, #tpu.memory_space<smem>>
      %add3A_1971 = vector.broadcast %get3A_1970 : f32 to vector<16x128xf32>
      %add3A_1972 = arith.addf %scan3A_1113, %add3A_1971 : vector<16x128xf32>
      %get3A_1973 = arith.constant 7 : index
      %get3A_1974 = arith.constant 8 : index
      %get3A_1975 = memref.load %arg0[%get3A_1973, %get3A_1974] : memref<9x9xf32, #tpu.memory_space<smem>>
      %add3A_1976 = vector.broadcast %get3A_1975 : f32 to vector<16x128xf32>
      %add3A_1977 = arith.addf %scan3A_1114, %add3A_1976 : vector<16x128xf32>
      %get3A_1978 = arith.constant 8 : index
      %get3A_1979 = arith.constant 8 : index
      %get3A_1980 = memref.load %arg0[%get3A_1978, %get3A_1979] : memref<9x9xf32, #tpu.memory_space<smem>>
      %add3A_1981 = vector.broadcast %get3A_1980 : f32 to vector<16x128xf32>
      %add3A_1982 = arith.addf %scan3A_1115, %add3A_1981 : vector<16x128xf32>
      %gt3A_1983 = arith.cmpf ogt, %add3A_1947, %add3A_1942 : vector<16x128xf32>
      %select_n3A_1984 = arith.select %gt3A_1983, %add3A_1947, %add3A_1942 : vector<16x128xi1>, vector<16x128xf32>
      %jit3A_1985 = arith.constant 1 : i32
      %jit3A_1986 = arith.constant 0 : i32
      %broadcast_in_dim3A_1987 = vector.broadcast %jit3A_1985 : i32 to vector<16x128xi32>
      %broadcast_in_dim3A_1988 = vector.broadcast %jit3A_1986 : i32 to vector<16x128xi32>
      %select_n3A_1989 = arith.select %gt3A_1983, %broadcast_in_dim3A_1987, %broadcast_in_dim3A_1988 : vector<16x128xi1>, vector<16x128xi32>
      %gt3A_1990 = arith.cmpf ogt, %add3A_1957, %add3A_1952 : vector<16x128xf32>
      %select_n3A_1991 = arith.select %gt3A_1990, %add3A_1957, %add3A_1952 : vector<16x128xi1>, vector<16x128xf32>
      %jit3A_1992 = arith.constant 3 : i32
      %jit3A_1993 = arith.constant 2 : i32
      %broadcast_in_dim3A_1994 = vector.broadcast %jit3A_1992 : i32 to vector<16x128xi32>
      %broadcast_in_dim3A_1995 = vector.broadcast %jit3A_1993 : i32 to vector<16x128xi32>
      %select_n3A_1996 = arith.select %gt3A_1990, %broadcast_in_dim3A_1994, %broadcast_in_dim3A_1995 : vector<16x128xi1>, vector<16x128xi32>
      %gt3A_1997 = arith.cmpf ogt, %add3A_1967, %add3A_1962 : vector<16x128xf32>
      %select_n3A_1998 = arith.select %gt3A_1997, %add3A_1967, %add3A_1962 : vector<16x128xi1>, vector<16x128xf32>
      %jit3A_1999 = arith.constant 5 : i32
      %jit3A_2000 = arith.constant 4 : i32
      %broadcast_in_dim3A_2001 = vector.broadcast %jit3A_1999 : i32 to vector<16x128xi32>
      %broadcast_in_dim3A_2002 = vector.broadcast %jit3A_2000 : i32 to vector<16x128xi32>
      %select_n3A_2003 = arith.select %gt3A_1997, %broadcast_in_dim3A_2001, %broadcast_in_dim3A_2002 : vector<16x128xi1>, vector<16x128xi32>
      %gt3A_2004 = arith.cmpf ogt, %add3A_1977, %add3A_1972 : vector<16x128xf32>
      %select_n3A_2005 = arith.select %gt3A_2004, %add3A_1977, %add3A_1972 : vector<16x128xi1>, vector<16x128xf32>
      %jit3A_2006 = arith.constant 7 : i32
      %jit3A_2007 = arith.constant 6 : i32
      %broadcast_in_dim3A_2008 = vector.broadcast %jit3A_2006 : i32 to vector<16x128xi32>
      %broadcast_in_dim3A_2009 = vector.broadcast %jit3A_2007 : i32 to vector<16x128xi32>
      %select_n3A_2010 = arith.select %gt3A_2004, %broadcast_in_dim3A_2008, %broadcast_in_dim3A_2009 : vector<16x128xi1>, vector<16x128xi32>
      %gt3A_2011 = arith.cmpf ogt, %select_n3A_1991, %select_n3A_1984 : vector<16x128xf32>
      %select_n3A_2012 = arith.select %gt3A_2011, %select_n3A_1991, %select_n3A_1984 : vector<16x128xi1>, vector<16x128xf32>
      %select_n3A_2013 = arith.select %gt3A_2011, %select_n3A_1996, %select_n3A_1989 : vector<16x128xi1>, vector<16x128xi32>
      %gt3A_2014 = arith.cmpf ogt, %select_n3A_2005, %select_n3A_1998 : vector<16x128xf32>
      %select_n3A_2015 = arith.select %gt3A_2014, %select_n3A_2005, %select_n3A_1998 : vector<16x128xi1>, vector<16x128xf32>
      %select_n3A_2016 = arith.select %gt3A_2014, %select_n3A_2010, %select_n3A_2003 : vector<16x128xi1>, vector<16x128xi32>
      %gt3A_2017 = arith.cmpf ogt, %select_n3A_2015, %select_n3A_2012 : vector<16x128xf32>
      %select_n3A_2018 = arith.select %gt3A_2017, %select_n3A_2015, %select_n3A_2012 : vector<16x128xi1>, vector<16x128xf32>
      %select_n3A_2019 = arith.select %gt3A_2017, %select_n3A_2016, %select_n3A_2013 : vector<16x128xi1>, vector<16x128xi32>
      %gt3A_2020 = arith.cmpf ogt, %add3A_1982, %select_n3A_2018 : vector<16x128xf32>
      %select_n3A_2021 = arith.select %gt3A_2020, %add3A_1982, %select_n3A_2018 : vector<16x128xi1>, vector<16x128xf32>
      %jit3A_2022 = arith.constant 8 : i32
      %broadcast_in_dim3A_2023 = vector.broadcast %jit3A_2022 : i32 to vector<16x128xi32>
      %select_n3A_2024 = arith.select %gt3A_2020, %broadcast_in_dim3A_2023, %select_n3A_2019 : vector<16x128xi1>, vector<16x128xi32>
      %swap3A_2025 = arith.constant 8 : index
      %swap3A_2026 = arith.index_cast %scan3A_1106 : i32 to index
      %swap3A_2027 = arith.constant 0 : index
      %swap3A_2028 = arith.constant 0 : index
      %swap3A_2029 = vector.load %arg5[%swap3A_2025, %swap3A_2026, %swap3A_2027, %swap3A_2028] : memref<9x200x16x128xi32, #tpu.memory_space<vmem>>, vector<1x1x16x128xi32>
      %swap3A_2030 = vector.shape_cast %swap3A_2029 : vector<1x1x16x128xi32> to vector<16x128xi32>
      %swap3A_2031 = vector.shape_cast %select_n3A_2024 : vector<16x128xi32> to vector<1x1x16x128xi32>
      tpu.vector_store %arg5[%swap3A_2025, %swap3A_2026, %swap3A_2027, %swap3A_2028], %swap3A_2031 {strides = array<i32>} : memref<9x200x16x128xi32, #tpu.memory_space<vmem>>, vector<1x1x16x128xi32>,
      %add3A_2032 = arith.addf %select_n3A_2021, %bitcast_convert_type3A_1177 : vector<16x128xf32>
      %scan3A_2033 = arith.constant 1 : i32
      %scan3A_2034 = arith.addi %scan3A_1106, %scan3A_2033 : i32
      %get3A_2035 = arith.constant 0 : index
      %get3A_2036 = arith.index_cast %scan3A_2034 : i32 to index
      %get3A_2037 = arith.constant 0 : index
      %get3A_2038 = arith.constant 0 : index
      %get3A_2039 = vector.load %arg3[%get3A_2035, %get3A_2036, %get3A_2037, %get3A_2038] : memref<5x204x16x128xi32, #tpu.memory_space<vmem>>, vector<1x1x16x128xi32>
      %get3A_2040 = vector.shape_cast %get3A_2039 : vector<1x1x16x128xi32> to vector<16x128xi32>
      %shift_left3A_2041 = arith.constant 16 : i32
      %shift_left3A_2042 = vector.broadcast %shift_left3A_2041 : i32 to vector<16x128xi32>
      %shift_left3A_2043 = arith.shli %get3A_2040, %shift_left3A_2042 : vector<16x128xi32>
      %bitcast_convert_type3A_2044 = tpu.bitcast %shift_left3A_2043 : vector<16x128xi32> -> vector<16x128xf32>
      %and3A_2045 = vector.broadcast %scan3A : i32 to vector<16x128xi32>
      %and3A_2046 = arith.andi %get3A_2040, %and3A_2045 : vector<16x128xi32>
      %bitcast_convert_type3A_2047 = tpu.bitcast %and3A_2046 : vector<16x128xi32> -> vector<16x128xf32>
      %get3A_2048 = arith.constant 1 : index
      %get3A_2049 = arith.index_cast %scan3A_2034 : i32 to index
      %get3A_2050 = arith.constant 0 : index
      %get3A_2051 = arith.constant 0 : index
      %get3A_2052 = vector.load %arg3[%get3A_2048, %get3A_2049, %get3A_2050, %get3A_2051] : memref<5x204x16x128xi32, #tpu.memory_space<vmem>>, vector<1x1x16x128xi32>
      %get3A_2053 = vector.shape_cast %get3A_2052 : vector<1x1x16x128xi32> to vector<16x128xi32>
      %shift_left3A_2054 = arith.constant 16 : i32
      %shift_left3A_2055 = vector.broadcast %shift_left3A_2054 : i32 to vector<16x128xi32>
      %shift_left3A_2056 = arith.shli %get3A_2053, %shift_left3A_2055 : vector<16x128xi32>
      %bitcast_convert_type3A_2057 = tpu.bitcast %shift_left3A_2056 : vector<16x128xi32> -> vector<16x128xf32>
      %and3A_2058 = vector.broadcast %scan3A : i32 to vector<16x128xi32>
      %and3A_2059 = arith.andi %get3A_2053, %and3A_2058 : vector<16x128xi32>
      %bitcast_convert_type3A_2060 = tpu.bitcast %and3A_2059 : vector<16x128xi32> -> vector<16x128xf32>
      %get3A_2061 = arith.constant 2 : index
      %get3A_2062 = arith.index_cast %scan3A_2034 : i32 to index
      %get3A_2063 = arith.constant 0 : index
      %get3A_2064 = arith.constant 0 : index
      %get3A_2065 = vector.load %arg3[%get3A_2061, %get3A_2062, %get3A_2063, %get3A_2064] : memref<5x204x16x128xi32, #tpu.memory_space<vmem>>, vector<1x1x16x128xi32>
      %get3A_2066 = vector.shape_cast %get3A_2065 : vector<1x1x16x128xi32> to vector<16x128xi32>
      %shift_left3A_2067 = arith.constant 16 : i32
      %shift_left3A_2068 = vector.broadcast %shift_left3A_2067 : i32 to vector<16x128xi32>
      %shift_left3A_2069 = arith.shli %get3A_2066, %shift_left3A_2068 : vector<16x128xi32>
      %bitcast_convert_type3A_2070 = tpu.bitcast %shift_left3A_2069 : vector<16x128xi32> -> vector<16x128xf32>
      %and3A_2071 = vector.broadcast %scan3A : i32 to vector<16x128xi32>
      %and3A_2072 = arith.andi %get3A_2066, %and3A_2071 : vector<16x128xi32>
      %bitcast_convert_type3A_2073 = tpu.bitcast %and3A_2072 : vector<16x128xi32> -> vector<16x128xf32>
      %get3A_2074 = arith.constant 3 : index
      %get3A_2075 = arith.index_cast %scan3A_2034 : i32 to index
      %get3A_2076 = arith.constant 0 : index
      %get3A_2077 = arith.constant 0 : index
      %get3A_2078 = vector.load %arg3[%get3A_2074, %get3A_2075, %get3A_2076, %get3A_2077] : memref<5x204x16x128xi32, #tpu.memory_space<vmem>>, vector<1x1x16x128xi32>
      %get3A_2079 = vector.shape_cast %get3A_2078 : vector<1x1x16x128xi32> to vector<16x128xi32>
      %shift_left3A_2080 = arith.constant 16 : i32
      %shift_left3A_2081 = vector.broadcast %shift_left3A_2080 : i32 to vector<16x128xi32>
      %shift_left3A_2082 = arith.shli %get3A_2079, %shift_left3A_2081 : vector<16x128xi32>
      %bitcast_convert_type3A_2083 = tpu.bitcast %shift_left3A_2082 : vector<16x128xi32> -> vector<16x128xf32>
      %and3A_2084 = vector.broadcast %scan3A : i32 to vector<16x128xi32>
      %and3A_2085 = arith.andi %get3A_2079, %and3A_2084 : vector<16x128xi32>
      %bitcast_convert_type3A_2086 = tpu.bitcast %and3A_2085 : vector<16x128xi32> -> vector<16x128xf32>
      %get3A_2087 = arith.constant 4 : index
      %get3A_2088 = arith.index_cast %scan3A_2034 : i32 to index
      %get3A_2089 = arith.constant 0 : index
      %get3A_2090 = arith.constant 0 : index
      %get3A_2091 = vector.load %arg3[%get3A_2087, %get3A_2088, %get3A_2089, %get3A_2090] : memref<5x204x16x128xi32, #tpu.memory_space<vmem>>, vector<1x1x16x128xi32>
      %get3A_2092 = vector.shape_cast %get3A_2091 : vector<1x1x16x128xi32> to vector<16x128xi32>
      %shift_left3A_2093 = arith.constant 16 : i32
      %shift_left3A_2094 = vector.broadcast %shift_left3A_2093 : i32 to vector<16x128xi32>
      %shift_left3A_2095 = arith.shli %get3A_2092, %shift_left3A_2094 : vector<16x128xi32>
      %bitcast_convert_type3A_2096 = tpu.bitcast %shift_left3A_2095 : vector<16x128xi32> -> vector<16x128xf32>
      %get3A_2097 = arith.constant 0 : index
      %get3A_2098 = arith.constant 0 : index
      %get3A_2099 = memref.load %arg0[%get3A_2097, %get3A_2098] : memref<9x9xf32, #tpu.memory_space<smem>>
      %add3A_2100 = vector.broadcast %get3A_2099 : f32 to vector<16x128xf32>
      %add3A_2101 = arith.addf %add3A_1272, %add3A_2100 : vector<16x128xf32>
      %get3A_2102 = arith.constant 1 : index
      %get3A_2103 = arith.constant 0 : index
      %get3A_2104 = memref.load %arg0[%get3A_2102, %get3A_2103] : memref<9x9xf32, #tpu.memory_space<smem>>
      %add3A_2105 = vector.broadcast %get3A_2104 : f32 to vector<16x128xf32>
      %add3A_2106 = arith.addf %add3A_1367, %add3A_2105 : vector<16x128xf32>
      %get3A_2107 = arith.constant 2 : index
      %get3A_2108 = arith.constant 0 : index
      %get3A_2109 = memref.load %arg0[%get3A_2107, %get3A_2108] : memref<9x9xf32, #tpu.memory_space<smem>>
      %add3A_2110 = vector.broadcast %get3A_2109 : f32 to vector<16x128xf32>
      %add3A_2111 = arith.addf %add3A_1462, %add3A_2110 : vector<16x128xf32>
      %get3A_2112 = arith.constant 3 : index
      %get3A_2113 = arith.constant 0 : index
      %get3A_2114 = memref.load %arg0[%get3A_2112, %get3A_2113] : memref<9x9xf32, #tpu.memory_space<smem>>
      %add3A_2115 = vector.broadcast %get3A_2114 : f32 to vector<16x128xf32>
      %add3A_2116 = arith.addf %add3A_1557, %add3A_2115 : vector<16x128xf32>
      %get3A_2117 = arith.constant 4 : index
      %get3A_2118 = arith.constant 0 : index
      %get3A_2119 = memref.load %arg0[%get3A_2117, %get3A_2118] : memref<9x9xf32, #tpu.memory_space<smem>>
      %add3A_2120 = vector.broadcast %get3A_2119 : f32 to vector<16x128xf32>
      %add3A_2121 = arith.addf %add3A_1652, %add3A_2120 : vector<16x128xf32>
      %get3A_2122 = arith.constant 5 : index
      %get3A_2123 = arith.constant 0 : index
      %get3A_2124 = memref.load %arg0[%get3A_2122, %get3A_2123] : memref<9x9xf32, #tpu.memory_space<smem>>
      %add3A_2125 = vector.broadcast %get3A_2124 : f32 to vector<16x128xf32>
      %add3A_2126 = arith.addf %add3A_1747, %add3A_2125 : vector<16x128xf32>
      %get3A_2127 = arith.constant 6 : index
      %get3A_2128 = arith.constant 0 : index
      %get3A_2129 = memref.load %arg0[%get3A_2127, %get3A_2128] : memref<9x9xf32, #tpu.memory_space<smem>>
      %add3A_2130 = vector.broadcast %get3A_2129 : f32 to vector<16x128xf32>
      %add3A_2131 = arith.addf %add3A_1842, %add3A_2130 : vector<16x128xf32>
      %get3A_2132 = arith.constant 7 : index
      %get3A_2133 = arith.constant 0 : index
      %get3A_2134 = memref.load %arg0[%get3A_2132, %get3A_2133] : memref<9x9xf32, #tpu.memory_space<smem>>
      %add3A_2135 = vector.broadcast %get3A_2134 : f32 to vector<16x128xf32>
      %add3A_2136 = arith.addf %add3A_1937, %add3A_2135 : vector<16x128xf32>
      %get3A_2137 = arith.constant 8 : index
      %get3A_2138 = arith.constant 0 : index
      %get3A_2139 = memref.load %arg0[%get3A_2137, %get3A_2138] : memref<9x9xf32, #tpu.memory_space<smem>>
      %add3A_2140 = vector.broadcast %get3A_2139 : f32 to vector<16x128xf32>
      %add3A_2141 = arith.addf %add3A_2032, %add3A_2140 : vector<16x128xf32>
      %gt3A_2142 = arith.cmpf ogt, %add3A_2106, %add3A_2101 : vector<16x128xf32>
      %select_n3A_2143 = arith.select %gt3A_2142, %add3A_2106, %add3A_2101 : vector<16x128xi1>, vector<16x128xf32>
      %jit3A_2144 = arith.constant 1 : i32
      %jit3A_2145 = arith.constant 0 : i32
      %broadcast_in_dim3A_2146 = vector.broadcast %jit3A_2144 : i32 to vector<16x128xi32>
      %broadcast_in_dim3A_2147 = vector.broadcast %jit3A_2145 : i32 to vector<16x128xi32>
      %select_n3A_2148 = arith.select %gt3A_2142, %broadcast_in_dim3A_2146, %broadcast_in_dim3A_2147 : vector<16x128xi1>, vector<16x128xi32>
      %gt3A_2149 = arith.cmpf ogt, %add3A_2116, %add3A_2111 : vector<16x128xf32>
      %select_n3A_2150 = arith.select %gt3A_2149, %add3A_2116, %add3A_2111 : vector<16x128xi1>, vector<16x128xf32>
      %jit3A_2151 = arith.constant 3 : i32
      %jit3A_2152 = arith.constant 2 : i32
      %broadcast_in_dim3A_2153 = vector.broadcast %jit3A_2151 : i32 to vector<16x128xi32>
      %broadcast_in_dim3A_2154 = vector.broadcast %jit3A_2152 : i32 to vector<16x128xi32>
      %select_n3A_2155 = arith.select %gt3A_2149, %broadcast_in_dim3A_2153, %broadcast_in_dim3A_2154 : vector<16x128xi1>, vector<16x128xi32>
      %gt3A_2156 = arith.cmpf ogt, %add3A_2126, %add3A_2121 : vector<16x128xf32>
      %select_n3A_2157 = arith.select %gt3A_2156, %add3A_2126, %add3A_2121 : vector<16x128xi1>, vector<16x128xf32>
      %jit3A_2158 = arith.constant 5 : i32
      %jit3A_2159 = arith.constant 4 : i32
      %broadcast_in_dim3A_2160 = vector.broadcast %jit3A_2158 : i32 to vector<16x128xi32>
      %broadcast_in_dim3A_2161 = vector.broadcast %jit3A_2159 : i32 to vector<16x128xi32>
      %select_n3A_2162 = arith.select %gt3A_2156, %broadcast_in_dim3A_2160, %broadcast_in_dim3A_2161 : vector<16x128xi1>, vector<16x128xi32>
      %gt3A_2163 = arith.cmpf ogt, %add3A_2136, %add3A_2131 : vector<16x128xf32>
      %select_n3A_2164 = arith.select %gt3A_2163, %add3A_2136, %add3A_2131 : vector<16x128xi1>, vector<16x128xf32>
      %jit3A_2165 = arith.constant 7 : i32
      %jit3A_2166 = arith.constant 6 : i32
      %broadcast_in_dim3A_2167 = vector.broadcast %jit3A_2165 : i32 to vector<16x128xi32>
      %broadcast_in_dim3A_2168 = vector.broadcast %jit3A_2166 : i32 to vector<16x128xi32>
      %select_n3A_2169 = arith.select %gt3A_2163, %broadcast_in_dim3A_2167, %broadcast_in_dim3A_2168 : vector<16x128xi1>, vector<16x128xi32>
      %gt3A_2170 = arith.cmpf ogt, %select_n3A_2150, %select_n3A_2143 : vector<16x128xf32>
      %select_n3A_2171 = arith.select %gt3A_2170, %select_n3A_2150, %select_n3A_2143 : vector<16x128xi1>, vector<16x128xf32>
      %select_n3A_2172 = arith.select %gt3A_2170, %select_n3A_2155, %select_n3A_2148 : vector<16x128xi1>, vector<16x128xi32>
      %gt3A_2173 = arith.cmpf ogt, %select_n3A_2164, %select_n3A_2157 : vector<16x128xf32>
      %select_n3A_2174 = arith.select %gt3A_2173, %select_n3A_2164, %select_n3A_2157 : vector<16x128xi1>, vector<16x128xf32>
      %select_n3A_2175 = arith.select %gt3A_2173, %select_n3A_2169, %select_n3A_2162 : vector<16x128xi1>, vector<16x128xi32>
      %gt3A_2176 = arith.cmpf ogt, %select_n3A_2174, %select_n3A_2171 : vector<16x128xf32>
      %select_n3A_2177 = arith.select %gt3A_2176, %select_n3A_2174, %select_n3A_2171 : vector<16x128xi1>, vector<16x128xf32>
      %select_n3A_2178 = arith.select %gt3A_2176, %select_n3A_2175, %select_n3A_2172 : vector<16x128xi1>, vector<16x128xi32>
      %gt3A_2179 = arith.cmpf ogt, %add3A_2141, %select_n3A_2177 : vector<16x128xf32>
      %select_n3A_2180 = arith.select %gt3A_2179, %add3A_2141, %select_n3A_2177 : vector<16x128xi1>, vector<16x128xf32>
      %jit3A_2181 = arith.constant 8 : i32
      %broadcast_in_dim3A_2182 = vector.broadcast %jit3A_2181 : i32 to vector<16x128xi32>
      %select_n3A_2183 = arith.select %gt3A_2179, %broadcast_in_dim3A_2182, %select_n3A_2178 : vector<16x128xi1>, vector<16x128xi32>
      %swap3A_2184 = arith.constant 0 : index
      %swap3A_2185 = arith.index_cast %scan3A_2034 : i32 to index
      %swap3A_2186 = arith.constant 0 : index
      %swap3A_2187 = arith.constant 0 : index
      %swap3A_2188 = vector.load %arg5[%swap3A_2184, %swap3A_2185, %swap3A_2186, %swap3A_2187] : memref<9x200x16x128xi32, #tpu.memory_space<vmem>>, vector<1x1x16x128xi32>
      %swap3A_2189 = vector.shape_cast %swap3A_2188 : vector<1x1x16x128xi32> to vector<16x128xi32>
      %swap3A_2190 = vector.shape_cast %select_n3A_2183 : vector<16x128xi32> to vector<1x1x16x128xi32>
      tpu.vector_store %arg5[%swap3A_2184, %swap3A_2185, %swap3A_2186, %swap3A_2187], %swap3A_2190 {strides = array<i32>} : memref<9x200x16x128xi32, #tpu.memory_space<vmem>>, vector<1x1x16x128xi32>,
      %add3A_2191 = arith.addf %select_n3A_2180, %bitcast_convert_type3A_2044 : vector<16x128xf32>
      %get3A_2192 = arith.constant 0 : index
      %get3A_2193 = arith.constant 1 : index
      %get3A_2194 = memref.load %arg0[%get3A_2192, %get3A_2193] : memref<9x9xf32, #tpu.memory_space<smem>>
      %add3A_2195 = vector.broadcast %get3A_2194 : f32 to vector<16x128xf32>
      %add3A_2196 = arith.addf %add3A_1272, %add3A_2195 : vector<16x128xf32>
      %get3A_2197 = arith.constant 1 : index
      %get3A_2198 = arith.constant 1 : index
      %get3A_2199 = memref.load %arg0[%get3A_2197, %get3A_2198] : memref<9x9xf32, #tpu.memory_space<smem>>
      %add3A_2200 = vector.broadcast %get3A_2199 : f32 to vector<16x128xf32>
      %add3A_2201 = arith.addf %add3A_1367, %add3A_2200 : vector<16x128xf32>
      %get3A_2202 = arith.constant 2 : index
      %get3A_2203 = arith.constant 1 : index
      %get3A_2204 = memref.load %arg0[%get3A_2202, %get3A_2203] : memref<9x9xf32, #tpu.memory_space<smem>>
      %add3A_2205 = vector.broadcast %get3A_2204 : f32 to vector<16x128xf32>
      %add3A_2206 = arith.addf %add3A_1462, %add3A_2205 : vector<16x128xf32>
      %get3A_2207 = arith.constant 3 : index
      %get3A_2208 = arith.constant 1 : index
      %get3A_2209 = memref.load %arg0[%get3A_2207, %get3A_2208] : memref<9x9xf32, #tpu.memory_space<smem>>
      %add3A_2210 = vector.broadcast %get3A_2209 : f32 to vector<16x128xf32>
      %add3A_2211 = arith.addf %add3A_1557, %add3A_2210 : vector<16x128xf32>
      %get3A_2212 = arith.constant 4 : index
      %get3A_2213 = arith.constant 1 : index
      %get3A_2214 = memref.load %arg0[%get3A_2212, %get3A_2213] : memref<9x9xf32, #tpu.memory_space<smem>>
      %add3A_2215 = vector.broadcast %get3A_2214 : f32 to vector<16x128xf32>
      %add3A_2216 = arith.addf %add3A_1652, %add3A_2215 : vector<16x128xf32>
      %get3A_2217 = arith.constant 5 : index
      %get3A_2218 = arith.constant 1 : index
      %get3A_2219 = memref.load %arg0[%get3A_2217, %get3A_2218] : memref<9x9xf32, #tpu.memory_space<smem>>
      %add3A_2220 = vector.broadcast %get3A_2219 : f32 to vector<16x128xf32>
      %add3A_2221 = arith.addf %add3A_1747, %add3A_2220 : vector<16x128xf32>
      %get3A_2222 = arith.constant 6 : index
      %get3A_2223 = arith.constant 1 : index
      %get3A_2224 = memref.load %arg0[%get3A_2222, %get3A_2223] : memref<9x9xf32, #tpu.memory_space<smem>>
      %add3A_2225 = vector.broadcast %get3A_2224 : f32 to vector<16x128xf32>
      %add3A_2226 = arith.addf %add3A_1842, %add3A_2225 : vector<16x128xf32>
      %get3A_2227 = arith.constant 7 : index
      %get3A_2228 = arith.constant 1 : index
      %get3A_2229 = memref.load %arg0[%get3A_2227, %get3A_2228] : memref<9x9xf32, #tpu.memory_space<smem>>
      %add3A_2230 = vector.broadcast %get3A_2229 : f32 to vector<16x128xf32>
      %add3A_2231 = arith.addf %add3A_1937, %add3A_2230 : vector<16x128xf32>
      %get3A_2232 = arith.constant 8 : index
      %get3A_2233 = arith.constant 1 : index
      %get3A_2234 = memref.load %arg0[%get3A_2232, %get3A_2233] : memref<9x9xf32, #tpu.memory_space<smem>>
      %add3A_2235 = vector.broadcast %get3A_2234 : f32 to vector<16x128xf32>
      %add3A_2236 = arith.addf %add3A_2032, %add3A_2235 : vector<16x128xf32>
      %gt3A_2237 = arith.cmpf ogt, %add3A_2201, %add3A_2196 : vector<16x128xf32>
      %select_n3A_2238 = arith.select %gt3A_2237, %add3A_2201, %add3A_2196 : vector<16x128xi1>, vector<16x128xf32>
      %jit3A_2239 = arith.constant 1 : i32
      %jit3A_2240 = arith.constant 0 : i32
      %broadcast_in_dim3A_2241 = vector.broadcast %jit3A_2239 : i32 to vector<16x128xi32>
      %broadcast_in_dim3A_2242 = vector.broadcast %jit3A_2240 : i32 to vector<16x128xi32>
      %select_n3A_2243 = arith.select %gt3A_2237, %broadcast_in_dim3A_2241, %broadcast_in_dim3A_2242 : vector<16x128xi1>, vector<16x128xi32>
      %gt3A_2244 = arith.cmpf ogt, %add3A_2211, %add3A_2206 : vector<16x128xf32>
      %select_n3A_2245 = arith.select %gt3A_2244, %add3A_2211, %add3A_2206 : vector<16x128xi1>, vector<16x128xf32>
      %jit3A_2246 = arith.constant 3 : i32
      %jit3A_2247 = arith.constant 2 : i32
      %broadcast_in_dim3A_2248 = vector.broadcast %jit3A_2246 : i32 to vector<16x128xi32>
      %broadcast_in_dim3A_2249 = vector.broadcast %jit3A_2247 : i32 to vector<16x128xi32>
      %select_n3A_2250 = arith.select %gt3A_2244, %broadcast_in_dim3A_2248, %broadcast_in_dim3A_2249 : vector<16x128xi1>, vector<16x128xi32>
      %gt3A_2251 = arith.cmpf ogt, %add3A_2221, %add3A_2216 : vector<16x128xf32>
      %select_n3A_2252 = arith.select %gt3A_2251, %add3A_2221, %add3A_2216 : vector<16x128xi1>, vector<16x128xf32>
      %jit3A_2253 = arith.constant 5 : i32
      %jit3A_2254 = arith.constant 4 : i32
      %broadcast_in_dim3A_2255 = vector.broadcast %jit3A_2253 : i32 to vector<16x128xi32>
      %broadcast_in_dim3A_2256 = vector.broadcast %jit3A_2254 : i32 to vector<16x128xi32>
      %select_n3A_2257 = arith.select %gt3A_2251, %broadcast_in_dim3A_2255, %broadcast_in_dim3A_2256 : vector<16x128xi1>, vector<16x128xi32>
      %gt3A_2258 = arith.cmpf ogt, %add3A_2231, %add3A_2226 : vector<16x128xf32>
      %select_n3A_2259 = arith.select %gt3A_2258, %add3A_2231, %add3A_2226 : vector<16x128xi1>, vector<16x128xf32>
      %jit3A_2260 = arith.constant 7 : i32
      %jit3A_2261 = arith.constant 6 : i32
      %broadcast_in_dim3A_2262 = vector.broadcast %jit3A_2260 : i32 to vector<16x128xi32>
      %broadcast_in_dim3A_2263 = vector.broadcast %jit3A_2261 : i32 to vector<16x128xi32>
      %select_n3A_2264 = arith.select %gt3A_2258, %broadcast_in_dim3A_2262, %broadcast_in_dim3A_2263 : vector<16x128xi1>, vector<16x128xi32>
      %gt3A_2265 = arith.cmpf ogt, %select_n3A_2245, %select_n3A_2238 : vector<16x128xf32>
      %select_n3A_2266 = arith.select %gt3A_2265, %select_n3A_2245, %select_n3A_2238 : vector<16x128xi1>, vector<16x128xf32>
      %select_n3A_2267 = arith.select %gt3A_2265, %select_n3A_2250, %select_n3A_2243 : vector<16x128xi1>, vector<16x128xi32>
      %gt3A_2268 = arith.cmpf ogt, %select_n3A_2259, %select_n3A_2252 : vector<16x128xf32>
      %select_n3A_2269 = arith.select %gt3A_2268, %select_n3A_2259, %select_n3A_2252 : vector<16x128xi1>, vector<16x128xf32>
      %select_n3A_2270 = arith.select %gt3A_2268, %select_n3A_2264, %select_n3A_2257 : vector<16x128xi1>, vector<16x128xi32>
      %gt3A_2271 = arith.cmpf ogt, %select_n3A_2269, %select_n3A_2266 : vector<16x128xf32>
      %select_n3A_2272 = arith.select %gt3A_2271, %select_n3A_2269, %select_n3A_2266 : vector<16x128xi1>, vector<16x128xf32>
      %select_n3A_2273 = arith.select %gt3A_2271, %select_n3A_2270, %select_n3A_2267 : vector<16x128xi1>, vector<16x128xi32>
      %gt3A_2274 = arith.cmpf ogt, %add3A_2236, %select_n3A_2272 : vector<16x128xf32>
      %select_n3A_2275 = arith.select %gt3A_2274, %add3A_2236, %select_n3A_2272 : vector<16x128xi1>, vector<16x128xf32>
      %jit3A_2276 = arith.constant 8 : i32
      %broadcast_in_dim3A_2277 = vector.broadcast %jit3A_2276 : i32 to vector<16x128xi32>
      %select_n3A_2278 = arith.select %gt3A_2274, %broadcast_in_dim3A_2277, %select_n3A_2273 : vector<16x128xi1>, vector<16x128xi32>
      %swap3A_2279 = arith.constant 1 : index
      %swap3A_2280 = arith.index_cast %scan3A_2034 : i32 to index
      %swap3A_2281 = arith.constant 0 : index
      %swap3A_2282 = arith.constant 0 : index
      %swap3A_2283 = vector.load %arg5[%swap3A_2279, %swap3A_2280, %swap3A_2281, %swap3A_2282] : memref<9x200x16x128xi32, #tpu.memory_space<vmem>>, vector<1x1x16x128xi32>
      %swap3A_2284 = vector.shape_cast %swap3A_2283 : vector<1x1x16x128xi32> to vector<16x128xi32>
      %swap3A_2285 = vector.shape_cast %select_n3A_2278 : vector<16x128xi32> to vector<1x1x16x128xi32>
      tpu.vector_store %arg5[%swap3A_2279, %swap3A_2280, %swap3A_2281, %swap3A_2282], %swap3A_2285 {strides = array<i32>} : memref<9x200x16x128xi32, #tpu.memory_space<vmem>>, vector<1x1x16x128xi32>,
      %add3A_2286 = arith.addf %select_n3A_2275, %bitcast_convert_type3A_2047 : vector<16x128xf32>
      %get3A_2287 = arith.constant 0 : index
      %get3A_2288 = arith.constant 2 : index
      %get3A_2289 = memref.load %arg0[%get3A_2287, %get3A_2288] : memref<9x9xf32, #tpu.memory_space<smem>>
      %add3A_2290 = vector.broadcast %get3A_2289 : f32 to vector<16x128xf32>
      %add3A_2291 = arith.addf %add3A_1272, %add3A_2290 : vector<16x128xf32>
      %get3A_2292 = arith.constant 1 : index
      %get3A_2293 = arith.constant 2 : index
      %get3A_2294 = memref.load %arg0[%get3A_2292, %get3A_2293] : memref<9x9xf32, #tpu.memory_space<smem>>
      %add3A_2295 = vector.broadcast %get3A_2294 : f32 to vector<16x128xf32>
      %add3A_2296 = arith.addf %add3A_1367, %add3A_2295 : vector<16x128xf32>
      %get3A_2297 = arith.constant 2 : index
      %get3A_2298 = arith.constant 2 : index
      %get3A_2299 = memref.load %arg0[%get3A_2297, %get3A_2298] : memref<9x9xf32, #tpu.memory_space<smem>>
      %add3A_2300 = vector.broadcast %get3A_2299 : f32 to vector<16x128xf32>
      %add3A_2301 = arith.addf %add3A_1462, %add3A_2300 : vector<16x128xf32>
      %get3A_2302 = arith.constant 3 : index
      %get3A_2303 = arith.constant 2 : index
      %get3A_2304 = memref.load %arg0[%get3A_2302, %get3A_2303] : memref<9x9xf32, #tpu.memory_space<smem>>
      %add3A_2305 = vector.broadcast %get3A_2304 : f32 to vector<16x128xf32>
      %add3A_2306 = arith.addf %add3A_1557, %add3A_2305 : vector<16x128xf32>
      %get3A_2307 = arith.constant 4 : index
      %get3A_2308 = arith.constant 2 : index
      %get3A_2309 = memref.load %arg0[%get3A_2307, %get3A_2308] : memref<9x9xf32, #tpu.memory_space<smem>>
      %add3A_2310 = vector.broadcast %get3A_2309 : f32 to vector<16x128xf32>
      %add3A_2311 = arith.addf %add3A_1652, %add3A_2310 : vector<16x128xf32>
      %get3A_2312 = arith.constant 5 : index
      %get3A_2313 = arith.constant 2 : index
      %get3A_2314 = memref.load %arg0[%get3A_2312, %get3A_2313] : memref<9x9xf32, #tpu.memory_space<smem>>
      %add3A_2315 = vector.broadcast %get3A_2314 : f32 to vector<16x128xf32>
      %add3A_2316 = arith.addf %add3A_1747, %add3A_2315 : vector<16x128xf32>
      %get3A_2317 = arith.constant 6 : index
      %get3A_2318 = arith.constant 2 : index
      %get3A_2319 = memref.load %arg0[%get3A_2317, %get3A_2318] : memref<9x9xf32, #tpu.memory_space<smem>>
      %add3A_2320 = vector.broadcast %get3A_2319 : f32 to vector<16x128xf32>
      %add3A_2321 = arith.addf %add3A_1842, %add3A_2320 : vector<16x128xf32>
      %get3A_2322 = arith.constant 7 : index
      %get3A_2323 = arith.constant 2 : index
      %get3A_2324 = memref.load %arg0[%get3A_2322, %get3A_2323] : memref<9x9xf32, #tpu.memory_space<smem>>
      %add3A_2325 = vector.broadcast %get3A_2324 : f32 to vector<16x128xf32>
      %add3A_2326 = arith.addf %add3A_1937, %add3A_2325 : vector<16x128xf32>
      %get3A_2327 = arith.constant 8 : index
      %get3A_2328 = arith.constant 2 : index
      %get3A_2329 = memref.load %arg0[%get3A_2327, %get3A_2328] : memref<9x9xf32, #tpu.memory_space<smem>>
      %add3A_2330 = vector.broadcast %get3A_2329 : f32 to vector<16x128xf32>
      %add3A_2331 = arith.addf %add3A_2032, %add3A_2330 : vector<16x128xf32>
      %gt3A_2332 = arith.cmpf ogt, %add3A_2296, %add3A_2291 : vector<16x128xf32>
      %select_n3A_2333 = arith.select %gt3A_2332, %add3A_2296, %add3A_2291 : vector<16x128xi1>, vector<16x128xf32>
      %jit3A_2334 = arith.constant 1 : i32
      %jit3A_2335 = arith.constant 0 : i32
      %broadcast_in_dim3A_2336 = vector.broadcast %jit3A_2334 : i32 to vector<16x128xi32>
      %broadcast_in_dim3A_2337 = vector.broadcast %jit3A_2335 : i32 to vector<16x128xi32>
      %select_n3A_2338 = arith.select %gt3A_2332, %broadcast_in_dim3A_2336, %broadcast_in_dim3A_2337 : vector<16x128xi1>, vector<16x128xi32>
      %gt3A_2339 = arith.cmpf ogt, %add3A_2306, %add3A_2301 : vector<16x128xf32>
      %select_n3A_2340 = arith.select %gt3A_2339, %add3A_2306, %add3A_2301 : vector<16x128xi1>, vector<16x128xf32>
      %jit3A_2341 = arith.constant 3 : i32
      %jit3A_2342 = arith.constant 2 : i32
      %broadcast_in_dim3A_2343 = vector.broadcast %jit3A_2341 : i32 to vector<16x128xi32>
      %broadcast_in_dim3A_2344 = vector.broadcast %jit3A_2342 : i32 to vector<16x128xi32>
      %select_n3A_2345 = arith.select %gt3A_2339, %broadcast_in_dim3A_2343, %broadcast_in_dim3A_2344 : vector<16x128xi1>, vector<16x128xi32>
      %gt3A_2346 = arith.cmpf ogt, %add3A_2316, %add3A_2311 : vector<16x128xf32>
      %select_n3A_2347 = arith.select %gt3A_2346, %add3A_2316, %add3A_2311 : vector<16x128xi1>, vector<16x128xf32>
      %jit3A_2348 = arith.constant 5 : i32
      %jit3A_2349 = arith.constant 4 : i32
      %broadcast_in_dim3A_2350 = vector.broadcast %jit3A_2348 : i32 to vector<16x128xi32>
      %broadcast_in_dim3A_2351 = vector.broadcast %jit3A_2349 : i32 to vector<16x128xi32>
      %select_n3A_2352 = arith.select %gt3A_2346, %broadcast_in_dim3A_2350, %broadcast_in_dim3A_2351 : vector<16x128xi1>, vector<16x128xi32>
      %gt3A_2353 = arith.cmpf ogt, %add3A_2326, %add3A_2321 : vector<16x128xf32>
      %select_n3A_2354 = arith.select %gt3A_2353, %add3A_2326, %add3A_2321 : vector<16x128xi1>, vector<16x128xf32>
      %jit3A_2355 = arith.constant 7 : i32
      %jit3A_2356 = arith.constant 6 : i32
      %broadcast_in_dim3A_2357 = vector.broadcast %jit3A_2355 : i32 to vector<16x128xi32>
      %broadcast_in_dim3A_2358 = vector.broadcast %jit3A_2356 : i32 to vector<16x128xi32>
      %select_n3A_2359 = arith.select %gt3A_2353, %broadcast_in_dim3A_2357, %broadcast_in_dim3A_2358 : vector<16x128xi1>, vector<16x128xi32>
      %gt3A_2360 = arith.cmpf ogt, %select_n3A_2340, %select_n3A_2333 : vector<16x128xf32>
      %select_n3A_2361 = arith.select %gt3A_2360, %select_n3A_2340, %select_n3A_2333 : vector<16x128xi1>, vector<16x128xf32>
      %select_n3A_2362 = arith.select %gt3A_2360, %select_n3A_2345, %select_n3A_2338 : vector<16x128xi1>, vector<16x128xi32>
      %gt3A_2363 = arith.cmpf ogt, %select_n3A_2354, %select_n3A_2347 : vector<16x128xf32>
      %select_n3A_2364 = arith.select %gt3A_2363, %select_n3A_2354, %select_n3A_2347 : vector<16x128xi1>, vector<16x128xf32>
      %select_n3A_2365 = arith.select %gt3A_2363, %select_n3A_2359, %select_n3A_2352 : vector<16x128xi1>, vector<16x128xi32>
      %gt3A_2366 = arith.cmpf ogt, %select_n3A_2364, %select_n3A_2361 : vector<16x128xf32>
      %select_n3A_2367 = arith.select %gt3A_2366, %select_n3A_2364, %select_n3A_2361 : vector<16x128xi1>, vector<16x128xf32>
      %select_n3A_2368 = arith.select %gt3A_2366, %select_n3A_2365, %select_n3A_2362 : vector<16x128xi1>, vector<16x128xi32>
      %gt3A_2369 = arith.cmpf ogt, %add3A_2331, %select_n3A_2367 : vector<16x128xf32>
      %select_n3A_2370 = arith.select %gt3A_2369, %add3A_2331, %select_n3A_2367 : vector<16x128xi1>, vector<16x128xf32>
      %jit3A_2371 = arith.constant 8 : i32
      %broadcast_in_dim3A_2372 = vector.broadcast %jit3A_2371 : i32 to vector<16x128xi32>
      %select_n3A_2373 = arith.select %gt3A_2369, %broadcast_in_dim3A_2372, %select_n3A_2368 : vector<16x128xi1>, vector<16x128xi32>
      %swap3A_2374 = arith.constant 2 : index
      %swap3A_2375 = arith.index_cast %scan3A_2034 : i32 to index
      %swap3A_2376 = arith.constant 0 : index
      %swap3A_2377 = arith.constant 0 : index
      %swap3A_2378 = vector.load %arg5[%swap3A_2374, %swap3A_2375, %swap3A_2376, %swap3A_2377] : memref<9x200x16x128xi32, #tpu.memory_space<vmem>>, vector<1x1x16x128xi32>
      %swap3A_2379 = vector.shape_cast %swap3A_2378 : vector<1x1x16x128xi32> to vector<16x128xi32>
      %swap3A_2380 = vector.shape_cast %select_n3A_2373 : vector<16x128xi32> to vector<1x1x16x128xi32>
      tpu.vector_store %arg5[%swap3A_2374, %swap3A_2375, %swap3A_2376, %swap3A_2377], %swap3A_2380 {strides = array<i32>} : memref<9x200x16x128xi32, #tpu.memory_space<vmem>>, vector<1x1x16x128xi32>,
      %add3A_2381 = arith.addf %select_n3A_2370, %bitcast_convert_type3A_2057 : vector<16x128xf32>
      %get3A_2382 = arith.constant 0 : index
      %get3A_2383 = arith.constant 3 : index
      %get3A_2384 = memref.load %arg0[%get3A_2382, %get3A_2383] : memref<9x9xf32, #tpu.memory_space<smem>>
      %add3A_2385 = vector.broadcast %get3A_2384 : f32 to vector<16x128xf32>
      %add3A_2386 = arith.addf %add3A_1272, %add3A_2385 : vector<16x128xf32>
      %get3A_2387 = arith.constant 1 : index
      %get3A_2388 = arith.constant 3 : index
      %get3A_2389 = memref.load %arg0[%get3A_2387, %get3A_2388] : memref<9x9xf32, #tpu.memory_space<smem>>
      %add3A_2390 = vector.broadcast %get3A_2389 : f32 to vector<16x128xf32>
      %add3A_2391 = arith.addf %add3A_1367, %add3A_2390 : vector<16x128xf32>
      %get3A_2392 = arith.constant 2 : index
      %get3A_2393 = arith.constant 3 : index
      %get3A_2394 = memref.load %arg0[%get3A_2392, %get3A_2393] : memref<9x9xf32, #tpu.memory_space<smem>>
      %add3A_2395 = vector.broadcast %get3A_2394 : f32 to vector<16x128xf32>
      %add3A_2396 = arith.addf %add3A_1462, %add3A_2395 : vector<16x128xf32>
      %get3A_2397 = arith.constant 3 : index
      %get3A_2398 = arith.constant 3 : index
      %get3A_2399 = memref.load %arg0[%get3A_2397, %get3A_2398] : memref<9x9xf32, #tpu.memory_space<smem>>
      %add3A_2400 = vector.broadcast %get3A_2399 : f32 to vector<16x128xf32>
      %add3A_2401 = arith.addf %add3A_1557, %add3A_2400 : vector<16x128xf32>
      %get3A_2402 = arith.constant 4 : index
      %get3A_2403 = arith.constant 3 : index
      %get3A_2404 = memref.load %arg0[%get3A_2402, %get3A_2403] : memref<9x9xf32, #tpu.memory_space<smem>>
      %add3A_2405 = vector.broadcast %get3A_2404 : f32 to vector<16x128xf32>
      %add3A_2406 = arith.addf %add3A_1652, %add3A_2405 : vector<16x128xf32>
      %get3A_2407 = arith.constant 5 : index
      %get3A_2408 = arith.constant 3 : index
      %get3A_2409 = memref.load %arg0[%get3A_2407, %get3A_2408] : memref<9x9xf32, #tpu.memory_space<smem>>
      %add3A_2410 = vector.broadcast %get3A_2409 : f32 to vector<16x128xf32>
      %add3A_2411 = arith.addf %add3A_1747, %add3A_2410 : vector<16x128xf32>
      %get3A_2412 = arith.constant 6 : index
      %get3A_2413 = arith.constant 3 : index
      %get3A_2414 = memref.load %arg0[%get3A_2412, %get3A_2413] : memref<9x9xf32, #tpu.memory_space<smem>>
      %add3A_2415 = vector.broadcast %get3A_2414 : f32 to vector<16x128xf32>
      %add3A_2416 = arith.addf %add3A_1842, %add3A_2415 : vector<16x128xf32>
      %get3A_2417 = arith.constant 7 : index
      %get3A_2418 = arith.constant 3 : index
      %get3A_2419 = memref.load %arg0[%get3A_2417, %get3A_2418] : memref<9x9xf32, #tpu.memory_space<smem>>
      %add3A_2420 = vector.broadcast %get3A_2419 : f32 to vector<16x128xf32>
      %add3A_2421 = arith.addf %add3A_1937, %add3A_2420 : vector<16x128xf32>
      %get3A_2422 = arith.constant 8 : index
      %get3A_2423 = arith.constant 3 : index
      %get3A_2424 = memref.load %arg0[%get3A_2422, %get3A_2423] : memref<9x9xf32, #tpu.memory_space<smem>>
      %add3A_2425 = vector.broadcast %get3A_2424 : f32 to vector<16x128xf32>
      %add3A_2426 = arith.addf %add3A_2032, %add3A_2425 : vector<16x128xf32>
      %gt3A_2427 = arith.cmpf ogt, %add3A_2391, %add3A_2386 : vector<16x128xf32>
      %select_n3A_2428 = arith.select %gt3A_2427, %add3A_2391, %add3A_2386 : vector<16x128xi1>, vector<16x128xf32>
      %jit3A_2429 = arith.constant 1 : i32
      %jit3A_2430 = arith.constant 0 : i32
      %broadcast_in_dim3A_2431 = vector.broadcast %jit3A_2429 : i32 to vector<16x128xi32>
      %broadcast_in_dim3A_2432 = vector.broadcast %jit3A_2430 : i32 to vector<16x128xi32>
      %select_n3A_2433 = arith.select %gt3A_2427, %broadcast_in_dim3A_2431, %broadcast_in_dim3A_2432 : vector<16x128xi1>, vector<16x128xi32>
      %gt3A_2434 = arith.cmpf ogt, %add3A_2401, %add3A_2396 : vector<16x128xf32>
      %select_n3A_2435 = arith.select %gt3A_2434, %add3A_2401, %add3A_2396 : vector<16x128xi1>, vector<16x128xf32>
      %jit3A_2436 = arith.constant 3 : i32
      %jit3A_2437 = arith.constant 2 : i32
      %broadcast_in_dim3A_2438 = vector.broadcast %jit3A_2436 : i32 to vector<16x128xi32>
      %broadcast_in_dim3A_2439 = vector.broadcast %jit3A_2437 : i32 to vector<16x128xi32>
      %select_n3A_2440 = arith.select %gt3A_2434, %broadcast_in_dim3A_2438, %broadcast_in_dim3A_2439 : vector<16x128xi1>, vector<16x128xi32>
      %gt3A_2441 = arith.cmpf ogt, %add3A_2411, %add3A_2406 : vector<16x128xf32>
      %select_n3A_2442 = arith.select %gt3A_2441, %add3A_2411, %add3A_2406 : vector<16x128xi1>, vector<16x128xf32>
      %jit3A_2443 = arith.constant 5 : i32
      %jit3A_2444 = arith.constant 4 : i32
      %broadcast_in_dim3A_2445 = vector.broadcast %jit3A_2443 : i32 to vector<16x128xi32>
      %broadcast_in_dim3A_2446 = vector.broadcast %jit3A_2444 : i32 to vector<16x128xi32>
      %select_n3A_2447 = arith.select %gt3A_2441, %broadcast_in_dim3A_2445, %broadcast_in_dim3A_2446 : vector<16x128xi1>, vector<16x128xi32>
      %gt3A_2448 = arith.cmpf ogt, %add3A_2421, %add3A_2416 : vector<16x128xf32>
      %select_n3A_2449 = arith.select %gt3A_2448, %add3A_2421, %add3A_2416 : vector<16x128xi1>, vector<16x128xf32>
      %jit3A_2450 = arith.constant 7 : i32
      %jit3A_2451 = arith.constant 6 : i32
      %broadcast_in_dim3A_2452 = vector.broadcast %jit3A_2450 : i32 to vector<16x128xi32>
      %broadcast_in_dim3A_2453 = vector.broadcast %jit3A_2451 : i32 to vector<16x128xi32>
      %select_n3A_2454 = arith.select %gt3A_2448, %broadcast_in_dim3A_2452, %broadcast_in_dim3A_2453 : vector<16x128xi1>, vector<16x128xi32>
      %gt3A_2455 = arith.cmpf ogt, %select_n3A_2435, %select_n3A_2428 : vector<16x128xf32>
      %select_n3A_2456 = arith.select %gt3A_2455, %select_n3A_2435, %select_n3A_2428 : vector<16x128xi1>, vector<16x128xf32>
      %select_n3A_2457 = arith.select %gt3A_2455, %select_n3A_2440, %select_n3A_2433 : vector<16x128xi1>, vector<16x128xi32>
      %gt3A_2458 = arith.cmpf ogt, %select_n3A_2449, %select_n3A_2442 : vector<16x128xf32>
      %select_n3A_2459 = arith.select %gt3A_2458, %select_n3A_2449, %select_n3A_2442 : vector<16x128xi1>, vector<16x128xf32>
      %select_n3A_2460 = arith.select %gt3A_2458, %select_n3A_2454, %select_n3A_2447 : vector<16x128xi1>, vector<16x128xi32>
      %gt3A_2461 = arith.cmpf ogt, %select_n3A_2459, %select_n3A_2456 : vector<16x128xf32>
      %select_n3A_2462 = arith.select %gt3A_2461, %select_n3A_2459, %select_n3A_2456 : vector<16x128xi1>, vector<16x128xf32>
      %select_n3A_2463 = arith.select %gt3A_2461, %select_n3A_2460, %select_n3A_2457 : vector<16x128xi1>, vector<16x128xi32>
      %gt3A_2464 = arith.cmpf ogt, %add3A_2426, %select_n3A_2462 : vector<16x128xf32>
      %select_n3A_2465 = arith.select %gt3A_2464, %add3A_2426, %select_n3A_2462 : vector<16x128xi1>, vector<16x128xf32>
      %jit3A_2466 = arith.constant 8 : i32
      %broadcast_in_dim3A_2467 = vector.broadcast %jit3A_2466 : i32 to vector<16x128xi32>
      %select_n3A_2468 = arith.select %gt3A_2464, %broadcast_in_dim3A_2467, %select_n3A_2463 : vector<16x128xi1>, vector<16x128xi32>
      %swap3A_2469 = arith.constant 3 : index
      %swap3A_2470 = arith.index_cast %scan3A_2034 : i32 to index
      %swap3A_2471 = arith.constant 0 : index
      %swap3A_2472 = arith.constant 0 : index
      %swap3A_2473 = vector.load %arg5[%swap3A_2469, %swap3A_2470, %swap3A_2471, %swap3A_2472] : memref<9x200x16x128xi32, #tpu.memory_space<vmem>>, vector<1x1x16x128xi32>
      %swap3A_2474 = vector.shape_cast %swap3A_2473 : vector<1x1x16x128xi32> to vector<16x128xi32>
      %swap3A_2475 = vector.shape_cast %select_n3A_2468 : vector<16x128xi32> to vector<1x1x16x128xi32>
      tpu.vector_store %arg5[%swap3A_2469, %swap3A_2470, %swap3A_2471, %swap3A_2472], %swap3A_2475 {strides = array<i32>} : memref<9x200x16x128xi32, #tpu.memory_space<vmem>>, vector<1x1x16x128xi32>,
      %add3A_2476 = arith.addf %select_n3A_2465, %bitcast_convert_type3A_2060 : vector<16x128xf32>
      %get3A_2477 = arith.constant 0 : index
      %get3A_2478 = arith.constant 4 : index
      %get3A_2479 = memref.load %arg0[%get3A_2477, %get3A_2478] : memref<9x9xf32, #tpu.memory_space<smem>>
      %add3A_2480 = vector.broadcast %get3A_2479 : f32 to vector<16x128xf32>
      %add3A_2481 = arith.addf %add3A_1272, %add3A_2480 : vector<16x128xf32>
      %get3A_2482 = arith.constant 1 : index
      %get3A_2483 = arith.constant 4 : index
      %get3A_2484 = memref.load %arg0[%get3A_2482, %get3A_2483] : memref<9x9xf32, #tpu.memory_space<smem>>
      %add3A_2485 = vector.broadcast %get3A_2484 : f32 to vector<16x128xf32>
      %add3A_2486 = arith.addf %add3A_1367, %add3A_2485 : vector<16x128xf32>
      %get3A_2487 = arith.constant 2 : index
      %get3A_2488 = arith.constant 4 : index
      %get3A_2489 = memref.load %arg0[%get3A_2487, %get3A_2488] : memref<9x9xf32, #tpu.memory_space<smem>>
      %add3A_2490 = vector.broadcast %get3A_2489 : f32 to vector<16x128xf32>
      %add3A_2491 = arith.addf %add3A_1462, %add3A_2490 : vector<16x128xf32>
      %get3A_2492 = arith.constant 3 : index
      %get3A_2493 = arith.constant 4 : index
      %get3A_2494 = memref.load %arg0[%get3A_2492, %get3A_2493] : memref<9x9xf32, #tpu.memory_space<smem>>
      %add3A_2495 = vector.broadcast %get3A_2494 : f32 to vector<16x128xf32>
      %add3A_2496 = arith.addf %add3A_1557, %add3A_2495 : vector<16x128xf32>
      %get3A_2497 = arith.constant 4 : index
      %get3A_2498 = arith.constant 4 : index
      %get3A_2499 = memref.load %arg0[%get3A_2497, %get3A_2498] : memref<9x9xf32, #tpu.memory_space<smem>>
      %add3A_2500 = vector.broadcast %get3A_2499 : f32 to vector<16x128xf32>
      %add3A_2501 = arith.addf %add3A_1652, %add3A_2500 : vector<16x128xf32>
      %get3A_2502 = arith.constant 5 : index
      %get3A_2503 = arith.constant 4 : index
      %get3A_2504 = memref.load %arg0[%get3A_2502, %get3A_2503] : memref<9x9xf32, #tpu.memory_space<smem>>
      %add3A_2505 = vector.broadcast %get3A_2504 : f32 to vector<16x128xf32>
      %add3A_2506 = arith.addf %add3A_1747, %add3A_2505 : vector<16x128xf32>
      %get3A_2507 = arith.constant 6 : index
      %get3A_2508 = arith.constant 4 : index
      %get3A_2509 = memref.load %arg0[%get3A_2507, %get3A_2508] : memref<9x9xf32, #tpu.memory_space<smem>>
      %add3A_2510 = vector.broadcast %get3A_2509 : f32 to vector<16x128xf32>
      %add3A_2511 = arith.addf %add3A_1842, %add3A_2510 : vector<16x128xf32>
      %get3A_2512 = arith.constant 7 : index
      %get3A_2513 = arith.constant 4 : index
      %get3A_2514 = memref.load %arg0[%get3A_2512, %get3A_2513] : memref<9x9xf32, #tpu.memory_space<smem>>
      %add3A_2515 = vector.broadcast %get3A_2514 : f32 to vector<16x128xf32>
      %add3A_2516 = arith.addf %add3A_1937, %add3A_2515 : vector<16x128xf32>
      %get3A_2517 = arith.constant 8 : index
      %get3A_2518 = arith.constant 4 : index
      %get3A_2519 = memref.load %arg0[%get3A_2517, %get3A_2518] : memref<9x9xf32, #tpu.memory_space<smem>>
      %add3A_2520 = vector.broadcast %get3A_2519 : f32 to vector<16x128xf32>
      %add3A_2521 = arith.addf %add3A_2032, %add3A_2520 : vector<16x128xf32>
      %gt3A_2522 = arith.cmpf ogt, %add3A_2486, %add3A_2481 : vector<16x128xf32>
      %select_n3A_2523 = arith.select %gt3A_2522, %add3A_2486, %add3A_2481 : vector<16x128xi1>, vector<16x128xf32>
      %jit3A_2524 = arith.constant 1 : i32
      %jit3A_2525 = arith.constant 0 : i32
      %broadcast_in_dim3A_2526 = vector.broadcast %jit3A_2524 : i32 to vector<16x128xi32>
      %broadcast_in_dim3A_2527 = vector.broadcast %jit3A_2525 : i32 to vector<16x128xi32>
      %select_n3A_2528 = arith.select %gt3A_2522, %broadcast_in_dim3A_2526, %broadcast_in_dim3A_2527 : vector<16x128xi1>, vector<16x128xi32>
      %gt3A_2529 = arith.cmpf ogt, %add3A_2496, %add3A_2491 : vector<16x128xf32>
      %select_n3A_2530 = arith.select %gt3A_2529, %add3A_2496, %add3A_2491 : vector<16x128xi1>, vector<16x128xf32>
      %jit3A_2531 = arith.constant 3 : i32
      %jit3A_2532 = arith.constant 2 : i32
      %broadcast_in_dim3A_2533 = vector.broadcast %jit3A_2531 : i32 to vector<16x128xi32>
      %broadcast_in_dim3A_2534 = vector.broadcast %jit3A_2532 : i32 to vector<16x128xi32>
      %select_n3A_2535 = arith.select %gt3A_2529, %broadcast_in_dim3A_2533, %broadcast_in_dim3A_2534 : vector<16x128xi1>, vector<16x128xi32>
      %gt3A_2536 = arith.cmpf ogt, %add3A_2506, %add3A_2501 : vector<16x128xf32>
      %select_n3A_2537 = arith.select %gt3A_2536, %add3A_2506, %add3A_2501 : vector<16x128xi1>, vector<16x128xf32>
      %jit3A_2538 = arith.constant 5 : i32
      %jit3A_2539 = arith.constant 4 : i32
      %broadcast_in_dim3A_2540 = vector.broadcast %jit3A_2538 : i32 to vector<16x128xi32>
      %broadcast_in_dim3A_2541 = vector.broadcast %jit3A_2539 : i32 to vector<16x128xi32>
      %select_n3A_2542 = arith.select %gt3A_2536, %broadcast_in_dim3A_2540, %broadcast_in_dim3A_2541 : vector<16x128xi1>, vector<16x128xi32>
      %gt3A_2543 = arith.cmpf ogt, %add3A_2516, %add3A_2511 : vector<16x128xf32>
      %select_n3A_2544 = arith.select %gt3A_2543, %add3A_2516, %add3A_2511 : vector<16x128xi1>, vector<16x128xf32>
      %jit3A_2545 = arith.constant 7 : i32
      %jit3A_2546 = arith.constant 6 : i32
      %broadcast_in_dim3A_2547 = vector.broadcast %jit3A_2545 : i32 to vector<16x128xi32>
      %broadcast_in_dim3A_2548 = vector.broadcast %jit3A_2546 : i32 to vector<16x128xi32>
      %select_n3A_2549 = arith.select %gt3A_2543, %broadcast_in_dim3A_2547, %broadcast_in_dim3A_2548 : vector<16x128xi1>, vector<16x128xi32>
      %gt3A_2550 = arith.cmpf ogt, %select_n3A_2530, %select_n3A_2523 : vector<16x128xf32>
      %select_n3A_2551 = arith.select %gt3A_2550, %select_n3A_2530, %select_n3A_2523 : vector<16x128xi1>, vector<16x128xf32>
      %select_n3A_2552 = arith.select %gt3A_2550, %select_n3A_2535, %select_n3A_2528 : vector<16x128xi1>, vector<16x128xi32>
      %gt3A_2553 = arith.cmpf ogt, %select_n3A_2544, %select_n3A_2537 : vector<16x128xf32>
      %select_n3A_2554 = arith.select %gt3A_2553, %select_n3A_2544, %select_n3A_2537 : vector<16x128xi1>, vector<16x128xf32>
      %select_n3A_2555 = arith.select %gt3A_2553, %select_n3A_2549, %select_n3A_2542 : vector<16x128xi1>, vector<16x128xi32>
      %gt3A_2556 = arith.cmpf ogt, %select_n3A_2554, %select_n3A_2551 : vector<16x128xf32>
      %select_n3A_2557 = arith.select %gt3A_2556, %select_n3A_2554, %select_n3A_2551 : vector<16x128xi1>, vector<16x128xf32>
      %select_n3A_2558 = arith.select %gt3A_2556, %select_n3A_2555, %select_n3A_2552 : vector<16x128xi1>, vector<16x128xi32>
      %gt3A_2559 = arith.cmpf ogt, %add3A_2521, %select_n3A_2557 : vector<16x128xf32>
      %select_n3A_2560 = arith.select %gt3A_2559, %add3A_2521, %select_n3A_2557 : vector<16x128xi1>, vector<16x128xf32>
      %jit3A_2561 = arith.constant 8 : i32
      %broadcast_in_dim3A_2562 = vector.broadcast %jit3A_2561 : i32 to vector<16x128xi32>
      %select_n3A_2563 = arith.select %gt3A_2559, %broadcast_in_dim3A_2562, %select_n3A_2558 : vector<16x128xi1>, vector<16x128xi32>
      %swap3A_2564 = arith.constant 4 : index
      %swap3A_2565 = arith.index_cast %scan3A_2034 : i32 to index
      %swap3A_2566 = arith.constant 0 : index
      %swap3A_2567 = arith.constant 0 : index
      %swap3A_2568 = vector.load %arg5[%swap3A_2564, %swap3A_2565, %swap3A_2566, %swap3A_2567] : memref<9x200x16x128xi32, #tpu.memory_space<vmem>>, vector<1x1x16x128xi32>
      %swap3A_2569 = vector.shape_cast %swap3A_2568 : vector<1x1x16x128xi32> to vector<16x128xi32>
      %swap3A_2570 = vector.shape_cast %select_n3A_2563 : vector<16x128xi32> to vector<1x1x16x128xi32>
      tpu.vector_store %arg5[%swap3A_2564, %swap3A_2565, %swap3A_2566, %swap3A_2567], %swap3A_2570 {strides = array<i32>} : memref<9x200x16x128xi32, #tpu.memory_space<vmem>>, vector<1x1x16x128xi32>,
      %add3A_2571 = arith.addf %select_n3A_2560, %bitcast_convert_type3A_2070 : vector<16x128xf32>
      %get3A_2572 = arith.constant 0 : index
      %get3A_2573 = arith.constant 5 : index
      %get3A_2574 = memref.load %arg0[%get3A_2572, %get3A_2573] : memref<9x9xf32, #tpu.memory_space<smem>>
      %add3A_2575 = vector.broadcast %get3A_2574 : f32 to vector<16x128xf32>
      %add3A_2576 = arith.addf %add3A_1272, %add3A_2575 : vector<16x128xf32>
      %get3A_2577 = arith.constant 1 : index
      %get3A_2578 = arith.constant 5 : index
      %get3A_2579 = memref.load %arg0[%get3A_2577, %get3A_2578] : memref<9x9xf32, #tpu.memory_space<smem>>
      %add3A_2580 = vector.broadcast %get3A_2579 : f32 to vector<16x128xf32>
      %add3A_2581 = arith.addf %add3A_1367, %add3A_2580 : vector<16x128xf32>
      %get3A_2582 = arith.constant 2 : index
      %get3A_2583 = arith.constant 5 : index
      %get3A_2584 = memref.load %arg0[%get3A_2582, %get3A_2583] : memref<9x9xf32, #tpu.memory_space<smem>>
      %add3A_2585 = vector.broadcast %get3A_2584 : f32 to vector<16x128xf32>
      %add3A_2586 = arith.addf %add3A_1462, %add3A_2585 : vector<16x128xf32>
      %get3A_2587 = arith.constant 3 : index
      %get3A_2588 = arith.constant 5 : index
      %get3A_2589 = memref.load %arg0[%get3A_2587, %get3A_2588] : memref<9x9xf32, #tpu.memory_space<smem>>
      %add3A_2590 = vector.broadcast %get3A_2589 : f32 to vector<16x128xf32>
      %add3A_2591 = arith.addf %add3A_1557, %add3A_2590 : vector<16x128xf32>
      %get3A_2592 = arith.constant 4 : index
      %get3A_2593 = arith.constant 5 : index
      %get3A_2594 = memref.load %arg0[%get3A_2592, %get3A_2593] : memref<9x9xf32, #tpu.memory_space<smem>>
      %add3A_2595 = vector.broadcast %get3A_2594 : f32 to vector<16x128xf32>
      %add3A_2596 = arith.addf %add3A_1652, %add3A_2595 : vector<16x128xf32>
      %get3A_2597 = arith.constant 5 : index
      %get3A_2598 = arith.constant 5 : index
      %get3A_2599 = memref.load %arg0[%get3A_2597, %get3A_2598] : memref<9x9xf32, #tpu.memory_space<smem>>
      %add3A_2600 = vector.broadcast %get3A_2599 : f32 to vector<16x128xf32>
      %add3A_2601 = arith.addf %add3A_1747, %add3A_2600 : vector<16x128xf32>
      %get3A_2602 = arith.constant 6 : index
      %get3A_2603 = arith.constant 5 : index
      %get3A_2604 = memref.load %arg0[%get3A_2602, %get3A_2603] : memref<9x9xf32, #tpu.memory_space<smem>>
      %add3A_2605 = vector.broadcast %get3A_2604 : f32 to vector<16x128xf32>
      %add3A_2606 = arith.addf %add3A_1842, %add3A_2605 : vector<16x128xf32>
      %get3A_2607 = arith.constant 7 : index
      %get3A_2608 = arith.constant 5 : index
      %get3A_2609 = memref.load %arg0[%get3A_2607, %get3A_2608] : memref<9x9xf32, #tpu.memory_space<smem>>
      %add3A_2610 = vector.broadcast %get3A_2609 : f32 to vector<16x128xf32>
      %add3A_2611 = arith.addf %add3A_1937, %add3A_2610 : vector<16x128xf32>
      %get3A_2612 = arith.constant 8 : index
      %get3A_2613 = arith.constant 5 : index
      %get3A_2614 = memref.load %arg0[%get3A_2612, %get3A_2613] : memref<9x9xf32, #tpu.memory_space<smem>>
      %add3A_2615 = vector.broadcast %get3A_2614 : f32 to vector<16x128xf32>
      %add3A_2616 = arith.addf %add3A_2032, %add3A_2615 : vector<16x128xf32>
      %gt3A_2617 = arith.cmpf ogt, %add3A_2581, %add3A_2576 : vector<16x128xf32>
      %select_n3A_2618 = arith.select %gt3A_2617, %add3A_2581, %add3A_2576 : vector<16x128xi1>, vector<16x128xf32>
      %jit3A_2619 = arith.constant 1 : i32
      %jit3A_2620 = arith.constant 0 : i32
      %broadcast_in_dim3A_2621 = vector.broadcast %jit3A_2619 : i32 to vector<16x128xi32>
      %broadcast_in_dim3A_2622 = vector.broadcast %jit3A_2620 : i32 to vector<16x128xi32>
      %select_n3A_2623 = arith.select %gt3A_2617, %broadcast_in_dim3A_2621, %broadcast_in_dim3A_2622 : vector<16x128xi1>, vector<16x128xi32>
      %gt3A_2624 = arith.cmpf ogt, %add3A_2591, %add3A_2586 : vector<16x128xf32>
      %select_n3A_2625 = arith.select %gt3A_2624, %add3A_2591, %add3A_2586 : vector<16x128xi1>, vector<16x128xf32>
      %jit3A_2626 = arith.constant 3 : i32
      %jit3A_2627 = arith.constant 2 : i32
      %broadcast_in_dim3A_2628 = vector.broadcast %jit3A_2626 : i32 to vector<16x128xi32>
      %broadcast_in_dim3A_2629 = vector.broadcast %jit3A_2627 : i32 to vector<16x128xi32>
      %select_n3A_2630 = arith.select %gt3A_2624, %broadcast_in_dim3A_2628, %broadcast_in_dim3A_2629 : vector<16x128xi1>, vector<16x128xi32>
      %gt3A_2631 = arith.cmpf ogt, %add3A_2601, %add3A_2596 : vector<16x128xf32>
      %select_n3A_2632 = arith.select %gt3A_2631, %add3A_2601, %add3A_2596 : vector<16x128xi1>, vector<16x128xf32>
      %jit3A_2633 = arith.constant 5 : i32
      %jit3A_2634 = arith.constant 4 : i32
      %broadcast_in_dim3A_2635 = vector.broadcast %jit3A_2633 : i32 to vector<16x128xi32>
      %broadcast_in_dim3A_2636 = vector.broadcast %jit3A_2634 : i32 to vector<16x128xi32>
      %select_n3A_2637 = arith.select %gt3A_2631, %broadcast_in_dim3A_2635, %broadcast_in_dim3A_2636 : vector<16x128xi1>, vector<16x128xi32>
      %gt3A_2638 = arith.cmpf ogt, %add3A_2611, %add3A_2606 : vector<16x128xf32>
      %select_n3A_2639 = arith.select %gt3A_2638, %add3A_2611, %add3A_2606 : vector<16x128xi1>, vector<16x128xf32>
      %jit3A_2640 = arith.constant 7 : i32
      %jit3A_2641 = arith.constant 6 : i32
      %broadcast_in_dim3A_2642 = vector.broadcast %jit3A_2640 : i32 to vector<16x128xi32>
      %broadcast_in_dim3A_2643 = vector.broadcast %jit3A_2641 : i32 to vector<16x128xi32>
      %select_n3A_2644 = arith.select %gt3A_2638, %broadcast_in_dim3A_2642, %broadcast_in_dim3A_2643 : vector<16x128xi1>, vector<16x128xi32>
      %gt3A_2645 = arith.cmpf ogt, %select_n3A_2625, %select_n3A_2618 : vector<16x128xf32>
      %select_n3A_2646 = arith.select %gt3A_2645, %select_n3A_2625, %select_n3A_2618 : vector<16x128xi1>, vector<16x128xf32>
      %select_n3A_2647 = arith.select %gt3A_2645, %select_n3A_2630, %select_n3A_2623 : vector<16x128xi1>, vector<16x128xi32>
      %gt3A_2648 = arith.cmpf ogt, %select_n3A_2639, %select_n3A_2632 : vector<16x128xf32>
      %select_n3A_2649 = arith.select %gt3A_2648, %select_n3A_2639, %select_n3A_2632 : vector<16x128xi1>, vector<16x128xf32>
      %select_n3A_2650 = arith.select %gt3A_2648, %select_n3A_2644, %select_n3A_2637 : vector<16x128xi1>, vector<16x128xi32>
      %gt3A_2651 = arith.cmpf ogt, %select_n3A_2649, %select_n3A_2646 : vector<16x128xf32>
      %select_n3A_2652 = arith.select %gt3A_2651, %select_n3A_2649, %select_n3A_2646 : vector<16x128xi1>, vector<16x128xf32>
      %select_n3A_2653 = arith.select %gt3A_2651, %select_n3A_2650, %select_n3A_2647 : vector<16x128xi1>, vector<16x128xi32>
      %gt3A_2654 = arith.cmpf ogt, %add3A_2616, %select_n3A_2652 : vector<16x128xf32>
      %select_n3A_2655 = arith.select %gt3A_2654, %add3A_2616, %select_n3A_2652 : vector<16x128xi1>, vector<16x128xf32>
      %jit3A_2656 = arith.constant 8 : i32
      %broadcast_in_dim3A_2657 = vector.broadcast %jit3A_2656 : i32 to vector<16x128xi32>
      %select_n3A_2658 = arith.select %gt3A_2654, %broadcast_in_dim3A_2657, %select_n3A_2653 : vector<16x128xi1>, vector<16x128xi32>
      %swap3A_2659 = arith.constant 5 : index
      %swap3A_2660 = arith.index_cast %scan3A_2034 : i32 to index
      %swap3A_2661 = arith.constant 0 : index
      %swap3A_2662 = arith.constant 0 : index
      %swap3A_2663 = vector.load %arg5[%swap3A_2659, %swap3A_2660, %swap3A_2661, %swap3A_2662] : memref<9x200x16x128xi32, #tpu.memory_space<vmem>>, vector<1x1x16x128xi32>
      %swap3A_2664 = vector.shape_cast %swap3A_2663 : vector<1x1x16x128xi32> to vector<16x128xi32>
      %swap3A_2665 = vector.shape_cast %select_n3A_2658 : vector<16x128xi32> to vector<1x1x16x128xi32>
      tpu.vector_store %arg5[%swap3A_2659, %swap3A_2660, %swap3A_2661, %swap3A_2662], %swap3A_2665 {strides = array<i32>} : memref<9x200x16x128xi32, #tpu.memory_space<vmem>>, vector<1x1x16x128xi32>,
      %add3A_2666 = arith.addf %select_n3A_2655, %bitcast_convert_type3A_2073 : vector<16x128xf32>
      %get3A_2667 = arith.constant 0 : index
      %get3A_2668 = arith.constant 6 : index
      %get3A_2669 = memref.load %arg0[%get3A_2667, %get3A_2668] : memref<9x9xf32, #tpu.memory_space<smem>>
      %add3A_2670 = vector.broadcast %get3A_2669 : f32 to vector<16x128xf32>
      %add3A_2671 = arith.addf %add3A_1272, %add3A_2670 : vector<16x128xf32>
      %get3A_2672 = arith.constant 1 : index
      %get3A_2673 = arith.constant 6 : index
      %get3A_2674 = memref.load %arg0[%get3A_2672, %get3A_2673] : memref<9x9xf32, #tpu.memory_space<smem>>
      %add3A_2675 = vector.broadcast %get3A_2674 : f32 to vector<16x128xf32>
      %add3A_2676 = arith.addf %add3A_1367, %add3A_2675 : vector<16x128xf32>
      %get3A_2677 = arith.constant 2 : index
      %get3A_2678 = arith.constant 6 : index
      %get3A_2679 = memref.load %arg0[%get3A_2677, %get3A_2678] : memref<9x9xf32, #tpu.memory_space<smem>>
      %add3A_2680 = vector.broadcast %get3A_2679 : f32 to vector<16x128xf32>
      %add3A_2681 = arith.addf %add3A_1462, %add3A_2680 : vector<16x128xf32>
      %get3A_2682 = arith.constant 3 : index
      %get3A_2683 = arith.constant 6 : index
      %get3A_2684 = memref.load %arg0[%get3A_2682, %get3A_2683] : memref<9x9xf32, #tpu.memory_space<smem>>
      %add3A_2685 = vector.broadcast %get3A_2684 : f32 to vector<16x128xf32>
      %add3A_2686 = arith.addf %add3A_1557, %add3A_2685 : vector<16x128xf32>
      %get3A_2687 = arith.constant 4 : index
      %get3A_2688 = arith.constant 6 : index
      %get3A_2689 = memref.load %arg0[%get3A_2687, %get3A_2688] : memref<9x9xf32, #tpu.memory_space<smem>>
      %add3A_2690 = vector.broadcast %get3A_2689 : f32 to vector<16x128xf32>
      %add3A_2691 = arith.addf %add3A_1652, %add3A_2690 : vector<16x128xf32>
      %get3A_2692 = arith.constant 5 : index
      %get3A_2693 = arith.constant 6 : index
      %get3A_2694 = memref.load %arg0[%get3A_2692, %get3A_2693] : memref<9x9xf32, #tpu.memory_space<smem>>
      %add3A_2695 = vector.broadcast %get3A_2694 : f32 to vector<16x128xf32>
      %add3A_2696 = arith.addf %add3A_1747, %add3A_2695 : vector<16x128xf32>
      %get3A_2697 = arith.constant 6 : index
      %get3A_2698 = arith.constant 6 : index
      %get3A_2699 = memref.load %arg0[%get3A_2697, %get3A_2698] : memref<9x9xf32, #tpu.memory_space<smem>>
      %add3A_2700 = vector.broadcast %get3A_2699 : f32 to vector<16x128xf32>
      %add3A_2701 = arith.addf %add3A_1842, %add3A_2700 : vector<16x128xf32>
      %get3A_2702 = arith.constant 7 : index
      %get3A_2703 = arith.constant 6 : index
      %get3A_2704 = memref.load %arg0[%get3A_2702, %get3A_2703] : memref<9x9xf32, #tpu.memory_space<smem>>
      %add3A_2705 = vector.broadcast %get3A_2704 : f32 to vector<16x128xf32>
      %add3A_2706 = arith.addf %add3A_1937, %add3A_2705 : vector<16x128xf32>
      %get3A_2707 = arith.constant 8 : index
      %get3A_2708 = arith.constant 6 : index
      %get3A_2709 = memref.load %arg0[%get3A_2707, %get3A_2708] : memref<9x9xf32, #tpu.memory_space<smem>>
      %add3A_2710 = vector.broadcast %get3A_2709 : f32 to vector<16x128xf32>
      %add3A_2711 = arith.addf %add3A_2032, %add3A_2710 : vector<16x128xf32>
      %gt3A_2712 = arith.cmpf ogt, %add3A_2676, %add3A_2671 : vector<16x128xf32>
      %select_n3A_2713 = arith.select %gt3A_2712, %add3A_2676, %add3A_2671 : vector<16x128xi1>, vector<16x128xf32>
      %jit3A_2714 = arith.constant 1 : i32
      %jit3A_2715 = arith.constant 0 : i32
      %broadcast_in_dim3A_2716 = vector.broadcast %jit3A_2714 : i32 to vector<16x128xi32>
      %broadcast_in_dim3A_2717 = vector.broadcast %jit3A_2715 : i32 to vector<16x128xi32>
      %select_n3A_2718 = arith.select %gt3A_2712, %broadcast_in_dim3A_2716, %broadcast_in_dim3A_2717 : vector<16x128xi1>, vector<16x128xi32>
      %gt3A_2719 = arith.cmpf ogt, %add3A_2686, %add3A_2681 : vector<16x128xf32>
      %select_n3A_2720 = arith.select %gt3A_2719, %add3A_2686, %add3A_2681 : vector<16x128xi1>, vector<16x128xf32>
      %jit3A_2721 = arith.constant 3 : i32
      %jit3A_2722 = arith.constant 2 : i32
      %broadcast_in_dim3A_2723 = vector.broadcast %jit3A_2721 : i32 to vector<16x128xi32>
      %broadcast_in_dim3A_2724 = vector.broadcast %jit3A_2722 : i32 to vector<16x128xi32>
      %select_n3A_2725 = arith.select %gt3A_2719, %broadcast_in_dim3A_2723, %broadcast_in_dim3A_2724 : vector<16x128xi1>, vector<16x128xi32>
      %gt3A_2726 = arith.cmpf ogt, %add3A_2696, %add3A_2691 : vector<16x128xf32>
      %select_n3A_2727 = arith.select %gt3A_2726, %add3A_2696, %add3A_2691 : vector<16x128xi1>, vector<16x128xf32>
      %jit3A_2728 = arith.constant 5 : i32
      %jit3A_2729 = arith.constant 4 : i32
      %broadcast_in_dim3A_2730 = vector.broadcast %jit3A_2728 : i32 to vector<16x128xi32>
      %broadcast_in_dim3A_2731 = vector.broadcast %jit3A_2729 : i32 to vector<16x128xi32>
      %select_n3A_2732 = arith.select %gt3A_2726, %broadcast_in_dim3A_2730, %broadcast_in_dim3A_2731 : vector<16x128xi1>, vector<16x128xi32>
      %gt3A_2733 = arith.cmpf ogt, %add3A_2706, %add3A_2701 : vector<16x128xf32>
      %select_n3A_2734 = arith.select %gt3A_2733, %add3A_2706, %add3A_2701 : vector<16x128xi1>, vector<16x128xf32>
      %jit3A_2735 = arith.constant 7 : i32
      %jit3A_2736 = arith.constant 6 : i32
      %broadcast_in_dim3A_2737 = vector.broadcast %jit3A_2735 : i32 to vector<16x128xi32>
      %broadcast_in_dim3A_2738 = vector.broadcast %jit3A_2736 : i32 to vector<16x128xi32>
      %select_n3A_2739 = arith.select %gt3A_2733, %broadcast_in_dim3A_2737, %broadcast_in_dim3A_2738 : vector<16x128xi1>, vector<16x128xi32>
      %gt3A_2740 = arith.cmpf ogt, %select_n3A_2720, %select_n3A_2713 : vector<16x128xf32>
      %select_n3A_2741 = arith.select %gt3A_2740, %select_n3A_2720, %select_n3A_2713 : vector<16x128xi1>, vector<16x128xf32>
      %select_n3A_2742 = arith.select %gt3A_2740, %select_n3A_2725, %select_n3A_2718 : vector<16x128xi1>, vector<16x128xi32>
      %gt3A_2743 = arith.cmpf ogt, %select_n3A_2734, %select_n3A_2727 : vector<16x128xf32>
      %select_n3A_2744 = arith.select %gt3A_2743, %select_n3A_2734, %select_n3A_2727 : vector<16x128xi1>, vector<16x128xf32>
      %select_n3A_2745 = arith.select %gt3A_2743, %select_n3A_2739, %select_n3A_2732 : vector<16x128xi1>, vector<16x128xi32>
      %gt3A_2746 = arith.cmpf ogt, %select_n3A_2744, %select_n3A_2741 : vector<16x128xf32>
      %select_n3A_2747 = arith.select %gt3A_2746, %select_n3A_2744, %select_n3A_2741 : vector<16x128xi1>, vector<16x128xf32>
      %select_n3A_2748 = arith.select %gt3A_2746, %select_n3A_2745, %select_n3A_2742 : vector<16x128xi1>, vector<16x128xi32>
      %gt3A_2749 = arith.cmpf ogt, %add3A_2711, %select_n3A_2747 : vector<16x128xf32>
      %select_n3A_2750 = arith.select %gt3A_2749, %add3A_2711, %select_n3A_2747 : vector<16x128xi1>, vector<16x128xf32>
      %jit3A_2751 = arith.constant 8 : i32
      %broadcast_in_dim3A_2752 = vector.broadcast %jit3A_2751 : i32 to vector<16x128xi32>
      %select_n3A_2753 = arith.select %gt3A_2749, %broadcast_in_dim3A_2752, %select_n3A_2748 : vector<16x128xi1>, vector<16x128xi32>
      %swap3A_2754 = arith.constant 6 : index
      %swap3A_2755 = arith.index_cast %scan3A_2034 : i32 to index
      %swap3A_2756 = arith.constant 0 : index
      %swap3A_2757 = arith.constant 0 : index
      %swap3A_2758 = vector.load %arg5[%swap3A_2754, %swap3A_2755, %swap3A_2756, %swap3A_2757] : memref<9x200x16x128xi32, #tpu.memory_space<vmem>>, vector<1x1x16x128xi32>
      %swap3A_2759 = vector.shape_cast %swap3A_2758 : vector<1x1x16x128xi32> to vector<16x128xi32>
      %swap3A_2760 = vector.shape_cast %select_n3A_2753 : vector<16x128xi32> to vector<1x1x16x128xi32>
      tpu.vector_store %arg5[%swap3A_2754, %swap3A_2755, %swap3A_2756, %swap3A_2757], %swap3A_2760 {strides = array<i32>} : memref<9x200x16x128xi32, #tpu.memory_space<vmem>>, vector<1x1x16x128xi32>,
      %add3A_2761 = arith.addf %select_n3A_2750, %bitcast_convert_type3A_2083 : vector<16x128xf32>
      %get3A_2762 = arith.constant 0 : index
      %get3A_2763 = arith.constant 7 : index
      %get3A_2764 = memref.load %arg0[%get3A_2762, %get3A_2763] : memref<9x9xf32, #tpu.memory_space<smem>>
      %add3A_2765 = vector.broadcast %get3A_2764 : f32 to vector<16x128xf32>
      %add3A_2766 = arith.addf %add3A_1272, %add3A_2765 : vector<16x128xf32>
      %get3A_2767 = arith.constant 1 : index
      %get3A_2768 = arith.constant 7 : index
      %get3A_2769 = memref.load %arg0[%get3A_2767, %get3A_2768] : memref<9x9xf32, #tpu.memory_space<smem>>
      %add3A_2770 = vector.broadcast %get3A_2769 : f32 to vector<16x128xf32>
      %add3A_2771 = arith.addf %add3A_1367, %add3A_2770 : vector<16x128xf32>
      %get3A_2772 = arith.constant 2 : index
      %get3A_2773 = arith.constant 7 : index
      %get3A_2774 = memref.load %arg0[%get3A_2772, %get3A_2773] : memref<9x9xf32, #tpu.memory_space<smem>>
      %add3A_2775 = vector.broadcast %get3A_2774 : f32 to vector<16x128xf32>
      %add3A_2776 = arith.addf %add3A_1462, %add3A_2775 : vector<16x128xf32>
      %get3A_2777 = arith.constant 3 : index
      %get3A_2778 = arith.constant 7 : index
      %get3A_2779 = memref.load %arg0[%get3A_2777, %get3A_2778] : memref<9x9xf32, #tpu.memory_space<smem>>
      %add3A_2780 = vector.broadcast %get3A_2779 : f32 to vector<16x128xf32>
      %add3A_2781 = arith.addf %add3A_1557, %add3A_2780 : vector<16x128xf32>
      %get3A_2782 = arith.constant 4 : index
      %get3A_2783 = arith.constant 7 : index
      %get3A_2784 = memref.load %arg0[%get3A_2782, %get3A_2783] : memref<9x9xf32, #tpu.memory_space<smem>>
      %add3A_2785 = vector.broadcast %get3A_2784 : f32 to vector<16x128xf32>
      %add3A_2786 = arith.addf %add3A_1652, %add3A_2785 : vector<16x128xf32>
      %get3A_2787 = arith.constant 5 : index
      %get3A_2788 = arith.constant 7 : index
      %get3A_2789 = memref.load %arg0[%get3A_2787, %get3A_2788] : memref<9x9xf32, #tpu.memory_space<smem>>
      %add3A_2790 = vector.broadcast %get3A_2789 : f32 to vector<16x128xf32>
      %add3A_2791 = arith.addf %add3A_1747, %add3A_2790 : vector<16x128xf32>
      %get3A_2792 = arith.constant 6 : index
      %get3A_2793 = arith.constant 7 : index
      %get3A_2794 = memref.load %arg0[%get3A_2792, %get3A_2793] : memref<9x9xf32, #tpu.memory_space<smem>>
      %add3A_2795 = vector.broadcast %get3A_2794 : f32 to vector<16x128xf32>
      %add3A_2796 = arith.addf %add3A_1842, %add3A_2795 : vector<16x128xf32>
      %get3A_2797 = arith.constant 7 : index
      %get3A_2798 = arith.constant 7 : index
      %get3A_2799 = memref.load %arg0[%get3A_2797, %get3A_2798] : memref<9x9xf32, #tpu.memory_space<smem>>
      %add3A_2800 = vector.broadcast %get3A_2799 : f32 to vector<16x128xf32>
      %add3A_2801 = arith.addf %add3A_1937, %add3A_2800 : vector<16x128xf32>
      %get3A_2802 = arith.constant 8 : index
      %get3A_2803 = arith.constant 7 : index
      %get3A_2804 = memref.load %arg0[%get3A_2802, %get3A_2803] : memref<9x9xf32, #tpu.memory_space<smem>>
      %add3A_2805 = vector.broadcast %get3A_2804 : f32 to vector<16x128xf32>
      %add3A_2806 = arith.addf %add3A_2032, %add3A_2805 : vector<16x128xf32>
      %gt3A_2807 = arith.cmpf ogt, %add3A_2771, %add3A_2766 : vector<16x128xf32>
      %select_n3A_2808 = arith.select %gt3A_2807, %add3A_2771, %add3A_2766 : vector<16x128xi1>, vector<16x128xf32>
      %jit3A_2809 = arith.constant 1 : i32
      %jit3A_2810 = arith.constant 0 : i32
      %broadcast_in_dim3A_2811 = vector.broadcast %jit3A_2809 : i32 to vector<16x128xi32>
      %broadcast_in_dim3A_2812 = vector.broadcast %jit3A_2810 : i32 to vector<16x128xi32>
      %select_n3A_2813 = arith.select %gt3A_2807, %broadcast_in_dim3A_2811, %broadcast_in_dim3A_2812 : vector<16x128xi1>, vector<16x128xi32>
      %gt3A_2814 = arith.cmpf ogt, %add3A_2781, %add3A_2776 : vector<16x128xf32>
      %select_n3A_2815 = arith.select %gt3A_2814, %add3A_2781, %add3A_2776 : vector<16x128xi1>, vector<16x128xf32>
      %jit3A_2816 = arith.constant 3 : i32
      %jit3A_2817 = arith.constant 2 : i32
      %broadcast_in_dim3A_2818 = vector.broadcast %jit3A_2816 : i32 to vector<16x128xi32>
      %broadcast_in_dim3A_2819 = vector.broadcast %jit3A_2817 : i32 to vector<16x128xi32>
      %select_n3A_2820 = arith.select %gt3A_2814, %broadcast_in_dim3A_2818, %broadcast_in_dim3A_2819 : vector<16x128xi1>, vector<16x128xi32>
      %gt3A_2821 = arith.cmpf ogt, %add3A_2791, %add3A_2786 : vector<16x128xf32>
      %select_n3A_2822 = arith.select %gt3A_2821, %add3A_2791, %add3A_2786 : vector<16x128xi1>, vector<16x128xf32>
      %jit3A_2823 = arith.constant 5 : i32
      %jit3A_2824 = arith.constant 4 : i32
      %broadcast_in_dim3A_2825 = vector.broadcast %jit3A_2823 : i32 to vector<16x128xi32>
      %broadcast_in_dim3A_2826 = vector.broadcast %jit3A_2824 : i32 to vector<16x128xi32>
      %select_n3A_2827 = arith.select %gt3A_2821, %broadcast_in_dim3A_2825, %broadcast_in_dim3A_2826 : vector<16x128xi1>, vector<16x128xi32>
      %gt3A_2828 = arith.cmpf ogt, %add3A_2801, %add3A_2796 : vector<16x128xf32>
      %select_n3A_2829 = arith.select %gt3A_2828, %add3A_2801, %add3A_2796 : vector<16x128xi1>, vector<16x128xf32>
      %jit3A_2830 = arith.constant 7 : i32
      %jit3A_2831 = arith.constant 6 : i32
      %broadcast_in_dim3A_2832 = vector.broadcast %jit3A_2830 : i32 to vector<16x128xi32>
      %broadcast_in_dim3A_2833 = vector.broadcast %jit3A_2831 : i32 to vector<16x128xi32>
      %select_n3A_2834 = arith.select %gt3A_2828, %broadcast_in_dim3A_2832, %broadcast_in_dim3A_2833 : vector<16x128xi1>, vector<16x128xi32>
      %gt3A_2835 = arith.cmpf ogt, %select_n3A_2815, %select_n3A_2808 : vector<16x128xf32>
      %select_n3A_2836 = arith.select %gt3A_2835, %select_n3A_2815, %select_n3A_2808 : vector<16x128xi1>, vector<16x128xf32>
      %select_n3A_2837 = arith.select %gt3A_2835, %select_n3A_2820, %select_n3A_2813 : vector<16x128xi1>, vector<16x128xi32>
      %gt3A_2838 = arith.cmpf ogt, %select_n3A_2829, %select_n3A_2822 : vector<16x128xf32>
      %select_n3A_2839 = arith.select %gt3A_2838, %select_n3A_2829, %select_n3A_2822 : vector<16x128xi1>, vector<16x128xf32>
      %select_n3A_2840 = arith.select %gt3A_2838, %select_n3A_2834, %select_n3A_2827 : vector<16x128xi1>, vector<16x128xi32>
      %gt3A_2841 = arith.cmpf ogt, %select_n3A_2839, %select_n3A_2836 : vector<16x128xf32>
      %select_n3A_2842 = arith.select %gt3A_2841, %select_n3A_2839, %select_n3A_2836 : vector<16x128xi1>, vector<16x128xf32>
      %select_n3A_2843 = arith.select %gt3A_2841, %select_n3A_2840, %select_n3A_2837 : vector<16x128xi1>, vector<16x128xi32>
      %gt3A_2844 = arith.cmpf ogt, %add3A_2806, %select_n3A_2842 : vector<16x128xf32>
      %select_n3A_2845 = arith.select %gt3A_2844, %add3A_2806, %select_n3A_2842 : vector<16x128xi1>, vector<16x128xf32>
      %jit3A_2846 = arith.constant 8 : i32
      %broadcast_in_dim3A_2847 = vector.broadcast %jit3A_2846 : i32 to vector<16x128xi32>
      %select_n3A_2848 = arith.select %gt3A_2844, %broadcast_in_dim3A_2847, %select_n3A_2843 : vector<16x128xi1>, vector<16x128xi32>
      %swap3A_2849 = arith.constant 7 : index
      %swap3A_2850 = arith.index_cast %scan3A_2034 : i32 to index
      %swap3A_2851 = arith.constant 0 : index
      %swap3A_2852 = arith.constant 0 : index
      %swap3A_2853 = vector.load %arg5[%swap3A_2849, %swap3A_2850, %swap3A_2851, %swap3A_2852] : memref<9x200x16x128xi32, #tpu.memory_space<vmem>>, vector<1x1x16x128xi32>
      %swap3A_2854 = vector.shape_cast %swap3A_2853 : vector<1x1x16x128xi32> to vector<16x128xi32>
      %swap3A_2855 = vector.shape_cast %select_n3A_2848 : vector<16x128xi32> to vector<1x1x16x128xi32>
      tpu.vector_store %arg5[%swap3A_2849, %swap3A_2850, %swap3A_2851, %swap3A_2852], %swap3A_2855 {strides = array<i32>} : memref<9x200x16x128xi32, #tpu.memory_space<vmem>>, vector<1x1x16x128xi32>,
      %add3A_2856 = arith.addf %select_n3A_2845, %bitcast_convert_type3A_2086 : vector<16x128xf32>
      %get3A_2857 = arith.constant 0 : index
      %get3A_2858 = arith.constant 8 : index
      %get3A_2859 = memref.load %arg0[%get3A_2857, %get3A_2858] : memref<9x9xf32, #tpu.memory_space<smem>>
      %add3A_2860 = vector.broadcast %get3A_2859 : f32 to vector<16x128xf32>
      %add3A_2861 = arith.addf %add3A_1272, %add3A_2860 : vector<16x128xf32>
      %get3A_2862 = arith.constant 1 : index
      %get3A_2863 = arith.constant 8 : index
      %get3A_2864 = memref.load %arg0[%get3A_2862, %get3A_2863] : memref<9x9xf32, #tpu.memory_space<smem>>
      %add3A_2865 = vector.broadcast %get3A_2864 : f32 to vector<16x128xf32>
      %add3A_2866 = arith.addf %add3A_1367, %add3A_2865 : vector<16x128xf32>
      %get3A_2867 = arith.constant 2 : index
      %get3A_2868 = arith.constant 8 : index
      %get3A_2869 = memref.load %arg0[%get3A_2867, %get3A_2868] : memref<9x9xf32, #tpu.memory_space<smem>>
      %add3A_2870 = vector.broadcast %get3A_2869 : f32 to vector<16x128xf32>
      %add3A_2871 = arith.addf %add3A_1462, %add3A_2870 : vector<16x128xf32>
      %get3A_2872 = arith.constant 3 : index
      %get3A_2873 = arith.constant 8 : index
      %get3A_2874 = memref.load %arg0[%get3A_2872, %get3A_2873] : memref<9x9xf32, #tpu.memory_space<smem>>
      %add3A_2875 = vector.broadcast %get3A_2874 : f32 to vector<16x128xf32>
      %add3A_2876 = arith.addf %add3A_1557, %add3A_2875 : vector<16x128xf32>
      %get3A_2877 = arith.constant 4 : index
      %get3A_2878 = arith.constant 8 : index
      %get3A_2879 = memref.load %arg0[%get3A_2877, %get3A_2878] : memref<9x9xf32, #tpu.memory_space<smem>>
      %add3A_2880 = vector.broadcast %get3A_2879 : f32 to vector<16x128xf32>
      %add3A_2881 = arith.addf %add3A_1652, %add3A_2880 : vector<16x128xf32>
      %get3A_2882 = arith.constant 5 : index
      %get3A_2883 = arith.constant 8 : index
      %get3A_2884 = memref.load %arg0[%get3A_2882, %get3A_2883] : memref<9x9xf32, #tpu.memory_space<smem>>
      %add3A_2885 = vector.broadcast %get3A_2884 : f32 to vector<16x128xf32>
      %add3A_2886 = arith.addf %add3A_1747, %add3A_2885 : vector<16x128xf32>
      %get3A_2887 = arith.constant 6 : index
      %get3A_2888 = arith.constant 8 : index
      %get3A_2889 = memref.load %arg0[%get3A_2887, %get3A_2888] : memref<9x9xf32, #tpu.memory_space<smem>>
      %add3A_2890 = vector.broadcast %get3A_2889 : f32 to vector<16x128xf32>
      %add3A_2891 = arith.addf %add3A_1842, %add3A_2890 : vector<16x128xf32>
      %get3A_2892 = arith.constant 7 : index
      %get3A_2893 = arith.constant 8 : index
      %get3A_2894 = memref.load %arg0[%get3A_2892, %get3A_2893] : memref<9x9xf32, #tpu.memory_space<smem>>
      %add3A_2895 = vector.broadcast %get3A_2894 : f32 to vector<16x128xf32>
      %add3A_2896 = arith.addf %add3A_1937, %add3A_2895 : vector<16x128xf32>
      %get3A_2897 = arith.constant 8 : index
      %get3A_2898 = arith.constant 8 : index
      %get3A_2899 = memref.load %arg0[%get3A_2897, %get3A_2898] : memref<9x9xf32, #tpu.memory_space<smem>>
      %add3A_2900 = vector.broadcast %get3A_2899 : f32 to vector<16x128xf32>
      %add3A_2901 = arith.addf %add3A_2032, %add3A_2900 : vector<16x128xf32>
      %gt3A_2902 = arith.cmpf ogt, %add3A_2866, %add3A_2861 : vector<16x128xf32>
      %select_n3A_2903 = arith.select %gt3A_2902, %add3A_2866, %add3A_2861 : vector<16x128xi1>, vector<16x128xf32>
      %jit3A_2904 = arith.constant 1 : i32
      %jit3A_2905 = arith.constant 0 : i32
      %broadcast_in_dim3A_2906 = vector.broadcast %jit3A_2904 : i32 to vector<16x128xi32>
      %broadcast_in_dim3A_2907 = vector.broadcast %jit3A_2905 : i32 to vector<16x128xi32>
      %select_n3A_2908 = arith.select %gt3A_2902, %broadcast_in_dim3A_2906, %broadcast_in_dim3A_2907 : vector<16x128xi1>, vector<16x128xi32>
      %gt3A_2909 = arith.cmpf ogt, %add3A_2876, %add3A_2871 : vector<16x128xf32>
      %select_n3A_2910 = arith.select %gt3A_2909, %add3A_2876, %add3A_2871 : vector<16x128xi1>, vector<16x128xf32>
      %jit3A_2911 = arith.constant 3 : i32
      %jit3A_2912 = arith.constant 2 : i32
      %broadcast_in_dim3A_2913 = vector.broadcast %jit3A_2911 : i32 to vector<16x128xi32>
      %broadcast_in_dim3A_2914 = vector.broadcast %jit3A_2912 : i32 to vector<16x128xi32>
      %select_n3A_2915 = arith.select %gt3A_2909, %broadcast_in_dim3A_2913, %broadcast_in_dim3A_2914 : vector<16x128xi1>, vector<16x128xi32>
      %gt3A_2916 = arith.cmpf ogt, %add3A_2886, %add3A_2881 : vector<16x128xf32>
      %select_n3A_2917 = arith.select %gt3A_2916, %add3A_2886, %add3A_2881 : vector<16x128xi1>, vector<16x128xf32>
      %jit3A_2918 = arith.constant 5 : i32
      %jit3A_2919 = arith.constant 4 : i32
      %broadcast_in_dim3A_2920 = vector.broadcast %jit3A_2918 : i32 to vector<16x128xi32>
      %broadcast_in_dim3A_2921 = vector.broadcast %jit3A_2919 : i32 to vector<16x128xi32>
      %select_n3A_2922 = arith.select %gt3A_2916, %broadcast_in_dim3A_2920, %broadcast_in_dim3A_2921 : vector<16x128xi1>, vector<16x128xi32>
      %gt3A_2923 = arith.cmpf ogt, %add3A_2896, %add3A_2891 : vector<16x128xf32>
      %select_n3A_2924 = arith.select %gt3A_2923, %add3A_2896, %add3A_2891 : vector<16x128xi1>, vector<16x128xf32>
      %jit3A_2925 = arith.constant 7 : i32
      %jit3A_2926 = arith.constant 6 : i32
      %broadcast_in_dim3A_2927 = vector.broadcast %jit3A_2925 : i32 to vector<16x128xi32>
      %broadcast_in_dim3A_2928 = vector.broadcast %jit3A_2926 : i32 to vector<16x128xi32>
      %select_n3A_2929 = arith.select %gt3A_2923, %broadcast_in_dim3A_2927, %broadcast_in_dim3A_2928 : vector<16x128xi1>, vector<16x128xi32>
      %gt3A_2930 = arith.cmpf ogt, %select_n3A_2910, %select_n3A_2903 : vector<16x128xf32>
      %select_n3A_2931 = arith.select %gt3A_2930, %select_n3A_2910, %select_n3A_2903 : vector<16x128xi1>, vector<16x128xf32>
      %select_n3A_2932 = arith.select %gt3A_2930, %select_n3A_2915, %select_n3A_2908 : vector<16x128xi1>, vector<16x128xi32>
      %gt3A_2933 = arith.cmpf ogt, %select_n3A_2924, %select_n3A_2917 : vector<16x128xf32>
      %select_n3A_2934 = arith.select %gt3A_2933, %select_n3A_2924, %select_n3A_2917 : vector<16x128xi1>, vector<16x128xf32>
      %select_n3A_2935 = arith.select %gt3A_2933, %select_n3A_2929, %select_n3A_2922 : vector<16x128xi1>, vector<16x128xi32>
      %gt3A_2936 = arith.cmpf ogt, %select_n3A_2934, %select_n3A_2931 : vector<16x128xf32>
      %select_n3A_2937 = arith.select %gt3A_2936, %select_n3A_2934, %select_n3A_2931 : vector<16x128xi1>, vector<16x128xf32>
      %select_n3A_2938 = arith.select %gt3A_2936, %select_n3A_2935, %select_n3A_2932 : vector<16x128xi1>, vector<16x128xi32>
      %gt3A_2939 = arith.cmpf ogt, %add3A_2901, %select_n3A_2937 : vector<16x128xf32>
      %select_n3A_2940 = arith.select %gt3A_2939, %add3A_2901, %select_n3A_2937 : vector<16x128xi1>, vector<16x128xf32>
      %jit3A_2941 = arith.constant 8 : i32
      %broadcast_in_dim3A_2942 = vector.broadcast %jit3A_2941 : i32 to vector<16x128xi32>
      %select_n3A_2943 = arith.select %gt3A_2939, %broadcast_in_dim3A_2942, %select_n3A_2938 : vector<16x128xi1>, vector<16x128xi32>
      %swap3A_2944 = arith.constant 8 : index
      %swap3A_2945 = arith.index_cast %scan3A_2034 : i32 to index
      %swap3A_2946 = arith.constant 0 : index
      %swap3A_2947 = arith.constant 0 : index
      %swap3A_2948 = vector.load %arg5[%swap3A_2944, %swap3A_2945, %swap3A_2946, %swap3A_2947] : memref<9x200x16x128xi32, #tpu.memory_space<vmem>>, vector<1x1x16x128xi32>
      %swap3A_2949 = vector.shape_cast %swap3A_2948 : vector<1x1x16x128xi32> to vector<16x128xi32>
      %swap3A_2950 = vector.shape_cast %select_n3A_2943 : vector<16x128xi32> to vector<1x1x16x128xi32>
      tpu.vector_store %arg5[%swap3A_2944, %swap3A_2945, %swap3A_2946, %swap3A_2947], %swap3A_2950 {strides = array<i32>} : memref<9x200x16x128xi32, #tpu.memory_space<vmem>>, vector<1x1x16x128xi32>,
      %add3A_2951 = arith.addf %select_n3A_2940, %bitcast_convert_type3A_2096 : vector<16x128xf32>
      scf.yield %add3A_2191, %add3A_2286, %add3A_2381, %add3A_2476, %add3A_2571, %add3A_2666, %add3A_2761, %add3A_2856, %add3A_2951 : vector<16x128xf32>, vector<16x128xf32>, vector<16x128xf32>, vector<16x128xf32>, vector<16x128xf32>, vector<16x128xf32>, vector<16x128xf32>, vector<16x128xf32>, vector<16x128xf32>
    }
    %scan3A_103 = arith.constant 198 : i32
    %scan3A_104 = arith.addi %scan3A_98, %scan3A_103 : i32
    %get3A_105 = arith.constant 0 : index
    %get3A_106 = arith.index_cast %scan3A_104 : i32 to index
    %get3A_107 = arith.constant 0 : index
    %get3A_108 = arith.constant 0 : index
    %get3A_109 = vector.load %arg3[%get3A_105, %get3A_106, %get3A_107, %get3A_108] : memref<5x204x16x128xi32, #tpu.memory_space<vmem>>, vector<1x1x16x128xi32>
    %get3A_110 = vector.shape_cast %get3A_109 : vector<1x1x16x128xi32> to vector<16x128xi32>
    %shift_left3A_111 = arith.constant 16 : i32
    %shift_left3A_112 = vector.broadcast %shift_left3A_111 : i32 to vector<16x128xi32>
    %shift_left3A_113 = arith.shli %get3A_110, %shift_left3A_112 : vector<16x128xi32>
    %bitcast_convert_type3A_114 = tpu.bitcast %shift_left3A_113 : vector<16x128xi32> -> vector<16x128xf32>
    %and3A_115 = vector.broadcast %scan3A : i32 to vector<16x128xi32>
    %and3A_116 = arith.andi %get3A_110, %and3A_115 : vector<16x128xi32>
    %bitcast_convert_type3A_117 = tpu.bitcast %and3A_116 : vector<16x128xi32> -> vector<16x128xf32>
    %get3A_118 = arith.constant 1 : index
    %get3A_119 = arith.index_cast %scan3A_104 : i32 to index
    %get3A_120 = arith.constant 0 : index
    %get3A_121 = arith.constant 0 : index
    %get3A_122 = vector.load %arg3[%get3A_118, %get3A_119, %get3A_120, %get3A_121] : memref<5x204x16x128xi32, #tpu.memory_space<vmem>>, vector<1x1x16x128xi32>
    %get3A_123 = vector.shape_cast %get3A_122 : vector<1x1x16x128xi32> to vector<16x128xi32>
    %shift_left3A_124 = arith.constant 16 : i32
    %shift_left3A_125 = vector.broadcast %shift_left3A_124 : i32 to vector<16x128xi32>
    %shift_left3A_126 = arith.shli %get3A_123, %shift_left3A_125 : vector<16x128xi32>
    %bitcast_convert_type3A_127 = tpu.bitcast %shift_left3A_126 : vector<16x128xi32> -> vector<16x128xf32>
    %and3A_128 = vector.broadcast %scan3A : i32 to vector<16x128xi32>
    %and3A_129 = arith.andi %get3A_123, %and3A_128 : vector<16x128xi32>
    %bitcast_convert_type3A_130 = tpu.bitcast %and3A_129 : vector<16x128xi32> -> vector<16x128xf32>
    %get3A_131 = arith.constant 2 : index
    %get3A_132 = arith.index_cast %scan3A_104 : i32 to index
    %get3A_133 = arith.constant 0 : index
    %get3A_134 = arith.constant 0 : index
    %get3A_135 = vector.load %arg3[%get3A_131, %get3A_132, %get3A_133, %get3A_134] : memref<5x204x16x128xi32, #tpu.memory_space<vmem>>, vector<1x1x16x128xi32>
    %get3A_136 = vector.shape_cast %get3A_135 : vector<1x1x16x128xi32> to vector<16x128xi32>
    %shift_left3A_137 = arith.constant 16 : i32
    %shift_left3A_138 = vector.broadcast %shift_left3A_137 : i32 to vector<16x128xi32>
    %shift_left3A_139 = arith.shli %get3A_136, %shift_left3A_138 : vector<16x128xi32>
    %bitcast_convert_type3A_140 = tpu.bitcast %shift_left3A_139 : vector<16x128xi32> -> vector<16x128xf32>
    %and3A_141 = vector.broadcast %scan3A : i32 to vector<16x128xi32>
    %and3A_142 = arith.andi %get3A_136, %and3A_141 : vector<16x128xi32>
    %bitcast_convert_type3A_143 = tpu.bitcast %and3A_142 : vector<16x128xi32> -> vector<16x128xf32>
    %get3A_144 = arith.constant 3 : index
    %get3A_145 = arith.index_cast %scan3A_104 : i32 to index
    %get3A_146 = arith.constant 0 : index
    %get3A_147 = arith.constant 0 : index
    %get3A_148 = vector.load %arg3[%get3A_144, %get3A_145, %get3A_146, %get3A_147] : memref<5x204x16x128xi32, #tpu.memory_space<vmem>>, vector<1x1x16x128xi32>
    %get3A_149 = vector.shape_cast %get3A_148 : vector<1x1x16x128xi32> to vector<16x128xi32>
    %shift_left3A_150 = arith.constant 16 : i32
    %shift_left3A_151 = vector.broadcast %shift_left3A_150 : i32 to vector<16x128xi32>
    %shift_left3A_152 = arith.shli %get3A_149, %shift_left3A_151 : vector<16x128xi32>
    %bitcast_convert_type3A_153 = tpu.bitcast %shift_left3A_152 : vector<16x128xi32> -> vector<16x128xf32>
    %and3A_154 = vector.broadcast %scan3A : i32 to vector<16x128xi32>
    %and3A_155 = arith.andi %get3A_149, %and3A_154 : vector<16x128xi32>
    %bitcast_convert_type3A_156 = tpu.bitcast %and3A_155 : vector<16x128xi32> -> vector<16x128xf32>
    %get3A_157 = arith.constant 4 : index
    %get3A_158 = arith.index_cast %scan3A_104 : i32 to index
    %get3A_159 = arith.constant 0 : index
    %get3A_160 = arith.constant 0 : index
    %get3A_161 = vector.load %arg3[%get3A_157, %get3A_158, %get3A_159, %get3A_160] : memref<5x204x16x128xi32, #tpu.memory_space<vmem>>, vector<1x1x16x128xi32>
    %get3A_162 = vector.shape_cast %get3A_161 : vector<1x1x16x128xi32> to vector<16x128xi32>
    %shift_left3A_163 = arith.constant 16 : i32
    %shift_left3A_164 = vector.broadcast %shift_left3A_163 : i32 to vector<16x128xi32>
    %shift_left3A_165 = arith.shli %get3A_162, %shift_left3A_164 : vector<16x128xi32>
    %bitcast_convert_type3A_166 = tpu.bitcast %shift_left3A_165 : vector<16x128xi32> -> vector<16x128xf32>
    %get3A_167 = arith.constant 0 : index
    %get3A_168 = arith.constant 0 : index
    %get3A_169 = memref.load %arg0[%get3A_167, %get3A_168] : memref<9x9xf32, #tpu.memory_space<smem>>
    %add3A_170 = vector.broadcast %get3A_169 : f32 to vector<16x128xf32>
    %add3A_171 = arith.addf %scan3A_102#0, %add3A_170 : vector<16x128xf32>
    %get3A_172 = arith.constant 1 : index
    %get3A_173 = arith.constant 0 : index
    %get3A_174 = memref.load %arg0[%get3A_172, %get3A_173] : memref<9x9xf32, #tpu.memory_space<smem>>
    %add3A_175 = vector.broadcast %get3A_174 : f32 to vector<16x128xf32>
    %add3A_176 = arith.addf %scan3A_102#1, %add3A_175 : vector<16x128xf32>
    %get3A_177 = arith.constant 2 : index
    %get3A_178 = arith.constant 0 : index
    %get3A_179 = memref.load %arg0[%get3A_177, %get3A_178] : memref<9x9xf32, #tpu.memory_space<smem>>
    %add3A_180 = vector.broadcast %get3A_179 : f32 to vector<16x128xf32>
    %add3A_181 = arith.addf %scan3A_102#2, %add3A_180 : vector<16x128xf32>
    %get3A_182 = arith.constant 3 : index
    %get3A_183 = arith.constant 0 : index
    %get3A_184 = memref.load %arg0[%get3A_182, %get3A_183] : memref<9x9xf32, #tpu.memory_space<smem>>
    %add3A_185 = vector.broadcast %get3A_184 : f32 to vector<16x128xf32>
    %add3A_186 = arith.addf %scan3A_102#3, %add3A_185 : vector<16x128xf32>
    %get3A_187 = arith.constant 4 : index
    %get3A_188 = arith.constant 0 : index
    %get3A_189 = memref.load %arg0[%get3A_187, %get3A_188] : memref<9x9xf32, #tpu.memory_space<smem>>
    %add3A_190 = vector.broadcast %get3A_189 : f32 to vector<16x128xf32>
    %add3A_191 = arith.addf %scan3A_102#4, %add3A_190 : vector<16x128xf32>
    %get3A_192 = arith.constant 5 : index
    %get3A_193 = arith.constant 0 : index
    %get3A_194 = memref.load %arg0[%get3A_192, %get3A_193] : memref<9x9xf32, #tpu.memory_space<smem>>
    %add3A_195 = vector.broadcast %get3A_194 : f32 to vector<16x128xf32>
    %add3A_196 = arith.addf %scan3A_102#5, %add3A_195 : vector<16x128xf32>
    %get3A_197 = arith.constant 6 : index
    %get3A_198 = arith.constant 0 : index
    %get3A_199 = memref.load %arg0[%get3A_197, %get3A_198] : memref<9x9xf32, #tpu.memory_space<smem>>
    %add3A_200 = vector.broadcast %get3A_199 : f32 to vector<16x128xf32>
    %add3A_201 = arith.addf %scan3A_102#6, %add3A_200 : vector<16x128xf32>
    %get3A_202 = arith.constant 7 : index
    %get3A_203 = arith.constant 0 : index
    %get3A_204 = memref.load %arg0[%get3A_202, %get3A_203] : memref<9x9xf32, #tpu.memory_space<smem>>
    %add3A_205 = vector.broadcast %get3A_204 : f32 to vector<16x128xf32>
    %add3A_206 = arith.addf %scan3A_102#7, %add3A_205 : vector<16x128xf32>
    %get3A_207 = arith.constant 8 : index
    %get3A_208 = arith.constant 0 : index
    %get3A_209 = memref.load %arg0[%get3A_207, %get3A_208] : memref<9x9xf32, #tpu.memory_space<smem>>
    %add3A_210 = vector.broadcast %get3A_209 : f32 to vector<16x128xf32>
    %add3A_211 = arith.addf %scan3A_102#8, %add3A_210 : vector<16x128xf32>
    %gt3A = arith.cmpf ogt, %add3A_176, %add3A_171 : vector<16x128xf32>
    %select_n3A = arith.select %gt3A, %add3A_176, %add3A_171 : vector<16x128xi1>, vector<16x128xf32>
    %jit3A = arith.constant 1 : i32
    %jit3A_212 = arith.constant 0 : i32
    %broadcast_in_dim3A_213 = vector.broadcast %jit3A : i32 to vector<16x128xi32>
    %broadcast_in_dim3A_214 = vector.broadcast %jit3A_212 : i32 to vector<16x128xi32>
    %select_n3A_215 = arith.select %gt3A, %broadcast_in_dim3A_213, %broadcast_in_dim3A_214 : vector<16x128xi1>, vector<16x128xi32>
    %gt3A_216 = arith.cmpf ogt, %add3A_186, %add3A_181 : vector<16x128xf32>
    %select_n3A_217 = arith.select %gt3A_216, %add3A_186, %add3A_181 : vector<16x128xi1>, vector<16x128xf32>
    %jit3A_218 = arith.constant 3 : i32
    %jit3A_219 = arith.constant 2 : i32
    %broadcast_in_dim3A_220 = vector.broadcast %jit3A_218 : i32 to vector<16x128xi32>
    %broadcast_in_dim3A_221 = vector.broadcast %jit3A_219 : i32 to vector<16x128xi32>
    %select_n3A_222 = arith.select %gt3A_216, %broadcast_in_dim3A_220, %broadcast_in_dim3A_221 : vector<16x128xi1>, vector<16x128xi32>
    %gt3A_223 = arith.cmpf ogt, %add3A_196, %add3A_191 : vector<16x128xf32>
    %select_n3A_224 = arith.select %gt3A_223, %add3A_196, %add3A_191 : vector<16x128xi1>, vector<16x128xf32>
    %jit3A_225 = arith.constant 5 : i32
    %jit3A_226 = arith.constant 4 : i32
    %broadcast_in_dim3A_227 = vector.broadcast %jit3A_225 : i32 to vector<16x128xi32>
    %broadcast_in_dim3A_228 = vector.broadcast %jit3A_226 : i32 to vector<16x128xi32>
    %select_n3A_229 = arith.select %gt3A_223, %broadcast_in_dim3A_227, %broadcast_in_dim3A_228 : vector<16x128xi1>, vector<16x128xi32>
    %gt3A_230 = arith.cmpf ogt, %add3A_206, %add3A_201 : vector<16x128xf32>
    %select_n3A_231 = arith.select %gt3A_230, %add3A_206, %add3A_201 : vector<16x128xi1>, vector<16x128xf32>
    %jit3A_232 = arith.constant 7 : i32
    %jit3A_233 = arith.constant 6 : i32
    %broadcast_in_dim3A_234 = vector.broadcast %jit3A_232 : i32 to vector<16x128xi32>
    %broadcast_in_dim3A_235 = vector.broadcast %jit3A_233 : i32 to vector<16x128xi32>
    %select_n3A_236 = arith.select %gt3A_230, %broadcast_in_dim3A_234, %broadcast_in_dim3A_235 : vector<16x128xi1>, vector<16x128xi32>
    %gt3A_237 = arith.cmpf ogt, %select_n3A_217, %select_n3A : vector<16x128xf32>
    %select_n3A_238 = arith.select %gt3A_237, %select_n3A_217, %select_n3A : vector<16x128xi1>, vector<16x128xf32>
    %select_n3A_239 = arith.select %gt3A_237, %select_n3A_222, %select_n3A_215 : vector<16x128xi1>, vector<16x128xi32>
    %gt3A_240 = arith.cmpf ogt, %select_n3A_231, %select_n3A_224 : vector<16x128xf32>
    %select_n3A_241 = arith.select %gt3A_240, %select_n3A_231, %select_n3A_224 : vector<16x128xi1>, vector<16x128xf32>
    %select_n3A_242 = arith.select %gt3A_240, %select_n3A_236, %select_n3A_229 : vector<16x128xi1>, vector<16x128xi32>
    %gt3A_243 = arith.cmpf ogt, %select_n3A_241, %select_n3A_238 : vector<16x128xf32>
    %select_n3A_244 = arith.select %gt3A_243, %select_n3A_241, %select_n3A_238 : vector<16x128xi1>, vector<16x128xf32>
    %select_n3A_245 = arith.select %gt3A_243, %select_n3A_242, %select_n3A_239 : vector<16x128xi1>, vector<16x128xi32>
    %gt3A_246 = arith.cmpf ogt, %add3A_211, %select_n3A_244 : vector<16x128xf32>
    %select_n3A_247 = arith.select %gt3A_246, %add3A_211, %select_n3A_244 : vector<16x128xi1>, vector<16x128xf32>
    %jit3A_248 = arith.constant 8 : i32
    %broadcast_in_dim3A_249 = vector.broadcast %jit3A_248 : i32 to vector<16x128xi32>
    %select_n3A_250 = arith.select %gt3A_246, %broadcast_in_dim3A_249, %select_n3A_245 : vector<16x128xi1>, vector<16x128xi32>
    %swap3A = arith.constant 0 : index
    %swap3A_251 = arith.index_cast %scan3A_104 : i32 to index
    %swap3A_252 = arith.constant 0 : index
    %swap3A_253 = arith.constant 0 : index
    %swap3A_254 = vector.load %arg5[%swap3A, %swap3A_251, %swap3A_252, %swap3A_253] : memref<9x200x16x128xi32, #tpu.memory_space<vmem>>, vector<1x1x16x128xi32>
    %swap3A_255 = vector.shape_cast %swap3A_254 : vector<1x1x16x128xi32> to vector<16x128xi32>
    %swap3A_256 = vector.shape_cast %select_n3A_250 : vector<16x128xi32> to vector<1x1x16x128xi32>
    tpu.vector_store %arg5[%swap3A, %swap3A_251, %swap3A_252, %swap3A_253], %swap3A_256 {strides = array<i32>} : memref<9x200x16x128xi32, #tpu.memory_space<vmem>>, vector<1x1x16x128xi32>,
    %add3A_257 = arith.addf %select_n3A_247, %bitcast_convert_type3A_114 : vector<16x128xf32>
    %get3A_258 = arith.constant 0 : index
    %get3A_259 = arith.constant 1 : index
    %get3A_260 = memref.load %arg0[%get3A_258, %get3A_259] : memref<9x9xf32, #tpu.memory_space<smem>>
    %add3A_261 = vector.broadcast %get3A_260 : f32 to vector<16x128xf32>
    %add3A_262 = arith.addf %scan3A_102#0, %add3A_261 : vector<16x128xf32>
    %get3A_263 = arith.constant 1 : index
    %get3A_264 = arith.constant 1 : index
    %get3A_265 = memref.load %arg0[%get3A_263, %get3A_264] : memref<9x9xf32, #tpu.memory_space<smem>>
    %add3A_266 = vector.broadcast %get3A_265 : f32 to vector<16x128xf32>
    %add3A_267 = arith.addf %scan3A_102#1, %add3A_266 : vector<16x128xf32>
    %get3A_268 = arith.constant 2 : index
    %get3A_269 = arith.constant 1 : index
    %get3A_270 = memref.load %arg0[%get3A_268, %get3A_269] : memref<9x9xf32, #tpu.memory_space<smem>>
    %add3A_271 = vector.broadcast %get3A_270 : f32 to vector<16x128xf32>
    %add3A_272 = arith.addf %scan3A_102#2, %add3A_271 : vector<16x128xf32>
    %get3A_273 = arith.constant 3 : index
    %get3A_274 = arith.constant 1 : index
    %get3A_275 = memref.load %arg0[%get3A_273, %get3A_274] : memref<9x9xf32, #tpu.memory_space<smem>>
    %add3A_276 = vector.broadcast %get3A_275 : f32 to vector<16x128xf32>
    %add3A_277 = arith.addf %scan3A_102#3, %add3A_276 : vector<16x128xf32>
    %get3A_278 = arith.constant 4 : index
    %get3A_279 = arith.constant 1 : index
    %get3A_280 = memref.load %arg0[%get3A_278, %get3A_279] : memref<9x9xf32, #tpu.memory_space<smem>>
    %add3A_281 = vector.broadcast %get3A_280 : f32 to vector<16x128xf32>
    %add3A_282 = arith.addf %scan3A_102#4, %add3A_281 : vector<16x128xf32>
    %get3A_283 = arith.constant 5 : index
    %get3A_284 = arith.constant 1 : index
    %get3A_285 = memref.load %arg0[%get3A_283, %get3A_284] : memref<9x9xf32, #tpu.memory_space<smem>>
    %add3A_286 = vector.broadcast %get3A_285 : f32 to vector<16x128xf32>
    %add3A_287 = arith.addf %scan3A_102#5, %add3A_286 : vector<16x128xf32>
    %get3A_288 = arith.constant 6 : index
    %get3A_289 = arith.constant 1 : index
    %get3A_290 = memref.load %arg0[%get3A_288, %get3A_289] : memref<9x9xf32, #tpu.memory_space<smem>>
    %add3A_291 = vector.broadcast %get3A_290 : f32 to vector<16x128xf32>
    %add3A_292 = arith.addf %scan3A_102#6, %add3A_291 : vector<16x128xf32>
    %get3A_293 = arith.constant 7 : index
    %get3A_294 = arith.constant 1 : index
    %get3A_295 = memref.load %arg0[%get3A_293, %get3A_294] : memref<9x9xf32, #tpu.memory_space<smem>>
    %add3A_296 = vector.broadcast %get3A_295 : f32 to vector<16x128xf32>
    %add3A_297 = arith.addf %scan3A_102#7, %add3A_296 : vector<16x128xf32>
    %get3A_298 = arith.constant 8 : index
    %get3A_299 = arith.constant 1 : index
    %get3A_300 = memref.load %arg0[%get3A_298, %get3A_299] : memref<9x9xf32, #tpu.memory_space<smem>>
    %add3A_301 = vector.broadcast %get3A_300 : f32 to vector<16x128xf32>
    %add3A_302 = arith.addf %scan3A_102#8, %add3A_301 : vector<16x128xf32>
    %gt3A_303 = arith.cmpf ogt, %add3A_267, %add3A_262 : vector<16x128xf32>
    %select_n3A_304 = arith.select %gt3A_303, %add3A_267, %add3A_262 : vector<16x128xi1>, vector<16x128xf32>
    %jit3A_305 = arith.constant 1 : i32
    %jit3A_306 = arith.constant 0 : i32
    %broadcast_in_dim3A_307 = vector.broadcast %jit3A_305 : i32 to vector<16x128xi32>
    %broadcast_in_dim3A_308 = vector.broadcast %jit3A_306 : i32 to vector<16x128xi32>
    %select_n3A_309 = arith.select %gt3A_303, %broadcast_in_dim3A_307, %broadcast_in_dim3A_308 : vector<16x128xi1>, vector<16x128xi32>
    %gt3A_310 = arith.cmpf ogt, %add3A_277, %add3A_272 : vector<16x128xf32>
    %select_n3A_311 = arith.select %gt3A_310, %add3A_277, %add3A_272 : vector<16x128xi1>, vector<16x128xf32>
    %jit3A_312 = arith.constant 3 : i32
    %jit3A_313 = arith.constant 2 : i32
    %broadcast_in_dim3A_314 = vector.broadcast %jit3A_312 : i32 to vector<16x128xi32>
    %broadcast_in_dim3A_315 = vector.broadcast %jit3A_313 : i32 to vector<16x128xi32>
    %select_n3A_316 = arith.select %gt3A_310, %broadcast_in_dim3A_314, %broadcast_in_dim3A_315 : vector<16x128xi1>, vector<16x128xi32>
    %gt3A_317 = arith.cmpf ogt, %add3A_287, %add3A_282 : vector<16x128xf32>
    %select_n3A_318 = arith.select %gt3A_317, %add3A_287, %add3A_282 : vector<16x128xi1>, vector<16x128xf32>
    %jit3A_319 = arith.constant 5 : i32
    %jit3A_320 = arith.constant 4 : i32
    %broadcast_in_dim3A_321 = vector.broadcast %jit3A_319 : i32 to vector<16x128xi32>
    %broadcast_in_dim3A_322 = vector.broadcast %jit3A_320 : i32 to vector<16x128xi32>
    %select_n3A_323 = arith.select %gt3A_317, %broadcast_in_dim3A_321, %broadcast_in_dim3A_322 : vector<16x128xi1>, vector<16x128xi32>
    %gt3A_324 = arith.cmpf ogt, %add3A_297, %add3A_292 : vector<16x128xf32>
    %select_n3A_325 = arith.select %gt3A_324, %add3A_297, %add3A_292 : vector<16x128xi1>, vector<16x128xf32>
    %jit3A_326 = arith.constant 7 : i32
    %jit3A_327 = arith.constant 6 : i32
    %broadcast_in_dim3A_328 = vector.broadcast %jit3A_326 : i32 to vector<16x128xi32>
    %broadcast_in_dim3A_329 = vector.broadcast %jit3A_327 : i32 to vector<16x128xi32>
    %select_n3A_330 = arith.select %gt3A_324, %broadcast_in_dim3A_328, %broadcast_in_dim3A_329 : vector<16x128xi1>, vector<16x128xi32>
    %gt3A_331 = arith.cmpf ogt, %select_n3A_311, %select_n3A_304 : vector<16x128xf32>
    %select_n3A_332 = arith.select %gt3A_331, %select_n3A_311, %select_n3A_304 : vector<16x128xi1>, vector<16x128xf32>
    %select_n3A_333 = arith.select %gt3A_331, %select_n3A_316, %select_n3A_309 : vector<16x128xi1>, vector<16x128xi32>
    %gt3A_334 = arith.cmpf ogt, %select_n3A_325, %select_n3A_318 : vector<16x128xf32>
    %select_n3A_335 = arith.select %gt3A_334, %select_n3A_325, %select_n3A_318 : vector<16x128xi1>, vector<16x128xf32>
    %select_n3A_336 = arith.select %gt3A_334, %select_n3A_330, %select_n3A_323 : vector<16x128xi1>, vector<16x128xi32>
    %gt3A_337 = arith.cmpf ogt, %select_n3A_335, %select_n3A_332 : vector<16x128xf32>
    %select_n3A_338 = arith.select %gt3A_337, %select_n3A_335, %select_n3A_332 : vector<16x128xi1>, vector<16x128xf32>
    %select_n3A_339 = arith.select %gt3A_337, %select_n3A_336, %select_n3A_333 : vector<16x128xi1>, vector<16x128xi32>
    %gt3A_340 = arith.cmpf ogt, %add3A_302, %select_n3A_338 : vector<16x128xf32>
    %select_n3A_341 = arith.select %gt3A_340, %add3A_302, %select_n3A_338 : vector<16x128xi1>, vector<16x128xf32>
    %jit3A_342 = arith.constant 8 : i32
    %broadcast_in_dim3A_343 = vector.broadcast %jit3A_342 : i32 to vector<16x128xi32>
    %select_n3A_344 = arith.select %gt3A_340, %broadcast_in_dim3A_343, %select_n3A_339 : vector<16x128xi1>, vector<16x128xi32>
    %swap3A_345 = arith.constant 1 : index
    %swap3A_346 = arith.index_cast %scan3A_104 : i32 to index
    %swap3A_347 = arith.constant 0 : index
    %swap3A_348 = arith.constant 0 : index
    %swap3A_349 = vector.load %arg5[%swap3A_345, %swap3A_346, %swap3A_347, %swap3A_348] : memref<9x200x16x128xi32, #tpu.memory_space<vmem>>, vector<1x1x16x128xi32>
    %swap3A_350 = vector.shape_cast %swap3A_349 : vector<1x1x16x128xi32> to vector<16x128xi32>
    %swap3A_351 = vector.shape_cast %select_n3A_344 : vector<16x128xi32> to vector<1x1x16x128xi32>
    tpu.vector_store %arg5[%swap3A_345, %swap3A_346, %swap3A_347, %swap3A_348], %swap3A_351 {strides = array<i32>} : memref<9x200x16x128xi32, #tpu.memory_space<vmem>>, vector<1x1x16x128xi32>,
    %add3A_352 = arith.addf %select_n3A_341, %bitcast_convert_type3A_117 : vector<16x128xf32>
    %get3A_353 = arith.constant 0 : index
    %get3A_354 = arith.constant 2 : index
    %get3A_355 = memref.load %arg0[%get3A_353, %get3A_354] : memref<9x9xf32, #tpu.memory_space<smem>>
    %add3A_356 = vector.broadcast %get3A_355 : f32 to vector<16x128xf32>
    %add3A_357 = arith.addf %scan3A_102#0, %add3A_356 : vector<16x128xf32>
    %get3A_358 = arith.constant 1 : index
    %get3A_359 = arith.constant 2 : index
    %get3A_360 = memref.load %arg0[%get3A_358, %get3A_359] : memref<9x9xf32, #tpu.memory_space<smem>>
    %add3A_361 = vector.broadcast %get3A_360 : f32 to vector<16x128xf32>
    %add3A_362 = arith.addf %scan3A_102#1, %add3A_361 : vector<16x128xf32>
    %get3A_363 = arith.constant 2 : index
    %get3A_364 = arith.constant 2 : index
    %get3A_365 = memref.load %arg0[%get3A_363, %get3A_364] : memref<9x9xf32, #tpu.memory_space<smem>>
    %add3A_366 = vector.broadcast %get3A_365 : f32 to vector<16x128xf32>
    %add3A_367 = arith.addf %scan3A_102#2, %add3A_366 : vector<16x128xf32>
    %get3A_368 = arith.constant 3 : index
    %get3A_369 = arith.constant 2 : index
    %get3A_370 = memref.load %arg0[%get3A_368, %get3A_369] : memref<9x9xf32, #tpu.memory_space<smem>>
    %add3A_371 = vector.broadcast %get3A_370 : f32 to vector<16x128xf32>
    %add3A_372 = arith.addf %scan3A_102#3, %add3A_371 : vector<16x128xf32>
    %get3A_373 = arith.constant 4 : index
    %get3A_374 = arith.constant 2 : index
    %get3A_375 = memref.load %arg0[%get3A_373, %get3A_374] : memref<9x9xf32, #tpu.memory_space<smem>>
    %add3A_376 = vector.broadcast %get3A_375 : f32 to vector<16x128xf32>
    %add3A_377 = arith.addf %scan3A_102#4, %add3A_376 : vector<16x128xf32>
    %get3A_378 = arith.constant 5 : index
    %get3A_379 = arith.constant 2 : index
    %get3A_380 = memref.load %arg0[%get3A_378, %get3A_379] : memref<9x9xf32, #tpu.memory_space<smem>>
    %add3A_381 = vector.broadcast %get3A_380 : f32 to vector<16x128xf32>
    %add3A_382 = arith.addf %scan3A_102#5, %add3A_381 : vector<16x128xf32>
    %get3A_383 = arith.constant 6 : index
    %get3A_384 = arith.constant 2 : index
    %get3A_385 = memref.load %arg0[%get3A_383, %get3A_384] : memref<9x9xf32, #tpu.memory_space<smem>>
    %add3A_386 = vector.broadcast %get3A_385 : f32 to vector<16x128xf32>
    %add3A_387 = arith.addf %scan3A_102#6, %add3A_386 : vector<16x128xf32>
    %get3A_388 = arith.constant 7 : index
    %get3A_389 = arith.constant 2 : index
    %get3A_390 = memref.load %arg0[%get3A_388, %get3A_389] : memref<9x9xf32, #tpu.memory_space<smem>>
    %add3A_391 = vector.broadcast %get3A_390 : f32 to vector<16x128xf32>
    %add3A_392 = arith.addf %scan3A_102#7, %add3A_391 : vector<16x128xf32>
    %get3A_393 = arith.constant 8 : index
    %get3A_394 = arith.constant 2 : index
    %get3A_395 = memref.load %arg0[%get3A_393, %get3A_394] : memref<9x9xf32, #tpu.memory_space<smem>>
    %add3A_396 = vector.broadcast %get3A_395 : f32 to vector<16x128xf32>
    %add3A_397 = arith.addf %scan3A_102#8, %add3A_396 : vector<16x128xf32>
    %gt3A_398 = arith.cmpf ogt, %add3A_362, %add3A_357 : vector<16x128xf32>
    %select_n3A_399 = arith.select %gt3A_398, %add3A_362, %add3A_357 : vector<16x128xi1>, vector<16x128xf32>
    %jit3A_400 = arith.constant 1 : i32
    %jit3A_401 = arith.constant 0 : i32
    %broadcast_in_dim3A_402 = vector.broadcast %jit3A_400 : i32 to vector<16x128xi32>
    %broadcast_in_dim3A_403 = vector.broadcast %jit3A_401 : i32 to vector<16x128xi32>
    %select_n3A_404 = arith.select %gt3A_398, %broadcast_in_dim3A_402, %broadcast_in_dim3A_403 : vector<16x128xi1>, vector<16x128xi32>
    %gt3A_405 = arith.cmpf ogt, %add3A_372, %add3A_367 : vector<16x128xf32>
    %select_n3A_406 = arith.select %gt3A_405, %add3A_372, %add3A_367 : vector<16x128xi1>, vector<16x128xf32>
    %jit3A_407 = arith.constant 3 : i32
    %jit3A_408 = arith.constant 2 : i32
    %broadcast_in_dim3A_409 = vector.broadcast %jit3A_407 : i32 to vector<16x128xi32>
    %broadcast_in_dim3A_410 = vector.broadcast %jit3A_408 : i32 to vector<16x128xi32>
    %select_n3A_411 = arith.select %gt3A_405, %broadcast_in_dim3A_409, %broadcast_in_dim3A_410 : vector<16x128xi1>, vector<16x128xi32>
    %gt3A_412 = arith.cmpf ogt, %add3A_382, %add3A_377 : vector<16x128xf32>
    %select_n3A_413 = arith.select %gt3A_412, %add3A_382, %add3A_377 : vector<16x128xi1>, vector<16x128xf32>
    %jit3A_414 = arith.constant 5 : i32
    %jit3A_415 = arith.constant 4 : i32
    %broadcast_in_dim3A_416 = vector.broadcast %jit3A_414 : i32 to vector<16x128xi32>
    %broadcast_in_dim3A_417 = vector.broadcast %jit3A_415 : i32 to vector<16x128xi32>
    %select_n3A_418 = arith.select %gt3A_412, %broadcast_in_dim3A_416, %broadcast_in_dim3A_417 : vector<16x128xi1>, vector<16x128xi32>
    %gt3A_419 = arith.cmpf ogt, %add3A_392, %add3A_387 : vector<16x128xf32>
    %select_n3A_420 = arith.select %gt3A_419, %add3A_392, %add3A_387 : vector<16x128xi1>, vector<16x128xf32>
    %jit3A_421 = arith.constant 7 : i32
    %jit3A_422 = arith.constant 6 : i32
    %broadcast_in_dim3A_423 = vector.broadcast %jit3A_421 : i32 to vector<16x128xi32>
    %broadcast_in_dim3A_424 = vector.broadcast %jit3A_422 : i32 to vector<16x128xi32>
    %select_n3A_425 = arith.select %gt3A_419, %broadcast_in_dim3A_423, %broadcast_in_dim3A_424 : vector<16x128xi1>, vector<16x128xi32>
    %gt3A_426 = arith.cmpf ogt, %select_n3A_406, %select_n3A_399 : vector<16x128xf32>
    %select_n3A_427 = arith.select %gt3A_426, %select_n3A_406, %select_n3A_399 : vector<16x128xi1>, vector<16x128xf32>
    %select_n3A_428 = arith.select %gt3A_426, %select_n3A_411, %select_n3A_404 : vector<16x128xi1>, vector<16x128xi32>
    %gt3A_429 = arith.cmpf ogt, %select_n3A_420, %select_n3A_413 : vector<16x128xf32>
    %select_n3A_430 = arith.select %gt3A_429, %select_n3A_420, %select_n3A_413 : vector<16x128xi1>, vector<16x128xf32>
    %select_n3A_431 = arith.select %gt3A_429, %select_n3A_425, %select_n3A_418 : vector<16x128xi1>, vector<16x128xi32>
    %gt3A_432 = arith.cmpf ogt, %select_n3A_430, %select_n3A_427 : vector<16x128xf32>
    %select_n3A_433 = arith.select %gt3A_432, %select_n3A_430, %select_n3A_427 : vector<16x128xi1>, vector<16x128xf32>
    %select_n3A_434 = arith.select %gt3A_432, %select_n3A_431, %select_n3A_428 : vector<16x128xi1>, vector<16x128xi32>
    %gt3A_435 = arith.cmpf ogt, %add3A_397, %select_n3A_433 : vector<16x128xf32>
    %select_n3A_436 = arith.select %gt3A_435, %add3A_397, %select_n3A_433 : vector<16x128xi1>, vector<16x128xf32>
    %jit3A_437 = arith.constant 8 : i32
    %broadcast_in_dim3A_438 = vector.broadcast %jit3A_437 : i32 to vector<16x128xi32>
    %select_n3A_439 = arith.select %gt3A_435, %broadcast_in_dim3A_438, %select_n3A_434 : vector<16x128xi1>, vector<16x128xi32>
    %swap3A_440 = arith.constant 2 : index
    %swap3A_441 = arith.index_cast %scan3A_104 : i32 to index
    %swap3A_442 = arith.constant 0 : index
    %swap3A_443 = arith.constant 0 : index
    %swap3A_444 = vector.load %arg5[%swap3A_440, %swap3A_441, %swap3A_442, %swap3A_443] : memref<9x200x16x128xi32, #tpu.memory_space<vmem>>, vector<1x1x16x128xi32>
    %swap3A_445 = vector.shape_cast %swap3A_444 : vector<1x1x16x128xi32> to vector<16x128xi32>
    %swap3A_446 = vector.shape_cast %select_n3A_439 : vector<16x128xi32> to vector<1x1x16x128xi32>
    tpu.vector_store %arg5[%swap3A_440, %swap3A_441, %swap3A_442, %swap3A_443], %swap3A_446 {strides = array<i32>} : memref<9x200x16x128xi32, #tpu.memory_space<vmem>>, vector<1x1x16x128xi32>,
    %add3A_447 = arith.addf %select_n3A_436, %bitcast_convert_type3A_127 : vector<16x128xf32>
    %get3A_448 = arith.constant 0 : index
    %get3A_449 = arith.constant 3 : index
    %get3A_450 = memref.load %arg0[%get3A_448, %get3A_449] : memref<9x9xf32, #tpu.memory_space<smem>>
    %add3A_451 = vector.broadcast %get3A_450 : f32 to vector<16x128xf32>
    %add3A_452 = arith.addf %scan3A_102#0, %add3A_451 : vector<16x128xf32>
    %get3A_453 = arith.constant 1 : index
    %get3A_454 = arith.constant 3 : index
    %get3A_455 = memref.load %arg0[%get3A_453, %get3A_454] : memref<9x9xf32, #tpu.memory_space<smem>>
    %add3A_456 = vector.broadcast %get3A_455 : f32 to vector<16x128xf32>
    %add3A_457 = arith.addf %scan3A_102#1, %add3A_456 : vector<16x128xf32>
    %get3A_458 = arith.constant 2 : index
    %get3A_459 = arith.constant 3 : index
    %get3A_460 = memref.load %arg0[%get3A_458, %get3A_459] : memref<9x9xf32, #tpu.memory_space<smem>>
    %add3A_461 = vector.broadcast %get3A_460 : f32 to vector<16x128xf32>
    %add3A_462 = arith.addf %scan3A_102#2, %add3A_461 : vector<16x128xf32>
    %get3A_463 = arith.constant 3 : index
    %get3A_464 = arith.constant 3 : index
    %get3A_465 = memref.load %arg0[%get3A_463, %get3A_464] : memref<9x9xf32, #tpu.memory_space<smem>>
    %add3A_466 = vector.broadcast %get3A_465 : f32 to vector<16x128xf32>
    %add3A_467 = arith.addf %scan3A_102#3, %add3A_466 : vector<16x128xf32>
    %get3A_468 = arith.constant 4 : index
    %get3A_469 = arith.constant 3 : index
    %get3A_470 = memref.load %arg0[%get3A_468, %get3A_469] : memref<9x9xf32, #tpu.memory_space<smem>>
    %add3A_471 = vector.broadcast %get3A_470 : f32 to vector<16x128xf32>
    %add3A_472 = arith.addf %scan3A_102#4, %add3A_471 : vector<16x128xf32>
    %get3A_473 = arith.constant 5 : index
    %get3A_474 = arith.constant 3 : index
    %get3A_475 = memref.load %arg0[%get3A_473, %get3A_474] : memref<9x9xf32, #tpu.memory_space<smem>>
    %add3A_476 = vector.broadcast %get3A_475 : f32 to vector<16x128xf32>
    %add3A_477 = arith.addf %scan3A_102#5, %add3A_476 : vector<16x128xf32>
    %get3A_478 = arith.constant 6 : index
    %get3A_479 = arith.constant 3 : index
    %get3A_480 = memref.load %arg0[%get3A_478, %get3A_479] : memref<9x9xf32, #tpu.memory_space<smem>>
    %add3A_481 = vector.broadcast %get3A_480 : f32 to vector<16x128xf32>
    %add3A_482 = arith.addf %scan3A_102#6, %add3A_481 : vector<16x128xf32>
    %get3A_483 = arith.constant 7 : index
    %get3A_484 = arith.constant 3 : index
    %get3A_485 = memref.load %arg0[%get3A_483, %get3A_484] : memref<9x9xf32, #tpu.memory_space<smem>>
    %add3A_486 = vector.broadcast %get3A_485 : f32 to vector<16x128xf32>
    %add3A_487 = arith.addf %scan3A_102#7, %add3A_486 : vector<16x128xf32>
    %get3A_488 = arith.constant 8 : index
    %get3A_489 = arith.constant 3 : index
    %get3A_490 = memref.load %arg0[%get3A_488, %get3A_489] : memref<9x9xf32, #tpu.memory_space<smem>>
    %add3A_491 = vector.broadcast %get3A_490 : f32 to vector<16x128xf32>
    %add3A_492 = arith.addf %scan3A_102#8, %add3A_491 : vector<16x128xf32>
    %gt3A_493 = arith.cmpf ogt, %add3A_457, %add3A_452 : vector<16x128xf32>
    %select_n3A_494 = arith.select %gt3A_493, %add3A_457, %add3A_452 : vector<16x128xi1>, vector<16x128xf32>
    %jit3A_495 = arith.constant 1 : i32
    %jit3A_496 = arith.constant 0 : i32
    %broadcast_in_dim3A_497 = vector.broadcast %jit3A_495 : i32 to vector<16x128xi32>
    %broadcast_in_dim3A_498 = vector.broadcast %jit3A_496 : i32 to vector<16x128xi32>
    %select_n3A_499 = arith.select %gt3A_493, %broadcast_in_dim3A_497, %broadcast_in_dim3A_498 : vector<16x128xi1>, vector<16x128xi32>
    %gt3A_500 = arith.cmpf ogt, %add3A_467, %add3A_462 : vector<16x128xf32>
    %select_n3A_501 = arith.select %gt3A_500, %add3A_467, %add3A_462 : vector<16x128xi1>, vector<16x128xf32>
    %jit3A_502 = arith.constant 3 : i32
    %jit3A_503 = arith.constant 2 : i32
    %broadcast_in_dim3A_504 = vector.broadcast %jit3A_502 : i32 to vector<16x128xi32>
    %broadcast_in_dim3A_505 = vector.broadcast %jit3A_503 : i32 to vector<16x128xi32>
    %select_n3A_506 = arith.select %gt3A_500, %broadcast_in_dim3A_504, %broadcast_in_dim3A_505 : vector<16x128xi1>, vector<16x128xi32>
    %gt3A_507 = arith.cmpf ogt, %add3A_477, %add3A_472 : vector<16x128xf32>
    %select_n3A_508 = arith.select %gt3A_507, %add3A_477, %add3A_472 : vector<16x128xi1>, vector<16x128xf32>
    %jit3A_509 = arith.constant 5 : i32
    %jit3A_510 = arith.constant 4 : i32
    %broadcast_in_dim3A_511 = vector.broadcast %jit3A_509 : i32 to vector<16x128xi32>
    %broadcast_in_dim3A_512 = vector.broadcast %jit3A_510 : i32 to vector<16x128xi32>
    %select_n3A_513 = arith.select %gt3A_507, %broadcast_in_dim3A_511, %broadcast_in_dim3A_512 : vector<16x128xi1>, vector<16x128xi32>
    %gt3A_514 = arith.cmpf ogt, %add3A_487, %add3A_482 : vector<16x128xf32>
    %select_n3A_515 = arith.select %gt3A_514, %add3A_487, %add3A_482 : vector<16x128xi1>, vector<16x128xf32>
    %jit3A_516 = arith.constant 7 : i32
    %jit3A_517 = arith.constant 6 : i32
    %broadcast_in_dim3A_518 = vector.broadcast %jit3A_516 : i32 to vector<16x128xi32>
    %broadcast_in_dim3A_519 = vector.broadcast %jit3A_517 : i32 to vector<16x128xi32>
    %select_n3A_520 = arith.select %gt3A_514, %broadcast_in_dim3A_518, %broadcast_in_dim3A_519 : vector<16x128xi1>, vector<16x128xi32>
    %gt3A_521 = arith.cmpf ogt, %select_n3A_501, %select_n3A_494 : vector<16x128xf32>
    %select_n3A_522 = arith.select %gt3A_521, %select_n3A_501, %select_n3A_494 : vector<16x128xi1>, vector<16x128xf32>
    %select_n3A_523 = arith.select %gt3A_521, %select_n3A_506, %select_n3A_499 : vector<16x128xi1>, vector<16x128xi32>
    %gt3A_524 = arith.cmpf ogt, %select_n3A_515, %select_n3A_508 : vector<16x128xf32>
    %select_n3A_525 = arith.select %gt3A_524, %select_n3A_515, %select_n3A_508 : vector<16x128xi1>, vector<16x128xf32>
    %select_n3A_526 = arith.select %gt3A_524, %select_n3A_520, %select_n3A_513 : vector<16x128xi1>, vector<16x128xi32>
    %gt3A_527 = arith.cmpf ogt, %select_n3A_525, %select_n3A_522 : vector<16x128xf32>
    %select_n3A_528 = arith.select %gt3A_527, %select_n3A_525, %select_n3A_522 : vector<16x128xi1>, vector<16x128xf32>
    %select_n3A_529 = arith.select %gt3A_527, %select_n3A_526, %select_n3A_523 : vector<16x128xi1>, vector<16x128xi32>
    %gt3A_530 = arith.cmpf ogt, %add3A_492, %select_n3A_528 : vector<16x128xf32>
    %select_n3A_531 = arith.select %gt3A_530, %add3A_492, %select_n3A_528 : vector<16x128xi1>, vector<16x128xf32>
    %jit3A_532 = arith.constant 8 : i32
    %broadcast_in_dim3A_533 = vector.broadcast %jit3A_532 : i32 to vector<16x128xi32>
    %select_n3A_534 = arith.select %gt3A_530, %broadcast_in_dim3A_533, %select_n3A_529 : vector<16x128xi1>, vector<16x128xi32>
    %swap3A_535 = arith.constant 3 : index
    %swap3A_536 = arith.index_cast %scan3A_104 : i32 to index
    %swap3A_537 = arith.constant 0 : index
    %swap3A_538 = arith.constant 0 : index
    %swap3A_539 = vector.load %arg5[%swap3A_535, %swap3A_536, %swap3A_537, %swap3A_538] : memref<9x200x16x128xi32, #tpu.memory_space<vmem>>, vector<1x1x16x128xi32>
    %swap3A_540 = vector.shape_cast %swap3A_539 : vector<1x1x16x128xi32> to vector<16x128xi32>
    %swap3A_541 = vector.shape_cast %select_n3A_534 : vector<16x128xi32> to vector<1x1x16x128xi32>
    tpu.vector_store %arg5[%swap3A_535, %swap3A_536, %swap3A_537, %swap3A_538], %swap3A_541 {strides = array<i32>} : memref<9x200x16x128xi32, #tpu.memory_space<vmem>>, vector<1x1x16x128xi32>,
    %add3A_542 = arith.addf %select_n3A_531, %bitcast_convert_type3A_130 : vector<16x128xf32>
    %get3A_543 = arith.constant 0 : index
    %get3A_544 = arith.constant 4 : index
    %get3A_545 = memref.load %arg0[%get3A_543, %get3A_544] : memref<9x9xf32, #tpu.memory_space<smem>>
    %add3A_546 = vector.broadcast %get3A_545 : f32 to vector<16x128xf32>
    %add3A_547 = arith.addf %scan3A_102#0, %add3A_546 : vector<16x128xf32>
    %get3A_548 = arith.constant 1 : index
    %get3A_549 = arith.constant 4 : index
    %get3A_550 = memref.load %arg0[%get3A_548, %get3A_549] : memref<9x9xf32, #tpu.memory_space<smem>>
    %add3A_551 = vector.broadcast %get3A_550 : f32 to vector<16x128xf32>
    %add3A_552 = arith.addf %scan3A_102#1, %add3A_551 : vector<16x128xf32>
    %get3A_553 = arith.constant 2 : index
    %get3A_554 = arith.constant 4 : index
    %get3A_555 = memref.load %arg0[%get3A_553, %get3A_554] : memref<9x9xf32, #tpu.memory_space<smem>>
    %add3A_556 = vector.broadcast %get3A_555 : f32 to vector<16x128xf32>
    %add3A_557 = arith.addf %scan3A_102#2, %add3A_556 : vector<16x128xf32>
    %get3A_558 = arith.constant 3 : index
    %get3A_559 = arith.constant 4 : index
    %get3A_560 = memref.load %arg0[%get3A_558, %get3A_559] : memref<9x9xf32, #tpu.memory_space<smem>>
    %add3A_561 = vector.broadcast %get3A_560 : f32 to vector<16x128xf32>
    %add3A_562 = arith.addf %scan3A_102#3, %add3A_561 : vector<16x128xf32>
    %get3A_563 = arith.constant 4 : index
    %get3A_564 = arith.constant 4 : index
    %get3A_565 = memref.load %arg0[%get3A_563, %get3A_564] : memref<9x9xf32, #tpu.memory_space<smem>>
    %add3A_566 = vector.broadcast %get3A_565 : f32 to vector<16x128xf32>
    %add3A_567 = arith.addf %scan3A_102#4, %add3A_566 : vector<16x128xf32>
    %get3A_568 = arith.constant 5 : index
    %get3A_569 = arith.constant 4 : index
    %get3A_570 = memref.load %arg0[%get3A_568, %get3A_569] : memref<9x9xf32, #tpu.memory_space<smem>>
    %add3A_571 = vector.broadcast %get3A_570 : f32 to vector<16x128xf32>
    %add3A_572 = arith.addf %scan3A_102#5, %add3A_571 : vector<16x128xf32>
    %get3A_573 = arith.constant 6 : index
    %get3A_574 = arith.constant 4 : index
    %get3A_575 = memref.load %arg0[%get3A_573, %get3A_574] : memref<9x9xf32, #tpu.memory_space<smem>>
    %add3A_576 = vector.broadcast %get3A_575 : f32 to vector<16x128xf32>
    %add3A_577 = arith.addf %scan3A_102#6, %add3A_576 : vector<16x128xf32>
    %get3A_578 = arith.constant 7 : index
    %get3A_579 = arith.constant 4 : index
    %get3A_580 = memref.load %arg0[%get3A_578, %get3A_579] : memref<9x9xf32, #tpu.memory_space<smem>>
    %add3A_581 = vector.broadcast %get3A_580 : f32 to vector<16x128xf32>
    %add3A_582 = arith.addf %scan3A_102#7, %add3A_581 : vector<16x128xf32>
    %get3A_583 = arith.constant 8 : index
    %get3A_584 = arith.constant 4 : index
    %get3A_585 = memref.load %arg0[%get3A_583, %get3A_584] : memref<9x9xf32, #tpu.memory_space<smem>>
    %add3A_586 = vector.broadcast %get3A_585 : f32 to vector<16x128xf32>
    %add3A_587 = arith.addf %scan3A_102#8, %add3A_586 : vector<16x128xf32>
    %gt3A_588 = arith.cmpf ogt, %add3A_552, %add3A_547 : vector<16x128xf32>
    %select_n3A_589 = arith.select %gt3A_588, %add3A_552, %add3A_547 : vector<16x128xi1>, vector<16x128xf32>
    %jit3A_590 = arith.constant 1 : i32
    %jit3A_591 = arith.constant 0 : i32
    %broadcast_in_dim3A_592 = vector.broadcast %jit3A_590 : i32 to vector<16x128xi32>
    %broadcast_in_dim3A_593 = vector.broadcast %jit3A_591 : i32 to vector<16x128xi32>
    %select_n3A_594 = arith.select %gt3A_588, %broadcast_in_dim3A_592, %broadcast_in_dim3A_593 : vector<16x128xi1>, vector<16x128xi32>
    %gt3A_595 = arith.cmpf ogt, %add3A_562, %add3A_557 : vector<16x128xf32>
    %select_n3A_596 = arith.select %gt3A_595, %add3A_562, %add3A_557 : vector<16x128xi1>, vector<16x128xf32>
    %jit3A_597 = arith.constant 3 : i32
    %jit3A_598 = arith.constant 2 : i32
    %broadcast_in_dim3A_599 = vector.broadcast %jit3A_597 : i32 to vector<16x128xi32>
    %broadcast_in_dim3A_600 = vector.broadcast %jit3A_598 : i32 to vector<16x128xi32>
    %select_n3A_601 = arith.select %gt3A_595, %broadcast_in_dim3A_599, %broadcast_in_dim3A_600 : vector<16x128xi1>, vector<16x128xi32>
    %gt3A_602 = arith.cmpf ogt, %add3A_572, %add3A_567 : vector<16x128xf32>
    %select_n3A_603 = arith.select %gt3A_602, %add3A_572, %add3A_567 : vector<16x128xi1>, vector<16x128xf32>
    %jit3A_604 = arith.constant 5 : i32
    %jit3A_605 = arith.constant 4 : i32
    %broadcast_in_dim3A_606 = vector.broadcast %jit3A_604 : i32 to vector<16x128xi32>
    %broadcast_in_dim3A_607 = vector.broadcast %jit3A_605 : i32 to vector<16x128xi32>
    %select_n3A_608 = arith.select %gt3A_602, %broadcast_in_dim3A_606, %broadcast_in_dim3A_607 : vector<16x128xi1>, vector<16x128xi32>
    %gt3A_609 = arith.cmpf ogt, %add3A_582, %add3A_577 : vector<16x128xf32>
    %select_n3A_610 = arith.select %gt3A_609, %add3A_582, %add3A_577 : vector<16x128xi1>, vector<16x128xf32>
    %jit3A_611 = arith.constant 7 : i32
    %jit3A_612 = arith.constant 6 : i32
    %broadcast_in_dim3A_613 = vector.broadcast %jit3A_611 : i32 to vector<16x128xi32>
    %broadcast_in_dim3A_614 = vector.broadcast %jit3A_612 : i32 to vector<16x128xi32>
    %select_n3A_615 = arith.select %gt3A_609, %broadcast_in_dim3A_613, %broadcast_in_dim3A_614 : vector<16x128xi1>, vector<16x128xi32>
    %gt3A_616 = arith.cmpf ogt, %select_n3A_596, %select_n3A_589 : vector<16x128xf32>
    %select_n3A_617 = arith.select %gt3A_616, %select_n3A_596, %select_n3A_589 : vector<16x128xi1>, vector<16x128xf32>
    %select_n3A_618 = arith.select %gt3A_616, %select_n3A_601, %select_n3A_594 : vector<16x128xi1>, vector<16x128xi32>
    %gt3A_619 = arith.cmpf ogt, %select_n3A_610, %select_n3A_603 : vector<16x128xf32>
    %select_n3A_620 = arith.select %gt3A_619, %select_n3A_610, %select_n3A_603 : vector<16x128xi1>, vector<16x128xf32>
    %select_n3A_621 = arith.select %gt3A_619, %select_n3A_615, %select_n3A_608 : vector<16x128xi1>, vector<16x128xi32>
    %gt3A_622 = arith.cmpf ogt, %select_n3A_620, %select_n3A_617 : vector<16x128xf32>
    %select_n3A_623 = arith.select %gt3A_622, %select_n3A_620, %select_n3A_617 : vector<16x128xi1>, vector<16x128xf32>
    %select_n3A_624 = arith.select %gt3A_622, %select_n3A_621, %select_n3A_618 : vector<16x128xi1>, vector<16x128xi32>
    %gt3A_625 = arith.cmpf ogt, %add3A_587, %select_n3A_623 : vector<16x128xf32>
    %select_n3A_626 = arith.select %gt3A_625, %add3A_587, %select_n3A_623 : vector<16x128xi1>, vector<16x128xf32>
    %jit3A_627 = arith.constant 8 : i32
    %broadcast_in_dim3A_628 = vector.broadcast %jit3A_627 : i32 to vector<16x128xi32>
    %select_n3A_629 = arith.select %gt3A_625, %broadcast_in_dim3A_628, %select_n3A_624 : vector<16x128xi1>, vector<16x128xi32>
    %swap3A_630 = arith.constant 4 : index
    %swap3A_631 = arith.index_cast %scan3A_104 : i32 to index
    %swap3A_632 = arith.constant 0 : index
    %swap3A_633 = arith.constant 0 : index
    %swap3A_634 = vector.load %arg5[%swap3A_630, %swap3A_631, %swap3A_632, %swap3A_633] : memref<9x200x16x128xi32, #tpu.memory_space<vmem>>, vector<1x1x16x128xi32>
    %swap3A_635 = vector.shape_cast %swap3A_634 : vector<1x1x16x128xi32> to vector<16x128xi32>
    %swap3A_636 = vector.shape_cast %select_n3A_629 : vector<16x128xi32> to vector<1x1x16x128xi32>
    tpu.vector_store %arg5[%swap3A_630, %swap3A_631, %swap3A_632, %swap3A_633], %swap3A_636 {strides = array<i32>} : memref<9x200x16x128xi32, #tpu.memory_space<vmem>>, vector<1x1x16x128xi32>,
    %add3A_637 = arith.addf %select_n3A_626, %bitcast_convert_type3A_140 : vector<16x128xf32>
    %get3A_638 = arith.constant 0 : index
    %get3A_639 = arith.constant 5 : index
    %get3A_640 = memref.load %arg0[%get3A_638, %get3A_639] : memref<9x9xf32, #tpu.memory_space<smem>>
    %add3A_641 = vector.broadcast %get3A_640 : f32 to vector<16x128xf32>
    %add3A_642 = arith.addf %scan3A_102#0, %add3A_641 : vector<16x128xf32>
    %get3A_643 = arith.constant 1 : index
    %get3A_644 = arith.constant 5 : index
    %get3A_645 = memref.load %arg0[%get3A_643, %get3A_644] : memref<9x9xf32, #tpu.memory_space<smem>>
    %add3A_646 = vector.broadcast %get3A_645 : f32 to vector<16x128xf32>
    %add3A_647 = arith.addf %scan3A_102#1, %add3A_646 : vector<16x128xf32>
    %get3A_648 = arith.constant 2 : index
    %get3A_649 = arith.constant 5 : index
    %get3A_650 = memref.load %arg0[%get3A_648, %get3A_649] : memref<9x9xf32, #tpu.memory_space<smem>>
    %add3A_651 = vector.broadcast %get3A_650 : f32 to vector<16x128xf32>
    %add3A_652 = arith.addf %scan3A_102#2, %add3A_651 : vector<16x128xf32>
    %get3A_653 = arith.constant 3 : index
    %get3A_654 = arith.constant 5 : index
    %get3A_655 = memref.load %arg0[%get3A_653, %get3A_654] : memref<9x9xf32, #tpu.memory_space<smem>>
    %add3A_656 = vector.broadcast %get3A_655 : f32 to vector<16x128xf32>
    %add3A_657 = arith.addf %scan3A_102#3, %add3A_656 : vector<16x128xf32>
    %get3A_658 = arith.constant 4 : index
    %get3A_659 = arith.constant 5 : index
    %get3A_660 = memref.load %arg0[%get3A_658, %get3A_659] : memref<9x9xf32, #tpu.memory_space<smem>>
    %add3A_661 = vector.broadcast %get3A_660 : f32 to vector<16x128xf32>
    %add3A_662 = arith.addf %scan3A_102#4, %add3A_661 : vector<16x128xf32>
    %get3A_663 = arith.constant 5 : index
    %get3A_664 = arith.constant 5 : index
    %get3A_665 = memref.load %arg0[%get3A_663, %get3A_664] : memref<9x9xf32, #tpu.memory_space<smem>>
    %add3A_666 = vector.broadcast %get3A_665 : f32 to vector<16x128xf32>
    %add3A_667 = arith.addf %scan3A_102#5, %add3A_666 : vector<16x128xf32>
    %get3A_668 = arith.constant 6 : index
    %get3A_669 = arith.constant 5 : index
    %get3A_670 = memref.load %arg0[%get3A_668, %get3A_669] : memref<9x9xf32, #tpu.memory_space<smem>>
    %add3A_671 = vector.broadcast %get3A_670 : f32 to vector<16x128xf32>
    %add3A_672 = arith.addf %scan3A_102#6, %add3A_671 : vector<16x128xf32>
    %get3A_673 = arith.constant 7 : index
    %get3A_674 = arith.constant 5 : index
    %get3A_675 = memref.load %arg0[%get3A_673, %get3A_674] : memref<9x9xf32, #tpu.memory_space<smem>>
    %add3A_676 = vector.broadcast %get3A_675 : f32 to vector<16x128xf32>
    %add3A_677 = arith.addf %scan3A_102#7, %add3A_676 : vector<16x128xf32>
    %get3A_678 = arith.constant 8 : index
    %get3A_679 = arith.constant 5 : index
    %get3A_680 = memref.load %arg0[%get3A_678, %get3A_679] : memref<9x9xf32, #tpu.memory_space<smem>>
    %add3A_681 = vector.broadcast %get3A_680 : f32 to vector<16x128xf32>
    %add3A_682 = arith.addf %scan3A_102#8, %add3A_681 : vector<16x128xf32>
    %gt3A_683 = arith.cmpf ogt, %add3A_647, %add3A_642 : vector<16x128xf32>
    %select_n3A_684 = arith.select %gt3A_683, %add3A_647, %add3A_642 : vector<16x128xi1>, vector<16x128xf32>
    %jit3A_685 = arith.constant 1 : i32
    %jit3A_686 = arith.constant 0 : i32
    %broadcast_in_dim3A_687 = vector.broadcast %jit3A_685 : i32 to vector<16x128xi32>
    %broadcast_in_dim3A_688 = vector.broadcast %jit3A_686 : i32 to vector<16x128xi32>
    %select_n3A_689 = arith.select %gt3A_683, %broadcast_in_dim3A_687, %broadcast_in_dim3A_688 : vector<16x128xi1>, vector<16x128xi32>
    %gt3A_690 = arith.cmpf ogt, %add3A_657, %add3A_652 : vector<16x128xf32>
    %select_n3A_691 = arith.select %gt3A_690, %add3A_657, %add3A_652 : vector<16x128xi1>, vector<16x128xf32>
    %jit3A_692 = arith.constant 3 : i32
    %jit3A_693 = arith.constant 2 : i32
    %broadcast_in_dim3A_694 = vector.broadcast %jit3A_692 : i32 to vector<16x128xi32>
    %broadcast_in_dim3A_695 = vector.broadcast %jit3A_693 : i32 to vector<16x128xi32>
    %select_n3A_696 = arith.select %gt3A_690, %broadcast_in_dim3A_694, %broadcast_in_dim3A_695 : vector<16x128xi1>, vector<16x128xi32>
    %gt3A_697 = arith.cmpf ogt, %add3A_667, %add3A_662 : vector<16x128xf32>
    %select_n3A_698 = arith.select %gt3A_697, %add3A_667, %add3A_662 : vector<16x128xi1>, vector<16x128xf32>
    %jit3A_699 = arith.constant 5 : i32
    %jit3A_700 = arith.constant 4 : i32
    %broadcast_in_dim3A_701 = vector.broadcast %jit3A_699 : i32 to vector<16x128xi32>
    %broadcast_in_dim3A_702 = vector.broadcast %jit3A_700 : i32 to vector<16x128xi32>
    %select_n3A_703 = arith.select %gt3A_697, %broadcast_in_dim3A_701, %broadcast_in_dim3A_702 : vector<16x128xi1>, vector<16x128xi32>
    %gt3A_704 = arith.cmpf ogt, %add3A_677, %add3A_672 : vector<16x128xf32>
    %select_n3A_705 = arith.select %gt3A_704, %add3A_677, %add3A_672 : vector<16x128xi1>, vector<16x128xf32>
    %jit3A_706 = arith.constant 7 : i32
    %jit3A_707 = arith.constant 6 : i32
    %broadcast_in_dim3A_708 = vector.broadcast %jit3A_706 : i32 to vector<16x128xi32>
    %broadcast_in_dim3A_709 = vector.broadcast %jit3A_707 : i32 to vector<16x128xi32>
    %select_n3A_710 = arith.select %gt3A_704, %broadcast_in_dim3A_708, %broadcast_in_dim3A_709 : vector<16x128xi1>, vector<16x128xi32>
    %gt3A_711 = arith.cmpf ogt, %select_n3A_691, %select_n3A_684 : vector<16x128xf32>
    %select_n3A_712 = arith.select %gt3A_711, %select_n3A_691, %select_n3A_684 : vector<16x128xi1>, vector<16x128xf32>
    %select_n3A_713 = arith.select %gt3A_711, %select_n3A_696, %select_n3A_689 : vector<16x128xi1>, vector<16x128xi32>
    %gt3A_714 = arith.cmpf ogt, %select_n3A_705, %select_n3A_698 : vector<16x128xf32>
    %select_n3A_715 = arith.select %gt3A_714, %select_n3A_705, %select_n3A_698 : vector<16x128xi1>, vector<16x128xf32>
    %select_n3A_716 = arith.select %gt3A_714, %select_n3A_710, %select_n3A_703 : vector<16x128xi1>, vector<16x128xi32>
    %gt3A_717 = arith.cmpf ogt, %select_n3A_715, %select_n3A_712 : vector<16x128xf32>
    %select_n3A_718 = arith.select %gt3A_717, %select_n3A_715, %select_n3A_712 : vector<16x128xi1>, vector<16x128xf32>
    %select_n3A_719 = arith.select %gt3A_717, %select_n3A_716, %select_n3A_713 : vector<16x128xi1>, vector<16x128xi32>
    %gt3A_720 = arith.cmpf ogt, %add3A_682, %select_n3A_718 : vector<16x128xf32>
    %select_n3A_721 = arith.select %gt3A_720, %add3A_682, %select_n3A_718 : vector<16x128xi1>, vector<16x128xf32>
    %jit3A_722 = arith.constant 8 : i32
    %broadcast_in_dim3A_723 = vector.broadcast %jit3A_722 : i32 to vector<16x128xi32>
    %select_n3A_724 = arith.select %gt3A_720, %broadcast_in_dim3A_723, %select_n3A_719 : vector<16x128xi1>, vector<16x128xi32>
    %swap3A_725 = arith.constant 5 : index
    %swap3A_726 = arith.index_cast %scan3A_104 : i32 to index
    %swap3A_727 = arith.constant 0 : index
    %swap3A_728 = arith.constant 0 : index
    %swap3A_729 = vector.load %arg5[%swap3A_725, %swap3A_726, %swap3A_727, %swap3A_728] : memref<9x200x16x128xi32, #tpu.memory_space<vmem>>, vector<1x1x16x128xi32>
    %swap3A_730 = vector.shape_cast %swap3A_729 : vector<1x1x16x128xi32> to vector<16x128xi32>
    %swap3A_731 = vector.shape_cast %select_n3A_724 : vector<16x128xi32> to vector<1x1x16x128xi32>
    tpu.vector_store %arg5[%swap3A_725, %swap3A_726, %swap3A_727, %swap3A_728], %swap3A_731 {strides = array<i32>} : memref<9x200x16x128xi32, #tpu.memory_space<vmem>>, vector<1x1x16x128xi32>,
    %add3A_732 = arith.addf %select_n3A_721, %bitcast_convert_type3A_143 : vector<16x128xf32>
    %get3A_733 = arith.constant 0 : index
    %get3A_734 = arith.constant 6 : index
    %get3A_735 = memref.load %arg0[%get3A_733, %get3A_734] : memref<9x9xf32, #tpu.memory_space<smem>>
    %add3A_736 = vector.broadcast %get3A_735 : f32 to vector<16x128xf32>
    %add3A_737 = arith.addf %scan3A_102#0, %add3A_736 : vector<16x128xf32>
    %get3A_738 = arith.constant 1 : index
    %get3A_739 = arith.constant 6 : index
    %get3A_740 = memref.load %arg0[%get3A_738, %get3A_739] : memref<9x9xf32, #tpu.memory_space<smem>>
    %add3A_741 = vector.broadcast %get3A_740 : f32 to vector<16x128xf32>
    %add3A_742 = arith.addf %scan3A_102#1, %add3A_741 : vector<16x128xf32>
    %get3A_743 = arith.constant 2 : index
    %get3A_744 = arith.constant 6 : index
    %get3A_745 = memref.load %arg0[%get3A_743, %get3A_744] : memref<9x9xf32, #tpu.memory_space<smem>>
    %add3A_746 = vector.broadcast %get3A_745 : f32 to vector<16x128xf32>
    %add3A_747 = arith.addf %scan3A_102#2, %add3A_746 : vector<16x128xf32>
    %get3A_748 = arith.constant 3 : index
    %get3A_749 = arith.constant 6 : index
    %get3A_750 = memref.load %arg0[%get3A_748, %get3A_749] : memref<9x9xf32, #tpu.memory_space<smem>>
    %add3A_751 = vector.broadcast %get3A_750 : f32 to vector<16x128xf32>
    %add3A_752 = arith.addf %scan3A_102#3, %add3A_751 : vector<16x128xf32>
    %get3A_753 = arith.constant 4 : index
    %get3A_754 = arith.constant 6 : index
    %get3A_755 = memref.load %arg0[%get3A_753, %get3A_754] : memref<9x9xf32, #tpu.memory_space<smem>>
    %add3A_756 = vector.broadcast %get3A_755 : f32 to vector<16x128xf32>
    %add3A_757 = arith.addf %scan3A_102#4, %add3A_756 : vector<16x128xf32>
    %get3A_758 = arith.constant 5 : index
    %get3A_759 = arith.constant 6 : index
    %get3A_760 = memref.load %arg0[%get3A_758, %get3A_759] : memref<9x9xf32, #tpu.memory_space<smem>>
    %add3A_761 = vector.broadcast %get3A_760 : f32 to vector<16x128xf32>
    %add3A_762 = arith.addf %scan3A_102#5, %add3A_761 : vector<16x128xf32>
    %get3A_763 = arith.constant 6 : index
    %get3A_764 = arith.constant 6 : index
    %get3A_765 = memref.load %arg0[%get3A_763, %get3A_764] : memref<9x9xf32, #tpu.memory_space<smem>>
    %add3A_766 = vector.broadcast %get3A_765 : f32 to vector<16x128xf32>
    %add3A_767 = arith.addf %scan3A_102#6, %add3A_766 : vector<16x128xf32>
    %get3A_768 = arith.constant 7 : index
    %get3A_769 = arith.constant 6 : index
    %get3A_770 = memref.load %arg0[%get3A_768, %get3A_769] : memref<9x9xf32, #tpu.memory_space<smem>>
    %add3A_771 = vector.broadcast %get3A_770 : f32 to vector<16x128xf32>
    %add3A_772 = arith.addf %scan3A_102#7, %add3A_771 : vector<16x128xf32>
    %get3A_773 = arith.constant 8 : index
    %get3A_774 = arith.constant 6 : index
    %get3A_775 = memref.load %arg0[%get3A_773, %get3A_774] : memref<9x9xf32, #tpu.memory_space<smem>>
    %add3A_776 = vector.broadcast %get3A_775 : f32 to vector<16x128xf32>
    %add3A_777 = arith.addf %scan3A_102#8, %add3A_776 : vector<16x128xf32>
    %gt3A_778 = arith.cmpf ogt, %add3A_742, %add3A_737 : vector<16x128xf32>
    %select_n3A_779 = arith.select %gt3A_778, %add3A_742, %add3A_737 : vector<16x128xi1>, vector<16x128xf32>
    %jit3A_780 = arith.constant 1 : i32
    %jit3A_781 = arith.constant 0 : i32
    %broadcast_in_dim3A_782 = vector.broadcast %jit3A_780 : i32 to vector<16x128xi32>
    %broadcast_in_dim3A_783 = vector.broadcast %jit3A_781 : i32 to vector<16x128xi32>
    %select_n3A_784 = arith.select %gt3A_778, %broadcast_in_dim3A_782, %broadcast_in_dim3A_783 : vector<16x128xi1>, vector<16x128xi32>
    %gt3A_785 = arith.cmpf ogt, %add3A_752, %add3A_747 : vector<16x128xf32>
    %select_n3A_786 = arith.select %gt3A_785, %add3A_752, %add3A_747 : vector<16x128xi1>, vector<16x128xf32>
    %jit3A_787 = arith.constant 3 : i32
    %jit3A_788 = arith.constant 2 : i32
    %broadcast_in_dim3A_789 = vector.broadcast %jit3A_787 : i32 to vector<16x128xi32>
    %broadcast_in_dim3A_790 = vector.broadcast %jit3A_788 : i32 to vector<16x128xi32>
    %select_n3A_791 = arith.select %gt3A_785, %broadcast_in_dim3A_789, %broadcast_in_dim3A_790 : vector<16x128xi1>, vector<16x128xi32>
    %gt3A_792 = arith.cmpf ogt, %add3A_762, %add3A_757 : vector<16x128xf32>
    %select_n3A_793 = arith.select %gt3A_792, %add3A_762, %add3A_757 : vector<16x128xi1>, vector<16x128xf32>
    %jit3A_794 = arith.constant 5 : i32
    %jit3A_795 = arith.constant 4 : i32
    %broadcast_in_dim3A_796 = vector.broadcast %jit3A_794 : i32 to vector<16x128xi32>
    %broadcast_in_dim3A_797 = vector.broadcast %jit3A_795 : i32 to vector<16x128xi32>
    %select_n3A_798 = arith.select %gt3A_792, %broadcast_in_dim3A_796, %broadcast_in_dim3A_797 : vector<16x128xi1>, vector<16x128xi32>
    %gt3A_799 = arith.cmpf ogt, %add3A_772, %add3A_767 : vector<16x128xf32>
    %select_n3A_800 = arith.select %gt3A_799, %add3A_772, %add3A_767 : vector<16x128xi1>, vector<16x128xf32>
    %jit3A_801 = arith.constant 7 : i32
    %jit3A_802 = arith.constant 6 : i32
    %broadcast_in_dim3A_803 = vector.broadcast %jit3A_801 : i32 to vector<16x128xi32>
    %broadcast_in_dim3A_804 = vector.broadcast %jit3A_802 : i32 to vector<16x128xi32>
    %select_n3A_805 = arith.select %gt3A_799, %broadcast_in_dim3A_803, %broadcast_in_dim3A_804 : vector<16x128xi1>, vector<16x128xi32>
    %gt3A_806 = arith.cmpf ogt, %select_n3A_786, %select_n3A_779 : vector<16x128xf32>
    %select_n3A_807 = arith.select %gt3A_806, %select_n3A_786, %select_n3A_779 : vector<16x128xi1>, vector<16x128xf32>
    %select_n3A_808 = arith.select %gt3A_806, %select_n3A_791, %select_n3A_784 : vector<16x128xi1>, vector<16x128xi32>
    %gt3A_809 = arith.cmpf ogt, %select_n3A_800, %select_n3A_793 : vector<16x128xf32>
    %select_n3A_810 = arith.select %gt3A_809, %select_n3A_800, %select_n3A_793 : vector<16x128xi1>, vector<16x128xf32>
    %select_n3A_811 = arith.select %gt3A_809, %select_n3A_805, %select_n3A_798 : vector<16x128xi1>, vector<16x128xi32>
    %gt3A_812 = arith.cmpf ogt, %select_n3A_810, %select_n3A_807 : vector<16x128xf32>
    %select_n3A_813 = arith.select %gt3A_812, %select_n3A_810, %select_n3A_807 : vector<16x128xi1>, vector<16x128xf32>
    %select_n3A_814 = arith.select %gt3A_812, %select_n3A_811, %select_n3A_808 : vector<16x128xi1>, vector<16x128xi32>
    %gt3A_815 = arith.cmpf ogt, %add3A_777, %select_n3A_813 : vector<16x128xf32>
    %select_n3A_816 = arith.select %gt3A_815, %add3A_777, %select_n3A_813 : vector<16x128xi1>, vector<16x128xf32>
    %jit3A_817 = arith.constant 8 : i32
    %broadcast_in_dim3A_818 = vector.broadcast %jit3A_817 : i32 to vector<16x128xi32>
    %select_n3A_819 = arith.select %gt3A_815, %broadcast_in_dim3A_818, %select_n3A_814 : vector<16x128xi1>, vector<16x128xi32>
    %swap3A_820 = arith.constant 6 : index
    %swap3A_821 = arith.index_cast %scan3A_104 : i32 to index
    %swap3A_822 = arith.constant 0 : index
    %swap3A_823 = arith.constant 0 : index
    %swap3A_824 = vector.load %arg5[%swap3A_820, %swap3A_821, %swap3A_822, %swap3A_823] : memref<9x200x16x128xi32, #tpu.memory_space<vmem>>, vector<1x1x16x128xi32>
    %swap3A_825 = vector.shape_cast %swap3A_824 : vector<1x1x16x128xi32> to vector<16x128xi32>
    %swap3A_826 = vector.shape_cast %select_n3A_819 : vector<16x128xi32> to vector<1x1x16x128xi32>
    tpu.vector_store %arg5[%swap3A_820, %swap3A_821, %swap3A_822, %swap3A_823], %swap3A_826 {strides = array<i32>} : memref<9x200x16x128xi32, #tpu.memory_space<vmem>>, vector<1x1x16x128xi32>,
    %add3A_827 = arith.addf %select_n3A_816, %bitcast_convert_type3A_153 : vector<16x128xf32>
    %get3A_828 = arith.constant 0 : index
    %get3A_829 = arith.constant 7 : index
    %get3A_830 = memref.load %arg0[%get3A_828, %get3A_829] : memref<9x9xf32, #tpu.memory_space<smem>>
    %add3A_831 = vector.broadcast %get3A_830 : f32 to vector<16x128xf32>
    %add3A_832 = arith.addf %scan3A_102#0, %add3A_831 : vector<16x128xf32>
    %get3A_833 = arith.constant 1 : index
    %get3A_834 = arith.constant 7 : index
    %get3A_835 = memref.load %arg0[%get3A_833, %get3A_834] : memref<9x9xf32, #tpu.memory_space<smem>>
    %add3A_836 = vector.broadcast %get3A_835 : f32 to vector<16x128xf32>
    %add3A_837 = arith.addf %scan3A_102#1, %add3A_836 : vector<16x128xf32>
    %get3A_838 = arith.constant 2 : index
    %get3A_839 = arith.constant 7 : index
    %get3A_840 = memref.load %arg0[%get3A_838, %get3A_839] : memref<9x9xf32, #tpu.memory_space<smem>>
    %add3A_841 = vector.broadcast %get3A_840 : f32 to vector<16x128xf32>
    %add3A_842 = arith.addf %scan3A_102#2, %add3A_841 : vector<16x128xf32>
    %get3A_843 = arith.constant 3 : index
    %get3A_844 = arith.constant 7 : index
    %get3A_845 = memref.load %arg0[%get3A_843, %get3A_844] : memref<9x9xf32, #tpu.memory_space<smem>>
    %add3A_846 = vector.broadcast %get3A_845 : f32 to vector<16x128xf32>
    %add3A_847 = arith.addf %scan3A_102#3, %add3A_846 : vector<16x128xf32>
    %get3A_848 = arith.constant 4 : index
    %get3A_849 = arith.constant 7 : index
    %get3A_850 = memref.load %arg0[%get3A_848, %get3A_849] : memref<9x9xf32, #tpu.memory_space<smem>>
    %add3A_851 = vector.broadcast %get3A_850 : f32 to vector<16x128xf32>
    %add3A_852 = arith.addf %scan3A_102#4, %add3A_851 : vector<16x128xf32>
    %get3A_853 = arith.constant 5 : index
    %get3A_854 = arith.constant 7 : index
    %get3A_855 = memref.load %arg0[%get3A_853, %get3A_854] : memref<9x9xf32, #tpu.memory_space<smem>>
    %add3A_856 = vector.broadcast %get3A_855 : f32 to vector<16x128xf32>
    %add3A_857 = arith.addf %scan3A_102#5, %add3A_856 : vector<16x128xf32>
    %get3A_858 = arith.constant 6 : index
    %get3A_859 = arith.constant 7 : index
    %get3A_860 = memref.load %arg0[%get3A_858, %get3A_859] : memref<9x9xf32, #tpu.memory_space<smem>>
    %add3A_861 = vector.broadcast %get3A_860 : f32 to vector<16x128xf32>
    %add3A_862 = arith.addf %scan3A_102#6, %add3A_861 : vector<16x128xf32>
    %get3A_863 = arith.constant 7 : index
    %get3A_864 = arith.constant 7 : index
    %get3A_865 = memref.load %arg0[%get3A_863, %get3A_864] : memref<9x9xf32, #tpu.memory_space<smem>>
    %add3A_866 = vector.broadcast %get3A_865 : f32 to vector<16x128xf32>
    %add3A_867 = arith.addf %scan3A_102#7, %add3A_866 : vector<16x128xf32>
    %get3A_868 = arith.constant 8 : index
    %get3A_869 = arith.constant 7 : index
    %get3A_870 = memref.load %arg0[%get3A_868, %get3A_869] : memref<9x9xf32, #tpu.memory_space<smem>>
    %add3A_871 = vector.broadcast %get3A_870 : f32 to vector<16x128xf32>
    %add3A_872 = arith.addf %scan3A_102#8, %add3A_871 : vector<16x128xf32>
    %gt3A_873 = arith.cmpf ogt, %add3A_837, %add3A_832 : vector<16x128xf32>
    %select_n3A_874 = arith.select %gt3A_873, %add3A_837, %add3A_832 : vector<16x128xi1>, vector<16x128xf32>
    %jit3A_875 = arith.constant 1 : i32
    %jit3A_876 = arith.constant 0 : i32
    %broadcast_in_dim3A_877 = vector.broadcast %jit3A_875 : i32 to vector<16x128xi32>
    %broadcast_in_dim3A_878 = vector.broadcast %jit3A_876 : i32 to vector<16x128xi32>
    %select_n3A_879 = arith.select %gt3A_873, %broadcast_in_dim3A_877, %broadcast_in_dim3A_878 : vector<16x128xi1>, vector<16x128xi32>
    %gt3A_880 = arith.cmpf ogt, %add3A_847, %add3A_842 : vector<16x128xf32>
    %select_n3A_881 = arith.select %gt3A_880, %add3A_847, %add3A_842 : vector<16x128xi1>, vector<16x128xf32>
    %jit3A_882 = arith.constant 3 : i32
    %jit3A_883 = arith.constant 2 : i32
    %broadcast_in_dim3A_884 = vector.broadcast %jit3A_882 : i32 to vector<16x128xi32>
    %broadcast_in_dim3A_885 = vector.broadcast %jit3A_883 : i32 to vector<16x128xi32>
    %select_n3A_886 = arith.select %gt3A_880, %broadcast_in_dim3A_884, %broadcast_in_dim3A_885 : vector<16x128xi1>, vector<16x128xi32>
    %gt3A_887 = arith.cmpf ogt, %add3A_857, %add3A_852 : vector<16x128xf32>
    %select_n3A_888 = arith.select %gt3A_887, %add3A_857, %add3A_852 : vector<16x128xi1>, vector<16x128xf32>
    %jit3A_889 = arith.constant 5 : i32
    %jit3A_890 = arith.constant 4 : i32
    %broadcast_in_dim3A_891 = vector.broadcast %jit3A_889 : i32 to vector<16x128xi32>
    %broadcast_in_dim3A_892 = vector.broadcast %jit3A_890 : i32 to vector<16x128xi32>
    %select_n3A_893 = arith.select %gt3A_887, %broadcast_in_dim3A_891, %broadcast_in_dim3A_892 : vector<16x128xi1>, vector<16x128xi32>
    %gt3A_894 = arith.cmpf ogt, %add3A_867, %add3A_862 : vector<16x128xf32>
    %select_n3A_895 = arith.select %gt3A_894, %add3A_867, %add3A_862 : vector<16x128xi1>, vector<16x128xf32>
    %jit3A_896 = arith.constant 7 : i32
    %jit3A_897 = arith.constant 6 : i32
    %broadcast_in_dim3A_898 = vector.broadcast %jit3A_896 : i32 to vector<16x128xi32>
    %broadcast_in_dim3A_899 = vector.broadcast %jit3A_897 : i32 to vector<16x128xi32>
    %select_n3A_900 = arith.select %gt3A_894, %broadcast_in_dim3A_898, %broadcast_in_dim3A_899 : vector<16x128xi1>, vector<16x128xi32>
    %gt3A_901 = arith.cmpf ogt, %select_n3A_881, %select_n3A_874 : vector<16x128xf32>
    %select_n3A_902 = arith.select %gt3A_901, %select_n3A_881, %select_n3A_874 : vector<16x128xi1>, vector<16x128xf32>
    %select_n3A_903 = arith.select %gt3A_901, %select_n3A_886, %select_n3A_879 : vector<16x128xi1>, vector<16x128xi32>
    %gt3A_904 = arith.cmpf ogt, %select_n3A_895, %select_n3A_888 : vector<16x128xf32>
    %select_n3A_905 = arith.select %gt3A_904, %select_n3A_895, %select_n3A_888 : vector<16x128xi1>, vector<16x128xf32>
    %select_n3A_906 = arith.select %gt3A_904, %select_n3A_900, %select_n3A_893 : vector<16x128xi1>, vector<16x128xi32>
    %gt3A_907 = arith.cmpf ogt, %select_n3A_905, %select_n3A_902 : vector<16x128xf32>
    %select_n3A_908 = arith.select %gt3A_907, %select_n3A_905, %select_n3A_902 : vector<16x128xi1>, vector<16x128xf32>
    %select_n3A_909 = arith.select %gt3A_907, %select_n3A_906, %select_n3A_903 : vector<16x128xi1>, vector<16x128xi32>
    %gt3A_910 = arith.cmpf ogt, %add3A_872, %select_n3A_908 : vector<16x128xf32>
    %select_n3A_911 = arith.select %gt3A_910, %add3A_872, %select_n3A_908 : vector<16x128xi1>, vector<16x128xf32>
    %jit3A_912 = arith.constant 8 : i32
    %broadcast_in_dim3A_913 = vector.broadcast %jit3A_912 : i32 to vector<16x128xi32>
    %select_n3A_914 = arith.select %gt3A_910, %broadcast_in_dim3A_913, %select_n3A_909 : vector<16x128xi1>, vector<16x128xi32>
    %swap3A_915 = arith.constant 7 : index
    %swap3A_916 = arith.index_cast %scan3A_104 : i32 to index
    %swap3A_917 = arith.constant 0 : index
    %swap3A_918 = arith.constant 0 : index
    %swap3A_919 = vector.load %arg5[%swap3A_915, %swap3A_916, %swap3A_917, %swap3A_918] : memref<9x200x16x128xi32, #tpu.memory_space<vmem>>, vector<1x1x16x128xi32>
    %swap3A_920 = vector.shape_cast %swap3A_919 : vector<1x1x16x128xi32> to vector<16x128xi32>
    %swap3A_921 = vector.shape_cast %select_n3A_914 : vector<16x128xi32> to vector<1x1x16x128xi32>
    tpu.vector_store %arg5[%swap3A_915, %swap3A_916, %swap3A_917, %swap3A_918], %swap3A_921 {strides = array<i32>} : memref<9x200x16x128xi32, #tpu.memory_space<vmem>>, vector<1x1x16x128xi32>,
    %add3A_922 = arith.addf %select_n3A_911, %bitcast_convert_type3A_156 : vector<16x128xf32>
    %get3A_923 = arith.constant 0 : index
    %get3A_924 = arith.constant 8 : index
    %get3A_925 = memref.load %arg0[%get3A_923, %get3A_924] : memref<9x9xf32, #tpu.memory_space<smem>>
    %add3A_926 = vector.broadcast %get3A_925 : f32 to vector<16x128xf32>
    %add3A_927 = arith.addf %scan3A_102#0, %add3A_926 : vector<16x128xf32>
    %get3A_928 = arith.constant 1 : index
    %get3A_929 = arith.constant 8 : index
    %get3A_930 = memref.load %arg0[%get3A_928, %get3A_929] : memref<9x9xf32, #tpu.memory_space<smem>>
    %add3A_931 = vector.broadcast %get3A_930 : f32 to vector<16x128xf32>
    %add3A_932 = arith.addf %scan3A_102#1, %add3A_931 : vector<16x128xf32>
    %get3A_933 = arith.constant 2 : index
    %get3A_934 = arith.constant 8 : index
    %get3A_935 = memref.load %arg0[%get3A_933, %get3A_934] : memref<9x9xf32, #tpu.memory_space<smem>>
    %add3A_936 = vector.broadcast %get3A_935 : f32 to vector<16x128xf32>
    %add3A_937 = arith.addf %scan3A_102#2, %add3A_936 : vector<16x128xf32>
    %get3A_938 = arith.constant 3 : index
    %get3A_939 = arith.constant 8 : index
    %get3A_940 = memref.load %arg0[%get3A_938, %get3A_939] : memref<9x9xf32, #tpu.memory_space<smem>>
    %add3A_941 = vector.broadcast %get3A_940 : f32 to vector<16x128xf32>
    %add3A_942 = arith.addf %scan3A_102#3, %add3A_941 : vector<16x128xf32>
    %get3A_943 = arith.constant 4 : index
    %get3A_944 = arith.constant 8 : index
    %get3A_945 = memref.load %arg0[%get3A_943, %get3A_944] : memref<9x9xf32, #tpu.memory_space<smem>>
    %add3A_946 = vector.broadcast %get3A_945 : f32 to vector<16x128xf32>
    %add3A_947 = arith.addf %scan3A_102#4, %add3A_946 : vector<16x128xf32>
    %get3A_948 = arith.constant 5 : index
    %get3A_949 = arith.constant 8 : index
    %get3A_950 = memref.load %arg0[%get3A_948, %get3A_949] : memref<9x9xf32, #tpu.memory_space<smem>>
    %add3A_951 = vector.broadcast %get3A_950 : f32 to vector<16x128xf32>
    %add3A_952 = arith.addf %scan3A_102#5, %add3A_951 : vector<16x128xf32>
    %get3A_953 = arith.constant 6 : index
    %get3A_954 = arith.constant 8 : index
    %get3A_955 = memref.load %arg0[%get3A_953, %get3A_954] : memref<9x9xf32, #tpu.memory_space<smem>>
    %add3A_956 = vector.broadcast %get3A_955 : f32 to vector<16x128xf32>
    %add3A_957 = arith.addf %scan3A_102#6, %add3A_956 : vector<16x128xf32>
    %get3A_958 = arith.constant 7 : index
    %get3A_959 = arith.constant 8 : index
    %get3A_960 = memref.load %arg0[%get3A_958, %get3A_959] : memref<9x9xf32, #tpu.memory_space<smem>>
    %add3A_961 = vector.broadcast %get3A_960 : f32 to vector<16x128xf32>
    %add3A_962 = arith.addf %scan3A_102#7, %add3A_961 : vector<16x128xf32>
    %get3A_963 = arith.constant 8 : index
    %get3A_964 = arith.constant 8 : index
    %get3A_965 = memref.load %arg0[%get3A_963, %get3A_964] : memref<9x9xf32, #tpu.memory_space<smem>>
    %add3A_966 = vector.broadcast %get3A_965 : f32 to vector<16x128xf32>
    %add3A_967 = arith.addf %scan3A_102#8, %add3A_966 : vector<16x128xf32>
    %gt3A_968 = arith.cmpf ogt, %add3A_932, %add3A_927 : vector<16x128xf32>
    %select_n3A_969 = arith.select %gt3A_968, %add3A_932, %add3A_927 : vector<16x128xi1>, vector<16x128xf32>
    %jit3A_970 = arith.constant 1 : i32
    %jit3A_971 = arith.constant 0 : i32
    %broadcast_in_dim3A_972 = vector.broadcast %jit3A_970 : i32 to vector<16x128xi32>
    %broadcast_in_dim3A_973 = vector.broadcast %jit3A_971 : i32 to vector<16x128xi32>
    %select_n3A_974 = arith.select %gt3A_968, %broadcast_in_dim3A_972, %broadcast_in_dim3A_973 : vector<16x128xi1>, vector<16x128xi32>
    %gt3A_975 = arith.cmpf ogt, %add3A_942, %add3A_937 : vector<16x128xf32>
    %select_n3A_976 = arith.select %gt3A_975, %add3A_942, %add3A_937 : vector<16x128xi1>, vector<16x128xf32>
    %jit3A_977 = arith.constant 3 : i32
    %jit3A_978 = arith.constant 2 : i32
    %broadcast_in_dim3A_979 = vector.broadcast %jit3A_977 : i32 to vector<16x128xi32>
    %broadcast_in_dim3A_980 = vector.broadcast %jit3A_978 : i32 to vector<16x128xi32>
    %select_n3A_981 = arith.select %gt3A_975, %broadcast_in_dim3A_979, %broadcast_in_dim3A_980 : vector<16x128xi1>, vector<16x128xi32>
    %gt3A_982 = arith.cmpf ogt, %add3A_952, %add3A_947 : vector<16x128xf32>
    %select_n3A_983 = arith.select %gt3A_982, %add3A_952, %add3A_947 : vector<16x128xi1>, vector<16x128xf32>
    %jit3A_984 = arith.constant 5 : i32
    %jit3A_985 = arith.constant 4 : i32
    %broadcast_in_dim3A_986 = vector.broadcast %jit3A_984 : i32 to vector<16x128xi32>
    %broadcast_in_dim3A_987 = vector.broadcast %jit3A_985 : i32 to vector<16x128xi32>
    %select_n3A_988 = arith.select %gt3A_982, %broadcast_in_dim3A_986, %broadcast_in_dim3A_987 : vector<16x128xi1>, vector<16x128xi32>
    %gt3A_989 = arith.cmpf ogt, %add3A_962, %add3A_957 : vector<16x128xf32>
    %select_n3A_990 = arith.select %gt3A_989, %add3A_962, %add3A_957 : vector<16x128xi1>, vector<16x128xf32>
    %jit3A_991 = arith.constant 7 : i32
    %jit3A_992 = arith.constant 6 : i32
    %broadcast_in_dim3A_993 = vector.broadcast %jit3A_991 : i32 to vector<16x128xi32>
    %broadcast_in_dim3A_994 = vector.broadcast %jit3A_992 : i32 to vector<16x128xi32>
    %select_n3A_995 = arith.select %gt3A_989, %broadcast_in_dim3A_993, %broadcast_in_dim3A_994 : vector<16x128xi1>, vector<16x128xi32>
    %gt3A_996 = arith.cmpf ogt, %select_n3A_976, %select_n3A_969 : vector<16x128xf32>
    %select_n3A_997 = arith.select %gt3A_996, %select_n3A_976, %select_n3A_969 : vector<16x128xi1>, vector<16x128xf32>
    %select_n3A_998 = arith.select %gt3A_996, %select_n3A_981, %select_n3A_974 : vector<16x128xi1>, vector<16x128xi32>
    %gt3A_999 = arith.cmpf ogt, %select_n3A_990, %select_n3A_983 : vector<16x128xf32>
    %select_n3A_1000 = arith.select %gt3A_999, %select_n3A_990, %select_n3A_983 : vector<16x128xi1>, vector<16x128xf32>
    %select_n3A_1001 = arith.select %gt3A_999, %select_n3A_995, %select_n3A_988 : vector<16x128xi1>, vector<16x128xi32>
    %gt3A_1002 = arith.cmpf ogt, %select_n3A_1000, %select_n3A_997 : vector<16x128xf32>
    %select_n3A_1003 = arith.select %gt3A_1002, %select_n3A_1000, %select_n3A_997 : vector<16x128xi1>, vector<16x128xf32>
    %select_n3A_1004 = arith.select %gt3A_1002, %select_n3A_1001, %select_n3A_998 : vector<16x128xi1>, vector<16x128xi32>
    %gt3A_1005 = arith.cmpf ogt, %add3A_967, %select_n3A_1003 : vector<16x128xf32>
    %select_n3A_1006 = arith.select %gt3A_1005, %add3A_967, %select_n3A_1003 : vector<16x128xi1>, vector<16x128xf32>
    %jit3A_1007 = arith.constant 8 : i32
    %broadcast_in_dim3A_1008 = vector.broadcast %jit3A_1007 : i32 to vector<16x128xi32>
    %select_n3A_1009 = arith.select %gt3A_1005, %broadcast_in_dim3A_1008, %select_n3A_1004 : vector<16x128xi1>, vector<16x128xi32>
    %swap3A_1010 = arith.constant 8 : index
    %swap3A_1011 = arith.index_cast %scan3A_104 : i32 to index
    %swap3A_1012 = arith.constant 0 : index
    %swap3A_1013 = arith.constant 0 : index
    %swap3A_1014 = vector.load %arg5[%swap3A_1010, %swap3A_1011, %swap3A_1012, %swap3A_1013] : memref<9x200x16x128xi32, #tpu.memory_space<vmem>>, vector<1x1x16x128xi32>
    %swap3A_1015 = vector.shape_cast %swap3A_1014 : vector<1x1x16x128xi32> to vector<16x128xi32>
    %swap3A_1016 = vector.shape_cast %select_n3A_1009 : vector<16x128xi32> to vector<1x1x16x128xi32>
    tpu.vector_store %arg5[%swap3A_1010, %swap3A_1011, %swap3A_1012, %swap3A_1013], %swap3A_1016 {strides = array<i32>} : memref<9x200x16x128xi32, #tpu.memory_space<vmem>>, vector<1x1x16x128xi32>,
    %add3A_1017 = arith.addf %select_n3A_1006, %bitcast_convert_type3A_166 : vector<16x128xf32>
    %scan3A_1018 = arith.constant 199 : i32
    %get3A_1019 = arith.constant 0 : index
    %get3A_1020 = memref.load %arg2[%get3A_1019] : memref<9xf32, #tpu.memory_space<smem>>
    %add3A_1021 = vector.broadcast %get3A_1020 : f32 to vector<16x128xf32>
    %add3A_1022 = arith.addf %add3A_257, %add3A_1021 : vector<16x128xf32>
    %get3A_1023 = arith.constant 1 : index
    %get3A_1024 = memref.load %arg2[%get3A_1023] : memref<9xf32, #tpu.memory_space<smem>>
    %add3A_1025 = vector.broadcast %get3A_1024 : f32 to vector<16x128xf32>
    %add3A_1026 = arith.addf %add3A_352, %add3A_1025 : vector<16x128xf32>
    %gt3A_1027 = arith.cmpf ogt, %add3A_1026, %add3A_1022 : vector<16x128xf32>
    %select_n3A_1028 = arith.select %gt3A_1027, %add3A_1026, %add3A_1022 : vector<16x128xi1>, vector<16x128xf32>
    %jit3A_1029 = arith.constant 1 : i32
    %broadcast_in_dim3A_1030 = vector.broadcast %jit3A_1029 : i32 to vector<16x128xi32>
    %select_n3A_1031 = arith.select %gt3A_1027, %broadcast_in_dim3A_1030, %broadcast_in_dim3A_0 : vector<16x128xi1>, vector<16x128xi32>
    %get3A_1032 = arith.constant 2 : index
    %get3A_1033 = memref.load %arg2[%get3A_1032] : memref<9xf32, #tpu.memory_space<smem>>
    %add3A_1034 = vector.broadcast %get3A_1033 : f32 to vector<16x128xf32>
    %add3A_1035 = arith.addf %add3A_447, %add3A_1034 : vector<16x128xf32>
    %gt3A_1036 = arith.cmpf ogt, %add3A_1035, %select_n3A_1028 : vector<16x128xf32>
    %select_n3A_1037 = arith.select %gt3A_1036, %add3A_1035, %select_n3A_1028 : vector<16x128xi1>, vector<16x128xf32>
    %jit3A_1038 = arith.constant 2 : i32
    %broadcast_in_dim3A_1039 = vector.broadcast %jit3A_1038 : i32 to vector<16x128xi32>
    %select_n3A_1040 = arith.select %gt3A_1036, %broadcast_in_dim3A_1039, %select_n3A_1031 : vector<16x128xi1>, vector<16x128xi32>
    %get3A_1041 = arith.constant 3 : index
    %get3A_1042 = memref.load %arg2[%get3A_1041] : memref<9xf32, #tpu.memory_space<smem>>
    %add3A_1043 = vector.broadcast %get3A_1042 : f32 to vector<16x128xf32>
    %add3A_1044 = arith.addf %add3A_542, %add3A_1043 : vector<16x128xf32>
    %gt3A_1045 = arith.cmpf ogt, %add3A_1044, %select_n3A_1037 : vector<16x128xf32>
    %select_n3A_1046 = arith.select %gt3A_1045, %add3A_1044, %select_n3A_1037 : vector<16x128xi1>, vector<16x128xf32>
    %jit3A_1047 = arith.constant 3 : i32
    %broadcast_in_dim3A_1048 = vector.broadcast %jit3A_1047 : i32 to vector<16x128xi32>
    %select_n3A_1049 = arith.select %gt3A_1045, %broadcast_in_dim3A_1048, %select_n3A_1040 : vector<16x128xi1>, vector<16x128xi32>
    %get3A_1050 = arith.constant 4 : index
    %get3A_1051 = memref.load %arg2[%get3A_1050] : memref<9xf32, #tpu.memory_space<smem>>
    %add3A_1052 = vector.broadcast %get3A_1051 : f32 to vector<16x128xf32>
    %add3A_1053 = arith.addf %add3A_637, %add3A_1052 : vector<16x128xf32>
    %gt3A_1054 = arith.cmpf ogt, %add3A_1053, %select_n3A_1046 : vector<16x128xf32>
    %select_n3A_1055 = arith.select %gt3A_1054, %add3A_1053, %select_n3A_1046 : vector<16x128xi1>, vector<16x128xf32>
    %jit3A_1056 = arith.constant 4 : i32
    %broadcast_in_dim3A_1057 = vector.broadcast %jit3A_1056 : i32 to vector<16x128xi32>
    %select_n3A_1058 = arith.select %gt3A_1054, %broadcast_in_dim3A_1057, %select_n3A_1049 : vector<16x128xi1>, vector<16x128xi32>
    %get3A_1059 = arith.constant 5 : index
    %get3A_1060 = memref.load %arg2[%get3A_1059] : memref<9xf32, #tpu.memory_space<smem>>
    %add3A_1061 = vector.broadcast %get3A_1060 : f32 to vector<16x128xf32>
    %add3A_1062 = arith.addf %add3A_732, %add3A_1061 : vector<16x128xf32>
    %gt3A_1063 = arith.cmpf ogt, %add3A_1062, %select_n3A_1055 : vector<16x128xf32>
    %select_n3A_1064 = arith.select %gt3A_1063, %add3A_1062, %select_n3A_1055 : vector<16x128xi1>, vector<16x128xf32>
    %jit3A_1065 = arith.constant 5 : i32
    %broadcast_in_dim3A_1066 = vector.broadcast %jit3A_1065 : i32 to vector<16x128xi32>
    %select_n3A_1067 = arith.select %gt3A_1063, %broadcast_in_dim3A_1066, %select_n3A_1058 : vector<16x128xi1>, vector<16x128xi32>
    %get3A_1068 = arith.constant 6 : index
    %get3A_1069 = memref.load %arg2[%get3A_1068] : memref<9xf32, #tpu.memory_space<smem>>
    %add3A_1070 = vector.broadcast %get3A_1069 : f32 to vector<16x128xf32>
    %add3A_1071 = arith.addf %add3A_827, %add3A_1070 : vector<16x128xf32>
    %gt3A_1072 = arith.cmpf ogt, %add3A_1071, %select_n3A_1064 : vector<16x128xf32>
    %select_n3A_1073 = arith.select %gt3A_1072, %add3A_1071, %select_n3A_1064 : vector<16x128xi1>, vector<16x128xf32>
    %jit3A_1074 = arith.constant 6 : i32
    %broadcast_in_dim3A_1075 = vector.broadcast %jit3A_1074 : i32 to vector<16x128xi32>
    %select_n3A_1076 = arith.select %gt3A_1072, %broadcast_in_dim3A_1075, %select_n3A_1067 : vector<16x128xi1>, vector<16x128xi32>
    %get3A_1077 = arith.constant 7 : index
    %get3A_1078 = memref.load %arg2[%get3A_1077] : memref<9xf32, #tpu.memory_space<smem>>
    %add3A_1079 = vector.broadcast %get3A_1078 : f32 to vector<16x128xf32>
    %add3A_1080 = arith.addf %add3A_922, %add3A_1079 : vector<16x128xf32>
    %gt3A_1081 = arith.cmpf ogt, %add3A_1080, %select_n3A_1073 : vector<16x128xf32>
    %select_n3A_1082 = arith.select %gt3A_1081, %add3A_1080, %select_n3A_1073 : vector<16x128xi1>, vector<16x128xf32>
    %jit3A_1083 = arith.constant 7 : i32
    %broadcast_in_dim3A_1084 = vector.broadcast %jit3A_1083 : i32 to vector<16x128xi32>
    %select_n3A_1085 = arith.select %gt3A_1081, %broadcast_in_dim3A_1084, %select_n3A_1076 : vector<16x128xi1>, vector<16x128xi32>
    %get3A_1086 = arith.constant 8 : index
    %get3A_1087 = memref.load %arg2[%get3A_1086] : memref<9xf32, #tpu.memory_space<smem>>
    %add3A_1088 = vector.broadcast %get3A_1087 : f32 to vector<16x128xf32>
    %add3A_1089 = arith.addf %add3A_1017, %add3A_1088 : vector<16x128xf32>
    %gt3A_1090 = arith.cmpf ogt, %add3A_1089, %select_n3A_1082 : vector<16x128xf32>
    %jit3A_1091 = arith.constant 8 : i32
    %broadcast_in_dim3A_1092 = vector.broadcast %jit3A_1091 : i32 to vector<16x128xi32>
    %select_n3A_1093 = arith.select %gt3A_1090, %broadcast_in_dim3A_1092, %select_n3A_1085 : vector<16x128xi1>, vector<16x128xi32>
    %swap3A_1094 = arith.constant 199 : index
    %swap3A_1095 = arith.constant 0 : index
    %swap3A_1096 = arith.constant 0 : index
    %swap3A_1097 = vector.load %arg4[%swap3A_1094, %swap3A_1095, %swap3A_1096] : memref<200x16x128xi32, #tpu.memory_space<vmem>>, vector<1x16x128xi32>
    %swap3A_1098 = vector.shape_cast %swap3A_1097 : vector<1x16x128xi32> to vector<16x128xi32>
    %swap3A_1099 = vector.shape_cast %select_n3A_1093 : vector<16x128xi32> to vector<1x16x128xi32>
    tpu.vector_store %arg4[%swap3A_1094, %swap3A_1095, %swap3A_1096], %swap3A_1099 {strides = array<i32>} : memref<200x16x128xi32, #tpu.memory_space<vmem>>, vector<1x16x128xi32>,
    %scan3A_1100 = arith.constant 0 : i32
    %scan3A_1101 = arith.constant 199 : i32
    %scan3A_1102 = arith.addi %scan3A_1100, %scan3A_1101 : i32
    %scan3A_1103 = arith.constant 1 : i32
    %scan3A_1104 = scf.for %scan3A_1106 = %scan3A_1100 to %scan3A_1102 step %scan3A_1103 iter_args(%scan3A_1107 = %select_n3A_1093) -> (vector<16x128xi32>)  : i32 {
      %sub3A = arith.constant 199 : i32
      %sub3A_1108 = arith.subi %sub3A, %scan3A_1106 : i32
      %eq3A = arith.constant 0 : i32
      %eq3A_1109 = vector.broadcast %eq3A : i32 to vector<16x128xi32>
      %eq3A_1110 = arith.cmpi eq, %scan3A_1107, %eq3A_1109 : vector<16x128xi32>
      %get3A_1111 = arith.constant 0 : index
      %get3A_1112 = arith.index_cast %sub3A_1108 : i32 to index
      %get3A_1113 = arith.constant 0 : index
      %get3A_1114 = arith.constant 0 : index
      %get3A_1115 = vector.load %arg5[%get3A_1111, %get3A_1112, %get3A_1113, %get3A_1114] : memref<9x200x16x128xi32, #tpu.memory_space<vmem>>, vector<1x1x16x128xi32>
      %get3A_1116 = vector.shape_cast %get3A_1115 : vector<1x1x16x128xi32> to vector<16x128xi32>
      %select_n3A_1117 = arith.select %eq3A_1110, %get3A_1116, %broadcast_in_dim3A_0 : vector<16x128xi1>, vector<16x128xi32>
      %eq3A_1118 = arith.constant 1 : i32
      %eq3A_1119 = vector.broadcast %eq3A_1118 : i32 to vector<16x128xi32>
      %eq3A_1120 = arith.cmpi eq, %scan3A_1107, %eq3A_1119 : vector<16x128xi32>
      %get3A_1121 = arith.constant 1 : index
      %get3A_1122 = arith.index_cast %sub3A_1108 : i32 to index
      %get3A_1123 = arith.constant 0 : index
      %get3A_1124 = arith.constant 0 : index
      %get3A_1125 = vector.load %arg5[%get3A_1121, %get3A_1122, %get3A_1123, %get3A_1124] : memref<9x200x16x128xi32, #tpu.memory_space<vmem>>, vector<1x1x16x128xi32>
      %get3A_1126 = vector.shape_cast %get3A_1125 : vector<1x1x16x128xi32> to vector<16x128xi32>
      %select_n3A_1127 = arith.select %eq3A_1120, %get3A_1126, %select_n3A_1117 : vector<16x128xi1>, vector<16x128xi32>
      %eq3A_1128 = arith.constant 2 : i32
      %eq3A_1129 = vector.broadcast %eq3A_1128 : i32 to vector<16x128xi32>
      %eq3A_1130 = arith.cmpi eq, %scan3A_1107, %eq3A_1129 : vector<16x128xi32>
      %get3A_1131 = arith.constant 2 : index
      %get3A_1132 = arith.index_cast %sub3A_1108 : i32 to index
      %get3A_1133 = arith.constant 0 : index
      %get3A_1134 = arith.constant 0 : index
      %get3A_1135 = vector.load %arg5[%get3A_1131, %get3A_1132, %get3A_1133, %get3A_1134] : memref<9x200x16x128xi32, #tpu.memory_space<vmem>>, vector<1x1x16x128xi32>
      %get3A_1136 = vector.shape_cast %get3A_1135 : vector<1x1x16x128xi32> to vector<16x128xi32>
      %select_n3A_1137 = arith.select %eq3A_1130, %get3A_1136, %select_n3A_1127 : vector<16x128xi1>, vector<16x128xi32>
      %eq3A_1138 = arith.constant 3 : i32
      %eq3A_1139 = vector.broadcast %eq3A_1138 : i32 to vector<16x128xi32>
      %eq3A_1140 = arith.cmpi eq, %scan3A_1107, %eq3A_1139 : vector<16x128xi32>
      %get3A_1141 = arith.constant 3 : index
      %get3A_1142 = arith.index_cast %sub3A_1108 : i32 to index
      %get3A_1143 = arith.constant 0 : index
      %get3A_1144 = arith.constant 0 : index
      %get3A_1145 = vector.load %arg5[%get3A_1141, %get3A_1142, %get3A_1143, %get3A_1144] : memref<9x200x16x128xi32, #tpu.memory_space<vmem>>, vector<1x1x16x128xi32>
      %get3A_1146 = vector.shape_cast %get3A_1145 : vector<1x1x16x128xi32> to vector<16x128xi32>
      %select_n3A_1147 = arith.select %eq3A_1140, %get3A_1146, %select_n3A_1137 : vector<16x128xi1>, vector<16x128xi32>
      %eq3A_1148 = arith.constant 4 : i32
      %eq3A_1149 = vector.broadcast %eq3A_1148 : i32 to vector<16x128xi32>
      %eq3A_1150 = arith.cmpi eq, %scan3A_1107, %eq3A_1149 : vector<16x128xi32>
      %get3A_1151 = arith.constant 4 : index
      %get3A_1152 = arith.index_cast %sub3A_1108 : i32 to index
      %get3A_1153 = arith.constant 0 : index
      %get3A_1154 = arith.constant 0 : index
      %get3A_1155 = vector.load %arg5[%get3A_1151, %get3A_1152, %get3A_1153, %get3A_1154] : memref<9x200x16x128xi32, #tpu.memory_space<vmem>>, vector<1x1x16x128xi32>
      %get3A_1156 = vector.shape_cast %get3A_1155 : vector<1x1x16x128xi32> to vector<16x128xi32>
      %select_n3A_1157 = arith.select %eq3A_1150, %get3A_1156, %select_n3A_1147 : vector<16x128xi1>, vector<16x128xi32>
      %eq3A_1158 = arith.constant 5 : i32
      %eq3A_1159 = vector.broadcast %eq3A_1158 : i32 to vector<16x128xi32>
      %eq3A_1160 = arith.cmpi eq, %scan3A_1107, %eq3A_1159 : vector<16x128xi32>
      %get3A_1161 = arith.constant 5 : index
      %get3A_1162 = arith.index_cast %sub3A_1108 : i32 to index
      %get3A_1163 = arith.constant 0 : index
      %get3A_1164 = arith.constant 0 : index
      %get3A_1165 = vector.load %arg5[%get3A_1161, %get3A_1162, %get3A_1163, %get3A_1164] : memref<9x200x16x128xi32, #tpu.memory_space<vmem>>, vector<1x1x16x128xi32>
      %get3A_1166 = vector.shape_cast %get3A_1165 : vector<1x1x16x128xi32> to vector<16x128xi32>
      %select_n3A_1167 = arith.select %eq3A_1160, %get3A_1166, %select_n3A_1157 : vector<16x128xi1>, vector<16x128xi32>
      %eq3A_1168 = arith.constant 6 : i32
      %eq3A_1169 = vector.broadcast %eq3A_1168 : i32 to vector<16x128xi32>
      %eq3A_1170 = arith.cmpi eq, %scan3A_1107, %eq3A_1169 : vector<16x128xi32>
      %get3A_1171 = arith.constant 6 : index
      %get3A_1172 = arith.index_cast %sub3A_1108 : i32 to index
      %get3A_1173 = arith.constant 0 : index
      %get3A_1174 = arith.constant 0 : index
      %get3A_1175 = vector.load %arg5[%get3A_1171, %get3A_1172, %get3A_1173, %get3A_1174] : memref<9x200x16x128xi32, #tpu.memory_space<vmem>>, vector<1x1x16x128xi32>
      %get3A_1176 = vector.shape_cast %get3A_1175 : vector<1x1x16x128xi32> to vector<16x128xi32>
      %select_n3A_1177 = arith.select %eq3A_1170, %get3A_1176, %select_n3A_1167 : vector<16x128xi1>, vector<16x128xi32>
      %eq3A_1178 = arith.constant 7 : i32
      %eq3A_1179 = vector.broadcast %eq3A_1178 : i32 to vector<16x128xi32>
      %eq3A_1180 = arith.cmpi eq, %scan3A_1107, %eq3A_1179 : vector<16x128xi32>
      %get3A_1181 = arith.constant 7 : index
      %get3A_1182 = arith.index_cast %sub3A_1108 : i32 to index
      %get3A_1183 = arith.constant 0 : index
      %get3A_1184 = arith.constant 0 : index
      %get3A_1185 = vector.load %arg5[%get3A_1181, %get3A_1182, %get3A_1183, %get3A_1184] : memref<9x200x16x128xi32, #tpu.memory_space<vmem>>, vector<1x1x16x128xi32>
      %get3A_1186 = vector.shape_cast %get3A_1185 : vector<1x1x16x128xi32> to vector<16x128xi32>
      %select_n3A_1187 = arith.select %eq3A_1180, %get3A_1186, %select_n3A_1177 : vector<16x128xi1>, vector<16x128xi32>
      %eq3A_1188 = arith.constant 8 : i32
      %eq3A_1189 = vector.broadcast %eq3A_1188 : i32 to vector<16x128xi32>
      %eq3A_1190 = arith.cmpi eq, %scan3A_1107, %eq3A_1189 : vector<16x128xi32>
      %get3A_1191 = arith.constant 8 : index
      %get3A_1192 = arith.index_cast %sub3A_1108 : i32 to index
      %get3A_1193 = arith.constant 0 : index
      %get3A_1194 = arith.constant 0 : index
      %get3A_1195 = vector.load %arg5[%get3A_1191, %get3A_1192, %get3A_1193, %get3A_1194] : memref<9x200x16x128xi32, #tpu.memory_space<vmem>>, vector<1x1x16x128xi32>
      %get3A_1196 = vector.shape_cast %get3A_1195 : vector<1x1x16x128xi32> to vector<16x128xi32>
      %select_n3A_1197 = arith.select %eq3A_1190, %get3A_1196, %select_n3A_1187 : vector<16x128xi1>, vector<16x128xi32>
      %sub3A_1198 = arith.constant 1 : i32
      %sub3A_1199 = arith.subi %sub3A_1108, %sub3A_1198 : i32
      %swap3A_1200 = arith.index_cast %sub3A_1199 : i32 to index
      %swap3A_1201 = arith.constant 0 : index
      %swap3A_1202 = arith.constant 0 : index
      %swap3A_1203 = vector.load %arg4[%swap3A_1200, %swap3A_1201, %swap3A_1202] : memref<200x16x128xi32, #tpu.memory_space<vmem>>, vector<1x16x128xi32>
      %swap3A_1204 = vector.shape_cast %swap3A_1203 : vector<1x16x128xi32> to vector<16x128xi32>
      %swap3A_1205 = vector.shape_cast %select_n3A_1197 : vector<16x128xi32> to vector<1x16x128xi32>
      tpu.vector_store %arg4[%swap3A_1200, %swap3A_1201, %swap3A_1202], %swap3A_1205 {strides = array<i32>} : memref<200x16x128xi32, #tpu.memory_space<vmem>>, vector<1x16x128xi32>,
      scf.yield %select_n3A_1197 : vector<16x128xi32>
    }
    %scan3A_1105 = arith.constant 199 : i32
    return
  }
}

</mosaic_0001>

<sc_bundles>
// kernel: kernel.10.cloned.1.call-start
scs
__scs_entry_jumppad:
0x0: {  	(pc) =	sbr.rel $0x88, $3  }
0x1: {  	(tag) =	ssettag $0x0;
	lr =	simm.s32 $0x1  }
0x2: {  	[smem:$0x3F9A] =	sst lr;
	_ =	strace $0xD0000000  }
0x3: {  	_ = 	snop  }
0x4: {  	_ = 	snop  }
0x5: {  	_ = 	snop  }
0x6: {  	_ = 	snop  }
0x7: {  	_ = 	snop  }
__scs_overlays_trampoline_lowered:
0x8: {  	[smem:$0x3FA9] =	sst s0  }
0x9: {  	[smem:$0x3FAA] =	sst s1  }
0xa: {  	[smem:$0x3FAB] =	sst s2  }
0xb: {  	[smem:$0x3FAC] =	sst s3  }
0xc: {  	[smem:$0x3FAD] =	sst s4  }
0xd: {  	[smem:$0x3FAE] =	sst s5  }
0xe: {  	[smem:$0x3FAF] =	sst s6  }
0xf: {  	[smem:$0x3FB0] =	sst s7  }
0x10: {  	[smem:$0x3FB1] =	sst s8  }
0x11: {  	[smem:$0x3FB2] =	sst s9;
	s0 =	simm.s32 @!p0 $0x0  }
0x12: {  	s1 =	sld [smem:$0x3F98];
	s0 =	simm.s32 @p0 $0x1  }
0x13: {  	[smem:$0x3FB3] =	sst s0;
	s0 =	simm.s32 @!p1 $0x0  }
0x14: {  	s2 =	sld [smem:$0x3F97];
	s0 =	simm.s32 @p1 $0x1  }
0x15: {  	[smem:$0x3FB4] =	sst s0;
	s0 =	simm.s32 @!p2 $0x0  }
0x16: {  	s3 =	sld [smem:$0x3FDB];
	s0 =	simm.s32 @p2 $0x1  }
0x17: {  	s4 =	simm.s32 $0x1BF5;
	[smem:$0x3FB6] =	sst s0  }
0x18: {  	s0 =	sld [smem:$0x3F99];
	_ =	swait.ge [sflag:s4], $0x0  }
0x19: {  	s7 =	sld [smem:$0x3F9A]  }
0x1a: {  	s8 =	sadd.s32 $0xFFFFE003, lr  }
0x1b: {  	s9 =	sadd.s32 $0xFFFFFEF7, lr;
	s5 =	simm.s32 $0xFFFFFFFF;
	p2 =	slt.u32 s8, $0xFFFFF086  }
0x1c: {  	p1 =	slt.u32 s9, $0xF7A;
	s5 =	simm.s32 @!p2 $0x0  }
0x1d: {  	s5 =	simm.s32 @p1 $0x1;
	p0 =	seq.s32 s7, s2  }
0x1e: {  	s7 =	smul.u32 @!p0 $0xF7A, s2;
	p2 =	seq.s32 @!p0 s5, $0x0  }
0x1f: {  	s9 =	smul.u32 $0xF7A, s1;
	s8 =	simm.s32 @!p0 $0x1BF5;
	p2 =	por !p2, p0  }
0x20: {  	[sflag:s8] =	ssyncset.s32 @!p0 $0xFFFFF086;
	s6 =	sadd.s32 @!p0 s3, s7;
	s7 =	simm.s32 @!p0 $0x108  }
0x21: {  	s3 =	sadd.s32 s3, s9;
	s6 =	sadd.s32 @!p0 $0x88, s6;
	s7 =	simm.s32 @p2 $0x1082  }
0x22: {  	[simem:s7], [sflag:s8] =	dma.local @!p0 [hbm:s6], $0xF7A  }
0x23: {  	s9 =	sor.u32 $0xD0000000, s2;
	s6 =	simm.s32 $0x108;
	_ =	swait.ge @!p0 [sflag:s8], $0x0  }
0x24: {  	s3 =	sadd.s32 $0x88, s3;
	s6 =	simm.s32 @!p1 $0x1082;
	[sflag:s4] =	ssyncset.s32 $0xFFFFF086  }
0x25: {  	[simem:s6], [sflag:s4] =	dma.local [hbm:s3], $0xF7A  }
0x26: {  	[smem:$0x3F9A] =	sst s1;
	(tag) =	ssettag s2;
	_ =	strace s9  }
0x27: {  	s1 =	sld [smem:$0x3FAA]  }
0x28: {  	s2 =	sld [smem:$0x3FAB]  }
0x29: {  	s4 =	sld [smem:$0x3FAD]  }
0x2a: {  	p0 =	seq.s32 s5, $0x0;
	s5 =	sld [smem:$0x3FAE]  }
0x2b: {  	s6 =	sld [smem:$0x3FAF]  }
0x2c: {  	s7 =	sld [smem:$0x3FB0]  }
0x2d: {  	s3 =	simm.s32 $0x108;
	s8 =	sld [smem:$0x3FB1]  }
0x2e: {  	s3 =	simm.s32 @!p0 $0x1082;
	s9 =	sld [smem:$0x3FB2]  }
0x2f: {  	lr =	sadd.s32 s0, s3;
	s0 =	sld [smem:$0x3FA9]  }
0x30: {  	s3 =	sld [smem:$0x3FAC]  }
0x31: {  	[smem:$0x3FB5] =	sst s10  }
0x32: {  	s10 =	sld [smem:$0x3FB3];
	_ =	sdelay $0x3  }
0x33: {  	p0 =	seq.s32 s10, $0x1;
	s10 =	sld [smem:$0x3FB5];
	_ =	sdelay $0x3  }
0x34: {  	[smem:$0x3FB5] =	sst s10  }
0x35: {  	s10 =	sld [smem:$0x3FB4];
	_ =	sdelay $0x3  }
0x36: {  	p1 =	seq.s32 s10, $0x1;
	s10 =	sld [smem:$0x3FB5];
	_ =	sdelay $0x3  }
0x37: {  	[smem:$0x3FB5] =	sst s10  }
0x38: {  	s10 =	sld [smem:$0x3FB6]  }
0x39: {  	_ = 	snop;
	(pc) =	sbr.ind lr, $3  }
0x3a: {  	_ = 	snop  }
0x3b: {  	_ = 	snop  }
0x3c: {  	p2 =	seq.s32 s10, $0x1;
	s10 =	sld [smem:$0x3FB5]  }
0x3d: {  	_ =	shalt  }
0x3e: {  	_ =	shalt  }
0x3f: {  	_ =	shalt  }
0x40: {  	_ =	shalt  }
0x41: {  	_ =	shalt  }
0x42: {  	_ =	shalt  }
0x43: {  	_ =	shalt  }
0x44: {  	_ =	shalt  }
0x45: {  	_ =	shalt  }
0x46: {  	_ =	shalt  }
0x47: {  	_ =	shalt  }
0x48: {  	_ =	shalt  }
0x49: {  	_ =	shalt  }
0x4a: {  	_ =	shalt  }
0x4b: {  	_ =	shalt  }
0x4c: {  	_ =	shalt  }
0x4d: {  	_ =	shalt  }
0x4e: {  	_ =	shalt  }
0x4f: {  	_ =	shalt  }
0x50: {  	_ =	shalt  }
0x51: {  	_ =	shalt  }
0x52: {  	_ =	shalt  }
0x53: {  	_ =	shalt  }
0x54: {  	_ =	shalt  }
0x55: {  	_ =	shalt  }
0x56: {  	_ =	shalt  }
0x57: {  	_ =	shalt  }
0x58: {  	_ =	shalt  }
0x59: {  	_ =	shalt  }
0x5a: {  	_ =	shalt  }
0x5b: {  	_ =	shalt  }
0x5c: {  	_ =	shalt  }
0x5d: {  	_ =	shalt  }
0x5e: {  	_ =	shalt  }
0x5f: {  	_ =	shalt  }
0x60: {  	_ =	shalt  }
0x61: {  	_ =	shalt  }
0x62: {  	_ =	shalt  }
0x63: {  	_ =	shalt  }
0x64: {  	_ =	shalt  }
0x65: {  	_ =	shalt  }
0x66: {  	_ =	shalt  }
0x67: {  	_ =	shalt  }
0x68: {  	_ =	shalt  }
0x69: {  	_ =	shalt  }
0x6a: {  	_ =	shalt  }
0x6b: {  	_ =	shalt  }
0x6c: {  	_ =	shalt  }
0x6d: {  	_ =	shalt  }
0x6e: {  	_ =	shalt  }
0x6f: {  	_ =	shalt  }
0x70: {  	_ =	shalt  }
0x71: {  	_ =	shalt  }
0x72: {  	_ =	shalt  }
0x73: {  	_ =	shalt  }
0x74: {  	_ =	shalt  }
0x75: {  	_ =	shalt  }
0x76: {  	_ =	shalt  }
0x77: {  	_ =	shalt  }
0x78: {  	_ =	shalt  }
0x79: {  	_ =	shalt  }
0x7a: {  	_ =	shalt  }
0x7b: {  	_ =	shalt  }
0x7c: {  	_ =	shalt  }
0x7d: {  	_ =	shalt  }
0x7e: {  	_ =	shalt  }
0x7f: {  	_ =	shalt  }
0x80: {  	_ =	shalt  }
0x81: {  	_ =	shalt  }
0x82: {  	_ =	shalt  }
0x83: {  	_ =	shalt  }
0x84: {  	_ =	shalt  }
0x85: {  	_ =	shalt  }
0x86: {  	_ =	shalt  }
0x87: {  	_ =	shalt  }
.Lfunc_end0:
.L_simem_size_0:
called_computation.1_lowered:
.L_overlay_start_0:
0x88: {  	s2 =	sld [smem:$0x3FD9]  }
0x89: {  	s3 =	sld [smem:$0x3FFE];
	_ =	sdelay $0x1  }
0x8a: {  	s1 =	srdreg.scid  }
0x8b: {  	s0 =	sand.u32 $0x1, s1  }
0x8c: {  	s17 =	sshll.u32 s0, $0xA;
	s2 =	sadd.s32 s3, s2  }
0x8d: {  	s2 =	sadd.s32 s2, s17  }
0x8e: {  	[smem:$0x3FC1] =	sst s2  }
0x8f: {  	_ = 	snop  }
0x90: {  	s18 =	sld [smem:$0x3FD0];
	(tm) =	ssettm $0x1  }
0x91: {  	s19 =	sld [smem:$0x3FFB];
	_ =	sdelay $0x3  }
0x92: {  	_ =	strace s19  }
0x93: {  	s2 =	sld [smem:$0x3FFC];
	_ =	sdelay $0x3  }
0x94: {  	_ =	strace s2  }
0x95: {  	s2 =	sld [smem:$0x3FFD];
	_ =	sdelay $0x3  }
0x96: {  	_ =	strace s2  }
0x97: {  	_ =	strace $0x8FFFFFFF  }
0x98: {  	s20 =	sld [smem:$0x3FDB];
	_ =	sdelay $0x1  }
0x99: {  	s4 =	simm.s32 $_scs_section_size  }
0x9a: {  	s5 =	simm.s32 $_size__tile_overlayer_lowered;
	s6 =	simm.s32 $_tile_overlayer_lowered  }
0x9b: {  	s7 =	simm.s32 $0x1BFF;
	s21 =	sshll.u32 s6, $0x1;
	s4 =	sadd.s32 s4, s20  }
0x9c: {  	s22 =	simm.s32 $0x0;
	s5 =	sshll.u32 s5, $0x1;
	s6 =	sadd.s32 s21, s4  }
0x9d: {  	[timem:s22], [sflag:s7] =	dma.local [hbm:s6], s5  }
0x9e: {  	_ =	swait.ge [sflag:s7], s5  }
0x9f: {  	s5 =	ssub.s32 $0x0, s5;
	[sflag:s7] =	ssyncset.done $0x0  }
0xa0: {  	[sflag:s7] =	ssyncadd.s32 s5;
	_ =	sdelay $0x1  }
0xa1: {  	s23 =	simm.s32 $0x1B8B  }
0xa2: {  	_ =	swait.ge [sflag:s23], $0x1  }
0xa3: {  	[sflag:s23] =	ssyncset.done $0x0  }
0xa4: {  	[sflag:s23] =	ssyncadd.s32 $0xFFFFFFFF  }
0xa5: {  	s5 =	sld [smem:$0x0]  }
0xa6: {  	s6 =	sand.u32 $0xFFFFFFFE, s1  }
0xa7: {  	p0 =	sne.s32 s1, s6  }
0xa8: {  	s6 =	sshll.u32 @p0 s6, $0xE  }
0xa9: {  	s6 =	sadd.s32 @p0 $0x11B8D, s6;
	s7 =	sshll.u32 @p0 s5, $0x11  }
0xaa: {  	s6 =	sor.u32 @p0 s7, s6  }
0xab: {  	[sflag:s6] =	ssyncadd.remote.s32 @p0 $0x1;
	_ =	sdelay $0x1  }
0xac: {  	s6 =	simm.s32 @p0 $0x1B8D  }
0xad: {  	_ =	swait.eq @p0 [sflag:s6], $0x1  }
0xae: {  	[sflag:s6] =	ssyncadd.s32 @p0 $0xFFFFFFFF  }
0xaf: {  	s7 =	sshll.u32 @!p0 s1, $0xE  }
0xb0: {  	s7 =	sor.u32 @!p0 $0x4000, s7;
	s6 =	simm.s32 @!p0 $0x1B8D  }
0xb1: {  	s5 =	sshll.u32 @!p0 s5, $0x11;
	s7 =	sadd.s32 @!p0 $0x11B8D, s7;
	_ =	swait.eq @!p0 [sflag:s6], $0x1  }
0xb2: {  	s5 =	sor.u32 @!p0 s5, s7;
	[sflag:s6] =	ssyncadd.s32 @!p0 $0xFFFFFFFF  }
0xb3: {  	s25 =	simm.s32 $0x1B8E;
	s24 =	sld [smem:$0x3FFE];
	[sflag:s5] =	ssyncadd.remote.s32 @!p0 $0x1  }
0xb4: {  	s26 =	simm.s32 $execute0_lowered;
	[smem:$0x3FD2] =	sst s25  }
0xb5: {  	s6 =	sshll.u32 s26, $0x1;
	_ =	strace $0x80000049;
	[dreg:$0x1] =	wrdreg $0xFFFFFFFF  }
0xb6: {  	s28 =	simm.s32 $_size_execute0_lowered;
	s4 =	sadd.s32 s4, s6;
	[dreg:$0x0] =	wrdreg $0x0  }
0xb7: {  	s6 =	sshll.u32 s28, $0x1;
	[dreg:$0x2] =	wrdreg s4  }
0xb8: {  	[dreg:$0x3] =	wrdreg s6  }
0xb9: {  	[dreg:$0x4] =	wrdreg $0xC0  }
0xba: {  	_ =	task [dreg:s22], $0x5FFFF  }
0xbb: {  	[dreg:$0x1] =	wrdreg $0xFFFFFFFF  }
0xbc: {  	[dreg:$0x0] =	wrdreg $0x60  }
0xbd: {  	[dreg:$0x2] =	wrdreg s18  }
0xbe: {  	[dreg:$0x3] =	wrdreg s24  }
0xbf: {  	[dreg:$0x4] =	wrdreg $0xA  }
0xc0: {  	_ =	task.clear_ibuf [dreg:s22], $0x5FFFF;
	_ =	strace $0x90000049  }
0xc1: {  	s29 =	simm.s32 $0xA;
	_ =	strace $0x8000004B  }
0xc2: {  	_ =	swait.ge [sflag:s29], $0x1  }
0xc3: {  	[sflag:s29] =	ssyncadd.s32 $0xFFFFFFFF  }
0xc4: {  	_ =	strace $0x9000004B  }
0xc5: {  	_ =	sfence  }
0xc6: {  	s30 =	sld [smem:$0x0];
	_ =	sdelay $0x2  }
0xc7: {  	s31 =	sshll.u32 s1, $0xD;
	s1 =	sshrl.u32 s1, $0x2  }
0xc8: {  	s4 =	sand.u32 $0x4000, s31;
	s1 =	sadd.s32 s1, s30  }
0xc9: {  	s0 =	sor.u32 s4, s0;
	s1 =	sshll.u32 s1, $0x11  }
0xca: {  	s0 =	sor.u32 s1, s0  }
0xcb: {  	s0 =	sadd.s32 $0x8F2B, s0  }
0xcc: {  	[sflag:s0] =	ssyncadd.remote.s32 $0x1  }
0xcd: {  	_ =	sfence.sel $0xFFFF  }
0xce: {  	[dreg:$0x0] =	wrdreg $0xFFFFFFFF;
	(pc) =	sbr.abs _section_cstart, $3  }
0xcf: {  	[dreg:$0x1] =	wrdreg $0xFFFFFFFF  }
0xd0: {  	_ =	task.clear_ibuf [dreg:s22], $0x2FFFF;
	_ =	strace $0x9FFFFFFF  }
0xd1: {  	(tm) =	ssettm $0x7FFFFFFF  }
tec
execute0_lowered:
.L_overlay_start_1:
0x0: {  	(tag) =	ssettag $0x1  }
0x1: {  	s3 =	stileid.u32  }
0x2: {  	p0 =	seq.s32 s3, $0xF  }
.Ltmp0:
0x3: {  	_ = 	snop;
	(pc) =	sbr.rel @!p0 .LBB2_1-.Ltmp0, $4  }
0x4: {  	_ = 	snop  }
0x5: {  	s0 =	rddreg [dreg:$0x0];
	s2 =	simm.s32 $0x0  }
0x6: {  	[smem:$0x7FF] =	sst s2  }
0x7: {  	s1 =	rddreg [dreg:$0x1];
	_ =	strace $0x8000004A  }
.LBB2_14:
0x8: {  	_ =	sfence.sel $0x180000  }
0x9: {  	[bflag:$0x0] =	sbarrier.arrive $0xFFFF  }
0xa: {  	_ =	strace $0x9000004A  }
0xb: {  	s0 =	stileid.u32;
	[bflag:$0x2] =	sbarrier.arrive $0xFFFF  }
0xc: {  	p0 =	sne.s32 s0, $0x0;
	s0 =	rddreg [dreg:$0x2]  }
0xd: {  	s0 =	sadd.s32 @!p0 $0x100000, s0  }
0xe: {  	[sflag:s0] =	ssyncadd.tile.s32 @!p0 $0x1;
	_ =	shalt  }
.LBB2_1:
0xf: {  	s3 =	srdreg.scid;
	s5 =	stileid.u32  }
0x10: {  	s6 =	sand.u32 $0x1, s3;
	s10 =	sshll.u32 s5, $0x1  }
0x11: {  	s3 =	sor.u32 s6, s10  }
0x12: {  	s4 =	smul.u32 $0x2B, s3;
	_ =	sdelay $0x1  }
0x13: {  	s5 =	smul.u32 $0x56, s5;
	s4 =	sshrl.u32 s4, $0x8  }
0x14: {  	s4 =	smul.u32 $0x6, s4  }
0x15: {  	s8 =	sshrl.u32 s5, $0x8  }
0x16: {  	s6 =	ssub.s32 $0x2, s6;
	s11 =	smul.u32 $0x3100, s8;
	s3 =	ssub.s32 s3, s4  }
0x17: {  	s13 =	sshrl.u32 s6, $0x1;
	s7 =	sand.u32 $0xFF, s3  }
0x18: {  	s14 =	ssub.s32 s6, s13;
	s0 =	sadd.s32 s0, s11;
	s9 =	smul.u32 $0x22, s7  }
0x19: {  	[dreg:$0x4] =	wrdreg s0;
	s0 =	smax.u32 s14, $0x1;
	s10 =	smul.u32 $0x2200, s7  }
0x1a: {  	[dreg:$0x7] =	wrdreg s0;
	s3 =	sadd.s32 $0x4E000, s1;
	s12 =	sadd.s32 $0x2, s9  }
0x1b: {  	s4 =	sadd.s32 $0x5AC00, s1;
	s1 =	sadd.s32 s3, s10;
	[dreg:$0x3] =	wrdreg s12  }
0x1c: {  	s15 =	sadd.s32 $0x100, s1;
	[dreg:$0x5] =	wrdreg s1  }
0x1d: {  	s16 =	sadd.s32 $0x10, s1;
	[dreg:$0x6] =	wrdreg s15  }
0x1e: {  	s17 =	sadd.s32 $0x20, s1;
	[dreg:$0x8] =	wrdreg s16  }
0x1f: {  	s18 =	sadd.s32 $0x30, s1;
	[dreg:$0x9] =	wrdreg s17  }
0x20: {  	s19 =	sadd.s32 $0x40, s1;
	[dreg:$0xa] =	wrdreg s18  }
0x21: {  	s20 =	sadd.s32 $0x50, s1;
	[dreg:$0xb] =	wrdreg s19  }
0x22: {  	s21 =	sadd.s32 $0x60, s1;
	[dreg:$0xc] =	wrdreg s20  }
0x23: {  	s22 =	sadd.s32 $0x70, s1;
	[dreg:$0xd] =	wrdreg s21  }
0x24: {  	s23 =	sadd.s32 $0x80, s1;
	[dreg:$0xe] =	wrdreg s22  }
0x25: {  	s24 =	sadd.s32 $0x90, s1;
	[dreg:$0xf] =	wrdreg s23  }
0x26: {  	s5 =	smul.u32 $0xCC, s8;
	s25 =	sadd.s32 $0xA0, s1;
	[dreg:$0x10] =	wrdreg s24  }
0x27: {  	s26 =	sadd.s32 $0xB0, s1;
	[dreg:$0x11] =	wrdreg s25  }
0x28: {  	s5 =	sadd.s32 s5, s9;
	s6 =	sadd.s32 $0xC0, s1;
	[dreg:$0x12] =	wrdreg s26  }
0x29: {  	s8 =	sadd.s32 $0x3, s9;
	s9 =	sadd.s32 $0xD0, s1;
	[dreg:$0x13] =	wrdreg s6  }
0x2a: {  	s10 =	sadd.s32 $0xE0, s1;
	[dreg:$0x14] =	wrdreg s9  }
0x2b: {  	s11 =	sadd.s32 $0xF0, s1;
	[dreg:$0x15] =	wrdreg s10  }
0x2c: {  	s29 =	simm.s32 $0x1;
	s12 =	sadd.s32 $0x110, s1;
	[dreg:$0x16] =	wrdreg s11  }
0x2d: {  	s28 =	simm.s32 $0x19D80;
	s13 =	sadd.s32 $0x120, s1;
	[dreg:$0x17] =	wrdreg s12  }
0x2e: {  	s30 =	simm.s32 $0x19E80;
	s14 =	sadd.s32 $0x130, s1;
	[dreg:$0x18] =	wrdreg s13  }
0x2f: {  	s31 =	simm.s32 $0x19F80;
	[dreg:$0x19] =	wrdreg s14;
	s15 =	sadd.s32 $0x140, s1  }
0x30: {  	s0 =	simm.s32 $0x1A080;
	s16 =	sadd.s32 $0x150, s1;
	[dreg:$0x1a] =	wrdreg s15  }
0x31: {  	s7 =	sor.u32 $0x1, s5;
	s17 =	sadd.s32 $0x160, s1;
	[dreg:$0x1b] =	wrdreg s16  }
0x32: {  	s18 =	sadd.s32 $0x170, s1;
	s19 =	sadd.s32 $0x180, s1;
	[dreg:$0x1c] =	wrdreg s17  }
0x33: {  	s20 =	sadd.s32 $0x190, s1;
	s21 =	sadd.s32 $0x1A0, s1;
	[dreg:$0x1d] =	wrdreg s18  }
0x34: {  	s22 =	sadd.s32 $0x1B0, s1;
	s23 =	sadd.s32 $0x1C0, s1;
	[dreg:$0x1e] =	wrdreg s19  }
0x35: {  	s24 =	sadd.s32 $0x1D0, s1;
	s25 =	sadd.s32 $0x1E0, s1;
	[dreg:$0x1f] =	wrdreg s20  }
0x36: {  	s26 =	sadd.s32 $0x1F0, s1;
	s10 =	simm.s32 $0x1A700;
	[smem:$0x7F8] =	sst s21  }
0x37: {  	s1 =	simm.s32 $0x1A180;
	s9 =	simm.s32 $0x1A280;
	[smem:$0x7F9] =	sst s22  }
0x38: {  	s11 =	simm.s32 $0x1A380;
	s12 =	simm.s32 $0x1A480;
	[smem:$0x7FA] =	sst s23  }
.Ltmp1:
0x39: {  	s6 =	simm.s32 $0x1A580;
	[smem:$0x7FB] =	sst s24;
	(pc) =	sbr.rel .LBB2_2-.Ltmp1, $4  }
0x3a: {  	s13 =	simm.s32 $0x1A680;
	s14 =	simm.s32 $0x1A780;
	[smem:$0x7FC] =	sst s25  }
0x3b: {  	[smem:$0x7FD] =	sst s26;
	s20 =	simm.s32 $0x2;
	s21 =	simm.s32 $0x4  }
0x3c: {  	s22 =	simm.s32 $0x19880;
	s23 =	simm.s32 $0x19980;
	s24 =	simm.s32 $0x19A80  }
0x3d: {  	s25 =	simm.s32 $0x19B80;
	s26 =	simm.s32 $0x19C80;
	s16 =	simm.s32 $0x0  }
.LBB2_13:
0x3e: {  	s15 =	simm.s32 $0x3  }
0x3f: {  	_ =	swait.ge [sflag:s15], $0x800  }
0x40: {  	[sflag:s15] =	ssyncset.done $0x0  }
0x41: {  	[sflag:s15] =	ssyncadd.s32 $0xFFFFF800  }
0x42: {  	_ =	swait.ge [sflag:s21], $0x800  }
0x43: {  	s16 =	sld [smem:$0x7F7];
	_ =	sdelay $0x2  }
0x44: {  	s19 =	rddreg [dreg:$0x7];
	s16 =	sadd.s32 $0x1, s16  }
0x45: {  	p0 =	sne.s32 s16, s19  }
.Ltmp2:
0x46: {  	_ = 	snop;
	(pc) =	sbr.rel @!p0 .LBB2_14-.Ltmp2, $3  }
0x47: {  	_ =	sdelay $0x1  }
0x48: {  	[sflag:s21] =	ssyncset.done $0x0  }
0x49: {  	[sflag:s21] =	ssyncadd.s32 $0xFFFFF800  }
.LBB2_2:
0x4a: {  	s15 =	simm.s32 $0x0;
	s19 =	rddreg [dreg:$0x5];
	s17 =	simm.s32 $0x18800  }
0x4b: {  	[tilespmem:s17], [sflag:$0x1] =	stream.linear.gather [hbm4b:s19+s15], $0x80, $0x38;
	[tilespmem:$0x1A800] =	vst v63  }
0x4c: {  	s18 =	rddreg [dreg:$0x8];
	s19 =	simm.s32 $0x18900  }
0x4d: {  	[tilespmem:s19], [sflag:$0x1] =	stream.linear.gather [hbm4b:s18+s15], $0x80, $0x38;
	[tilespmem:$0x1A800] =	vst v63  }
0x4e: {  	s18 =	rddreg [dreg:$0x9];
	s19 =	simm.s32 $0x18A00  }
0x4f: {  	[tilespmem:s19], [sflag:$0x1] =	stream.linear.gather [hbm4b:s18+s15], $0x80, $0x38;
	[tilespmem:$0x1A800] =	vst v63  }
0x50: {  	s18 =	rddreg [dreg:$0xa];
	s19 =	simm.s32 $0x18B00  }
0x51: {  	[tilespmem:s19], [sflag:$0x1] =	stream.linear.gather [hbm4b:s18+s15], $0x80, $0x38;
	[tilespmem:$0x1A800] =	vst v63  }
0x52: {  	s18 =	rddreg [dreg:$0xb];
	s19 =	simm.s32 $0x18C00  }
0x53: {  	[tilespmem:s19], [sflag:$0x1] =	stream.linear.gather [hbm4b:s18+s15], $0x80, $0x38;
	[tilespmem:$0x1A800] =	vst v63  }
0x54: {  	s18 =	rddreg [dreg:$0xc];
	s19 =	simm.s32 $0x18D00  }
0x55: {  	[tilespmem:s19], [sflag:$0x1] =	stream.linear.gather [hbm4b:s18+s15], $0x80, $0x38;
	[tilespmem:$0x1A800] =	vst v63  }
0x56: {  	s18 =	rddreg [dreg:$0xd];
	s19 =	simm.s32 $0x18E00  }
0x57: {  	[tilespmem:s19], [sflag:$0x1] =	stream.linear.gather [hbm4b:s18+s15], $0x80, $0x38;
	[tilespmem:$0x1A800] =	vst v63  }
0x58: {  	s18 =	rddreg [dreg:$0xe];
	s19 =	simm.s32 $0x18F00  }
0x59: {  	[tilespmem:s19], [sflag:$0x1] =	stream.linear.gather [hbm4b:s18+s15], $0x80, $0x38;
	[tilespmem:$0x1A800] =	vst v63  }
0x5a: {  	s18 =	rddreg [dreg:$0xf];
	s19 =	simm.s32 $0x19000  }
0x5b: {  	[tilespmem:s19], [sflag:$0x1] =	stream.linear.gather [hbm4b:s18+s15], $0x80, $0x38;
	[tilespmem:$0x1A800] =	vst v63  }
0x5c: {  	s18 =	rddreg [dreg:$0x10];
	s19 =	simm.s32 $0x19100  }
0x5d: {  	[tilespmem:s19], [sflag:$0x1] =	stream.linear.gather [hbm4b:s18+s15], $0x80, $0x38;
	[tilespmem:$0x1A800] =	vst v63  }
0x5e: {  	s18 =	rddreg [dreg:$0x11];
	s19 =	simm.s32 $0x19200  }
0x5f: {  	[tilespmem:s19], [sflag:$0x1] =	stream.linear.gather [hbm4b:s18+s15], $0x80, $0x38;
	[tilespmem:$0x1A800] =	vst v63  }
0x60: {  	s18 =	rddreg [dreg:$0x12];
	s19 =	simm.s32 $0x19300  }
0x61: {  	[tilespmem:s19], [sflag:$0x1] =	stream.linear.gather [hbm4b:s18+s15], $0x80, $0x38;
	[tilespmem:$0x1A800] =	vst v63  }
0x62: {  	s18 =	rddreg [dreg:$0x13];
	s19 =	simm.s32 $0x19400  }
0x63: {  	[tilespmem:s19], [sflag:$0x1] =	stream.linear.gather [hbm4b:s18+s15], $0x80, $0x38;
	[tilespmem:$0x1A800] =	vst v63  }
0x64: {  	s18 =	rddreg [dreg:$0x14];
	s19 =	simm.s32 $0x19500  }
0x65: {  	[tilespmem:s19], [sflag:$0x1] =	stream.linear.gather [hbm4b:s18+s15], $0x80, $0x38;
	[tilespmem:$0x1A800] =	vst v63  }
0x66: {  	s18 =	rddreg [dreg:$0x15];
	s19 =	simm.s32 $0x19600  }
0x67: {  	[tilespmem:s19], [sflag:$0x1] =	stream.linear.gather [hbm4b:s18+s15], $0x80, $0x38;
	[tilespmem:$0x1A800] =	vst v63  }
0x68: {  	s18 =	rddreg [dreg:$0x16];
	s19 =	simm.s32 $0x19700  }
0x69: {  	[tilespmem:s19], [sflag:$0x1] =	stream.linear.gather [hbm4b:s18+s15], $0x80, $0x38;
	[tilespmem:$0x1A800] =	vst v63  }
0x6a: {  	s18 =	rddreg [dreg:$0x6];
	s19 =	simm.s32 $0x18880  }
0x6b: {  	[tilespmem:s19], [sflag:$0x2] =	stream.linear.gather [hbm4b:s18+s15], $0x80, $0x38;
	[tilespmem:$0x1A800] =	vst v63  }
0x6c: {  	s18 =	rddreg [dreg:$0x17];
	s19 =	simm.s32 $0x18980  }
0x6d: {  	[tilespmem:s19], [sflag:$0x2] =	stream.linear.gather [hbm4b:s18+s15], $0x80, $0x38;
	[tilespmem:$0x1A800] =	vst v63  }
0x6e: {  	s18 =	rddreg [dreg:$0x18];
	s19 =	simm.s32 $0x18A80  }
0x6f: {  	[tilespmem:s19], [sflag:$0x2] =	stream.linear.gather [hbm4b:s18+s15], $0x80, $0x38;
	[tilespmem:$0x1A800] =	vst v63  }
0x70: {  	s18 =	rddreg [dreg:$0x19];
	s19 =	simm.s32 $0x18B80  }
0x71: {  	[tilespmem:s19], [sflag:$0x2] =	stream.linear.gather [hbm4b:s18+s15], $0x80, $0x38;
	[tilespmem:$0x1A800] =	vst v63  }
0x72: {  	s18 =	rddreg [dreg:$0x1a];
	s19 =	simm.s32 $0x18C80  }
0x73: {  	[tilespmem:s19], [sflag:$0x2] =	stream.linear.gather [hbm4b:s18+s15], $0x80, $0x38;
	[tilespmem:$0x1A800] =	vst v63  }
0x74: {  	s18 =	rddreg [dreg:$0x1b];
	s19 =	simm.s32 $0x18D80  }
0x75: {  	[tilespmem:s19], [sflag:$0x2] =	stream.linear.gather [hbm4b:s18+s15], $0x80, $0x38;
	[tilespmem:$0x1A800] =	vst v63  }
0x76: {  	s18 =	rddreg [dreg:$0x1c];
	s19 =	simm.s32 $0x18E80  }
0x77: {  	[tilespmem:s19], [sflag:$0x2] =	stream.linear.gather [hbm4b:s18+s15], $0x80, $0x38;
	[tilespmem:$0x1A800] =	vst v63  }
0x78: {  	s18 =	rddreg [dreg:$0x1d];
	s19 =	simm.s32 $0x18F80  }
0x79: {  	[tilespmem:s19], [sflag:$0x2] =	stream.linear.gather [hbm4b:s18+s15], $0x80, $0x38;
	[tilespmem:$0x1A800] =	vst v63  }
0x7a: {  	s18 =	rddreg [dreg:$0x1e];
	s19 =	simm.s32 $0x19080  }
0x7b: {  	[tilespmem:s19], [sflag:$0x2] =	stream.linear.gather [hbm4b:s18+s15], $0x80, $0x38;
	[tilespmem:$0x1A800] =	vst v63  }
0x7c: {  	s18 =	rddreg [dreg:$0x1f];
	s19 =	simm.s32 $0x19180  }
0x7d: {  	[tilespmem:s19], [sflag:$0x2] =	stream.linear.gather [hbm4b:s18+s15], $0x80, $0x38;
	[tilespmem:$0x1A800] =	vst v63  }
0x7e: {  	s18 =	sld [smem:$0x7F8];
	_ =	sdelay $0x1  }
0x7f: {  	s19 =	simm.s32 $0x19280  }
0x80: {  	[tilespmem:s19], [sflag:$0x2] =	stream.linear.gather [hbm4b:s18+s15], $0x80, $0x38;
	[tilespmem:$0x1A800] =	vst v63  }
0x81: {  	s18 =	sld [smem:$0x7F9];
	_ =	sdelay $0x1  }
0x82: {  	s19 =	simm.s32 $0x19380  }
0x83: {  	[tilespmem:s19], [sflag:$0x2] =	stream.linear.gather [hbm4b:s18+s15], $0x80, $0x38;
	[tilespmem:$0x1A800] =	vst v63  }
0x84: {  	s18 =	sld [smem:$0x7FA];
	_ =	sdelay $0x1  }
0x85: {  	s19 =	simm.s32 $0x19480  }
0x86: {  	[tilespmem:s19], [sflag:$0x2] =	stream.linear.gather [hbm4b:s18+s15], $0x80, $0x38;
	[tilespmem:$0x1A800] =	vst v63  }
0x87: {  	s18 =	sld [smem:$0x7FB];
	_ =	sdelay $0x1  }
0x88: {  	s19 =	simm.s32 $0x19580  }
0x89: {  	[tilespmem:s19], [sflag:$0x2] =	stream.linear.gather [hbm4b:s18+s15], $0x80, $0x38;
	[tilespmem:$0x1A800] =	vst v63  }
0x8a: {  	s18 =	sld [smem:$0x7FC];
	_ =	sdelay $0x1  }
0x8b: {  	s19 =	simm.s32 $0x19680  }
0x8c: {  	[tilespmem:s19], [sflag:$0x2] =	stream.linear.gather [hbm4b:s18+s15], $0x80, $0x38;
	[tilespmem:$0x1A800] =	vst v63  }
0x8d: {  	s18 =	sld [smem:$0x7FD];
	_ =	sdelay $0x1  }
0x8e: {  	[smem:$0x7F7] =	sst s16;
	s19 =	simm.s32 $0x19780  }
0x8f: {  	[tilespmem:s19], [sflag:$0x2] =	stream.linear.gather [hbm4b:s18+s15], $0x80, $0x38;
	[tilespmem:$0x1A800] =	vst v63  }
0x90: {  	s18 =	rddreg [dreg:$0x4];
	s19 =	simm.s32 $0x5  }
0x91: {  	[tilespmem:s15], [sflag:$0x5] =	stream.linear.gather [hbm4b:s18+s15], $0x18800, $0x38;
	[tilespmem:$0x1A800] =	vst v63  }
0x92: {  	_ =	swait.ge [sflag:s19], $0x18800  }
0x93: {  	[sflag:s19] =	ssyncset.done $0x0  }
0x94: {  	[sflag:s19] =	ssyncadd.s32 $0xFFFE7800  }
.LBB2_3:
0x95: {  	_ =	swait.ge [sflag:s29], $0x800  }
0x96: {  	p0 =	seq.s32 s15, $0x0;
	[sflag:s29] =	ssyncset.done $0x0  }
0x97: {  	s16 =	simm.s32 @!p0 $0x3;
	[sflag:s29] =	ssyncadd.s32 $0xFFFFF800  }
0x98: {  	_ =	swait.ge @!p0 [sflag:s16], $0x800  }
0x99: {  	[sflag:s16] =	ssyncset.done @!p0 $0x0  }
0x9a: {  	s19 =	simm.s32 $0x18840;
	[sflag:s16] =	ssyncadd.s32 @!p0 $0xFFFFF800  }
0x9b: {  	v0 =	vld [tilespmem:s19+$0x30]  }
0x9c: {  	v1 =	vld [tilespmem:s19+$0xFFFFFFD0]  }
0x9d: {  	v2 =	vld [tilespmem:s19+$0xFFFFFFE0]  }
0x9e: {  	v3 =	vld [tilespmem:s19+$0xFFFFFFF0]  }
0x9f: {  	v6 =	vld [tilespmem:s19+$0x0]  }
0xa0: {  	v7 =	vld [tilespmem:s19+$0x10]  }
0xa1: {  	v8 =	vld [tilespmem:s19+$0x20]  }
0xa2: {  	v9 =	vld [tilespmem:s19+$0xFFFFFFC0]  }
0xa3: {  	v10 =	vld.idx.msk [tilespmem:v0+s2+$0x0], $0xffff  }
0xa4: {  	v11 =	vld.idx.msk [tilespmem:v1+s2+$0x0], $0xffff  }
0xa5: {  	v5 =	vld.idx.msk [tilespmem:v2+s2+$0x0], $0xffff  }
0xa6: {  	v4 =	vld.idx.msk [tilespmem:v3+s2+$0x0], $0xffff  }
0xa7: {  	v2 =	vld.idx.msk [tilespmem:v6+s2+$0x0], $0xffff  }
0xa8: {  	s17 =	simm.s32 $0x19840;
	v1 =	vld.idx.msk [tilespmem:v7+s2+$0x0], $0xffff  }
0xa9: {  	v0 =	vld.idx.msk [tilespmem:v8+s2+$0x0], $0xffff;
	[tilespmem:s17+$0x30] =	vst v10  }
0xaa: {  	s18 =	simm.s32 $0x0;
	s16 =	sshll.u32 s15, $0x1;
	s19 =	simm.s32 $0x18940;
	v3 =	vld.idx.msk [tilespmem:v9+s2+$0x0], $0xffff;
	[tilespmem:s17+$0xFFFFFFD0] =	vst v11  }
.LBB2_4:
0xab: {  	v6 =	vld [tilespmem:s19+$0x30];
	s18 =	sadd.s32 $0x80, s18;
	[tilespmem:s17+$0xFFFFFFE0] =	vst v5  }
0xac: {  	v5 =	vld [tilespmem:s19+$0xFFFFFFD0];
	p1 =	slt.u32 s18, $0x780;
	[tilespmem:s17+$0xFFFFFFF0] =	vst v4  }
0xad: {  	v4 =	vld [tilespmem:s19+$0xFFFFFFE0];
	[tilespmem:s17+$0x0] =	vst v2  }
0xae: {  	v2 =	vld [tilespmem:s19+$0xFFFFFFF0];
	[tilespmem:s17+$0x10] =	vst v1  }
0xaf: {  	v1 =	vld [tilespmem:s19+$0x0];
	[tilespmem:s17+$0x20] =	vst v0  }
0xb0: {  	v0 =	vld [tilespmem:s19+$0x10];
	[tilespmem:s17+$0xFFFFFFC0] =	vst v3  }
0xb1: {  	v3 =	vld [tilespmem:s19+$0x20]  }
0xb2: {  	v7 =	vld [tilespmem:s19+$0xFFFFFFC0]  }
0xb3: {  	v6 =	vld.idx.msk [tilespmem:v6+s2+$0x0], $0xffff  }
0xb4: {  	v8 =	vld.idx.msk [tilespmem:v5+s2+$0x0], $0xffff  }
0xb5: {  	v5 =	vld.idx.msk [tilespmem:v4+s2+$0x0], $0xffff  }
.Ltmp3:
0xb6: {  	v4 =	vld.idx.msk [tilespmem:v2+s2+$0x0], $0xffff;
	(pc) =	sbr.rel @p1 .LBB2_4-.Ltmp3, $4  }
0xb7: {  	v2 =	vld.idx.msk [tilespmem:v1+s2+$0x0], $0xffff  }
0xb8: {  	s17 =	sadd.s32 $0x100, s17;
	v1 =	vld.idx.msk [tilespmem:v0+s2+$0x0], $0xffff  }
0xb9: {  	v0 =	vld.idx.msk [tilespmem:v3+s2+$0x0], $0xffff;
	[tilespmem:s17+$0x30] =	vst v6  }
0xba: {  	s19 =	sadd.s32 $0x100, s19;
	v3 =	vld.idx.msk [tilespmem:v7+s2+$0x0], $0xffff;
	[tilespmem:s17+$0xFFFFFFD0] =	vst v8  }
0xbb: {  	[tilespmem:s17+$0xFFFFFFE0] =	vst v5  }
0xbc: {  	[tilespmem:s17+$0xFFFFFFF0] =	vst v4  }
0xbd: {  	s18 =	sadd.s32 s5, s16;
	[tilespmem:s17+$0x0] =	vst v2  }
0xbe: {  	s18 =	sshll.u32 s18, $0x8;
	[tilespmem:s17+$0x10] =	vst v1  }
0xbf: {  	s18 =	sand.u32 $0x1FFFFE00, s18;
	[tilespmem:s17+$0x20] =	vst v0  }
0xc0: {  	s19 =	simm.s32 $0x19800;
	[tilespmem:s17+$0xFFFFFFC0] =	vst v3;
	s17 =	sadd.s32 s4, s18  }
0xc1: {  	[hbm4b:s17+s2] =	stream.linear.scatter [tilespmem:s19], [sflag:$0x3], $0x80, $0x38;
	[tilespmem:$0x1A800] =	vst v63  }
0xc2: {  	s18 =	sadd.s32 $0x10, s17;
	s19 =	simm.s32 $0x19900  }
0xc3: {  	[hbm4b:s18+s2] =	stream.linear.scatter [tilespmem:s19], [sflag:$0x3], $0x80, $0x38;
	[tilespmem:$0x1A800] =	vst v63  }
0xc4: {  	s18 =	sadd.s32 $0x20, s17;
	s19 =	simm.s32 $0x19A00  }
0xc5: {  	[hbm4b:s18+s2] =	stream.linear.scatter [tilespmem:s19], [sflag:$0x3], $0x80, $0x38;
	[tilespmem:$0x1A800] =	vst v63  }
0xc6: {  	s18 =	sadd.s32 $0x30, s17;
	s19 =	simm.s32 $0x19B00  }
0xc7: {  	[hbm4b:s18+s2] =	stream.linear.scatter [tilespmem:s19], [sflag:$0x3], $0x80, $0x38;
	[tilespmem:$0x1A800] =	vst v63  }
0xc8: {  	s18 =	sadd.s32 $0x40, s17;
	s19 =	simm.s32 $0x19C00  }
0xc9: {  	[hbm4b:s18+s2] =	stream.linear.scatter [tilespmem:s19], [sflag:$0x3], $0x80, $0x38;
	[tilespmem:$0x1A800] =	vst v63  }
0xca: {  	s18 =	sadd.s32 $0x50, s17;
	s19 =	simm.s32 $0x19D00  }
0xcb: {  	[hbm4b:s18+s2] =	stream.linear.scatter [tilespmem:s19], [sflag:$0x3], $0x80, $0x38;
	[tilespmem:$0x1A800] =	vst v63  }
0xcc: {  	s18 =	sadd.s32 $0x60, s17;
	s19 =	simm.s32 $0x19E00  }
0xcd: {  	[hbm4b:s18+s2] =	stream.linear.scatter [tilespmem:s19], [sflag:$0x3], $0x80, $0x38;
	[tilespmem:$0x1A800] =	vst v63  }
0xce: {  	s18 =	sadd.s32 $0x70, s17;
	s19 =	simm.s32 $0x19F00  }
0xcf: {  	[hbm4b:s18+s2] =	stream.linear.scatter [tilespmem:s19], [sflag:$0x3], $0x80, $0x38;
	[tilespmem:$0x1A800] =	vst v63  }
0xd0: {  	s18 =	sadd.s32 $0x80, s17;
	s19 =	simm.s32 $0x1A000  }
0xd1: {  	[hbm4b:s18+s2] =	stream.linear.scatter [tilespmem:s19], [sflag:$0x3], $0x80, $0x38;
	[tilespmem:$0x1A800] =	vst v63  }
0xd2: {  	s18 =	sadd.s32 $0x90, s17;
	s19 =	simm.s32 $0x1A100  }
0xd3: {  	[hbm4b:s18+s2] =	stream.linear.scatter [tilespmem:s19], [sflag:$0x3], $0x80, $0x38;
	[tilespmem:$0x1A800] =	vst v63  }
0xd4: {  	s18 =	sadd.s32 $0xA0, s17;
	s19 =	simm.s32 $0x1A200  }
0xd5: {  	[hbm4b:s18+s2] =	stream.linear.scatter [tilespmem:s19], [sflag:$0x3], $0x80, $0x38;
	[tilespmem:$0x1A800] =	vst v63  }
0xd6: {  	s18 =	sadd.s32 $0xB0, s17;
	s19 =	simm.s32 $0x1A300  }
0xd7: {  	[hbm4b:s18+s2] =	stream.linear.scatter [tilespmem:s19], [sflag:$0x3], $0x80, $0x38;
	[tilespmem:$0x1A800] =	vst v63  }
0xd8: {  	s18 =	sadd.s32 $0xC0, s17;
	s19 =	simm.s32 $0x1A400  }
0xd9: {  	[hbm4b:s18+s2] =	stream.linear.scatter [tilespmem:s19], [sflag:$0x3], $0x80, $0x38;
	[tilespmem:$0x1A800] =	vst v63  }
0xda: {  	p1 =	sne.s32 s15, $0x10;
	s18 =	sadd.s32 $0xD0, s17;
	s19 =	simm.s32 $0x1A500  }
0xdb: {  	[hbm4b:s18+s2] =	stream.linear.scatter [tilespmem:s19], [sflag:$0x3], $0x80, $0x38;
	[tilespmem:$0x1A800] =	vst v63  }
.Ltmp4:
0xdc: {  	_ = 	snop;
	(pc) =	sbr.rel @p1 .LBB2_7-.Ltmp4, $4  }
0xdd: {  	s18 =	sadd.s32 $0xE0, s17;
	s19 =	simm.s32 $0x1A600  }
0xde: {  	[hbm4b:s18+s2] =	stream.linear.scatter [tilespmem:s19], [sflag:$0x3], $0x80, $0x38;
	[tilespmem:$0x1A800] =	vst v63  }
0xdf: {  	s17 =	sadd.s32 $0xF0, s17  }
0xe0: {  	[hbm4b:s17+s2] =	stream.linear.scatter [tilespmem:s10], [sflag:$0x3], $0x80, $0x38;
	[tilespmem:$0x1A800] =	vst v63  }
.Ltmp5:
0xe1: {  	(pc) =	sbr.rel .LBB2_8-.Ltmp5, $4  }
0xe2: {  	_ = 	snop  }
0xe3: {  	_ =	swait.ge [sflag:s20], $0x800  }
0xe4: {  	[sflag:s20] =	ssyncset.done $0x0  }
0xe5: {  	[sflag:s20] =	ssyncadd.s32 $0xFFFFF800  }
.LBB2_7:
0xe6: {  	s17 =	rddreg [dreg:$0x3]  }
0xe7: {  	s17 =	sadd.s32 s16, s17  }
0xe8: {  	s17 =	sshll.u32 s17, $0x8  }
0xe9: {  	s18 =	simm.s32 $0x18800;
	s17 =	sadd.s32 s3, s17  }
0xea: {  	[tilespmem:s18], [sflag:$0x1] =	stream.linear.gather [hbm4b:s17+s2], $0x80, $0x38;
	[tilespmem:$0x1A800] =	vst v63  }
0xeb: {  	s19 =	simm.s32 $0x18900;
	s18 =	sadd.s32 $0x10, s17  }
0xec: {  	[tilespmem:s19], [sflag:$0x1] =	stream.linear.gather [hbm4b:s18+s2], $0x80, $0x38;
	[tilespmem:$0x1A800] =	vst v63  }
0xed: {  	s18 =	sadd.s32 $0x20, s17;
	s19 =	simm.s32 $0x18A00  }
0xee: {  	[tilespmem:s19], [sflag:$0x1] =	stream.linear.gather [hbm4b:s18+s2], $0x80, $0x38;
	[tilespmem:$0x1A800] =	vst v63  }
0xef: {  	s18 =	sadd.s32 $0x30, s17;
	s19 =	simm.s32 $0x18B00  }
0xf0: {  	[tilespmem:s19], [sflag:$0x1] =	stream.linear.gather [hbm4b:s18+s2], $0x80, $0x38;
	[tilespmem:$0x1A800] =	vst v63  }
0xf1: {  	s18 =	sadd.s32 $0x40, s17;
	s19 =	simm.s32 $0x18C00  }
0xf2: {  	[tilespmem:s19], [sflag:$0x1] =	stream.linear.gather [hbm4b:s18+s2], $0x80, $0x38;
	[tilespmem:$0x1A800] =	vst v63  }
0xf3: {  	s18 =	sadd.s32 $0x50, s17;
	s19 =	simm.s32 $0x18D00  }
0xf4: {  	[tilespmem:s19], [sflag:$0x1] =	stream.linear.gather [hbm4b:s18+s2], $0x80, $0x38;
	[tilespmem:$0x1A800] =	vst v63  }
0xf5: {  	s18 =	sadd.s32 $0x60, s17;
	s19 =	simm.s32 $0x18E00  }
0xf6: {  	[tilespmem:s19], [sflag:$0x1] =	stream.linear.gather [hbm4b:s18+s2], $0x80, $0x38;
	[tilespmem:$0x1A800] =	vst v63  }
0xf7: {  	s18 =	sadd.s32 $0x70, s17;
	s19 =	simm.s32 $0x18F00  }
0xf8: {  	[tilespmem:s19], [sflag:$0x1] =	stream.linear.gather [hbm4b:s18+s2], $0x80, $0x38;
	[tilespmem:$0x1A800] =	vst v63  }
0xf9: {  	s18 =	sadd.s32 $0x80, s17;
	s19 =	simm.s32 $0x19000  }
0xfa: {  	[tilespmem:s19], [sflag:$0x1] =	stream.linear.gather [hbm4b:s18+s2], $0x80, $0x38;
	[tilespmem:$0x1A800] =	vst v63  }
0xfb: {  	s18 =	sadd.s32 $0x90, s17;
	s19 =	simm.s32 $0x19100  }
0xfc: {  	[tilespmem:s19], [sflag:$0x1] =	stream.linear.gather [hbm4b:s18+s2], $0x80, $0x38;
	[tilespmem:$0x1A800] =	vst v63  }
0xfd: {  	s18 =	sadd.s32 $0xA0, s17;
	s19 =	simm.s32 $0x19200  }
0xfe: {  	[tilespmem:s19], [sflag:$0x1] =	stream.linear.gather [hbm4b:s18+s2], $0x80, $0x38;
	[tilespmem:$0x1A800] =	vst v63  }
0xff: {  	s18 =	sadd.s32 $0xB0, s17;
	s19 =	simm.s32 $0x19300  }
0x100: {  	[tilespmem:s19], [sflag:$0x1] =	stream.linear.gather [hbm4b:s18+s2], $0x80, $0x38;
	[tilespmem:$0x1A800] =	vst v63  }
0x101: {  	s18 =	sadd.s32 $0xC0, s17;
	s19 =	simm.s32 $0x19400  }
0x102: {  	[tilespmem:s19], [sflag:$0x1] =	stream.linear.gather [hbm4b:s18+s2], $0x80, $0x38;
	[tilespmem:$0x1A800] =	vst v63  }
0x103: {  	s18 =	sadd.s32 $0xD0, s17;
	s19 =	simm.s32 $0x19500  }
0x104: {  	[tilespmem:s19], [sflag:$0x1] =	stream.linear.gather [hbm4b:s18+s2], $0x80, $0x38;
	[tilespmem:$0x1A800] =	vst v63  }
0x105: {  	s18 =	sadd.s32 $0xE0, s17;
	s19 =	simm.s32 $0x19600  }
0x106: {  	[tilespmem:s19], [sflag:$0x1] =	stream.linear.gather [hbm4b:s18+s2], $0x80, $0x38;
	[tilespmem:$0x1A800] =	vst v63  }
.Ltmp6:
0x107: {  	s17 =	sadd.s32 $0xF0, s17;
	s19 =	simm.s32 $0x19700;
	(pc) =	sbr.rel @p0 .LBB2_9-.Ltmp6, $4  }
0x108: {  	[tilespmem:s19], [sflag:$0x1] =	stream.linear.gather [hbm4b:s17+s2], $0x80, $0x38;
	[tilespmem:$0x1A800] =	vst v63  }
0x109: {  	_ =	swait.ge [sflag:s20], $0x800  }
0x10a: {  	[sflag:s20] =	ssyncset.done $0x0  }
0x10b: {  	[sflag:s20] =	ssyncadd.s32 $0xFFFFF800  }
.LBB2_8:
0x10c: {  	_ =	swait.ge [sflag:s21], $0x800  }
0x10d: {  	[sflag:s21] =	ssyncset.done $0x0  }
0x10e: {  	[sflag:s21] =	ssyncadd.s32 $0xFFFFF800  }
.LBB2_9:
0x10f: {  	s17 =	simm.s32 $0x188F0  }
0x110: {  	v0 =	vld [tilespmem:s17+$0x0]  }
0x111: {  	v1 =	vld [tilespmem:s17+$0xFFFFFFA0]  }
0x112: {  	v2 =	vld [tilespmem:s17+$0xFFFFFFB0]  }
0x113: {  	v3 =	vld [tilespmem:s17+$0xFFFFFFC0]  }
0x114: {  	v6 =	vld [tilespmem:s17+$0xFFFFFFD0]  }
0x115: {  	v7 =	vld [tilespmem:s17+$0xFFFFFFE0]  }
0x116: {  	v8 =	vld [tilespmem:s17+$0xFFFFFFF0]  }
0x117: {  	v9 =	vld [tilespmem:s17+$0xFFFFFF90]  }
0x118: {  	v10 =	vld.idx.msk [tilespmem:v0+s2+$0x0], $0xffff  }
0x119: {  	v11 =	vld.idx.msk [tilespmem:v1+s2+$0x0], $0xffff  }
0x11a: {  	v5 =	vld.idx.msk [tilespmem:v2+s2+$0x0], $0xffff  }
0x11b: {  	v4 =	vld.idx.msk [tilespmem:v3+s2+$0x0], $0xffff  }
0x11c: {  	v3 =	vld.idx.msk [tilespmem:v6+s2+$0x0], $0xffff  }
0x11d: {  	s17 =	simm.s32 $0x198F0;
	v1 =	vld.idx.msk [tilespmem:v7+s2+$0x0], $0xffff  }
0x11e: {  	v0 =	vld.idx.msk [tilespmem:v8+s2+$0x0], $0xffff;
	[tilespmem:s17+$0x0] =	vst v10  }
0x11f: {  	s18 =	simm.s32 $0x0;
	s19 =	simm.s32 $0x189F0;
	v2 =	vld.idx.msk [tilespmem:v9+s2+$0x0], $0xffff;
	[tilespmem:s17+$0xFFFFFFA0] =	vst v11  }
.LBB2_10:
0x120: {  	v6 =	vld [tilespmem:s19+$0x0];
	s18 =	sadd.s32 $0x80, s18;
	[tilespmem:s17+$0xFFFFFFB0] =	vst v5  }
0x121: {  	v5 =	vld [tilespmem:s19+$0xFFFFFFA0];
	p0 =	slt.u32 s18, $0x780;
	[tilespmem:s17+$0xFFFFFFC0] =	vst v4  }
0x122: {  	v4 =	vld [tilespmem:s19+$0xFFFFFFB0];
	[tilespmem:s17+$0xFFFFFFD0] =	vst v3  }
0x123: {  	v3 =	vld [tilespmem:s19+$0xFFFFFFC0];
	[tilespmem:s17+$0xFFFFFFE0] =	vst v1  }
0x124: {  	v1 =	vld [tilespmem:s19+$0xFFFFFFD0];
	[tilespmem:s17+$0xFFFFFFF0] =	vst v0  }
0x125: {  	v0 =	vld [tilespmem:s19+$0xFFFFFFE0];
	[tilespmem:s17+$0xFFFFFF90] =	vst v2  }
0x126: {  	v2 =	vld [tilespmem:s19+$0xFFFFFFF0]  }
0x127: {  	v7 =	vld [tilespmem:s19+$0xFFFFFF90]  }
0x128: {  	v6 =	vld.idx.msk [tilespmem:v6+s2+$0x0], $0xffff  }
0x129: {  	v8 =	vld.idx.msk [tilespmem:v5+s2+$0x0], $0xffff  }
0x12a: {  	v5 =	vld.idx.msk [tilespmem:v4+s2+$0x0], $0xffff  }
.Ltmp7:
0x12b: {  	v4 =	vld.idx.msk [tilespmem:v3+s2+$0x0], $0xffff;
	(pc) =	sbr.rel @p0 .LBB2_10-.Ltmp7, $4  }
0x12c: {  	v3 =	vld.idx.msk [tilespmem:v1+s2+$0x0], $0xffff  }
0x12d: {  	s17 =	sadd.s32 $0x100, s17;
	v1 =	vld.idx.msk [tilespmem:v0+s2+$0x0], $0xffff  }
0x12e: {  	v0 =	vld.idx.msk [tilespmem:v2+s2+$0x0], $0xffff;
	[tilespmem:s17+$0x0] =	vst v6  }
0x12f: {  	s19 =	sadd.s32 $0x100, s19;
	v2 =	vld.idx.msk [tilespmem:v7+s2+$0x0], $0xffff;
	[tilespmem:s17+$0xFFFFFFA0] =	vst v8  }
0x130: {  	[tilespmem:s17+$0xFFFFFFB0] =	vst v5  }
0x131: {  	[tilespmem:s17+$0xFFFFFFC0] =	vst v4  }
0x132: {  	s18 =	sadd.s32 s16, s7;
	[tilespmem:s17+$0xFFFFFFD0] =	vst v3  }
0x133: {  	s18 =	sshll.u32 s18, $0x8;
	[tilespmem:s17+$0xFFFFFFE0] =	vst v1  }
0x134: {  	s18 =	sand.u32 $0x1FFFFF00, s18;
	[tilespmem:s17+$0xFFFFFFF0] =	vst v0  }
0x135: {  	[tilespmem:s17+$0xFFFFFF90] =	vst v2;
	s17 =	sadd.s32 s4, s18  }
0x136: {  	[hbm4b:s17+s2] =	stream.linear.scatter [tilespmem:s22], [sflag:$0x4], $0x80, $0x38;
	[tilespmem:$0x1A800] =	vst v63  }
0x137: {  	s18 =	sadd.s32 $0x10, s17  }
0x138: {  	[hbm4b:s18+s2] =	stream.linear.scatter [tilespmem:s23], [sflag:$0x4], $0x80, $0x38;
	[tilespmem:$0x1A800] =	vst v63  }
0x139: {  	s19 =	sadd.s32 $0x20, s17  }
0x13a: {  	[hbm4b:s19+s2] =	stream.linear.scatter [tilespmem:s24], [sflag:$0x4], $0x80, $0x38;
	[tilespmem:$0x1A800] =	vst v63  }
0x13b: {  	s19 =	sadd.s32 $0x30, s17  }
0x13c: {  	[hbm4b:s19+s2] =	stream.linear.scatter [tilespmem:s25], [sflag:$0x4], $0x80, $0x38;
	[tilespmem:$0x1A800] =	vst v63  }
0x13d: {  	s19 =	sadd.s32 $0x40, s17  }
0x13e: {  	[hbm4b:s19+s2] =	stream.linear.scatter [tilespmem:s26], [sflag:$0x4], $0x80, $0x38;
	[tilespmem:$0x1A800] =	vst v63  }
0x13f: {  	s19 =	sadd.s32 $0x50, s17  }
0x140: {  	[hbm4b:s19+s2] =	stream.linear.scatter [tilespmem:s28], [sflag:$0x4], $0x80, $0x38;
	[tilespmem:$0x1A800] =	vst v63  }
0x141: {  	s19 =	sadd.s32 $0x60, s17  }
0x142: {  	[hbm4b:s19+s2] =	stream.linear.scatter [tilespmem:s30], [sflag:$0x4], $0x80, $0x38;
	[tilespmem:$0x1A800] =	vst v63  }
0x143: {  	s19 =	sadd.s32 $0x70, s17  }
0x144: {  	[hbm4b:s19+s2] =	stream.linear.scatter [tilespmem:s31], [sflag:$0x4], $0x80, $0x38;
	[tilespmem:$0x1A800] =	vst v63  }
0x145: {  	s19 =	sadd.s32 $0x80, s17  }
0x146: {  	[hbm4b:s19+s2] =	stream.linear.scatter [tilespmem:s0], [sflag:$0x4], $0x80, $0x38;
	[tilespmem:$0x1A800] =	vst v63  }
0x147: {  	s19 =	sadd.s32 $0x90, s17  }
0x148: {  	[hbm4b:s19+s2] =	stream.linear.scatter [tilespmem:s1], [sflag:$0x4], $0x80, $0x38;
	[tilespmem:$0x1A800] =	vst v63  }
0x149: {  	s19 =	sadd.s32 $0xA0, s17  }
0x14a: {  	[hbm4b:s19+s2] =	stream.linear.scatter [tilespmem:s9], [sflag:$0x4], $0x80, $0x38;
	[tilespmem:$0x1A800] =	vst v63  }
0x14b: {  	s19 =	sadd.s32 $0xB0, s17  }
0x14c: {  	[hbm4b:s19+s2] =	stream.linear.scatter [tilespmem:s11], [sflag:$0x4], $0x80, $0x38;
	[tilespmem:$0x1A800] =	vst v63  }
0x14d: {  	s19 =	sadd.s32 $0xC0, s17  }
0x14e: {  	[hbm4b:s19+s2] =	stream.linear.scatter [tilespmem:s12], [sflag:$0x4], $0x80, $0x38;
	[tilespmem:$0x1A800] =	vst v63  }
0x14f: {  	p0 =	seq.s32 s15, $0x10;
	s19 =	sadd.s32 $0xD0, s17  }
0x150: {  	[hbm4b:s19+s2] =	stream.linear.scatter [tilespmem:s6], [sflag:$0x4], $0x80, $0x38;
	[tilespmem:$0x1A800] =	vst v63  }
.Ltmp8:
0x151: {  	_ = 	snop;
	(pc) =	sbr.rel @p0 .LBB2_13-.Ltmp8, $4  }
0x152: {  	s19 =	sadd.s32 $0xE0, s17  }
0x153: {  	[hbm4b:s19+s2] =	stream.linear.scatter [tilespmem:s13], [sflag:$0x4], $0x80, $0x38;
	[tilespmem:$0x1A800] =	vst v63  }
0x154: {  	s17 =	sadd.s32 $0xF0, s17  }
0x155: {  	[hbm4b:s17+s2] =	stream.linear.scatter [tilespmem:s14], [sflag:$0x4], $0x80, $0x38;
	[tilespmem:$0x1A800] =	vst v63  }
0x156: {  	s16 =	sadd.s32 s16, s8  }
0x157: {  	s16 =	sshll.u32 s16, $0x8  }
0x158: {  	s17 =	simm.s32 $0x18880;
	s16 =	sadd.s32 s3, s16  }
0x159: {  	[tilespmem:s17], [sflag:$0x2] =	stream.linear.gather [hbm4b:s16+s2], $0x80, $0x38;
	[tilespmem:$0x1A800] =	vst v63  }
0x15a: {  	s18 =	simm.s32 $0x18980;
	s19 =	sadd.s32 $0x10, s16  }
0x15b: {  	[tilespmem:s18], [sflag:$0x2] =	stream.linear.gather [hbm4b:s19+s2], $0x80, $0x38;
	[tilespmem:$0x1A800] =	vst v63  }
0x15c: {  	s18 =	sadd.s32 $0x20, s16;
	s19 =	simm.s32 $0x18A80  }
0x15d: {  	[tilespmem:s19], [sflag:$0x2] =	stream.linear.gather [hbm4b:s18+s2], $0x80, $0x38;
	[tilespmem:$0x1A800] =	vst v63  }
0x15e: {  	s18 =	sadd.s32 $0x30, s16;
	s19 =	simm.s32 $0x18B80  }
0x15f: {  	[tilespmem:s19], [sflag:$0x2] =	stream.linear.gather [hbm4b:s18+s2], $0x80, $0x38;
	[tilespmem:$0x1A800] =	vst v63  }
0x160: {  	s18 =	sadd.s32 $0x40, s16;
	s19 =	simm.s32 $0x18C80  }
0x161: {  	[tilespmem:s19], [sflag:$0x2] =	stream.linear.gather [hbm4b:s18+s2], $0x80, $0x38;
	[tilespmem:$0x1A800] =	vst v63  }
0x162: {  	s18 =	sadd.s32 $0x50, s16;
	s19 =	simm.s32 $0x18D80  }
0x163: {  	[tilespmem:s19], [sflag:$0x2] =	stream.linear.gather [hbm4b:s18+s2], $0x80, $0x38;
	[tilespmem:$0x1A800] =	vst v63  }
0x164: {  	s18 =	sadd.s32 $0x60, s16;
	s19 =	simm.s32 $0x18E80  }
0x165: {  	[tilespmem:s19], [sflag:$0x2] =	stream.linear.gather [hbm4b:s18+s2], $0x80, $0x38;
	[tilespmem:$0x1A800] =	vst v63  }
0x166: {  	s18 =	sadd.s32 $0x70, s16;
	s19 =	simm.s32 $0x18F80  }
0x167: {  	[tilespmem:s19], [sflag:$0x2] =	stream.linear.gather [hbm4b:s18+s2], $0x80, $0x38;
	[tilespmem:$0x1A800] =	vst v63  }
0x168: {  	s18 =	sadd.s32 $0x80, s16;
	s19 =	simm.s32 $0x19080  }
0x169: {  	[tilespmem:s19], [sflag:$0x2] =	stream.linear.gather [hbm4b:s18+s2], $0x80, $0x38;
	[tilespmem:$0x1A800] =	vst v63  }
0x16a: {  	s18 =	sadd.s32 $0x90, s16;
	s19 =	simm.s32 $0x19180  }
0x16b: {  	[tilespmem:s19], [sflag:$0x2] =	stream.linear.gather [hbm4b:s18+s2], $0x80, $0x38;
	[tilespmem:$0x1A800] =	vst v63  }
0x16c: {  	s18 =	sadd.s32 $0xA0, s16;
	s19 =	simm.s32 $0x19280  }
0x16d: {  	[tilespmem:s19], [sflag:$0x2] =	stream.linear.gather [hbm4b:s18+s2], $0x80, $0x38;
	[tilespmem:$0x1A800] =	vst v63  }
0x16e: {  	s18 =	sadd.s32 $0xB0, s16;
	s19 =	simm.s32 $0x19380  }
0x16f: {  	[tilespmem:s19], [sflag:$0x2] =	stream.linear.gather [hbm4b:s18+s2], $0x80, $0x38;
	[tilespmem:$0x1A800] =	vst v63  }
0x170: {  	s18 =	sadd.s32 $0xC0, s16;
	s19 =	simm.s32 $0x19480  }
0x171: {  	[tilespmem:s19], [sflag:$0x2] =	stream.linear.gather [hbm4b:s18+s2], $0x80, $0x38;
	[tilespmem:$0x1A800] =	vst v63  }
0x172: {  	s18 =	sadd.s32 $0xD0, s16;
	s19 =	simm.s32 $0x19580  }
0x173: {  	[tilespmem:s19], [sflag:$0x2] =	stream.linear.gather [hbm4b:s18+s2], $0x80, $0x38;
	[tilespmem:$0x1A800] =	vst v63  }
.Ltmp9:
0x174: {  	_ = 	snop;
	(pc) =	sbr.rel .LBB2_3-.Ltmp9, $4  }
0x175: {  	s18 =	sadd.s32 $0xE0, s16;
	s19 =	simm.s32 $0x19680  }
0x176: {  	[tilespmem:s19], [sflag:$0x2] =	stream.linear.gather [hbm4b:s18+s2], $0x80, $0x38;
	[tilespmem:$0x1A800] =	vst v63  }
0x177: {  	s15 =	sadd.s32 $0x1, s15;
	s16 =	sadd.s32 $0xF0, s16;
	s19 =	simm.s32 $0x19780  }
0x178: {  	[tilespmem:s19], [sflag:$0x2] =	stream.linear.gather [hbm4b:s16+s2], $0x80, $0x38;
	[tilespmem:$0x1A800] =	vst v63  }
.Lfunc_end2:
_tile_overlayer_lowered:
.L_overlay_start_2:
0x179: {  	(tag) =	ssettag $0x2  }
0x17a: {  	s0 =	rddreg [dreg:$0x0];
	s2 =	stileid.u32  }
0x17b: {  	s1 =	rddreg [dreg:$0x1];
	p0 =	sne.s32 s2, $0x0  }
0x17c: {  	s3 =	rddreg [dreg:$0x2];
	[bflag:$0x3] =	sbarrier.arrive $0xFFFF;
	s2 =	simm.s32 @!p0 $0x1C05  }
0x17d: {  	[timem:s3], [sflag:s2] =	dma.local @!p0 [hbm:s0], s1  }
0x17e: {  	s0 =	simm.s32 @!p0 $0x5  }
0x17f: {  	_ =	swait.ge @!p0 [sflag:s0], s1  }
0x180: {  	s1 =	ssub.s32 @!p0 $0x0, s1;
	[sflag:s0] =	ssyncset.done @!p0 $0x0  }
0x181: {  	[sflag:s0] =	ssyncadd.s32 @!p0 s1  }
0x182: {  	[bflag:$0x3] =	sbarrier.arrive $0xFFFF  }
0x183: {  	_ =	shalt  }

// kernel: kernel.7.cloned.1.call-start
scs
__scs_entry_jumppad:
0x0: {  	(pc) =	sbr.rel $0x88, $3  }
0x1: {  	(tag) =	ssettag $0x0;
	lr =	simm.s32 $0x1  }
0x2: {  	[smem:$0x3F9A] =	sst lr;
	_ =	strace $0xD0000000  }
0x3: {  	_ = 	snop  }
0x4: {  	_ = 	snop  }
0x5: {  	_ = 	snop  }
0x6: {  	_ = 	snop  }
0x7: {  	_ = 	snop  }
__scs_overlays_trampoline_lowered:
0x8: {  	[smem:$0x3FA9] =	sst s0  }
0x9: {  	[smem:$0x3FAA] =	sst s1  }
0xa: {  	[smem:$0x3FAB] =	sst s2  }
0xb: {  	[smem:$0x3FAC] =	sst s3  }
0xc: {  	[smem:$0x3FAD] =	sst s4  }
0xd: {  	[smem:$0x3FAE] =	sst s5  }
0xe: {  	[smem:$0x3FAF] =	sst s6  }
0xf: {  	[smem:$0x3FB0] =	sst s7  }
0x10: {  	[smem:$0x3FB1] =	sst s8  }
0x11: {  	[smem:$0x3FB2] =	sst s9;
	s0 =	simm.s32 @!p0 $0x0  }
0x12: {  	s1 =	sld [smem:$0x3F98];
	s0 =	simm.s32 @p0 $0x1  }
0x13: {  	[smem:$0x3FB3] =	sst s0;
	s0 =	simm.s32 @!p1 $0x0  }
0x14: {  	s2 =	sld [smem:$0x3F97];
	s0 =	simm.s32 @p1 $0x1  }
0x15: {  	[smem:$0x3FB4] =	sst s0;
	s0 =	simm.s32 @!p2 $0x0  }
0x16: {  	s3 =	sld [smem:$0x3FDB];
	s0 =	simm.s32 @p2 $0x1  }
0x17: {  	s4 =	simm.s32 $0x1BF5;
	[smem:$0x3FB6] =	sst s0  }
0x18: {  	s0 =	sld [smem:$0x3F99];
	_ =	swait.ge [sflag:s4], $0x0  }
0x19: {  	s7 =	sld [smem:$0x3F9A]  }
0x1a: {  	s8 =	sadd.s32 $0xFFFFE003, lr  }
0x1b: {  	s9 =	sadd.s32 $0xFFFFFEF7, lr;
	s5 =	simm.s32 $0xFFFFFFFF;
	p2 =	slt.u32 s8, $0xFFFFF086  }
0x1c: {  	p1 =	slt.u32 s9, $0xF7A;
	s5 =	simm.s32 @!p2 $0x0  }
0x1d: {  	s5 =	simm.s32 @p1 $0x1;
	p0 =	seq.s32 s7, s2  }
0x1e: {  	s7 =	smul.u32 @!p0 $0xF7A, s2;
	p2 =	seq.s32 @!p0 s5, $0x0  }
0x1f: {  	s9 =	smul.u32 $0xF7A, s1;
	s8 =	simm.s32 @!p0 $0x1BF5;
	p2 =	por !p2, p0  }
0x20: {  	[sflag:s8] =	ssyncset.s32 @!p0 $0xFFFFF086;
	s6 =	sadd.s32 @!p0 s3, s7;
	s7 =	simm.s32 @!p0 $0x108  }
0x21: {  	s3 =	sadd.s32 s3, s9;
	s6 =	sadd.s32 @!p0 $0x88, s6;
	s7 =	simm.s32 @p2 $0x1082  }
0x22: {  	[simem:s7], [sflag:s8] =	dma.local @!p0 [hbm:s6], $0xF7A  }
0x23: {  	s9 =	sor.u32 $0xD0000000, s2;
	s6 =	simm.s32 $0x108;
	_ =	swait.ge @!p0 [sflag:s8], $0x0  }
0x24: {  	s3 =	sadd.s32 $0x88, s3;
	s6 =	simm.s32 @!p1 $0x1082;
	[sflag:s4] =	ssyncset.s32 $0xFFFFF086  }
0x25: {  	[simem:s6], [sflag:s4] =	dma.local [hbm:s3], $0xF7A  }
0x26: {  	[smem:$0x3F9A] =	sst s1;
	(tag) =	ssettag s2;
	_ =	strace s9  }
0x27: {  	s1 =	sld [smem:$0x3FAA]  }
0x28: {  	s2 =	sld [smem:$0x3FAB]  }
0x29: {  	s4 =	sld [smem:$0x3FAD]  }
0x2a: {  	p0 =	seq.s32 s5, $0x0;
	s5 =	sld [smem:$0x3FAE]  }
0x2b: {  	s6 =	sld [smem:$0x3FAF]  }
0x2c: {  	s7 =	sld [smem:$0x3FB0]  }
0x2d: {  	s3 =	simm.s32 $0x108;
	s8 =	sld [smem:$0x3FB1]  }
0x2e: {  	s3 =	simm.s32 @!p0 $0x1082;
	s9 =	sld [smem:$0x3FB2]  }
0x2f: {  	lr =	sadd.s32 s0, s3;
	s0 =	sld [smem:$0x3FA9]  }
0x30: {  	s3 =	sld [smem:$0x3FAC]  }
0x31: {  	[smem:$0x3FB5] =	sst s10  }
0x32: {  	s10 =	sld [smem:$0x3FB3];
	_ =	sdelay $0x3  }
0x33: {  	p0 =	seq.s32 s10, $0x1;
	s10 =	sld [smem:$0x3FB5];
	_ =	sdelay $0x3  }
0x34: {  	[smem:$0x3FB5] =	sst s10  }
0x35: {  	s10 =	sld [smem:$0x3FB4];
	_ =	sdelay $0x3  }
0x36: {  	p1 =	seq.s32 s10, $0x1;
	s10 =	sld [smem:$0x3FB5];
	_ =	sdelay $0x3  }
0x37: {  	[smem:$0x3FB5] =	sst s10  }
0x38: {  	s10 =	sld [smem:$0x3FB6]  }
0x39: {  	_ = 	snop;
	(pc) =	sbr.ind lr, $3  }
0x3a: {  	_ = 	snop  }
0x3b: {  	_ = 	snop  }
0x3c: {  	p2 =	seq.s32 s10, $0x1;
	s10 =	sld [smem:$0x3FB5]  }
0x3d: {  	_ =	shalt  }
0x3e: {  	_ =	shalt  }
0x3f: {  	_ =	shalt  }
0x40: {  	_ =	shalt  }
0x41: {  	_ =	shalt  }
0x42: {  	_ =	shalt  }
0x43: {  	_ =	shalt  }
0x44: {  	_ =	shalt  }
0x45: {  	_ =	shalt  }
0x46: {  	_ =	shalt  }
0x47: {  	_ =	shalt  }
0x48: {  	_ =	shalt  }
0x49: {  	_ =	shalt  }
0x4a: {  	_ =	shalt  }
0x4b: {  	_ =	shalt  }
0x4c: {  	_ =	shalt  }
0x4d: {  	_ =	shalt  }
0x4e: {  	_ =	shalt  }
0x4f: {  	_ =	shalt  }
0x50: {  	_ =	shalt  }
0x51: {  	_ =	shalt  }
0x52: {  	_ =	shalt  }
0x53: {  	_ =	shalt  }
0x54: {  	_ =	shalt  }
0x55: {  	_ =	shalt  }
0x56: {  	_ =	shalt  }
0x57: {  	_ =	shalt  }
0x58: {  	_ =	shalt  }
0x59: {  	_ =	shalt  }
0x5a: {  	_ =	shalt  }
0x5b: {  	_ =	shalt  }
0x5c: {  	_ =	shalt  }
0x5d: {  	_ =	shalt  }
0x5e: {  	_ =	shalt  }
0x5f: {  	_ =	shalt  }
0x60: {  	_ =	shalt  }
0x61: {  	_ =	shalt  }
0x62: {  	_ =	shalt  }
0x63: {  	_ =	shalt  }
0x64: {  	_ =	shalt  }
0x65: {  	_ =	shalt  }
0x66: {  	_ =	shalt  }
0x67: {  	_ =	shalt  }
0x68: {  	_ =	shalt  }
0x69: {  	_ =	shalt  }
0x6a: {  	_ =	shalt  }
0x6b: {  	_ =	shalt  }
0x6c: {  	_ =	shalt  }
0x6d: {  	_ =	shalt  }
0x6e: {  	_ =	shalt  }
0x6f: {  	_ =	shalt  }
0x70: {  	_ =	shalt  }
0x71: {  	_ =	shalt  }
0x72: {  	_ =	shalt  }
0x73: {  	_ =	shalt  }
0x74: {  	_ =	shalt  }
0x75: {  	_ =	shalt  }
0x76: {  	_ =	shalt  }
0x77: {  	_ =	shalt  }
0x78: {  	_ =	shalt  }
0x79: {  	_ =	shalt  }
0x7a: {  	_ =	shalt  }
0x7b: {  	_ =	shalt  }
0x7c: {  	_ =	shalt  }
0x7d: {  	_ =	shalt  }
0x7e: {  	_ =	shalt  }
0x7f: {  	_ =	shalt  }
0x80: {  	_ =	shalt  }
0x81: {  	_ =	shalt  }
0x82: {  	_ =	shalt  }
0x83: {  	_ =	shalt  }
0x84: {  	_ =	shalt  }
0x85: {  	_ =	shalt  }
0x86: {  	_ =	shalt  }
0x87: {  	_ =	shalt  }
.Lfunc_end0:
.L_simem_size_0:
called_computation_lowered:
.L_overlay_start_0:
0x88: {  	s2 =	sld [smem:$0x3FD9]  }
0x89: {  	s3 =	sld [smem:$0x3FFE];
	_ =	sdelay $0x1  }
0x8a: {  	s1 =	srdreg.scid  }
0x8b: {  	s0 =	sand.u32 $0x1, s1  }
0x8c: {  	s17 =	sshll.u32 s0, $0xA;
	s2 =	sadd.s32 s3, s2  }
0x8d: {  	s2 =	sadd.s32 s2, s17  }
0x8e: {  	[smem:$0x3FC1] =	sst s2  }
0x8f: {  	_ = 	snop  }
0x90: {  	s2 =	sld [smem:$0x3FD0];
	(tm) =	ssettm $0x1  }
0x91: {  	s18 =	sld [smem:$0x3FFB];
	_ =	sdelay $0x3  }
0x92: {  	_ =	strace s18  }
0x93: {  	s3 =	sld [smem:$0x3FFC];
	_ =	sdelay $0x3  }
0x94: {  	_ =	strace s3  }
0x95: {  	s3 =	sld [smem:$0x3FFD];
	_ =	sdelay $0x3  }
0x96: {  	_ =	strace s3  }
0x97: {  	_ =	strace $0x8FFFFFFF  }
0x98: {  	s19 =	sld [smem:$0x3FDB];
	_ =	sdelay $0x1  }
0x99: {  	s4 =	simm.s32 $_scs_section_size  }
0x9a: {  	s5 =	simm.s32 $_size__tile_overlayer_lowered;
	s6 =	simm.s32 $_tile_overlayer_lowered  }
0x9b: {  	s22 =	simm.s32 $0x1BFF;
	s21 =	sshll.u32 s6, $0x1;
	s3 =	sadd.s32 s4, s19  }
0x9c: {  	s7 =	simm.s32 $0x0;
	s20 =	sshll.u32 s5, $0x1;
	s5 =	sadd.s32 s21, s3  }
0x9d: {  	[timem:s7], [sflag:s22] =	dma.local [hbm:s5], s20  }
0x9e: {  	_ =	swait.ge [sflag:s22], s20  }
0x9f: {  	s4 =	ssub.s32 $0x0, s20;
	[sflag:s22] =	ssyncset.done $0x0  }
0xa0: {  	[sflag:s22] =	ssyncadd.s32 s4;
	_ =	sdelay $0x1  }
0xa1: {  	s23 =	simm.s32 $0x1B8B  }
0xa2: {  	_ =	swait.ge [sflag:s23], $0x1  }
0xa3: {  	[sflag:s23] =	ssyncset.done $0x0  }
0xa4: {  	s25 =	simm.s32 $0x1B8E;
	s24 =	sld [smem:$0x3FFE];
	[sflag:s23] =	ssyncadd.s32 $0xFFFFFFFF  }
0xa5: {  	s26 =	simm.s32 $execute0_lowered;
	[smem:$0x3FD2] =	sst s25  }
0xa6: {  	s5 =	sshll.u32 s26, $0x1;
	_ =	strace $0x80000046;
	[dreg:$0x1] =	wrdreg $0xFFFFFFFF  }
0xa7: {  	s28 =	simm.s32 $_size_execute0_lowered;
	s3 =	sadd.s32 s3, s5;
	[dreg:$0x0] =	wrdreg $0x0  }
0xa8: {  	s5 =	sshll.u32 s28, $0x1;
	[dreg:$0x2] =	wrdreg s3  }
0xa9: {  	[dreg:$0x3] =	wrdreg s5  }
0xaa: {  	[dreg:$0x4] =	wrdreg $0xC0  }
0xab: {  	_ =	task [dreg:s7], $0x5FFFF  }
0xac: {  	[dreg:$0x1] =	wrdreg $0xFFFFFFFF  }
0xad: {  	[dreg:$0x0] =	wrdreg $0x60  }
0xae: {  	[dreg:$0x2] =	wrdreg s2  }
0xaf: {  	[dreg:$0x3] =	wrdreg s24  }
0xb0: {  	[dreg:$0x4] =	wrdreg $0x9  }
0xb1: {  	_ =	task.clear_ibuf [dreg:s7], $0x5FFFF;
	_ =	strace $0x90000046  }
0xb2: {  	s29 =	simm.s32 $0x9;
	_ =	strace $0x80000048  }
0xb3: {  	_ =	swait.ge [sflag:s29], $0x1  }
0xb4: {  	[sflag:s29] =	ssyncadd.s32 $0xFFFFFFFF  }
0xb5: {  	_ =	strace $0x90000048  }
0xb6: {  	_ =	sfence  }
0xb7: {  	s30 =	sld [smem:$0x0];
	_ =	sdelay $0x2  }
0xb8: {  	s31 =	sshll.u32 s1, $0xD;
	s1 =	sshrl.u32 s1, $0x2  }
0xb9: {  	s3 =	sand.u32 $0x4000, s31;
	s1 =	sadd.s32 s1, s30  }
0xba: {  	s0 =	sor.u32 s3, s0;
	s1 =	sshll.u32 s1, $0x11  }
0xbb: {  	s0 =	sor.u32 s1, s0  }
0xbc: {  	s0 =	sadd.s32 $0x8F2B, s0  }
0xbd: {  	[sflag:s0] =	ssyncadd.remote.s32 $0x1  }
0xbe: {  	_ =	sfence.sel $0xFFFF  }
0xbf: {  	[dreg:$0x0] =	wrdreg $0xFFFFFFFF;
	(pc) =	sbr.abs _section_cstart, $3  }
0xc0: {  	[dreg:$0x1] =	wrdreg $0xFFFFFFFF  }
0xc1: {  	_ =	task.clear_ibuf [dreg:s7], $0x2FFFF;
	_ =	strace $0x9FFFFFFF  }
0xc2: {  	(tm) =	ssettm $0x7FFFFFFF  }
0xc3: {  	_ =	shalt  }
tec
execute0_lowered:
.L_overlay_start_1:
0x0: {  	(tag) =	ssettag $0x1  }
0x1: {  	s3 =	stileid.u32  }
0x2: {  	p0 =	seq.s32 s3, $0xF  }
.Ltmp0:
0x3: {  	_ = 	snop;
	(pc) =	sbr.rel @!p0 .LBB2_1-.Ltmp0, $4  }
0x4: {  	_ = 	snop  }
0x5: {  	s0 =	rddreg [dreg:$0x0];
	s2 =	simm.s32 $0x0  }
0x6: {  	[smem:$0x7FF] =	sst s2  }
0x7: {  	s1 =	rddreg [dreg:$0x1];
	_ =	strace $0x80000047  }
.LBB2_14:
0x8: {  	_ =	sfence.sel $0x180000  }
0x9: {  	[bflag:$0x0] =	sbarrier.arrive $0xFFFF  }
0xa: {  	_ =	strace $0x90000047  }
0xb: {  	s0 =	stileid.u32;
	[bflag:$0x2] =	sbarrier.arrive $0xFFFF  }
0xc: {  	p0 =	sne.s32 s0, $0x0;
	s0 =	rddreg [dreg:$0x2]  }
0xd: {  	s0 =	sadd.s32 @!p0 $0x100000, s0  }
0xe: {  	[sflag:s0] =	ssyncadd.tile.s32 @!p0 $0x1;
	_ =	shalt  }
.LBB2_1:
0xf: {  	s3 =	srdreg.scid;
	s5 =	stileid.u32  }
0x10: {  	s6 =	sand.u32 $0x1, s3;
	s10 =	sshll.u32 s5, $0x1  }
0x11: {  	s3 =	sor.u32 s6, s10  }
0x12: {  	s4 =	smul.u32 $0x2B, s3;
	_ =	sdelay $0x1  }
0x13: {  	s5 =	smul.u32 $0x56, s5;
	s4 =	sshrl.u32 s4, $0x8  }
0x14: {  	s4 =	smul.u32 $0x6, s4  }
0x15: {  	s8 =	sshrl.u32 s5, $0x8  }
0x16: {  	s6 =	ssub.s32 $0x2, s6;
	s11 =	smul.u32 $0x3100, s8;
	s3 =	ssub.s32 s3, s4  }
0x17: {  	s13 =	sshrl.u32 s6, $0x1;
	s7 =	sand.u32 $0xFF, s3  }
0x18: {  	s14 =	ssub.s32 s6, s13;
	s0 =	sadd.s32 s0, s11;
	s9 =	smul.u32 $0x22, s7  }
0x19: {  	[dreg:$0x4] =	wrdreg s0;
	s0 =	smax.u32 s14, $0x1;
	s10 =	smul.u32 $0x2200, s7  }
0x1a: {  	[dreg:$0x7] =	wrdreg s0;
	s3 =	sadd.s32 $0x1800, s1;
	s12 =	sadd.s32 $0x2, s9  }
0x1b: {  	s4 =	sadd.s32 $0xE400, s1;
	s1 =	sadd.s32 s3, s10;
	[dreg:$0x3] =	wrdreg s12  }
0x1c: {  	s15 =	sadd.s32 $0x100, s1;
	[dreg:$0x5] =	wrdreg s1  }
0x1d: {  	s16 =	sadd.s32 $0x10, s1;
	[dreg:$0x6] =	wrdreg s15  }
0x1e: {  	s17 =	sadd.s32 $0x20, s1;
	[dreg:$0x8] =	wrdreg s16  }
0x1f: {  	s18 =	sadd.s32 $0x30, s1;
	[dreg:$0x9] =	wrdreg s17  }
0x20: {  	s19 =	sadd.s32 $0x40, s1;
	[dreg:$0xa] =	wrdreg s18  }
0x21: {  	s20 =	sadd.s32 $0x50, s1;
	[dreg:$0xb] =	wrdreg s19  }
0x22: {  	s21 =	sadd.s32 $0x60, s1;
	[dreg:$0xc] =	wrdreg s20  }
0x23: {  	s22 =	sadd.s32 $0x70, s1;
	[dreg:$0xd] =	wrdreg s21  }
0x24: {  	s23 =	sadd.s32 $0x80, s1;
	[dreg:$0xe] =	wrdreg s22  }
0x25: {  	s24 =	sadd.s32 $0x90, s1;
	[dreg:$0xf] =	wrdreg s23  }
0x26: {  	s5 =	smul.u32 $0xCC, s8;
	s25 =	sadd.s32 $0xA0, s1;
	[dreg:$0x10] =	wrdreg s24  }
0x27: {  	s26 =	sadd.s32 $0xB0, s1;
	[dreg:$0x11] =	wrdreg s25  }
0x28: {  	s5 =	sadd.s32 s5, s9;
	s6 =	sadd.s32 $0xC0, s1;
	[dreg:$0x12] =	wrdreg s26  }
0x29: {  	s8 =	sadd.s32 $0x3, s9;
	s9 =	sadd.s32 $0xD0, s1;
	[dreg:$0x13] =	wrdreg s6  }
0x2a: {  	s10 =	sadd.s32 $0xE0, s1;
	[dreg:$0x14] =	wrdreg s9  }
0x2b: {  	s11 =	sadd.s32 $0xF0, s1;
	[dreg:$0x15] =	wrdreg s10  }
0x2c: {  	s29 =	simm.s32 $0x1;
	s12 =	sadd.s32 $0x110, s1;
	[dreg:$0x16] =	wrdreg s11  }
0x2d: {  	s28 =	simm.s32 $0x19D80;
	s13 =	sadd.s32 $0x120, s1;
	[dreg:$0x17] =	wrdreg s12  }
0x2e: {  	s30 =	simm.s32 $0x19E80;
	s14 =	sadd.s32 $0x130, s1;
	[dreg:$0x18] =	wrdreg s13  }
0x2f: {  	s31 =	simm.s32 $0x19F80;
	[dreg:$0x19] =	wrdreg s14;
	s15 =	sadd.s32 $0x140, s1  }
0x30: {  	s0 =	simm.s32 $0x1A080;
	s16 =	sadd.s32 $0x150, s1;
	[dreg:$0x1a] =	wrdreg s15  }
0x31: {  	s7 =	sor.u32 $0x1, s5;
	s17 =	sadd.s32 $0x160, s1;
	[dreg:$0x1b] =	wrdreg s16  }
0x32: {  	s18 =	sadd.s32 $0x170, s1;
	s19 =	sadd.s32 $0x180, s1;
	[dreg:$0x1c] =	wrdreg s17  }
0x33: {  	s20 =	sadd.s32 $0x190, s1;
	s21 =	sadd.s32 $0x1A0, s1;
	[dreg:$0x1d] =	wrdreg s18  }
0x34: {  	s22 =	sadd.s32 $0x1B0, s1;
	s23 =	sadd.s32 $0x1C0, s1;
	[dreg:$0x1e] =	wrdreg s19  }
0x35: {  	s24 =	sadd.s32 $0x1D0, s1;
	s25 =	sadd.s32 $0x1E0, s1;
	[dreg:$0x1f] =	wrdreg s20  }
0x36: {  	s26 =	sadd.s32 $0x1F0, s1;
	s10 =	simm.s32 $0x1A700;
	[smem:$0x7F8] =	sst s21  }
0x37: {  	s1 =	simm.s32 $0x1A180;
	s9 =	simm.s32 $0x1A280;
	[smem:$0x7F9] =	sst s22  }
0x38: {  	s11 =	simm.s32 $0x1A380;
	s12 =	simm.s32 $0x1A480;
	[smem:$0x7FA] =	sst s23  }
.Ltmp1:
0x39: {  	s6 =	simm.s32 $0x1A580;
	[smem:$0x7FB] =	sst s24;
	(pc) =	sbr.rel .LBB2_2-.Ltmp1, $4  }
0x3a: {  	s13 =	simm.s32 $0x1A680;
	s14 =	simm.s32 $0x1A780;
	[smem:$0x7FC] =	sst s25  }
0x3b: {  	[smem:$0x7FD] =	sst s26;
	s20 =	simm.s32 $0x2;
	s21 =	simm.s32 $0x4  }
0x3c: {  	s22 =	simm.s32 $0x19880;
	s23 =	simm.s32 $0x19980;
	s24 =	simm.s32 $0x19A80  }
0x3d: {  	s25 =	simm.s32 $0x19B80;
	s26 =	simm.s32 $0x19C80;
	s16 =	simm.s32 $0x0  }
.LBB2_13:
0x3e: {  	s15 =	simm.s32 $0x3  }
0x3f: {  	_ =	swait.ge [sflag:s15], $0x800  }
0x40: {  	[sflag:s15] =	ssyncset.done $0x0  }
0x41: {  	[sflag:s15] =	ssyncadd.s32 $0xFFFFF800  }
0x42: {  	_ =	swait.ge [sflag:s21], $0x800  }
0x43: {  	s16 =	sld [smem:$0x7F7];
	_ =	sdelay $0x2  }
0x44: {  	s19 =	rddreg [dreg:$0x7];
	s16 =	sadd.s32 $0x1, s16  }
0x45: {  	p0 =	sne.s32 s16, s19  }
.Ltmp2:
0x46: {  	_ = 	snop;
	(pc) =	sbr.rel @!p0 .LBB2_14-.Ltmp2, $3  }
0x47: {  	_ =	sdelay $0x1  }
0x48: {  	[sflag:s21] =	ssyncset.done $0x0  }
0x49: {  	[sflag:s21] =	ssyncadd.s32 $0xFFFFF800  }
.LBB2_2:
0x4a: {  	s15 =	simm.s32 $0x0;
	s19 =	rddreg [dreg:$0x5];
	s17 =	simm.s32 $0x18800  }
0x4b: {  	[tilespmem:s17], [sflag:$0x1] =	stream.linear.gather [hbm4b:s19+s15], $0x80, $0x38;
	[tilespmem:$0x1A800] =	vst v63  }
0x4c: {  	s18 =	rddreg [dreg:$0x8];
	s19 =	simm.s32 $0x18900  }
0x4d: {  	[tilespmem:s19], [sflag:$0x1] =	stream.linear.gather [hbm4b:s18+s15], $0x80, $0x38;
	[tilespmem:$0x1A800] =	vst v63  }
0x4e: {  	s18 =	rddreg [dreg:$0x9];
	s19 =	simm.s32 $0x18A00  }
0x4f: {  	[tilespmem:s19], [sflag:$0x1] =	stream.linear.gather [hbm4b:s18+s15], $0x80, $0x38;
	[tilespmem:$0x1A800] =	vst v63  }
0x50: {  	s18 =	rddreg [dreg:$0xa];
	s19 =	simm.s32 $0x18B00  }
0x51: {  	[tilespmem:s19], [sflag:$0x1] =	stream.linear.gather [hbm4b:s18+s15], $0x80, $0x38;
	[tilespmem:$0x1A800] =	vst v63  }
0x52: {  	s18 =	rddreg [dreg:$0xb];
	s19 =	simm.s32 $0x18C00  }
0x53: {  	[tilespmem:s19], [sflag:$0x1] =	stream.linear.gather [hbm4b:s18+s15], $0x80, $0x38;
	[tilespmem:$0x1A800] =	vst v63  }
0x54: {  	s18 =	rddreg [dreg:$0xc];
	s19 =	simm.s32 $0x18D00  }
0x55: {  	[tilespmem:s19], [sflag:$0x1] =	stream.linear.gather [hbm4b:s18+s15], $0x80, $0x38;
	[tilespmem:$0x1A800] =	vst v63  }
0x56: {  	s18 =	rddreg [dreg:$0xd];
	s19 =	simm.s32 $0x18E00  }
0x57: {  	[tilespmem:s19], [sflag:$0x1] =	stream.linear.gather [hbm4b:s18+s15], $0x80, $0x38;
	[tilespmem:$0x1A800] =	vst v63  }
0x58: {  	s18 =	rddreg [dreg:$0xe];
	s19 =	simm.s32 $0x18F00  }
0x59: {  	[tilespmem:s19], [sflag:$0x1] =	stream.linear.gather [hbm4b:s18+s15], $0x80, $0x38;
	[tilespmem:$0x1A800] =	vst v63  }
0x5a: {  	s18 =	rddreg [dreg:$0xf];
	s19 =	simm.s32 $0x19000  }
0x5b: {  	[tilespmem:s19], [sflag:$0x1] =	stream.linear.gather [hbm4b:s18+s15], $0x80, $0x38;
	[tilespmem:$0x1A800] =	vst v63  }
0x5c: {  	s18 =	rddreg [dreg:$0x10];
	s19 =	simm.s32 $0x19100  }
0x5d: {  	[tilespmem:s19], [sflag:$0x1] =	stream.linear.gather [hbm4b:s18+s15], $0x80, $0x38;
	[tilespmem:$0x1A800] =	vst v63  }
0x5e: {  	s18 =	rddreg [dreg:$0x11];
	s19 =	simm.s32 $0x19200  }
0x5f: {  	[tilespmem:s19], [sflag:$0x1] =	stream.linear.gather [hbm4b:s18+s15], $0x80, $0x38;
	[tilespmem:$0x1A800] =	vst v63  }
0x60: {  	s18 =	rddreg [dreg:$0x12];
	s19 =	simm.s32 $0x19300  }
0x61: {  	[tilespmem:s19], [sflag:$0x1] =	stream.linear.gather [hbm4b:s18+s15], $0x80, $0x38;
	[tilespmem:$0x1A800] =	vst v63  }
0x62: {  	s18 =	rddreg [dreg:$0x13];
	s19 =	simm.s32 $0x19400  }
0x63: {  	[tilespmem:s19], [sflag:$0x1] =	stream.linear.gather [hbm4b:s18+s15], $0x80, $0x38;
	[tilespmem:$0x1A800] =	vst v63  }
0x64: {  	s18 =	rddreg [dreg:$0x14];
	s19 =	simm.s32 $0x19500  }
0x65: {  	[tilespmem:s19], [sflag:$0x1] =	stream.linear.gather [hbm4b:s18+s15], $0x80, $0x38;
	[tilespmem:$0x1A800] =	vst v63  }
0x66: {  	s18 =	rddreg [dreg:$0x15];
	s19 =	simm.s32 $0x19600  }
0x67: {  	[tilespmem:s19], [sflag:$0x1] =	stream.linear.gather [hbm4b:s18+s15], $0x80, $0x38;
	[tilespmem:$0x1A800] =	vst v63  }
0x68: {  	s18 =	rddreg [dreg:$0x16];
	s19 =	simm.s32 $0x19700  }
0x69: {  	[tilespmem:s19], [sflag:$0x1] =	stream.linear.gather [hbm4b:s18+s15], $0x80, $0x38;
	[tilespmem:$0x1A800] =	vst v63  }
0x6a: {  	s18 =	rddreg [dreg:$0x6];
	s19 =	simm.s32 $0x18880  }
0x6b: {  	[tilespmem:s19], [sflag:$0x2] =	stream.linear.gather [hbm4b:s18+s15], $0x80, $0x38;
	[tilespmem:$0x1A800] =	vst v63  }
0x6c: {  	s18 =	rddreg [dreg:$0x17];
	s19 =	simm.s32 $0x18980  }
0x6d: {  	[tilespmem:s19], [sflag:$0x2] =	stream.linear.gather [hbm4b:s18+s15], $0x80, $0x38;
	[tilespmem:$0x1A800] =	vst v63  }
0x6e: {  	s18 =	rddreg [dreg:$0x18];
	s19 =	simm.s32 $0x18A80  }
0x6f: {  	[tilespmem:s19], [sflag:$0x2] =	stream.linear.gather [hbm4b:s18+s15], $0x80, $0x38;
	[tilespmem:$0x1A800] =	vst v63  }
0x70: {  	s18 =	rddreg [dreg:$0x19];
	s19 =	simm.s32 $0x18B80  }
0x71: {  	[tilespmem:s19], [sflag:$0x2] =	stream.linear.gather [hbm4b:s18+s15], $0x80, $0x38;
	[tilespmem:$0x1A800] =	vst v63  }
0x72: {  	s18 =	rddreg [dreg:$0x1a];
	s19 =	simm.s32 $0x18C80  }
0x73: {  	[tilespmem:s19], [sflag:$0x2] =	stream.linear.gather [hbm4b:s18+s15], $0x80, $0x38;
	[tilespmem:$0x1A800] =	vst v63  }
0x74: {  	s18 =	rddreg [dreg:$0x1b];
	s19 =	simm.s32 $0x18D80  }
0x75: {  	[tilespmem:s19], [sflag:$0x2] =	stream.linear.gather [hbm4b:s18+s15], $0x80, $0x38;
	[tilespmem:$0x1A800] =	vst v63  }
0x76: {  	s18 =	rddreg [dreg:$0x1c];
	s19 =	simm.s32 $0x18E80  }
0x77: {  	[tilespmem:s19], [sflag:$0x2] =	stream.linear.gather [hbm4b:s18+s15], $0x80, $0x38;
	[tilespmem:$0x1A800] =	vst v63  }
0x78: {  	s18 =	rddreg [dreg:$0x1d];
	s19 =	simm.s32 $0x18F80  }
0x79: {  	[tilespmem:s19], [sflag:$0x2] =	stream.linear.gather [hbm4b:s18+s15], $0x80, $0x38;
	[tilespmem:$0x1A800] =	vst v63  }
0x7a: {  	s18 =	rddreg [dreg:$0x1e];
	s19 =	simm.s32 $0x19080  }
0x7b: {  	[tilespmem:s19], [sflag:$0x2] =	stream.linear.gather [hbm4b:s18+s15], $0x80, $0x38;
	[tilespmem:$0x1A800] =	vst v63  }
0x7c: {  	s18 =	rddreg [dreg:$0x1f];
	s19 =	simm.s32 $0x19180  }
0x7d: {  	[tilespmem:s19], [sflag:$0x2] =	stream.linear.gather [hbm4b:s18+s15], $0x80, $0x38;
	[tilespmem:$0x1A800] =	vst v63  }
0x7e: {  	s18 =	sld [smem:$0x7F8];
	_ =	sdelay $0x1  }
0x7f: {  	s19 =	simm.s32 $0x19280  }
0x80: {  	[tilespmem:s19], [sflag:$0x2] =	stream.linear.gather [hbm4b:s18+s15], $0x80, $0x38;
	[tilespmem:$0x1A800] =	vst v63  }
0x81: {  	s18 =	sld [smem:$0x7F9];
	_ =	sdelay $0x1  }
0x82: {  	s19 =	simm.s32 $0x19380  }
0x83: {  	[tilespmem:s19], [sflag:$0x2] =	stream.linear.gather [hbm4b:s18+s15], $0x80, $0x38;
	[tilespmem:$0x1A800] =	vst v63  }
0x84: {  	s18 =	sld [smem:$0x7FA];
	_ =	sdelay $0x1  }
0x85: {  	s19 =	simm.s32 $0x19480  }
0x86: {  	[tilespmem:s19], [sflag:$0x2] =	stream.linear.gather [hbm4b:s18+s15], $0x80, $0x38;
	[tilespmem:$0x1A800] =	vst v63  }
0x87: {  	s18 =	sld [smem:$0x7FB];
	_ =	sdelay $0x1  }
0x88: {  	s19 =	simm.s32 $0x19580  }
0x89: {  	[tilespmem:s19], [sflag:$0x2] =	stream.linear.gather [hbm4b:s18+s15], $0x80, $0x38;
	[tilespmem:$0x1A800] =	vst v63  }
0x8a: {  	s18 =	sld [smem:$0x7FC];
	_ =	sdelay $0x1  }
0x8b: {  	s19 =	simm.s32 $0x19680  }
0x8c: {  	[tilespmem:s19], [sflag:$0x2] =	stream.linear.gather [hbm4b:s18+s15], $0x80, $0x38;
	[tilespmem:$0x1A800] =	vst v63  }
0x8d: {  	s18 =	sld [smem:$0x7FD];
	_ =	sdelay $0x1  }
0x8e: {  	[smem:$0x7F7] =	sst s16;
	s19 =	simm.s32 $0x19780  }
0x8f: {  	[tilespmem:s19], [sflag:$0x2] =	stream.linear.gather [hbm4b:s18+s15], $0x80, $0x38;
	[tilespmem:$0x1A800] =	vst v63  }
0x90: {  	s18 =	rddreg [dreg:$0x4];
	s19 =	simm.s32 $0x5  }
0x91: {  	[tilespmem:s15], [sflag:$0x5] =	stream.linear.gather [hbm4b:s18+s15], $0x18800, $0x38;
	[tilespmem:$0x1A800] =	vst v63  }
0x92: {  	_ =	swait.ge [sflag:s19], $0x18800  }
0x93: {  	[sflag:s19] =	ssyncset.done $0x0  }
0x94: {  	[sflag:s19] =	ssyncadd.s32 $0xFFFE7800  }
.LBB2_3:
0x95: {  	_ =	swait.ge [sflag:s29], $0x800  }
0x96: {  	p0 =	seq.s32 s15, $0x0;
	[sflag:s29] =	ssyncset.done $0x0  }
0x97: {  	s16 =	simm.s32 @!p0 $0x3;
	[sflag:s29] =	ssyncadd.s32 $0xFFFFF800  }
0x98: {  	_ =	swait.ge @!p0 [sflag:s16], $0x800  }
0x99: {  	[sflag:s16] =	ssyncset.done @!p0 $0x0  }
0x9a: {  	s19 =	simm.s32 $0x18840;
	[sflag:s16] =	ssyncadd.s32 @!p0 $0xFFFFF800  }
0x9b: {  	v0 =	vld [tilespmem:s19+$0x30]  }
0x9c: {  	v1 =	vld [tilespmem:s19+$0xFFFFFFD0]  }
0x9d: {  	v2 =	vld [tilespmem:s19+$0xFFFFFFE0]  }
0x9e: {  	v3 =	vld [tilespmem:s19+$0xFFFFFFF0]  }
0x9f: {  	v6 =	vld [tilespmem:s19+$0x0]  }
0xa0: {  	v7 =	vld [tilespmem:s19+$0x10]  }
0xa1: {  	v8 =	vld [tilespmem:s19+$0x20]  }
0xa2: {  	v9 =	vld [tilespmem:s19+$0xFFFFFFC0]  }
0xa3: {  	v10 =	vld.idx.msk [tilespmem:v0+s2+$0x0], $0xffff  }
0xa4: {  	v11 =	vld.idx.msk [tilespmem:v1+s2+$0x0], $0xffff  }
0xa5: {  	v5 =	vld.idx.msk [tilespmem:v2+s2+$0x0], $0xffff  }
0xa6: {  	v4 =	vld.idx.msk [tilespmem:v3+s2+$0x0], $0xffff  }
0xa7: {  	v2 =	vld.idx.msk [tilespmem:v6+s2+$0x0], $0xffff  }
0xa8: {  	s17 =	simm.s32 $0x19840;
	v1 =	vld.idx.msk [tilespmem:v7+s2+$0x0], $0xffff  }
0xa9: {  	v0 =	vld.idx.msk [tilespmem:v8+s2+$0x0], $0xffff;
	[tilespmem:s17+$0x30] =	vst v10  }
0xaa: {  	s18 =	simm.s32 $0x0;
	s16 =	sshll.u32 s15, $0x1;
	s19 =	simm.s32 $0x18940;
	v3 =	vld.idx.msk [tilespmem:v9+s2+$0x0], $0xffff;
	[tilespmem:s17+$0xFFFFFFD0] =	vst v11  }
.LBB2_4:
0xab: {  	v6 =	vld [tilespmem:s19+$0x30];
	s18 =	sadd.s32 $0x80, s18;
	[tilespmem:s17+$0xFFFFFFE0] =	vst v5  }
0xac: {  	v5 =	vld [tilespmem:s19+$0xFFFFFFD0];
	p1 =	slt.u32 s18, $0x780;
	[tilespmem:s17+$0xFFFFFFF0] =	vst v4  }
0xad: {  	v4 =	vld [tilespmem:s19+$0xFFFFFFE0];
	[tilespmem:s17+$0x0] =	vst v2  }
0xae: {  	v2 =	vld [tilespmem:s19+$0xFFFFFFF0];
	[tilespmem:s17+$0x10] =	vst v1  }
0xaf: {  	v1 =	vld [tilespmem:s19+$0x0];
	[tilespmem:s17+$0x20] =	vst v0  }
0xb0: {  	v0 =	vld [tilespmem:s19+$0x10];
	[tilespmem:s17+$0xFFFFFFC0] =	vst v3  }
0xb1: {  	v3 =	vld [tilespmem:s19+$0x20]  }
0xb2: {  	v7 =	vld [tilespmem:s19+$0xFFFFFFC0]  }
0xb3: {  	v6 =	vld.idx.msk [tilespmem:v6+s2+$0x0], $0xffff  }
0xb4: {  	v8 =	vld.idx.msk [tilespmem:v5+s2+$0x0], $0xffff  }
0xb5: {  	v5 =	vld.idx.msk [tilespmem:v4+s2+$0x0], $0xffff  }
.Ltmp3:
0xb6: {  	v4 =	vld.idx.msk [tilespmem:v2+s2+$0x0], $0xffff;
	(pc) =	sbr.rel @p1 .LBB2_4-.Ltmp3, $4  }
0xb7: {  	v2 =	vld.idx.msk [tilespmem:v1+s2+$0x0], $0xffff  }
0xb8: {  	s17 =	sadd.s32 $0x100, s17;
	v1 =	vld.idx.msk [tilespmem:v0+s2+$0x0], $0xffff  }
0xb9: {  	v0 =	vld.idx.msk [tilespmem:v3+s2+$0x0], $0xffff;
	[tilespmem:s17+$0x30] =	vst v6  }
0xba: {  	s19 =	sadd.s32 $0x100, s19;
	v3 =	vld.idx.msk [tilespmem:v7+s2+$0x0], $0xffff;
	[tilespmem:s17+$0xFFFFFFD0] =	vst v8  }
0xbb: {  	[tilespmem:s17+$0xFFFFFFE0] =	vst v5  }
0xbc: {  	[tilespmem:s17+$0xFFFFFFF0] =	vst v4  }
0xbd: {  	s18 =	sadd.s32 s5, s16;
	[tilespmem:s17+$0x0] =	vst v2  }
0xbe: {  	s18 =	sshll.u32 s18, $0x8;
	[tilespmem:s17+$0x10] =	vst v1  }
0xbf: {  	s18 =	sand.u32 $0x1FFFFE00, s18;
	[tilespmem:s17+$0x20] =	vst v0  }
0xc0: {  	s19 =	simm.s32 $0x19800;
	[tilespmem:s17+$0xFFFFFFC0] =	vst v3;
	s17 =	sadd.s32 s4, s18  }
0xc1: {  	[hbm4b:s17+s2] =	stream.linear.scatter [tilespmem:s19], [sflag:$0x3], $0x80, $0x38;
	[tilespmem:$0x1A800] =	vst v63  }
0xc2: {  	s18 =	sadd.s32 $0x10, s17;
	s19 =	simm.s32 $0x19900  }
0xc3: {  	[hbm4b:s18+s2] =	stream.linear.scatter [tilespmem:s19], [sflag:$0x3], $0x80, $0x38;
	[tilespmem:$0x1A800] =	vst v63  }
0xc4: {  	s18 =	sadd.s32 $0x20, s17;
	s19 =	simm.s32 $0x19A00  }
0xc5: {  	[hbm4b:s18+s2] =	stream.linear.scatter [tilespmem:s19], [sflag:$0x3], $0x80, $0x38;
	[tilespmem:$0x1A800] =	vst v63  }
0xc6: {  	s18 =	sadd.s32 $0x30, s17;
	s19 =	simm.s32 $0x19B00  }
0xc7: {  	[hbm4b:s18+s2] =	stream.linear.scatter [tilespmem:s19], [sflag:$0x3], $0x80, $0x38;
	[tilespmem:$0x1A800] =	vst v63  }
0xc8: {  	s18 =	sadd.s32 $0x40, s17;
	s19 =	simm.s32 $0x19C00  }
0xc9: {  	[hbm4b:s18+s2] =	stream.linear.scatter [tilespmem:s19], [sflag:$0x3], $0x80, $0x38;
	[tilespmem:$0x1A800] =	vst v63  }
0xca: {  	s18 =	sadd.s32 $0x50, s17;
	s19 =	simm.s32 $0x19D00  }
0xcb: {  	[hbm4b:s18+s2] =	stream.linear.scatter [tilespmem:s19], [sflag:$0x3], $0x80, $0x38;
	[tilespmem:$0x1A800] =	vst v63  }
0xcc: {  	s18 =	sadd.s32 $0x60, s17;
	s19 =	simm.s32 $0x19E00  }
0xcd: {  	[hbm4b:s18+s2] =	stream.linear.scatter [tilespmem:s19], [sflag:$0x3], $0x80, $0x38;
	[tilespmem:$0x1A800] =	vst v63  }
0xce: {  	s18 =	sadd.s32 $0x70, s17;
	s19 =	simm.s32 $0x19F00  }
0xcf: {  	[hbm4b:s18+s2] =	stream.linear.scatter [tilespmem:s19], [sflag:$0x3], $0x80, $0x38;
	[tilespmem:$0x1A800] =	vst v63  }
0xd0: {  	s18 =	sadd.s32 $0x80, s17;
	s19 =	simm.s32 $0x1A000  }
0xd1: {  	[hbm4b:s18+s2] =	stream.linear.scatter [tilespmem:s19], [sflag:$0x3], $0x80, $0x38;
	[tilespmem:$0x1A800] =	vst v63  }
0xd2: {  	s18 =	sadd.s32 $0x90, s17;
	s19 =	simm.s32 $0x1A100  }
0xd3: {  	[hbm4b:s18+s2] =	stream.linear.scatter [tilespmem:s19], [sflag:$0x3], $0x80, $0x38;
	[tilespmem:$0x1A800] =	vst v63  }
0xd4: {  	s18 =	sadd.s32 $0xA0, s17;
	s19 =	simm.s32 $0x1A200  }
0xd5: {  	[hbm4b:s18+s2] =	stream.linear.scatter [tilespmem:s19], [sflag:$0x3], $0x80, $0x38;
	[tilespmem:$0x1A800] =	vst v63  }
0xd6: {  	s18 =	sadd.s32 $0xB0, s17;
	s19 =	simm.s32 $0x1A300  }
0xd7: {  	[hbm4b:s18+s2] =	stream.linear.scatter [tilespmem:s19], [sflag:$0x3], $0x80, $0x38;
	[tilespmem:$0x1A800] =	vst v63  }
0xd8: {  	s18 =	sadd.s32 $0xC0, s17;
	s19 =	simm.s32 $0x1A400  }
0xd9: {  	[hbm4b:s18+s2] =	stream.linear.scatter [tilespmem:s19], [sflag:$0x3], $0x80, $0x38;
	[tilespmem:$0x1A800] =	vst v63  }
0xda: {  	p1 =	sne.s32 s15, $0x10;
	s18 =	sadd.s32 $0xD0, s17;
	s19 =	simm.s32 $0x1A500  }
0xdb: {  	[hbm4b:s18+s2] =	stream.linear.scatter [tilespmem:s19], [sflag:$0x3], $0x80, $0x38;
	[tilespmem:$0x1A800] =	vst v63  }
.Ltmp4:
0xdc: {  	_ = 	snop;
	(pc) =	sbr.rel @p1 .LBB2_7-.Ltmp4, $4  }
0xdd: {  	s18 =	sadd.s32 $0xE0, s17;
	s19 =	simm.s32 $0x1A600  }
0xde: {  	[hbm4b:s18+s2] =	stream.linear.scatter [tilespmem:s19], [sflag:$0x3], $0x80, $0x38;
	[tilespmem:$0x1A800] =	vst v63  }
0xdf: {  	s17 =	sadd.s32 $0xF0, s17  }
0xe0: {  	[hbm4b:s17+s2] =	stream.linear.scatter [tilespmem:s10], [sflag:$0x3], $0x80, $0x38;
	[tilespmem:$0x1A800] =	vst v63  }
.Ltmp5:
0xe1: {  	(pc) =	sbr.rel .LBB2_8-.Ltmp5, $4  }
0xe2: {  	_ = 	snop  }
0xe3: {  	_ =	swait.ge [sflag:s20], $0x800  }
0xe4: {  	[sflag:s20] =	ssyncset.done $0x0  }
0xe5: {  	[sflag:s20] =	ssyncadd.s32 $0xFFFFF800  }
.LBB2_7:
0xe6: {  	s17 =	rddreg [dreg:$0x3]  }
0xe7: {  	s17 =	sadd.s32 s16, s17  }
0xe8: {  	s17 =	sshll.u32 s17, $0x8  }
0xe9: {  	s18 =	simm.s32 $0x18800;
	s17 =	sadd.s32 s3, s17  }
0xea: {  	[tilespmem:s18], [sflag:$0x1] =	stream.linear.gather [hbm4b:s17+s2], $0x80, $0x38;
	[tilespmem:$0x1A800] =	vst v63  }
0xeb: {  	s19 =	simm.s32 $0x18900;
	s18 =	sadd.s32 $0x10, s17  }
0xec: {  	[tilespmem:s19], [sflag:$0x1] =	stream.linear.gather [hbm4b:s18+s2], $0x80, $0x38;
	[tilespmem:$0x1A800] =	vst v63  }
0xed: {  	s18 =	sadd.s32 $0x20, s17;
	s19 =	simm.s32 $0x18A00  }
0xee: {  	[tilespmem:s19], [sflag:$0x1] =	stream.linear.gather [hbm4b:s18+s2], $0x80, $0x38;
	[tilespmem:$0x1A800] =	vst v63  }
0xef: {  	s18 =	sadd.s32 $0x30, s17;
	s19 =	simm.s32 $0x18B00  }
0xf0: {  	[tilespmem:s19], [sflag:$0x1] =	stream.linear.gather [hbm4b:s18+s2], $0x80, $0x38;
	[tilespmem:$0x1A800] =	vst v63  }
0xf1: {  	s18 =	sadd.s32 $0x40, s17;
	s19 =	simm.s32 $0x18C00  }
0xf2: {  	[tilespmem:s19], [sflag:$0x1] =	stream.linear.gather [hbm4b:s18+s2], $0x80, $0x38;
	[tilespmem:$0x1A800] =	vst v63  }
0xf3: {  	s18 =	sadd.s32 $0x50, s17;
	s19 =	simm.s32 $0x18D00  }
0xf4: {  	[tilespmem:s19], [sflag:$0x1] =	stream.linear.gather [hbm4b:s18+s2], $0x80, $0x38;
	[tilespmem:$0x1A800] =	vst v63  }
0xf5: {  	s18 =	sadd.s32 $0x60, s17;
	s19 =	simm.s32 $0x18E00  }
0xf6: {  	[tilespmem:s19], [sflag:$0x1] =	stream.linear.gather [hbm4b:s18+s2], $0x80, $0x38;
	[tilespmem:$0x1A800] =	vst v63  }
0xf7: {  	s18 =	sadd.s32 $0x70, s17;
	s19 =	simm.s32 $0x18F00  }
0xf8: {  	[tilespmem:s19], [sflag:$0x1] =	stream.linear.gather [hbm4b:s18+s2], $0x80, $0x38;
	[tilespmem:$0x1A800] =	vst v63  }
0xf9: {  	s18 =	sadd.s32 $0x80, s17;
	s19 =	simm.s32 $0x19000  }
0xfa: {  	[tilespmem:s19], [sflag:$0x1] =	stream.linear.gather [hbm4b:s18+s2], $0x80, $0x38;
	[tilespmem:$0x1A800] =	vst v63  }
0xfb: {  	s18 =	sadd.s32 $0x90, s17;
	s19 =	simm.s32 $0x19100  }
0xfc: {  	[tilespmem:s19], [sflag:$0x1] =	stream.linear.gather [hbm4b:s18+s2], $0x80, $0x38;
	[tilespmem:$0x1A800] =	vst v63  }
0xfd: {  	s18 =	sadd.s32 $0xA0, s17;
	s19 =	simm.s32 $0x19200  }
0xfe: {  	[tilespmem:s19], [sflag:$0x1] =	stream.linear.gather [hbm4b:s18+s2], $0x80, $0x38;
	[tilespmem:$0x1A800] =	vst v63  }
0xff: {  	s18 =	sadd.s32 $0xB0, s17;
	s19 =	simm.s32 $0x19300  }
0x100: {  	[tilespmem:s19], [sflag:$0x1] =	stream.linear.gather [hbm4b:s18+s2], $0x80, $0x38;
	[tilespmem:$0x1A800] =	vst v63  }
0x101: {  	s18 =	sadd.s32 $0xC0, s17;
	s19 =	simm.s32 $0x19400  }
0x102: {  	[tilespmem:s19], [sflag:$0x1] =	stream.linear.gather [hbm4b:s18+s2], $0x80, $0x38;
	[tilespmem:$0x1A800] =	vst v63  }
0x103: {  	s18 =	sadd.s32 $0xD0, s17;
	s19 =	simm.s32 $0x19500  }
0x104: {  	[tilespmem:s19], [sflag:$0x1] =	stream.linear.gather [hbm4b:s18+s2], $0x80, $0x38;
	[tilespmem:$0x1A800] =	vst v63  }
0x105: {  	s18 =	sadd.s32 $0xE0, s17;
	s19 =	simm.s32 $0x19600  }
0x106: {  	[tilespmem:s19], [sflag:$0x1] =	stream.linear.gather [hbm4b:s18+s2], $0x80, $0x38;
	[tilespmem:$0x1A800] =	vst v63  }
.Ltmp6:
0x107: {  	s17 =	sadd.s32 $0xF0, s17;
	s19 =	simm.s32 $0x19700;
	(pc) =	sbr.rel @p0 .LBB2_9-.Ltmp6, $4  }
0x108: {  	[tilespmem:s19], [sflag:$0x1] =	stream.linear.gather [hbm4b:s17+s2], $0x80, $0x38;
	[tilespmem:$0x1A800] =	vst v63  }
0x109: {  	_ =	swait.ge [sflag:s20], $0x800  }
0x10a: {  	[sflag:s20] =	ssyncset.done $0x0  }
0x10b: {  	[sflag:s20] =	ssyncadd.s32 $0xFFFFF800  }
.LBB2_8:
0x10c: {  	_ =	swait.ge [sflag:s21], $0x800  }
0x10d: {  	[sflag:s21] =	ssyncset.done $0x0  }
0x10e: {  	[sflag:s21] =	ssyncadd.s32 $0xFFFFF800  }
.LBB2_9:
0x10f: {  	s17 =	simm.s32 $0x188F0  }
0x110: {  	v0 =	vld [tilespmem:s17+$0x0]  }
0x111: {  	v1 =	vld [tilespmem:s17+$0xFFFFFFA0]  }
0x112: {  	v2 =	vld [tilespmem:s17+$0xFFFFFFB0]  }
0x113: {  	v3 =	vld [tilespmem:s17+$0xFFFFFFC0]  }
0x114: {  	v6 =	vld [tilespmem:s17+$0xFFFFFFD0]  }
0x115: {  	v7 =	vld [tilespmem:s17+$0xFFFFFFE0]  }
0x116: {  	v8 =	vld [tilespmem:s17+$0xFFFFFFF0]  }
0x117: {  	v9 =	vld [tilespmem:s17+$0xFFFFFF90]  }
0x118: {  	v10 =	vld.idx.msk [tilespmem:v0+s2+$0x0], $0xffff  }
0x119: {  	v11 =	vld.idx.msk [tilespmem:v1+s2+$0x0], $0xffff  }
0x11a: {  	v5 =	vld.idx.msk [tilespmem:v2+s2+$0x0], $0xffff  }
0x11b: {  	v4 =	vld.idx.msk [tilespmem:v3+s2+$0x0], $0xffff  }
0x11c: {  	v3 =	vld.idx.msk [tilespmem:v6+s2+$0x0], $0xffff  }
0x11d: {  	s17 =	simm.s32 $0x198F0;
	v1 =	vld.idx.msk [tilespmem:v7+s2+$0x0], $0xffff  }
0x11e: {  	v0 =	vld.idx.msk [tilespmem:v8+s2+$0x0], $0xffff;
	[tilespmem:s17+$0x0] =	vst v10  }
0x11f: {  	s18 =	simm.s32 $0x0;
	s19 =	simm.s32 $0x189F0;
	v2 =	vld.idx.msk [tilespmem:v9+s2+$0x0], $0xffff;
	[tilespmem:s17+$0xFFFFFFA0] =	vst v11  }
.LBB2_10:
0x120: {  	v6 =	vld [tilespmem:s19+$0x0];
	s18 =	sadd.s32 $0x80, s18;
	[tilespmem:s17+$0xFFFFFFB0] =	vst v5  }
0x121: {  	v5 =	vld [tilespmem:s19+$0xFFFFFFA0];
	p0 =	slt.u32 s18, $0x780;
	[tilespmem:s17+$0xFFFFFFC0] =	vst v4  }
0x122: {  	v4 =	vld [tilespmem:s19+$0xFFFFFFB0];
	[tilespmem:s17+$0xFFFFFFD0] =	vst v3  }
0x123: {  	v3 =	vld [tilespmem:s19+$0xFFFFFFC0];
	[tilespmem:s17+$0xFFFFFFE0] =	vst v1  }
0x124: {  	v1 =	vld [tilespmem:s19+$0xFFFFFFD0];
	[tilespmem:s17+$0xFFFFFFF0] =	vst v0  }
0x125: {  	v0 =	vld [tilespmem:s19+$0xFFFFFFE0];
	[tilespmem:s17+$0xFFFFFF90] =	vst v2  }
0x126: {  	v2 =	vld [tilespmem:s19+$0xFFFFFFF0]  }
0x127: {  	v7 =	vld [tilespmem:s19+$0xFFFFFF90]  }
0x128: {  	v6 =	vld.idx.msk [tilespmem:v6+s2+$0x0], $0xffff  }
0x129: {  	v8 =	vld.idx.msk [tilespmem:v5+s2+$0x0], $0xffff  }
0x12a: {  	v5 =	vld.idx.msk [tilespmem:v4+s2+$0x0], $0xffff  }
.Ltmp7:
0x12b: {  	v4 =	vld.idx.msk [tilespmem:v3+s2+$0x0], $0xffff;
	(pc) =	sbr.rel @p0 .LBB2_10-.Ltmp7, $4  }
0x12c: {  	v3 =	vld.idx.msk [tilespmem:v1+s2+$0x0], $0xffff  }
0x12d: {  	s17 =	sadd.s32 $0x100, s17;
	v1 =	vld.idx.msk [tilespmem:v0+s2+$0x0], $0xffff  }
0x12e: {  	v0 =	vld.idx.msk [tilespmem:v2+s2+$0x0], $0xffff;
	[tilespmem:s17+$0x0] =	vst v6  }
0x12f: {  	s19 =	sadd.s32 $0x100, s19;
	v2 =	vld.idx.msk [tilespmem:v7+s2+$0x0], $0xffff;
	[tilespmem:s17+$0xFFFFFFA0] =	vst v8  }
0x130: {  	[tilespmem:s17+$0xFFFFFFB0] =	vst v5  }
0x131: {  	[tilespmem:s17+$0xFFFFFFC0] =	vst v4  }
0x132: {  	s18 =	sadd.s32 s16, s7;
	[tilespmem:s17+$0xFFFFFFD0] =	vst v3  }
0x133: {  	s18 =	sshll.u32 s18, $0x8;
	[tilespmem:s17+$0xFFFFFFE0] =	vst v1  }
0x134: {  	s18 =	sand.u32 $0x1FFFFF00, s18;
	[tilespmem:s17+$0xFFFFFFF0] =	vst v0  }
0x135: {  	[tilespmem:s17+$0xFFFFFF90] =	vst v2;
	s17 =	sadd.s32 s4, s18  }
0x136: {  	[hbm4b:s17+s2] =	stream.linear.scatter [tilespmem:s22], [sflag:$0x4], $0x80, $0x38;
	[tilespmem:$0x1A800] =	vst v63  }
0x137: {  	s18 =	sadd.s32 $0x10, s17  }
0x138: {  	[hbm4b:s18+s2] =	stream.linear.scatter [tilespmem:s23], [sflag:$0x4], $0x80, $0x38;
	[tilespmem:$0x1A800] =	vst v63  }
0x139: {  	s19 =	sadd.s32 $0x20, s17  }
0x13a: {  	[hbm4b:s19+s2] =	stream.linear.scatter [tilespmem:s24], [sflag:$0x4], $0x80, $0x38;
	[tilespmem:$0x1A800] =	vst v63  }
0x13b: {  	s19 =	sadd.s32 $0x30, s17  }
0x13c: {  	[hbm4b:s19+s2] =	stream.linear.scatter [tilespmem:s25], [sflag:$0x4], $0x80, $0x38;
	[tilespmem:$0x1A800] =	vst v63  }
0x13d: {  	s19 =	sadd.s32 $0x40, s17  }
0x13e: {  	[hbm4b:s19+s2] =	stream.linear.scatter [tilespmem:s26], [sflag:$0x4], $0x80, $0x38;
	[tilespmem:$0x1A800] =	vst v63  }
0x13f: {  	s19 =	sadd.s32 $0x50, s17  }
0x140: {  	[hbm4b:s19+s2] =	stream.linear.scatter [tilespmem:s28], [sflag:$0x4], $0x80, $0x38;
	[tilespmem:$0x1A800] =	vst v63  }
0x141: {  	s19 =	sadd.s32 $0x60, s17  }
0x142: {  	[hbm4b:s19+s2] =	stream.linear.scatter [tilespmem:s30], [sflag:$0x4], $0x80, $0x38;
	[tilespmem:$0x1A800] =	vst v63  }
0x143: {  	s19 =	sadd.s32 $0x70, s17  }
0x144: {  	[hbm4b:s19+s2] =	stream.linear.scatter [tilespmem:s31], [sflag:$0x4], $0x80, $0x38;
	[tilespmem:$0x1A800] =	vst v63  }
0x145: {  	s19 =	sadd.s32 $0x80, s17  }
0x146: {  	[hbm4b:s19+s2] =	stream.linear.scatter [tilespmem:s0], [sflag:$0x4], $0x80, $0x38;
	[tilespmem:$0x1A800] =	vst v63  }
0x147: {  	s19 =	sadd.s32 $0x90, s17  }
0x148: {  	[hbm4b:s19+s2] =	stream.linear.scatter [tilespmem:s1], [sflag:$0x4], $0x80, $0x38;
	[tilespmem:$0x1A800] =	vst v63  }
0x149: {  	s19 =	sadd.s32 $0xA0, s17  }
0x14a: {  	[hbm4b:s19+s2] =	stream.linear.scatter [tilespmem:s9], [sflag:$0x4], $0x80, $0x38;
	[tilespmem:$0x1A800] =	vst v63  }
0x14b: {  	s19 =	sadd.s32 $0xB0, s17  }
0x14c: {  	[hbm4b:s19+s2] =	stream.linear.scatter [tilespmem:s11], [sflag:$0x4], $0x80, $0x38;
	[tilespmem:$0x1A800] =	vst v63  }
0x14d: {  	s19 =	sadd.s32 $0xC0, s17  }
0x14e: {  	[hbm4b:s19+s2] =	stream.linear.scatter [tilespmem:s12], [sflag:$0x4], $0x80, $0x38;
	[tilespmem:$0x1A800] =	vst v63  }
0x14f: {  	p0 =	seq.s32 s15, $0x10;
	s19 =	sadd.s32 $0xD0, s17  }
0x150: {  	[hbm4b:s19+s2] =	stream.linear.scatter [tilespmem:s6], [sflag:$0x4], $0x80, $0x38;
	[tilespmem:$0x1A800] =	vst v63  }
.Ltmp8:
0x151: {  	_ = 	snop;
	(pc) =	sbr.rel @p0 .LBB2_13-.Ltmp8, $4  }
0x152: {  	s19 =	sadd.s32 $0xE0, s17  }
0x153: {  	[hbm4b:s19+s2] =	stream.linear.scatter [tilespmem:s13], [sflag:$0x4], $0x80, $0x38;
	[tilespmem:$0x1A800] =	vst v63  }
0x154: {  	s17 =	sadd.s32 $0xF0, s17  }
0x155: {  	[hbm4b:s17+s2] =	stream.linear.scatter [tilespmem:s14], [sflag:$0x4], $0x80, $0x38;
	[tilespmem:$0x1A800] =	vst v63  }
0x156: {  	s16 =	sadd.s32 s16, s8  }
0x157: {  	s16 =	sshll.u32 s16, $0x8  }
0x158: {  	s17 =	simm.s32 $0x18880;
	s16 =	sadd.s32 s3, s16  }
0x159: {  	[tilespmem:s17], [sflag:$0x2] =	stream.linear.gather [hbm4b:s16+s2], $0x80, $0x38;
	[tilespmem:$0x1A800] =	vst v63  }
0x15a: {  	s18 =	simm.s32 $0x18980;
	s19 =	sadd.s32 $0x10, s16  }
0x15b: {  	[tilespmem:s18], [sflag:$0x2] =	stream.linear.gather [hbm4b:s19+s2], $0x80, $0x38;
	[tilespmem:$0x1A800] =	vst v63  }
0x15c: {  	s18 =	sadd.s32 $0x20, s16;
	s19 =	simm.s32 $0x18A80  }
0x15d: {  	[tilespmem:s19], [sflag:$0x2] =	stream.linear.gather [hbm4b:s18+s2], $0x80, $0x38;
	[tilespmem:$0x1A800] =	vst v63  }
0x15e: {  	s18 =	sadd.s32 $0x30, s16;
	s19 =	simm.s32 $0x18B80  }
0x15f: {  	[tilespmem:s19], [sflag:$0x2] =	stream.linear.gather [hbm4b:s18+s2], $0x80, $0x38;
	[tilespmem:$0x1A800] =	vst v63  }
0x160: {  	s18 =	sadd.s32 $0x40, s16;
	s19 =	simm.s32 $0x18C80  }
0x161: {  	[tilespmem:s19], [sflag:$0x2] =	stream.linear.gather [hbm4b:s18+s2], $0x80, $0x38;
	[tilespmem:$0x1A800] =	vst v63  }
0x162: {  	s18 =	sadd.s32 $0x50, s16;
	s19 =	simm.s32 $0x18D80  }
0x163: {  	[tilespmem:s19], [sflag:$0x2] =	stream.linear.gather [hbm4b:s18+s2], $0x80, $0x38;
	[tilespmem:$0x1A800] =	vst v63  }
0x164: {  	s18 =	sadd.s32 $0x60, s16;
	s19 =	simm.s32 $0x18E80  }
0x165: {  	[tilespmem:s19], [sflag:$0x2] =	stream.linear.gather [hbm4b:s18+s2], $0x80, $0x38;
	[tilespmem:$0x1A800] =	vst v63  }
0x166: {  	s18 =	sadd.s32 $0x70, s16;
	s19 =	simm.s32 $0x18F80  }
0x167: {  	[tilespmem:s19], [sflag:$0x2] =	stream.linear.gather [hbm4b:s18+s2], $0x80, $0x38;
	[tilespmem:$0x1A800] =	vst v63  }
0x168: {  	s18 =	sadd.s32 $0x80, s16;
	s19 =	simm.s32 $0x19080  }
0x169: {  	[tilespmem:s19], [sflag:$0x2] =	stream.linear.gather [hbm4b:s18+s2], $0x80, $0x38;
	[tilespmem:$0x1A800] =	vst v63  }
0x16a: {  	s18 =	sadd.s32 $0x90, s16;
	s19 =	simm.s32 $0x19180  }
0x16b: {  	[tilespmem:s19], [sflag:$0x2] =	stream.linear.gather [hbm4b:s18+s2], $0x80, $0x38;
	[tilespmem:$0x1A800] =	vst v63  }
0x16c: {  	s18 =	sadd.s32 $0xA0, s16;
	s19 =	simm.s32 $0x19280  }
0x16d: {  	[tilespmem:s19], [sflag:$0x2] =	stream.linear.gather [hbm4b:s18+s2], $0x80, $0x38;
	[tilespmem:$0x1A800] =	vst v63  }
0x16e: {  	s18 =	sadd.s32 $0xB0, s16;
	s19 =	simm.s32 $0x19380  }
0x16f: {  	[tilespmem:s19], [sflag:$0x2] =	stream.linear.gather [hbm4b:s18+s2], $0x80, $0x38;
	[tilespmem:$0x1A800] =	vst v63  }
0x170: {  	s18 =	sadd.s32 $0xC0, s16;
	s19 =	simm.s32 $0x19480  }
0x171: {  	[tilespmem:s19], [sflag:$0x2] =	stream.linear.gather [hbm4b:s18+s2], $0x80, $0x38;
	[tilespmem:$0x1A800] =	vst v63  }
0x172: {  	s18 =	sadd.s32 $0xD0, s16;
	s19 =	simm.s32 $0x19580  }
0x173: {  	[tilespmem:s19], [sflag:$0x2] =	stream.linear.gather [hbm4b:s18+s2], $0x80, $0x38;
	[tilespmem:$0x1A800] =	vst v63  }
.Ltmp9:
0x174: {  	_ = 	snop;
	(pc) =	sbr.rel .LBB2_3-.Ltmp9, $4  }
0x175: {  	s18 =	sadd.s32 $0xE0, s16;
	s19 =	simm.s32 $0x19680  }
0x176: {  	[tilespmem:s19], [sflag:$0x2] =	stream.linear.gather [hbm4b:s18+s2], $0x80, $0x38;
	[tilespmem:$0x1A800] =	vst v63  }
0x177: {  	s15 =	sadd.s32 $0x1, s15;
	s16 =	sadd.s32 $0xF0, s16;
	s19 =	simm.s32 $0x19780  }
0x178: {  	[tilespmem:s19], [sflag:$0x2] =	stream.linear.gather [hbm4b:s16+s2], $0x80, $0x38;
	[tilespmem:$0x1A800] =	vst v63  }
.Lfunc_end2:
_tile_overlayer_lowered:
.L_overlay_start_2:
0x179: {  	(tag) =	ssettag $0x2  }
0x17a: {  	s0 =	rddreg [dreg:$0x0];
	s2 =	stileid.u32  }
0x17b: {  	s1 =	rddreg [dreg:$0x1];
	p0 =	sne.s32 s2, $0x0  }
0x17c: {  	s3 =	rddreg [dreg:$0x2];
	[bflag:$0x3] =	sbarrier.arrive $0xFFFF;
	s2 =	simm.s32 @!p0 $0x1C05  }
0x17d: {  	[timem:s3], [sflag:s2] =	dma.local @!p0 [hbm:s0], s1  }
0x17e: {  	s0 =	simm.s32 @!p0 $0x5  }
0x17f: {  	_ =	swait.ge @!p0 [sflag:s0], s1  }
0x180: {  	s1 =	ssub.s32 @!p0 $0x0, s1;
	[sflag:s0] =	ssyncset.done @!p0 $0x0  }
0x181: {  	[sflag:s0] =	ssyncadd.s32 @!p0 s1  }
0x182: {  	[bflag:$0x3] =	sbarrier.arrive $0xFFFF  }
0x183: {  	_ =	shalt  }

</sc_bundles>
